<compile_context>
chip_gen: v7x
topology: tpu7x:2x2x1
jax: 0.10.2.dev20260603
libtpu: 0.0.44.dev20260713+nightly
codegen_flags: <defaults>
</compile_context>

<pallas_src>
import functools

import jax
import jax.numpy as jnp
from jax import lax
from jax.experimental import pallas as pl
from jax.experimental.pallas import tpu as pltpu
from jax.experimental.pallas import tpu_sc as plsc

N = 10000
E = 320000
D = 128
L = 2

NTILES = 16
EPT = E // NTILES
CHUNK = 80
BLKE = 4000
NBLK = EPT // BLKE
BCH = BLKE // CHUNK
NPAD = 10240
NPT = NPAD // NTILES
TRASH = N


def _floop(lo, hi, body):
    lax.fori_loop(lo, hi, lambda i, c: (body(i), c)[1], 0, unroll=False)


def _rsqrt16(x):
    i = plsc.bitcast(x, jnp.int32)
    i = jnp.full((16,), 0x5F3759DF, jnp.int32) - (i >> 1)
    y = plsc.bitcast(i, jnp.float32)
    for _ in range(3):
        y = y * (1.5 - 0.5 * x * y * y)
    return jnp.where(x > 0.0, y, jnp.full((16,), 0.0, jnp.float32))


def _sc_body(row_hbm, col_hbm, hs_hbm, tx_hbm, hsc_hbm,
             erow_v, ecol_v, deg_v, dinv_v, hbuf_v, zbuf_v, obuf_v,
             rows2_v, gidx2_v, colm2_v, deg_sh, acc_sh,
             sem0, sem1, sem2, sem3):
    c = lax.axis_index("c")
    s = lax.axis_index("s")
    cN = c * NPAD
    ebase = s * EPT
    nbase = s * NPT

    zero16 = jnp.full((16,), 0.0, jnp.float32)
    one16 = jnp.full((16,), 1.0, jnp.float32)
    trash16 = jnp.full((16,), TRASH, jnp.int32)
    iota16 = lax.broadcasted_iota(jnp.int32, (16,), 0)

    def _zb_row(i):
        for k in range(8):
            zbuf_v[i, pl.ds(k * 16, 16)] = zero16
    _floop(0, 8, _zb_row)

    def _zero_deg(i):
        for k in range(8):
            deg_v[i, pl.ds(k * 16, 16)] = zero16
    _floop(0, NPAD // D, _zero_deg)

    @pl.when(s == 0)
    def _():
        def _zdsh(q):
            pltpu.sync_copy(zbuf_v, deg_sh.at[pl.ds(q * 8, 8)])
        _floop(0, (NPAD // D) // 8, _zdsh)

    def _ablock(bi):
        eb = ebase + bi * BLKE
        pltpu.sync_copy(row_hbm.at[pl.ds(eb, BLKE)], erow_v)
        pltpu.sync_copy(col_hbm.at[pl.ds(eb, BLKE)], ecol_v)

        def _deg_step(k):
            r = erow_v[pl.ds(k * 16, 16)]
            cc = ecol_v[pl.ds(k * 16, 16)]
            rm = jnp.where(r == cc, trash16, r)
            plsc.addupdate_scatter(deg_v, [rm >> 7, rm & 127], one16)
        _floop(0, BLKE // 16, _deg_step)
    _floop(0, NBLK, _ablock)

    for k in range(5):
        gidx2_v[0, pl.ds(k * 16, 16)] = iota16 + (k * 16)
    plsc.subcore_barrier()
    pltpu.sync_copy(deg_v, deg_sh.at[gidx2_v.at[0]], add=True)
    plsc.subcore_barrier()

    pltpu.sync_copy(deg_sh.at[pl.ds(nbase // D, NPT // D)],
                    deg_v.at[pl.ds(0, NPT // D)])

    def _dinv_step(i):
        dv = _rsqrt16(deg_v[i // 8, pl.ds((i % 8) * 16, 16)])
        dinv_v[pl.ds(i * 16, 16)] = dv
    _floop(0, NPT // 16, _dinv_step)

    HROWS = 32

    def _hs_chunk(q):
        r0 = q * HROWS
        pltpu.sync_copy(hs_hbm.at[pl.ds(cN + nbase + r0, HROWS)], hbuf_v)
        for j in range(HROWS // 16):
            dv = -dinv_v[pl.ds(r0 + j * 16, 16)]
            for r in range(16):
                scv = jnp.full((16,), dv[r], jnp.float32)
                for k in range(8):
                    hbuf_v[j * 16 + r, pl.ds(k * 16, 16)] = (
                        hbuf_v[j * 16 + r, pl.ds(k * 16, 16)] * scv)
        pltpu.sync_copy(hbuf_v, hsc_hbm.at[pl.ds(cN + nbase + r0, HROWS)])
    _floop(0, NPT // HROWS, _hs_chunk)

    def _zacc(q):
        pltpu.sync_copy(zbuf_v, acc_sh.at[pl.ds(nbase + q * 8, 8)])
    _floop(0, NPT // 8, _zacc)

    plsc.subcore_barrier()

    gsems = (sem0, sem1)
    ssems = (sem2, sem3)

    def _stage(ch, b):
        base = ch * CHUNK
        for k in range(CHUNK // 16):
            r = erow_v[pl.ds(base + k * 16, 16)]
            cc = ecol_v[pl.ds(base + k * 16, 16)]
            gidx2_v[b, pl.ds(k * 16, 16)] = r + cN
            colm2_v[b, pl.ds(k * 16, 16)] = jnp.where(r == cc, trash16, cc)

    def _gstart(b):
        pltpu.async_copy(hsc_hbm.at[gidx2_v.at[b]], rows2_v.at[b], gsems[b])

    def _gwait(b):
        pltpu.make_async_copy(hsc_hbm.at[gidx2_v.at[b]], rows2_v.at[b],
                              gsems[b]).wait()

    def _sstart(b):
        pltpu.async_copy(rows2_v.at[b], acc_sh.at[colm2_v.at[b]], ssems[b],
                         add=True)

    def _swait(b):
        pltpu.make_async_copy(rows2_v.at[b], acc_sh.at[colm2_v.at[b]],
                              ssems[b]).wait()

    def _cblock(bi):
        eb = ebase + bi * BLKE
        pltpu.sync_copy(row_hbm.at[pl.ds(eb, BLKE)], erow_v)
        pltpu.sync_copy(col_hbm.at[pl.ds(eb, BLKE)], ecol_v)
        _stage(0, 0)
        _gstart(0)

        def _pc_iter(t):
            for b in range(2):
                ch = t * 2 + b
                nb = 1 - b

                @pl.when(ch + 1 < BCH)
                def _():
                    @pl.when(ch >= 1)
                    def _():
                        _swait(nb)
                    _stage(ch + 1, nb)
                    _gstart(nb)

                _gwait(b)
                _sstart(b)
        _floop(0, BCH // 2, _pc_iter)
        _swait(0)
        _swait(1)
    _floop(0, NBLK, _cblock)

    plsc.subcore_barrier()

    ORows = 16

    def _out_chunk(q):
        r0 = q * ORows

        @pl.when(nbase + r0 < N)
        def _():
            pltpu.sync_copy(acc_sh.at[pl.ds(nbase + r0, ORows)], obuf_v)
            dv = dinv_v[pl.ds(r0, 16)]
            for r in range(16):
                scv = jnp.full((16,), dv[r], jnp.float32)
                for k in range(8):
                    obuf_v[r, pl.ds(k * 16, 16)] = (
                        obuf_v[r, pl.ds(k * 16, 16)] * scv)
            pltpu.sync_copy(obuf_v, tx_hbm.at[pl.ds(c * N + nbase + r0, ORows)])
    _floop(0, NPT // ORows, _out_chunk)


@jax.jit
def _sc_scatter(row, col, hs_cat):
    mesh = plsc.VectorSubcoreMesh(core_axis_name="c", subcore_axis_name="s")
    f = pl.kernel(
        _sc_body,
        out_type=(
            jax.ShapeDtypeStruct((L * N, D), jnp.float32),
            jax.ShapeDtypeStruct((L * NPAD, D), jnp.float32),
        ),
        mesh=mesh,
        scratch_types=[
            pltpu.VMEM((BLKE,), jnp.int32),
            pltpu.VMEM((BLKE,), jnp.int32),
            pltpu.VMEM((NPAD // D, D), jnp.float32),
            pltpu.VMEM((NPT,), jnp.float32),
            pltpu.VMEM((32, D), jnp.float32),
            pltpu.VMEM((8, D), jnp.float32),
            pltpu.VMEM((16, D), jnp.float32),
            pltpu.VMEM((2, CHUNK, D), jnp.float32),
            pltpu.VMEM((2, CHUNK), jnp.int32),
            pltpu.VMEM((2, CHUNK), jnp.int32),
            pltpu.VMEM_SHARED((NPAD // D, D), jnp.float32),
            pltpu.VMEM_SHARED((NPAD, D), jnp.float32),
            pltpu.SemaphoreType.DMA,
            pltpu.SemaphoreType.DMA,
            pltpu.SemaphoreType.DMA,
            pltpu.SemaphoreType.DMA,
        ],
        compiler_params=pltpu.CompilerParams(needs_layout_passes=False),
    )
    tx_cat, _ = f(row, col, hs_cat)
    return tx_cat


def _tc_body(x_ref, hs_ref, cs_ref, tx_ref, w_ref, t0_ref, t1_ref, bias_ref,
             oh_ref, oc_ref):
    x = x_ref[...]
    for l in range(L):
        a = (jnp.dot(x, w_ref[l], preferred_element_type=jnp.float32)
             + jnp.dot(hs_ref[l], t0_ref[l], preferred_element_type=jnp.float32)
             + jnp.dot(tx_ref[l], t1_ref[l], preferred_element_type=jnp.float32)
             + bias_ref[l])
        gi = jax.nn.sigmoid(a[:, 0:D])
        gf = jax.nn.sigmoid(a[:, D:2 * D])
        gt = jnp.tanh(a[:, 2 * D:3 * D])
        go = jax.nn.sigmoid(a[:, 3 * D:4 * D])
        cn = gf * cs_ref[l] + gi * gt
        hn = go * jnp.tanh(cn)
        oh_ref[l] = hn
        oc_ref[l] = cn
        x = hn


@jax.jit
def _tc_dense(X, hs, cs, tx, w_cat, t0_cat, t1_cat, bias_cat):
    BLK = 1000
    grid = (N // BLK,)
    f = pl.pallas_call(
        _tc_body,
        grid=grid,
        in_specs=[
            pl.BlockSpec((BLK, D), lambda i: (i, 0)),
            pl.BlockSpec((L, BLK, D), lambda i: (0, i, 0)),
            pl.BlockSpec((L, BLK, D), lambda i: (0, i, 0)),
            pl.BlockSpec((L, BLK, D), lambda i: (0, i, 0)),
            pl.BlockSpec((L, D, 4 * D), lambda i: (0, 0, 0)),
            pl.BlockSpec((L, D, 4 * D), lambda i: (0, 0, 0)),
            pl.BlockSpec((L, D, 4 * D), lambda i: (0, 0, 0)),
            pl.BlockSpec((L, 1, 4 * D), lambda i: (0, 0, 0)),
        ],
        out_specs=[
            pl.BlockSpec((L, BLK, D), lambda i: (0, i, 0)),
            pl.BlockSpec((L, BLK, D), lambda i: (0, i, 0)),
        ],
        out_shape=[
            jax.ShapeDtypeStruct((L, N, D), jnp.float32),
            jax.ShapeDtypeStruct((L, N, D), jnp.float32),
        ],
    )
    return f(X, hs, cs, tx, w_cat, t0_cat, t1_cat, bias_cat)


def kernel(X, edge_index, hs, cs, W, b, theta, conv_bias):
    row = edge_index[0]
    col = edge_index[1]
    hs_pad = jnp.pad(hs, ((0, 0), (0, NPAD - N), (0, 0))).reshape(L * NPAD, D)

    tx_cat = _sc_scatter(row, col, hs_pad)
    tx = tx_cat.reshape(L, N, D)

    w_cat = jnp.transpose(W, (0, 2, 1, 3)).reshape(L, D, 4 * D)
    t0_cat = jnp.transpose(theta[:, :, 0], (0, 2, 1, 3)).reshape(L, D, 4 * D)
    t1_cat = jnp.transpose(theta[:, :, 1], (0, 2, 1, 3)).reshape(L, D, 4 * D)
    bias_cat = (b + conv_bias).reshape(L, 1, 4 * D)

    oh, oc = _tc_dense(X, hs, cs, tx, w_cat, t0_cat, t1_cat, bias_cat)
    return oh, oc, oh[1]

# --- scband reference (transcript-rebuilt; emitter-appended) ---
"""Pipeline reference for scband-multi-layer-gclstm-64175401337412 (READ-ONLY COPY).

The authoritative reference and input builder live on the scoring server;
editing this copy changes nothing except your own understanding.
"""

import jax, jax.numpy as jnp
import numpy as np

N = 10000
E = 320000
D = 128
L = 2  # num_units
K = 2  # Chebyshev order


def setup_inputs(seed: int = 0) -> dict:
    key = jax.random.key(seed)
    ks = jax.random.split(key, 8)
    X = jax.random.normal(ks[0], (N, D), dtype=jnp.float32)
    edge_index = jax.random.randint(ks[1], (2, E), 0, N, dtype=jnp.int32)
    hs = jax.random.normal(ks[2], (L, N, D), dtype=jnp.float32)
    cs = jax.random.normal(ks[3], (L, N, D), dtype=jnp.float32)
    s = 1.0 / np.sqrt(D)
    # per-layer, per-gate (i,f,c,o) params
    W = jax.random.normal(ks[4], (L, 4, D, D), dtype=jnp.float32) * s          # input->gate weights
    b = jax.random.normal(ks[5], (L, 4, D), dtype=jnp.float32) * 0.01          # gate biases
    theta = jax.random.normal(ks[6], (L, 4, K, D, D), dtype=jnp.float32) * s   # ChebConv lins per order
    conv_bias = jax.random.normal(ks[7], (L, 4, D), dtype=jnp.float32) * 0.01  # ChebConv biases
    return {"X": X, "edge_index": edge_index, "hs": hs, "cs": cs,
            "W": W, "b": b, "theta": theta, "conv_bias": conv_bias}


def _cheb_norm(edge_index, num_nodes):
    # Faithful to PyG ChebConv.__norm__ with normalization='sym', lambda_max=2.0:
    # remove self loops, L = I - D^-1/2 A D^-1/2, scale by 2/lambda_max, add self loops with -1
    # -> diagonal cancels to 0, off-diagonal weight = -d_i^-1/2 * d_j^-1/2
    row, col = edge_index[0], edge_index[1]
    w = jnp.where(row == col, 0.0, 1.0).astype(jnp.float32)  # remove_self_loops
    deg = jnp.zeros((num_nodes,), jnp.float32).at[row].add(w)
    dinv = jnp.where(deg > 0, jax.lax.rsqrt(jnp.maximum(deg, 1e-12)), 0.0)
    norm = -dinv[row] * w * dinv[col]
    return row, col, norm


def _cheb_conv(x, row, col, norm, th, cb):
    # K=2 Chebyshev conv: out = Tx0 @ theta0 + Tx1 @ theta1 + bias, Tx1 = L_hat @ x
    out = x @ th[0]
    tx1 = jnp.zeros_like(x).at[col].add(norm[:, None] * x[row])
    out = out + tx1 @ th[1]
    return out + cb


def _gclstm_cell(Xl, H, C, Wl, bl, thl, cbl, row, col, norm):
    I = jax.nn.sigmoid(Xl @ Wl[0] + _cheb_conv(H, row, col, norm, thl[0], cbl[0]) + bl[0])
    F = jax.nn.sigmoid(Xl @ Wl[1] + _cheb_conv(H, row, col, norm, thl[1], cbl[1]) + bl[1])
    T = jnp.tanh(Xl @ Wl[2] + _cheb_conv(H, row, col, norm, thl[2], cbl[2]) + bl[2])
    Cn = F * C + I * T
    O = jax.nn.sigmoid(Xl @ Wl[3] + _cheb_conv(H, row, col, norm, thl[3], cbl[3]) + bl[3])
    Hn = O * jnp.tanh(Cn)
    return Hn, Cn


def reference(X, edge_index, hs, cs, W, b, theta, conv_bias):
    row, col, norm = _cheb_norm(edge_index, X.shape[0])
    inp = X
    out_hs, out_cs = [], []
    h = None
    for i in range(L):
        h, c = _gclstm_cell(inp, hs[i], cs[i], W[i], b[i], theta[i], conv_bias[i], row, col, norm)
        out_hs.append(h)
        out_cs.append(c)
        inp = h
    return jnp.stack(out_hs), jnp.stack(out_cs), h

if __name__ == "__main__":
    import jax
    _d = setup_inputs()
    print(jax.jit(kernel)(*tuple(_d.values())))

</pallas_src>

<mosaic_0001>
#map = affine_map<(d0, d1) -> (0)>
#map1 = affine_map<(d0, d1) -> (0, 0)>
module attributes {stable_mosaic.version = 14 : i64} {
  func.func @_sc_body(%arg0: i32, %arg1: i32, %arg2: memref<320000xi32, #tpu.memory_space<hbm>>, %arg3: memref<320000xi32, #tpu.memory_space<hbm>>, %arg4: memref<20480x128xf32, #tpu.memory_space<hbm>>, %arg5: memref<20000x128xf32, #tpu.memory_space<hbm>>, %arg6: memref<20480x128xf32, #tpu.memory_space<hbm>>, %arg7: memref<4000xi32, #tpu.memory_space<vmem>>, %arg8: memref<4000xi32, #tpu.memory_space<vmem>>, %arg9: memref<80x128xf32, #tpu.memory_space<vmem>>, %arg10: memref<640xf32, #tpu.memory_space<vmem>>, %arg11: memref<32x128xf32, #tpu.memory_space<vmem>>, %arg12: memref<8x128xf32, #tpu.memory_space<vmem>>, %arg13: memref<16x128xf32, #tpu.memory_space<vmem>>, %arg14: memref<2x80x128xf32, #tpu.memory_space<vmem>>, %arg15: memref<2x80xi32, #tpu.memory_space<vmem>>, %arg16: memref<2x80xi32, #tpu.memory_space<vmem>>, %arg17: memref<80x128xf32, #tpu.memory_space<vmem_shared>>, %arg18: memref<10240x128xf32, #tpu.memory_space<vmem_shared>>, %arg19: memref<!tpu.dma_semaphore, #tpu.memory_space<semaphore_mem>>, %arg20: memref<!tpu.dma_semaphore, #tpu.memory_space<semaphore_mem>>, %arg21: memref<!tpu.dma_semaphore, #tpu.memory_space<semaphore_mem>>, %arg22: memref<!tpu.dma_semaphore, #tpu.memory_space<semaphore_mem>>) attributes {dimension_semantics = [#tpu.dimension_semantics<core_parallel>, #tpu.dimension_semantics<subcore_parallel>], iteration_bounds = array<i64: 2, 16>, scalar_prefetch = 0 : i64, scratch_operands = 16 : i64, tpu.core_type = #tpu.core_type<sc_vector_subcore>, window_params = [{transform_indices = #map}, {transform_indices = #map}, {transform_indices = #map1}, {transform_indices = #map1}, {transform_indices = #map1}]} {
    %mul3A = arith.constant 10240 : i32
    %mul3A_0 = arith.muli %arg0, %mul3A : i32
    %mul3A_1 = arith.constant 20000 : i32
    %mul3A_2 = arith.muli %arg1, %mul3A_1 : i32
    %mul3A_3 = arith.constant 640 : i32
    %mul3A_4 = arith.muli %arg1, %mul3A_3 : i32
    %broadcast_in_dim3A = arith.constant 0.000000e+00 : f32
    %broadcast_in_dim3A_5 = vector.broadcast %broadcast_in_dim3A : f32 to vector<16xf32>
    %broadcast_in_dim3A_6 = arith.constant 1.000000e+00 : f32
    %broadcast_in_dim3A_7 = vector.broadcast %broadcast_in_dim3A_6 : f32 to vector<16xf32>
    %broadcast_in_dim3A_8 = arith.constant 10000 : i32
    %broadcast_in_dim3A_9 = vector.broadcast %broadcast_in_dim3A_8 : i32 to vector<16xi32>
    %iota3A = tpu.iota {dimensions = array<i32: 0>} : vector<16xi32>
    %scan3A = arith.constant 0 : i32
    %scan3A_10 = arith.constant 0 : i32
    %scan3A_11 = arith.constant 8 : i32
    %scan3A_12 = arith.addi %scan3A_10, %scan3A_11 : i32
    %scan3A_13 = arith.constant 1 : i32
    scf.for %scan3A_111 = %scan3A_10 to %scan3A_12 step %scan3A_13  : i32 {
      %swap3A_112 = arith.index_cast %scan3A_111 : i32 to index
      %swap3A_113 = arith.constant 0 : index
      %swap3A_114 = tpu.vector_load %arg12[%swap3A_112, %swap3A_113] {strides = array<i32>} : memref<8x128xf32, #tpu.memory_space<vmem>>, vector<16xf32>,
      tpu.vector_store %arg12[%swap3A_112, %swap3A_113], %broadcast_in_dim3A_5 {strides = array<i32>} : memref<8x128xf32, #tpu.memory_space<vmem>>, vector<16xf32>,
      %swap3A_115 = arith.index_cast %scan3A_111 : i32 to index
      %swap3A_116 = arith.constant 16 : index
      %swap3A_117 = tpu.vector_load %arg12[%swap3A_115, %swap3A_116] {strides = array<i32>} : memref<8x128xf32, #tpu.memory_space<vmem>>, vector<16xf32>,
      tpu.vector_store %arg12[%swap3A_115, %swap3A_116], %broadcast_in_dim3A_5 {strides = array<i32>} : memref<8x128xf32, #tpu.memory_space<vmem>>, vector<16xf32>,
      %swap3A_118 = arith.index_cast %scan3A_111 : i32 to index
      %swap3A_119 = arith.constant 32 : index
      %swap3A_120 = tpu.vector_load %arg12[%swap3A_118, %swap3A_119] {strides = array<i32>} : memref<8x128xf32, #tpu.memory_space<vmem>>, vector<16xf32>,
      tpu.vector_store %arg12[%swap3A_118, %swap3A_119], %broadcast_in_dim3A_5 {strides = array<i32>} : memref<8x128xf32, #tpu.memory_space<vmem>>, vector<16xf32>,
      %swap3A_121 = arith.index_cast %scan3A_111 : i32 to index
      %swap3A_122 = arith.constant 48 : index
      %swap3A_123 = tpu.vector_load %arg12[%swap3A_121, %swap3A_122] {strides = array<i32>} : memref<8x128xf32, #tpu.memory_space<vmem>>, vector<16xf32>,
      tpu.vector_store %arg12[%swap3A_121, %swap3A_122], %broadcast_in_dim3A_5 {strides = array<i32>} : memref<8x128xf32, #tpu.memory_space<vmem>>, vector<16xf32>,
      %swap3A_124 = arith.index_cast %scan3A_111 : i32 to index
      %swap3A_125 = arith.constant 64 : index
      %swap3A_126 = tpu.vector_load %arg12[%swap3A_124, %swap3A_125] {strides = array<i32>} : memref<8x128xf32, #tpu.memory_space<vmem>>, vector<16xf32>,
      tpu.vector_store %arg12[%swap3A_124, %swap3A_125], %broadcast_in_dim3A_5 {strides = array<i32>} : memref<8x128xf32, #tpu.memory_space<vmem>>, vector<16xf32>,
      %swap3A_127 = arith.index_cast %scan3A_111 : i32 to index
      %swap3A_128 = arith.constant 80 : index
      %swap3A_129 = tpu.vector_load %arg12[%swap3A_127, %swap3A_128] {strides = array<i32>} : memref<8x128xf32, #tpu.memory_space<vmem>>, vector<16xf32>,
      tpu.vector_store %arg12[%swap3A_127, %swap3A_128], %broadcast_in_dim3A_5 {strides = array<i32>} : memref<8x128xf32, #tpu.memory_space<vmem>>, vector<16xf32>,
      %swap3A_130 = arith.index_cast %scan3A_111 : i32 to index
      %swap3A_131 = arith.constant 96 : index
      %swap3A_132 = tpu.vector_load %arg12[%swap3A_130, %swap3A_131] {strides = array<i32>} : memref<8x128xf32, #tpu.memory_space<vmem>>, vector<16xf32>,
      tpu.vector_store %arg12[%swap3A_130, %swap3A_131], %broadcast_in_dim3A_5 {strides = array<i32>} : memref<8x128xf32, #tpu.memory_space<vmem>>, vector<16xf32>,
      %swap3A_133 = arith.index_cast %scan3A_111 : i32 to index
      %swap3A_134 = arith.constant 112 : index
      %swap3A_135 = tpu.vector_load %arg12[%swap3A_133, %swap3A_134] {strides = array<i32>} : memref<8x128xf32, #tpu.memory_space<vmem>>, vector<16xf32>,
      tpu.vector_store %arg12[%swap3A_133, %swap3A_134], %broadcast_in_dim3A_5 {strides = array<i32>} : memref<8x128xf32, #tpu.memory_space<vmem>>, vector<16xf32>,
    }
    %scan3A_14 = arith.constant 8 : i32
    %scan3A_15 = arith.constant 0 : i32
    %scan3A_16 = arith.constant 0 : i32
    %scan3A_17 = arith.constant 80 : i32
    %scan3A_18 = arith.addi %scan3A_16, %scan3A_17 : i32
    %scan3A_19 = arith.constant 1 : i32
    scf.for %scan3A_111 = %scan3A_16 to %scan3A_18 step %scan3A_19  : i32 {
      %swap3A_112 = arith.index_cast %scan3A_111 : i32 to index
      %swap3A_113 = arith.constant 0 : index
      %swap3A_114 = tpu.vector_load %arg9[%swap3A_112, %swap3A_113] {strides = array<i32>} : memref<80x128xf32, #tpu.memory_space<vmem>>, vector<16xf32>,
      tpu.vector_store %arg9[%swap3A_112, %swap3A_113], %broadcast_in_dim3A_5 {strides = array<i32>} : memref<80x128xf32, #tpu.memory_space<vmem>>, vector<16xf32>,
      %swap3A_115 = arith.index_cast %scan3A_111 : i32 to index
      %swap3A_116 = arith.constant 16 : index
      %swap3A_117 = tpu.vector_load %arg9[%swap3A_115, %swap3A_116] {strides = array<i32>} : memref<80x128xf32, #tpu.memory_space<vmem>>, vector<16xf32>,
      tpu.vector_store %arg9[%swap3A_115, %swap3A_116], %broadcast_in_dim3A_5 {strides = array<i32>} : memref<80x128xf32, #tpu.memory_space<vmem>>, vector<16xf32>,
      %swap3A_118 = arith.index_cast %scan3A_111 : i32 to index
      %swap3A_119 = arith.constant 32 : index
      %swap3A_120 = tpu.vector_load %arg9[%swap3A_118, %swap3A_119] {strides = array<i32>} : memref<80x128xf32, #tpu.memory_space<vmem>>, vector<16xf32>,
      tpu.vector_store %arg9[%swap3A_118, %swap3A_119], %broadcast_in_dim3A_5 {strides = array<i32>} : memref<80x128xf32, #tpu.memory_space<vmem>>, vector<16xf32>,
      %swap3A_121 = arith.index_cast %scan3A_111 : i32 to index
      %swap3A_122 = arith.constant 48 : index
      %swap3A_123 = tpu.vector_load %arg9[%swap3A_121, %swap3A_122] {strides = array<i32>} : memref<80x128xf32, #tpu.memory_space<vmem>>, vector<16xf32>,
      tpu.vector_store %arg9[%swap3A_121, %swap3A_122], %broadcast_in_dim3A_5 {strides = array<i32>} : memref<80x128xf32, #tpu.memory_space<vmem>>, vector<16xf32>,
      %swap3A_124 = arith.index_cast %scan3A_111 : i32 to index
      %swap3A_125 = arith.constant 64 : index
      %swap3A_126 = tpu.vector_load %arg9[%swap3A_124, %swap3A_125] {strides = array<i32>} : memref<80x128xf32, #tpu.memory_space<vmem>>, vector<16xf32>,
      tpu.vector_store %arg9[%swap3A_124, %swap3A_125], %broadcast_in_dim3A_5 {strides = array<i32>} : memref<80x128xf32, #tpu.memory_space<vmem>>, vector<16xf32>,
      %swap3A_127 = arith.index_cast %scan3A_111 : i32 to index
      %swap3A_128 = arith.constant 80 : index
      %swap3A_129 = tpu.vector_load %arg9[%swap3A_127, %swap3A_128] {strides = array<i32>} : memref<80x128xf32, #tpu.memory_space<vmem>>, vector<16xf32>,
      tpu.vector_store %arg9[%swap3A_127, %swap3A_128], %broadcast_in_dim3A_5 {strides = array<i32>} : memref<80x128xf32, #tpu.memory_space<vmem>>, vector<16xf32>,
      %swap3A_130 = arith.index_cast %scan3A_111 : i32 to index
      %swap3A_131 = arith.constant 96 : index
      %swap3A_132 = tpu.vector_load %arg9[%swap3A_130, %swap3A_131] {strides = array<i32>} : memref<80x128xf32, #tpu.memory_space<vmem>>, vector<16xf32>,
      tpu.vector_store %arg9[%swap3A_130, %swap3A_131], %broadcast_in_dim3A_5 {strides = array<i32>} : memref<80x128xf32, #tpu.memory_space<vmem>>, vector<16xf32>,
      %swap3A_133 = arith.index_cast %scan3A_111 : i32 to index
      %swap3A_134 = arith.constant 112 : index
      %swap3A_135 = tpu.vector_load %arg9[%swap3A_133, %swap3A_134] {strides = array<i32>} : memref<80x128xf32, #tpu.memory_space<vmem>>, vector<16xf32>,
      tpu.vector_store %arg9[%swap3A_133, %swap3A_134], %broadcast_in_dim3A_5 {strides = array<i32>} : memref<80x128xf32, #tpu.memory_space<vmem>>, vector<16xf32>,
    }
    %scan3A_20 = arith.constant 80 : i32
    %eq3A = arith.constant 0 : i32
    %eq3A_21 = arith.cmpi eq, %arg1, %eq3A : i32
    %convert_element_type3A = arith.extui %eq3A_21 : i1 to i32
    %cond3A = arith.constant 0 : i32
    %cond3A_22 = arith.cmpi ne, %convert_element_type3A, %cond3A : i32
    scf.if %cond3A_22 {
      %scan3A_111 = arith.constant 0 : i32
      %scan3A_112 = arith.constant 0 : i32
      %scan3A_113 = arith.constant 10 : i32
      %scan3A_114 = arith.addi %scan3A_112, %scan3A_113 : i32
      %scan3A_115 = arith.constant 1 : i32
      scf.for %scan3A_117 = %scan3A_112 to %scan3A_114 step %scan3A_115  : i32 {
        %mul3A_118 = arith.constant 8 : i32
        %mul3A_119 = arith.muli %scan3A_117, %mul3A_118 : i32
        "tpu.region"() ({
          %run_scoped3A_120 = tpu.sem_alloc : memref<!tpu.dma_semaphore, #tpu.memory_space<semaphore_mem>>
          %dma_start3A = arith.constant 0 : i32
          %dma_start3A_121 = tpu.memref_slice %arg17[%mul3A_119, %dma_start3A] : memref<80x128xf32, #tpu.memory_space<vmem_shared>> -> memref<8x128xf32, #tpu.memory_space<vmem_shared>>
          %dma_start3A_122 = arith.constant 0 : i32
          %dma_start3A_123 = tpu.memref_slice %arg17[%mul3A_119, %dma_start3A_122] : memref<80x128xf32, #tpu.memory_space<vmem_shared>> -> memref<8x128xf32, #tpu.memory_space<vmem_shared>>
          tpu.enqueue_dma source(%arg12 : memref<8x128xf32, #tpu.memory_space<vmem>>) target(%dma_start3A_123 : memref<8x128xf32, #tpu.memory_space<vmem_shared>>) target_semaphore(%run_scoped3A_120 : memref<!tpu.dma_semaphore, #tpu.memory_space<semaphore_mem>>)
          %dma_wait3A = arith.constant 0 : i32
          %dma_wait3A_124 = tpu.memref_slice %arg17[%mul3A_119, %dma_wait3A] : memref<80x128xf32, #tpu.memory_space<vmem_shared>> -> memref<8x128xf32, #tpu.memory_space<vmem_shared>>
          %dma_wait3A_125 = arith.constant 0 : i32
          %dma_wait3A_126 = tpu.memref_slice %arg17[%mul3A_119, %dma_wait3A_125] : memref<80x128xf32, #tpu.memory_space<vmem_shared>> -> memref<8x128xf32, #tpu.memory_space<vmem_shared>>
          tpu.wait_dma2 semaphore(%run_scoped3A_120 : memref<!tpu.dma_semaphore, #tpu.memory_space<semaphore_mem>>) src(%arg12 : memref<8x128xf32, #tpu.memory_space<vmem>>) dst(%dma_wait3A_126 : memref<8x128xf32, #tpu.memory_space<vmem_shared>>)
          tpu.yield
        }) : () -> ()
      }
      %scan3A_116 = arith.constant 10 : i32
    } else {
    }
    %scan3A_23 = arith.constant 0 : i32
    %scan3A_24 = arith.constant 0 : i32
    %scan3A_25 = arith.constant 5 : i32
    %scan3A_26 = arith.addi %scan3A_24, %scan3A_25 : i32
    %scan3A_27 = arith.constant 1 : i32
    scf.for %scan3A_111 = %scan3A_24 to %scan3A_26 step %scan3A_27  : i32 {
      %mul3A_112 = arith.constant 4000 : i32
      %mul3A_113 = arith.muli %scan3A_111, %mul3A_112 : i32
      %add3A_114 = arith.addi %mul3A_2, %mul3A_113 : i32
      "tpu.region"() ({
        %run_scoped3A_121 = tpu.sem_alloc : memref<!tpu.dma_semaphore, #tpu.memory_space<semaphore_mem>>
        %dma_start3A = tpu.memref_slice %arg2[%add3A_114] : memref<320000xi32, #tpu.memory_space<hbm>> -> memref<4000xi32, #tpu.memory_space<hbm>>
        %dma_start3A_122 = tpu.memref_slice %arg2[%add3A_114] : memref<320000xi32, #tpu.memory_space<hbm>> -> memref<4000xi32, #tpu.memory_space<hbm>>
        tpu.enqueue_dma source(%dma_start3A_122 : memref<4000xi32, #tpu.memory_space<hbm>>) target(%arg7 : memref<4000xi32, #tpu.memory_space<vmem>>) target_semaphore(%run_scoped3A_121 : memref<!tpu.dma_semaphore, #tpu.memory_space<semaphore_mem>>)
        %dma_wait3A = tpu.memref_slice %arg2[%add3A_114] : memref<320000xi32, #tpu.memory_space<hbm>> -> memref<4000xi32, #tpu.memory_space<hbm>>
        %dma_wait3A_123 = tpu.memref_slice %arg2[%add3A_114] : memref<320000xi32, #tpu.memory_space<hbm>> -> memref<4000xi32, #tpu.memory_space<hbm>>
        tpu.wait_dma2 semaphore(%run_scoped3A_121 : memref<!tpu.dma_semaphore, #tpu.memory_space<semaphore_mem>>) src(%dma_wait3A_123 : memref<4000xi32, #tpu.memory_space<hbm>>) dst(%arg7 : memref<4000xi32, #tpu.memory_space<vmem>>)
        tpu.yield
      }) : () -> ()
      "tpu.region"() ({
        %run_scoped3A_121 = tpu.sem_alloc : memref<!tpu.dma_semaphore, #tpu.memory_space<semaphore_mem>>
        %dma_start3A = tpu.memref_slice %arg3[%add3A_114] : memref<320000xi32, #tpu.memory_space<hbm>> -> memref<4000xi32, #tpu.memory_space<hbm>>
        %dma_start3A_122 = tpu.memref_slice %arg3[%add3A_114] : memref<320000xi32, #tpu.memory_space<hbm>> -> memref<4000xi32, #tpu.memory_space<hbm>>
        tpu.enqueue_dma source(%dma_start3A_122 : memref<4000xi32, #tpu.memory_space<hbm>>) target(%arg8 : memref<4000xi32, #tpu.memory_space<vmem>>) target_semaphore(%run_scoped3A_121 : memref<!tpu.dma_semaphore, #tpu.memory_space<semaphore_mem>>)
        %dma_wait3A = tpu.memref_slice %arg3[%add3A_114] : memref<320000xi32, #tpu.memory_space<hbm>> -> memref<4000xi32, #tpu.memory_space<hbm>>
        %dma_wait3A_123 = tpu.memref_slice %arg3[%add3A_114] : memref<320000xi32, #tpu.memory_space<hbm>> -> memref<4000xi32, #tpu.memory_space<hbm>>
        tpu.wait_dma2 semaphore(%run_scoped3A_121 : memref<!tpu.dma_semaphore, #tpu.memory_space<semaphore_mem>>) src(%dma_wait3A_123 : memref<4000xi32, #tpu.memory_space<hbm>>) dst(%arg8 : memref<4000xi32, #tpu.memory_space<vmem>>)
        tpu.yield
      }) : () -> ()
      %scan3A_115 = arith.constant 0 : i32
      %scan3A_116 = arith.constant 0 : i32
      %scan3A_117 = arith.constant 250 : i32
      %scan3A_118 = arith.addi %scan3A_116, %scan3A_117 : i32
      %scan3A_119 = arith.constant 1 : i32
      scf.for %scan3A_121 = %scan3A_116 to %scan3A_118 step %scan3A_119  : i32 {
        %mul3A_122 = arith.constant 16 : i32
        %mul3A_123 = arith.muli %scan3A_121, %mul3A_122 : i32
        %get3A = arith.index_cast %mul3A_123 : i32 to index
        %get3A_124 = tpu.vector_load %arg7[%get3A] {strides = array<i32>} : memref<4000xi32, #tpu.memory_space<vmem>>, vector<16xi32>,
        %mul3A_125 = arith.constant 16 : i32
        %mul3A_126 = arith.muli %scan3A_121, %mul3A_125 : i32
        %get3A_127 = arith.index_cast %mul3A_126 : i32 to index
        %get3A_128 = tpu.vector_load %arg8[%get3A_127] {strides = array<i32>} : memref<4000xi32, #tpu.memory_space<vmem>>, vector<16xi32>,
        %eq3A_129 = arith.cmpi eq, %get3A_124, %get3A_128 : vector<16xi32>
        %select_n3A_130 = arith.select %eq3A_129, %broadcast_in_dim3A_9, %get3A_124 : vector<16xi1>, vector<16xi32>
        %shift_right_arithmetic3A = arith.constant 7 : i32
        %shift_right_arithmetic3A_131 = vector.broadcast %shift_right_arithmetic3A : i32 to vector<16xi32>
        %shift_right_arithmetic3A_132 = arith.shrsi %select_n3A_130, %shift_right_arithmetic3A_131 : vector<16xi32>
        %and3A_133 = arith.constant 127 : i32
        %and3A_134 = vector.broadcast %and3A_133 : i32 to vector<16xi32>
        %and3A_135 = arith.andi %select_n3A_130, %and3A_134 : vector<16xi32>
        tpu.vector_store_idx %arg9[%shift_right_arithmetic3A_132, %and3A_135], %broadcast_in_dim3A_7 {add = true} : memref<80x128xf32, #tpu.memory_space<vmem>>[vector<16xi32>, vector<16xi32>], vector<16xf32>,
      }
      %scan3A_120 = arith.constant 250 : i32
    }
    %scan3A_28 = arith.constant 5 : i32
    %add3A = arith.constant 0 : i32
    %add3A_29 = vector.broadcast %add3A : i32 to vector<16xi32>
    %add3A_30 = arith.addi %iota3A, %add3A_29 : vector<16xi32>
    %swap3A = arith.constant 0 : i32
    %swap3A_31 = arith.index_cast %swap3A : i32 to index
    %swap3A_32 = arith.constant 0 : index
    %swap3A_33 = tpu.vector_load %arg15[%swap3A_31, %swap3A_32] {strides = array<i32>} : memref<2x80xi32, #tpu.memory_space<vmem>>, vector<16xi32>,
    tpu.vector_store %arg15[%swap3A_31, %swap3A_32], %add3A_30 {strides = array<i32>} : memref<2x80xi32, #tpu.memory_space<vmem>>, vector<16xi32>,
    %add3A_34 = arith.constant 16 : i32
    %add3A_35 = vector.broadcast %add3A_34 : i32 to vector<16xi32>
    %add3A_36 = arith.addi %iota3A, %add3A_35 : vector<16xi32>
    %swap3A_37 = arith.constant 0 : i32
    %swap3A_38 = arith.index_cast %swap3A_37 : i32 to index
    %swap3A_39 = arith.constant 16 : index
    %swap3A_40 = tpu.vector_load %arg15[%swap3A_38, %swap3A_39] {strides = array<i32>} : memref<2x80xi32, #tpu.memory_space<vmem>>, vector<16xi32>,
    tpu.vector_store %arg15[%swap3A_38, %swap3A_39], %add3A_36 {strides = array<i32>} : memref<2x80xi32, #tpu.memory_space<vmem>>, vector<16xi32>,
    %add3A_41 = arith.constant 32 : i32
    %add3A_42 = vector.broadcast %add3A_41 : i32 to vector<16xi32>
    %add3A_43 = arith.addi %iota3A, %add3A_42 : vector<16xi32>
    %swap3A_44 = arith.constant 0 : i32
    %swap3A_45 = arith.index_cast %swap3A_44 : i32 to index
    %swap3A_46 = arith.constant 32 : index
    %swap3A_47 = tpu.vector_load %arg15[%swap3A_45, %swap3A_46] {strides = array<i32>} : memref<2x80xi32, #tpu.memory_space<vmem>>, vector<16xi32>,
    tpu.vector_store %arg15[%swap3A_45, %swap3A_46], %add3A_43 {strides = array<i32>} : memref<2x80xi32, #tpu.memory_space<vmem>>, vector<16xi32>,
    %add3A_48 = arith.constant 48 : i32
    %add3A_49 = vector.broadcast %add3A_48 : i32 to vector<16xi32>
    %add3A_50 = arith.addi %iota3A, %add3A_49 : vector<16xi32>
    %swap3A_51 = arith.constant 0 : i32
    %swap3A_52 = arith.index_cast %swap3A_51 : i32 to index
    %swap3A_53 = arith.constant 48 : index
    %swap3A_54 = tpu.vector_load %arg15[%swap3A_52, %swap3A_53] {strides = array<i32>} : memref<2x80xi32, #tpu.memory_space<vmem>>, vector<16xi32>,
    tpu.vector_store %arg15[%swap3A_52, %swap3A_53], %add3A_50 {strides = array<i32>} : memref<2x80xi32, #tpu.memory_space<vmem>>, vector<16xi32>,
    %add3A_55 = arith.constant 64 : i32
    %add3A_56 = vector.broadcast %add3A_55 : i32 to vector<16xi32>
    %add3A_57 = arith.addi %iota3A, %add3A_56 : vector<16xi32>
    %swap3A_58 = arith.constant 0 : i32
    %swap3A_59 = arith.index_cast %swap3A_58 : i32 to index
    %swap3A_60 = arith.constant 64 : index
    %swap3A_61 = tpu.vector_load %arg15[%swap3A_59, %swap3A_60] {strides = array<i32>} : memref<2x80xi32, #tpu.memory_space<vmem>>, vector<16xi32>,
    tpu.vector_store %arg15[%swap3A_59, %swap3A_60], %add3A_57 {strides = array<i32>} : memref<2x80xi32, #tpu.memory_space<vmem>>, vector<16xi32>,
    %barrier3A = arith.constant 0 : index
    tpu.barrier barrier_id(%barrier3A)
    %run_scoped3A = arith.constant 0 : i32
    "tpu.region"() ({
      %run_scoped3A_111 = tpu.sem_alloc : memref<!tpu.dma_semaphore, #tpu.memory_space<semaphore_mem>>
      %dma_start3A = arith.constant 0 : i32
      %dma_start3A_112 = tpu.memref_slice %arg15[%run_scoped3A, %dma_start3A] : memref<2x80xi32, #tpu.memory_space<vmem>> -> memref<1x80xi32, #tpu.memory_space<vmem>>
      %dma_start3A_113 = tpu.memref_squeeze %dma_start3A_112 : memref<1x80xi32, #tpu.memory_space<vmem>> -> memref<80xi32, #tpu.memory_space<vmem>>
      %dma_start3A_114 = arith.constant 0 : i32
      %dma_start3A_115 = arith.constant 0 : i32
      %dma_start3A_116 = tpu.memref_slice %arg17[%dma_start3A_114, %dma_start3A_115] : memref<80x128xf32, #tpu.memory_space<vmem_shared>> -> memref<80x128xf32, #tpu.memory_space<vmem_shared>>
      tpu.enqueue_indirect_dma source(%arg9 : memref<80x128xf32, #tpu.memory_space<vmem>>) target(%dma_start3A_116 : memref<80x128xf32, #tpu.memory_space<vmem_shared>>) offsets(%dma_start3A_113 : memref<80xi32, #tpu.memory_space<vmem>>) semaphore(%run_scoped3A_111 : memref<!tpu.dma_semaphore, #tpu.memory_space<semaphore_mem>>) {add = true}
      %dma_wait3A = arith.constant 0 : i32
      %dma_wait3A_117 = tpu.memref_slice %arg15[%run_scoped3A, %dma_wait3A] : memref<2x80xi32, #tpu.memory_space<vmem>> -> memref<1x80xi32, #tpu.memory_space<vmem>>
      %dma_wait3A_118 = tpu.memref_squeeze %dma_wait3A_117 : memref<1x80xi32, #tpu.memory_space<vmem>> -> memref<80xi32, #tpu.memory_space<vmem>>
      %dma_wait3A_119 = arith.constant 0 : i32
      %dma_wait3A_120 = arith.constant 0 : i32
      %dma_wait3A_121 = tpu.memref_slice %arg17[%dma_wait3A_119, %dma_wait3A_120] : memref<80x128xf32, #tpu.memory_space<vmem_shared>> -> memref<80x128xf32, #tpu.memory_space<vmem_shared>>
      tpu.wait_indirect_dma semaphore(%run_scoped3A_111 : memref<!tpu.dma_semaphore, #tpu.memory_space<semaphore_mem>>) src(%arg9 : memref<80x128xf32, #tpu.memory_space<vmem>>) dst(%dma_wait3A_121 : memref<80x128xf32, #tpu.memory_space<vmem_shared>>)
      tpu.yield
    }) : () -> ()
    %barrier3A_62 = arith.constant 0 : index
    tpu.barrier barrier_id(%barrier3A_62)
    %jit3A = arith.constant 128 : i32
    %div3A = arith.divsi %mul3A_4, %jit3A : i32
    %sign3A = arith.constant 0 : i32
    %sign3A_63 = arith.cmpi sgt, %mul3A_4, %sign3A : i32
    %sign3A_64 = arith.extui %sign3A_63 : i1 to i32
    %sign3A_65 = arith.constant 0 : i32
    %sign3A_66 = arith.cmpi slt, %mul3A_4, %sign3A_65 : i32
    %sign3A_67 = arith.extui %sign3A_66 : i1 to i32
    %sign3A_68 = arith.subi %sign3A_64, %sign3A_67 : i32
    %sign3A_69 = arith.constant 0 : i32
    %sign3A_70 = arith.cmpi sgt, %jit3A, %sign3A_69 : i32
    %sign3A_71 = arith.extui %sign3A_70 : i1 to i32
    %sign3A_72 = arith.constant 0 : i32
    %sign3A_73 = arith.cmpi slt, %jit3A, %sign3A_72 : i32
    %sign3A_74 = arith.extui %sign3A_73 : i1 to i32
    %sign3A_75 = arith.subi %sign3A_71, %sign3A_74 : i32
    %ne3A = arith.cmpi ne, %sign3A_68, %sign3A_75 : i32
    %rem3A = arith.remsi %mul3A_4, %jit3A : i32
    %ne3A_76 = arith.constant 0 : i32
    %ne3A_77 = arith.cmpi ne, %rem3A, %ne3A_76 : i32
    %and3A = arith.andi %ne3A, %ne3A_77 : i1
    %sub3A = arith.constant 1 : i32
    %sub3A_78 = arith.subi %div3A, %sub3A : i32
    %select_n3A = arith.select %and3A, %sub3A_78, %div3A : i32
    "tpu.region"() ({
      %run_scoped3A_111 = tpu.sem_alloc : memref<!tpu.dma_semaphore, #tpu.memory_space<semaphore_mem>>
      %dma_start3A = arith.constant 0 : i32
      %dma_start3A_112 = arith.constant 0 : i32
      %dma_start3A_113 = tpu.memref_slice %arg9[%dma_start3A, %dma_start3A_112] : memref<80x128xf32, #tpu.memory_space<vmem>> -> memref<5x128xf32, #tpu.memory_space<vmem>>
      %dma_start3A_114 = arith.constant 0 : i32
      %dma_start3A_115 = tpu.memref_slice %arg17[%select_n3A, %dma_start3A_114] : memref<80x128xf32, #tpu.memory_space<vmem_shared>> -> memref<5x128xf32, #tpu.memory_space<vmem_shared>>
      %dma_start3A_116 = arith.constant 0 : i32
      %dma_start3A_117 = arith.constant 0 : i32
      %dma_start3A_118 = tpu.memref_slice %arg9[%dma_start3A_116, %dma_start3A_117] : memref<80x128xf32, #tpu.memory_space<vmem>> -> memref<5x128xf32, #tpu.memory_space<vmem>>
      %dma_start3A_119 = arith.constant 0 : i32
      %dma_start3A_120 = tpu.memref_slice %arg17[%select_n3A, %dma_start3A_119] : memref<80x128xf32, #tpu.memory_space<vmem_shared>> -> memref<5x128xf32, #tpu.memory_space<vmem_shared>>
      tpu.enqueue_dma source(%dma_start3A_120 : memref<5x128xf32, #tpu.memory_space<vmem_shared>>) target(%dma_start3A_118 : memref<5x128xf32, #tpu.memory_space<vmem>>) target_semaphore(%run_scoped3A_111 : memref<!tpu.dma_semaphore, #tpu.memory_space<semaphore_mem>>)
      %dma_wait3A = arith.constant 0 : i32
      %dma_wait3A_121 = arith.constant 0 : i32
      %dma_wait3A_122 = tpu.memref_slice %arg9[%dma_wait3A, %dma_wait3A_121] : memref<80x128xf32, #tpu.memory_space<vmem>> -> memref<5x128xf32, #tpu.memory_space<vmem>>
      %dma_wait3A_123 = arith.constant 0 : i32
      %dma_wait3A_124 = tpu.memref_slice %arg17[%select_n3A, %dma_wait3A_123] : memref<80x128xf32, #tpu.memory_space<vmem_shared>> -> memref<5x128xf32, #tpu.memory_space<vmem_shared>>
      %dma_wait3A_125 = arith.constant 0 : i32
      %dma_wait3A_126 = arith.constant 0 : i32
      %dma_wait3A_127 = tpu.memref_slice %arg9[%dma_wait3A_125, %dma_wait3A_126] : memref<80x128xf32, #tpu.memory_space<vmem>> -> memref<5x128xf32, #tpu.memory_space<vmem>>
      %dma_wait3A_128 = arith.constant 0 : i32
      %dma_wait3A_129 = tpu.memref_slice %arg17[%select_n3A, %dma_wait3A_128] : memref<80x128xf32, #tpu.memory_space<vmem_shared>> -> memref<5x128xf32, #tpu.memory_space<vmem_shared>>
      tpu.wait_dma2 semaphore(%run_scoped3A_111 : memref<!tpu.dma_semaphore, #tpu.memory_space<semaphore_mem>>) src(%dma_wait3A_129 : memref<5x128xf32, #tpu.memory_space<vmem_shared>>) dst(%dma_wait3A_127 : memref<5x128xf32, #tpu.memory_space<vmem>>)
      tpu.yield
    }) : () -> ()
    %scan3A_79 = arith.constant 0 : i32
    %scan3A_80 = arith.constant 0 : i32
    %scan3A_81 = arith.constant 40 : i32
    %scan3A_82 = arith.addi %scan3A_80, %scan3A_81 : i32
    %scan3A_83 = arith.constant 1 : i32
    scf.for %scan3A_111 = %scan3A_80 to %scan3A_82 step %scan3A_83  : i32 {
      %jit3A_112 = arith.constant 8 : i32
      %div3A_113 = arith.divsi %scan3A_111, %jit3A_112 : i32
      %sign3A_114 = arith.constant 0 : i32
      %sign3A_115 = arith.cmpi sgt, %scan3A_111, %sign3A_114 : i32
      %sign3A_116 = arith.extui %sign3A_115 : i1 to i32
      %sign3A_117 = arith.constant 0 : i32
      %sign3A_118 = arith.cmpi slt, %scan3A_111, %sign3A_117 : i32
      %sign3A_119 = arith.extui %sign3A_118 : i1 to i32
      %sign3A_120 = arith.subi %sign3A_116, %sign3A_119 : i32
      %sign3A_121 = arith.constant 0 : i32
      %sign3A_122 = arith.cmpi sgt, %jit3A_112, %sign3A_121 : i32
      %sign3A_123 = arith.extui %sign3A_122 : i1 to i32
      %sign3A_124 = arith.constant 0 : i32
      %sign3A_125 = arith.cmpi slt, %jit3A_112, %sign3A_124 : i32
      %sign3A_126 = arith.extui %sign3A_125 : i1 to i32
      %sign3A_127 = arith.subi %sign3A_123, %sign3A_126 : i32
      %ne3A_128 = arith.cmpi ne, %sign3A_120, %sign3A_127 : i32
      %rem3A_129 = arith.remsi %scan3A_111, %jit3A_112 : i32
      %ne3A_130 = arith.constant 0 : i32
      %ne3A_131 = arith.cmpi ne, %rem3A_129, %ne3A_130 : i32
      %and3A_132 = arith.andi %ne3A_128, %ne3A_131 : i1
      %sub3A_133 = arith.constant 1 : i32
      %sub3A_134 = arith.subi %div3A_113, %sub3A_133 : i32
      %select_n3A_135 = arith.select %and3A_132, %sub3A_134, %div3A_113 : i32
      %jit3A_136 = arith.constant 8 : i32
      %eq3A_137 = arith.constant 0 : i32
      %eq3A_138 = arith.cmpi eq, %jit3A_136, %eq3A_137 : i32
      %jit3A_139 = arith.constant 1 : i32
      %select_n3A_140 = arith.select %eq3A_138, %jit3A_139, %jit3A_136 : i32
      %rem3A_141 = arith.remsi %scan3A_111, %select_n3A_140 : i32
      %ne3A_142 = arith.constant 0 : i32
      %ne3A_143 = arith.cmpi ne, %rem3A_141, %ne3A_142 : i32
      %lt3A = arith.constant 0 : i32
      %lt3A_144 = arith.cmpi slt, %rem3A_141, %lt3A : i32
      %lt3A_145 = arith.constant 0 : i32
      %lt3A_146 = arith.cmpi slt, %select_n3A_140, %lt3A_145 : i32
      %ne3A_147 = arith.xori %lt3A_144, %lt3A_146 : i1
      %and3A_148 = arith.andi %ne3A_147, %ne3A_143 : i1
      %add3A_149 = arith.addi %rem3A_141, %select_n3A_140 : i32
      %select_n3A_150 = arith.select %and3A_148, %add3A_149, %rem3A_141 : i32
      %mul3A_151 = arith.constant 16 : i32
      %mul3A_152 = arith.muli %select_n3A_150, %mul3A_151 : i32
      %get3A = arith.index_cast %select_n3A_135 : i32 to index
      %get3A_153 = arith.index_cast %mul3A_152 : i32 to index
      %get3A_154 = tpu.vector_load %arg9[%get3A, %get3A_153] {strides = array<i32>} : memref<80x128xf32, #tpu.memory_space<vmem>>, vector<16xf32>,
      %bitcast3A = vector.bitcast %get3A_154 : vector<16xf32> to vector<16xi32>
      %broadcast_in_dim3A_155 = arith.constant 1597463007 : i32
      %broadcast_in_dim3A_156 = vector.broadcast %broadcast_in_dim3A_155 : i32 to vector<16xi32>
      %shift_right_arithmetic3A = arith.constant 1 : i32
      %shift_right_arithmetic3A_157 = vector.broadcast %shift_right_arithmetic3A : i32 to vector<16xi32>
      %shift_right_arithmetic3A_158 = arith.shrsi %bitcast3A, %shift_right_arithmetic3A_157 : vector<16xi32>
      %sub3A_159 = arith.subi %broadcast_in_dim3A_156, %shift_right_arithmetic3A_158 : vector<16xi32>
      %bitcast3A_160 = vector.bitcast %sub3A_159 : vector<16xi32> to vector<16xf32>
      %mul3A_161 = arith.constant 5.000000e-01 : f32
      %mul3A_162 = vector.broadcast %mul3A_161 : f32 to vector<16xf32>
      %mul3A_163 = arith.mulf %mul3A_162, %get3A_154 : vector<16xf32>
      %mul3A_164 = arith.mulf %mul3A_163, %bitcast3A_160 : vector<16xf32>
      %mul3A_165 = arith.mulf %mul3A_164, %bitcast3A_160 : vector<16xf32>
      %sub3A_166 = arith.constant 1.500000e+00 : f32
      %sub3A_167 = vector.broadcast %sub3A_166 : f32 to vector<16xf32>
      %sub3A_168 = arith.subf %sub3A_167, %mul3A_165 : vector<16xf32>
      %mul3A_169 = arith.mulf %bitcast3A_160, %sub3A_168 : vector<16xf32>
      %mul3A_170 = arith.constant 5.000000e-01 : f32
      %mul3A_171 = vector.broadcast %mul3A_170 : f32 to vector<16xf32>
      %mul3A_172 = arith.mulf %mul3A_171, %get3A_154 : vector<16xf32>
      %mul3A_173 = arith.mulf %mul3A_172, %mul3A_169 : vector<16xf32>
      %mul3A_174 = arith.mulf %mul3A_173, %mul3A_169 : vector<16xf32>
      %sub3A_175 = arith.constant 1.500000e+00 : f32
      %sub3A_176 = vector.broadcast %sub3A_175 : f32 to vector<16xf32>
      %sub3A_177 = arith.subf %sub3A_176, %mul3A_174 : vector<16xf32>
      %mul3A_178 = arith.mulf %mul3A_169, %sub3A_177 : vector<16xf32>
      %mul3A_179 = arith.constant 5.000000e-01 : f32
      %mul3A_180 = vector.broadcast %mul3A_179 : f32 to vector<16xf32>
      %mul3A_181 = arith.mulf %mul3A_180, %get3A_154 : vector<16xf32>
      %mul3A_182 = arith.mulf %mul3A_181, %mul3A_178 : vector<16xf32>
      %mul3A_183 = arith.mulf %mul3A_182, %mul3A_178 : vector<16xf32>
      %sub3A_184 = arith.constant 1.500000e+00 : f32
      %sub3A_185 = vector.broadcast %sub3A_184 : f32 to vector<16xf32>
      %sub3A_186 = arith.subf %sub3A_185, %mul3A_183 : vector<16xf32>
      %mul3A_187 = arith.mulf %mul3A_178, %sub3A_186 : vector<16xf32>
      %gt3A = arith.constant 0.000000e+00 : f32
      %gt3A_188 = vector.broadcast %gt3A : f32 to vector<16xf32>
      %gt3A_189 = arith.cmpf ogt, %get3A_154, %gt3A_188 : vector<16xf32>
      %broadcast_in_dim3A_190 = arith.constant 0.000000e+00 : f32
      %broadcast_in_dim3A_191 = vector.broadcast %broadcast_in_dim3A_190 : f32 to vector<16xf32>
      %select_n3A_192 = arith.select %gt3A_189, %mul3A_187, %broadcast_in_dim3A_191 : vector<16xi1>, vector<16xf32>
      %mul3A_193 = arith.constant 16 : i32
      %mul3A_194 = arith.muli %scan3A_111, %mul3A_193 : i32
      %swap3A_195 = arith.index_cast %mul3A_194 : i32 to index
      %swap3A_196 = tpu.vector_load %arg10[%swap3A_195] {strides = array<i32>} : memref<640xf32, #tpu.memory_space<vmem>>, vector<16xf32>,
      tpu.vector_store %arg10[%swap3A_195], %select_n3A_192 {strides = array<i32>} : memref<640xf32, #tpu.memory_space<vmem>>, vector<16xf32>,
    }
    %scan3A_84 = arith.constant 40 : i32
    %scan3A_85 = arith.constant 0 : i32
    %scan3A_86 = arith.constant 0 : i32
    %scan3A_87 = arith.constant 20 : i32
    %scan3A_88 = arith.addi %scan3A_86, %scan3A_87 : i32
    %scan3A_89 = arith.constant 1 : i32
    scf.for %scan3A_111 = %scan3A_86 to %scan3A_88 step %scan3A_89  : i32 {
      %mul3A_112 = arith.constant 32 : i32
      %mul3A_113 = arith.muli %scan3A_111, %mul3A_112 : i32
      %add3A_114 = arith.addi %mul3A_0, %mul3A_4 : i32
      %add3A_115 = arith.addi %add3A_114, %mul3A_113 : i32
      "tpu.region"() ({
        %run_scoped3A_2528 = tpu.sem_alloc : memref<!tpu.dma_semaphore, #tpu.memory_space<semaphore_mem>>
        %dma_start3A = arith.constant 0 : i32
        %dma_start3A_2529 = tpu.memref_slice %arg4[%add3A_115, %dma_start3A] : memref<20480x128xf32, #tpu.memory_space<hbm>> -> memref<32x128xf32, #tpu.memory_space<hbm>>
        %dma_start3A_2530 = arith.constant 0 : i32
        %dma_start3A_2531 = tpu.memref_slice %arg4[%add3A_115, %dma_start3A_2530] : memref<20480x128xf32, #tpu.memory_space<hbm>> -> memref<32x128xf32, #tpu.memory_space<hbm>>
        tpu.enqueue_dma source(%dma_start3A_2531 : memref<32x128xf32, #tpu.memory_space<hbm>>) target(%arg11 : memref<32x128xf32, #tpu.memory_space<vmem>>) target_semaphore(%run_scoped3A_2528 : memref<!tpu.dma_semaphore, #tpu.memory_space<semaphore_mem>>)
        %dma_wait3A = arith.constant 0 : i32
        %dma_wait3A_2532 = tpu.memref_slice %arg4[%add3A_115, %dma_wait3A] : memref<20480x128xf32, #tpu.memory_space<hbm>> -> memref<32x128xf32, #tpu.memory_space<hbm>>
        %dma_wait3A_2533 = arith.constant 0 : i32
        %dma_wait3A_2534 = tpu.memref_slice %arg4[%add3A_115, %dma_wait3A_2533] : memref<20480x128xf32, #tpu.memory_space<hbm>> -> memref<32x128xf32, #tpu.memory_space<hbm>>
        tpu.wait_dma2 semaphore(%run_scoped3A_2528 : memref<!tpu.dma_semaphore, #tpu.memory_space<semaphore_mem>>) src(%dma_wait3A_2534 : memref<32x128xf32, #tpu.memory_space<hbm>>) dst(%arg11 : memref<32x128xf32, #tpu.memory_space<vmem>>)
        tpu.yield
      }) : () -> ()
      %add3A_116 = arith.constant 0 : i32
      %add3A_117 = arith.addi %mul3A_113, %add3A_116 : i32
      %get3A = arith.index_cast %add3A_117 : i32 to index
      %get3A_118 = tpu.vector_load %arg10[%get3A] {strides = array<i32>} : memref<640xf32, #tpu.memory_space<vmem>>, vector<16xf32>,
      %neg3A = arith.constant 0.000000e+00 : f32
      %neg3A_119 = vector.broadcast %neg3A : f32 to vector<16xf32>
      %neg3A_120 = arith.subf %neg3A_119, %get3A_118 : vector<16xf32>
      %slice3A = vector.extract_strided_slice %neg3A_120 {offsets = [0], sizes = [1], strides = [1]} : vector<16xf32> to vector<1xf32>
      %squeeze3A = vector.extract %slice3A[0] : f32 from vector<1xf32>
      %broadcast_in_dim3A_121 = vector.broadcast %squeeze3A : f32 to vector<16xf32>
      %get3A_122 = arith.constant 0 : i32
      %get3A_123 = arith.index_cast %get3A_122 : i32 to index
      %get3A_124 = arith.constant 0 : index
      %get3A_125 = tpu.vector_load %arg11[%get3A_123, %get3A_124] {strides = array<i32>} : memref<32x128xf32, #tpu.memory_space<vmem>>, vector<16xf32>,
      %mul3A_126 = arith.mulf %get3A_125, %broadcast_in_dim3A_121 : vector<16xf32>
      %swap3A_127 = arith.constant 0 : i32
      %swap3A_128 = arith.index_cast %swap3A_127 : i32 to index
      %swap3A_129 = arith.constant 0 : index
      %swap3A_130 = tpu.vector_load %arg11[%swap3A_128, %swap3A_129] {strides = array<i32>} : memref<32x128xf32, #tpu.memory_space<vmem>>, vector<16xf32>,
      tpu.vector_store %arg11[%swap3A_128, %swap3A_129], %mul3A_126 {strides = array<i32>} : memref<32x128xf32, #tpu.memory_space<vmem>>, vector<16xf32>,
      %get3A_131 = arith.constant 0 : i32
      %get3A_132 = arith.index_cast %get3A_131 : i32 to index
      %get3A_133 = arith.constant 16 : index
      %get3A_134 = tpu.vector_load %arg11[%get3A_132, %get3A_133] {strides = array<i32>} : memref<32x128xf32, #tpu.memory_space<vmem>>, vector<16xf32>,
      %mul3A_135 = arith.mulf %get3A_134, %broadcast_in_dim3A_121 : vector<16xf32>
      %swap3A_136 = arith.constant 0 : i32
      %swap3A_137 = arith.index_cast %swap3A_136 : i32 to index
      %swap3A_138 = arith.constant 16 : index
      %swap3A_139 = tpu.vector_load %arg11[%swap3A_137, %swap3A_138] {strides = array<i32>} : memref<32x128xf32, #tpu.memory_space<vmem>>, vector<16xf32>,
      tpu.vector_store %arg11[%swap3A_137, %swap3A_138], %mul3A_135 {strides = array<i32>} : memref<32x128xf32, #tpu.memory_space<vmem>>, vector<16xf32>,
      %get3A_140 = arith.constant 0 : i32
      %get3A_141 = arith.index_cast %get3A_140 : i32 to index
      %get3A_142 = arith.constant 32 : index
      %get3A_143 = tpu.vector_load %arg11[%get3A_141, %get3A_142] {strides = array<i32>} : memref<32x128xf32, #tpu.memory_space<vmem>>, vector<16xf32>,
      %mul3A_144 = arith.mulf %get3A_143, %broadcast_in_dim3A_121 : vector<16xf32>
      %swap3A_145 = arith.constant 0 : i32
      %swap3A_146 = arith.index_cast %swap3A_145 : i32 to index
      %swap3A_147 = arith.constant 32 : index
      %swap3A_148 = tpu.vector_load %arg11[%swap3A_146, %swap3A_147] {strides = array<i32>} : memref<32x128xf32, #tpu.memory_space<vmem>>, vector<16xf32>,
      tpu.vector_store %arg11[%swap3A_146, %swap3A_147], %mul3A_144 {strides = array<i32>} : memref<32x128xf32, #tpu.memory_space<vmem>>, vector<16xf32>,
      %get3A_149 = arith.constant 0 : i32
      %get3A_150 = arith.index_cast %get3A_149 : i32 to index
      %get3A_151 = arith.constant 48 : index
      %get3A_152 = tpu.vector_load %arg11[%get3A_150, %get3A_151] {strides = array<i32>} : memref<32x128xf32, #tpu.memory_space<vmem>>, vector<16xf32>,
      %mul3A_153 = arith.mulf %get3A_152, %broadcast_in_dim3A_121 : vector<16xf32>
      %swap3A_154 = arith.constant 0 : i32
      %swap3A_155 = arith.index_cast %swap3A_154 : i32 to index
      %swap3A_156 = arith.constant 48 : index
      %swap3A_157 = tpu.vector_load %arg11[%swap3A_155, %swap3A_156] {strides = array<i32>} : memref<32x128xf32, #tpu.memory_space<vmem>>, vector<16xf32>,
      tpu.vector_store %arg11[%swap3A_155, %swap3A_156], %mul3A_153 {strides = array<i32>} : memref<32x128xf32, #tpu.memory_space<vmem>>, vector<16xf32>,
      %get3A_158 = arith.constant 0 : i32
      %get3A_159 = arith.index_cast %get3A_158 : i32 to index
      %get3A_160 = arith.constant 64 : index
      %get3A_161 = tpu.vector_load %arg11[%get3A_159, %get3A_160] {strides = array<i32>} : memref<32x128xf32, #tpu.memory_space<vmem>>, vector<16xf32>,
      %mul3A_162 = arith.mulf %get3A_161, %broadcast_in_dim3A_121 : vector<16xf32>
      %swap3A_163 = arith.constant 0 : i32
      %swap3A_164 = arith.index_cast %swap3A_163 : i32 to index
      %swap3A_165 = arith.constant 64 : index
      %swap3A_166 = tpu.vector_load %arg11[%swap3A_164, %swap3A_165] {strides = array<i32>} : memref<32x128xf32, #tpu.memory_space<vmem>>, vector<16xf32>,
      tpu.vector_store %arg11[%swap3A_164, %swap3A_165], %mul3A_162 {strides = array<i32>} : memref<32x128xf32, #tpu.memory_space<vmem>>, vector<16xf32>,
      %get3A_167 = arith.constant 0 : i32
      %get3A_168 = arith.index_cast %get3A_167 : i32 to index
      %get3A_169 = arith.constant 80 : index
      %get3A_170 = tpu.vector_load %arg11[%get3A_168, %get3A_169] {strides = array<i32>} : memref<32x128xf32, #tpu.memory_space<vmem>>, vector<16xf32>,
      %mul3A_171 = arith.mulf %get3A_170, %broadcast_in_dim3A_121 : vector<16xf32>
      %swap3A_172 = arith.constant 0 : i32
      %swap3A_173 = arith.index_cast %swap3A_172 : i32 to index
      %swap3A_174 = arith.constant 80 : index
      %swap3A_175 = tpu.vector_load %arg11[%swap3A_173, %swap3A_174] {strides = array<i32>} : memref<32x128xf32, #tpu.memory_space<vmem>>, vector<16xf32>,
      tpu.vector_store %arg11[%swap3A_173, %swap3A_174], %mul3A_171 {strides = array<i32>} : memref<32x128xf32, #tpu.memory_space<vmem>>, vector<16xf32>,
      %get3A_176 = arith.constant 0 : i32
      %get3A_177 = arith.index_cast %get3A_176 : i32 to index
      %get3A_178 = arith.constant 96 : index
      %get3A_179 = tpu.vector_load %arg11[%get3A_177, %get3A_178] {strides = array<i32>} : memref<32x128xf32, #tpu.memory_space<vmem>>, vector<16xf32>,
      %mul3A_180 = arith.mulf %get3A_179, %broadcast_in_dim3A_121 : vector<16xf32>
      %swap3A_181 = arith.constant 0 : i32
      %swap3A_182 = arith.index_cast %swap3A_181 : i32 to index
      %swap3A_183 = arith.constant 96 : index
      %swap3A_184 = tpu.vector_load %arg11[%swap3A_182, %swap3A_183] {strides = array<i32>} : memref<32x128xf32, #tpu.memory_space<vmem>>, vector<16xf32>,
      tpu.vector_store %arg11[%swap3A_182, %swap3A_183], %mul3A_180 {strides = array<i32>} : memref<32x128xf32, #tpu.memory_space<vmem>>, vector<16xf32>,
      %get3A_185 = arith.constant 0 : i32
      %get3A_186 = arith.index_cast %get3A_185 : i32 to index
      %get3A_187 = arith.constant 112 : index
      %get3A_188 = tpu.vector_load %arg11[%get3A_186, %get3A_187] {strides = array<i32>} : memref<32x128xf32, #tpu.memory_space<vmem>>, vector<16xf32>,
      %mul3A_189 = arith.mulf %get3A_188, %broadcast_in_dim3A_121 : vector<16xf32>
      %swap3A_190 = arith.constant 0 : i32
      %swap3A_191 = arith.index_cast %swap3A_190 : i32 to index
      %swap3A_192 = arith.constant 112 : index
      %swap3A_193 = tpu.vector_load %arg11[%swap3A_191, %swap3A_192] {strides = array<i32>} : memref<32x128xf32, #tpu.memory_space<vmem>>, vector<16xf32>,
      tpu.vector_store %arg11[%swap3A_191, %swap3A_192], %mul3A_189 {strides = array<i32>} : memref<32x128xf32, #tpu.memory_space<vmem>>, vector<16xf32>,
      %slice3A_194 = vector.extract_strided_slice %neg3A_120 {offsets = [1], sizes = [1], strides = [1]} : vector<16xf32> to vector<1xf32>
      %squeeze3A_195 = vector.extract %slice3A_194[0] : f32 from vector<1xf32>
      %broadcast_in_dim3A_196 = vector.broadcast %squeeze3A_195 : f32 to vector<16xf32>
      %get3A_197 = arith.constant 1 : i32
      %get3A_198 = arith.index_cast %get3A_197 : i32 to index
      %get3A_199 = arith.constant 0 : index
      %get3A_200 = tpu.vector_load %arg11[%get3A_198, %get3A_199] {strides = array<i32>} : memref<32x128xf32, #tpu.memory_space<vmem>>, vector<16xf32>,
      %mul3A_201 = arith.mulf %get3A_200, %broadcast_in_dim3A_196 : vector<16xf32>
      %swap3A_202 = arith.constant 1 : i32
      %swap3A_203 = arith.index_cast %swap3A_202 : i32 to index
      %swap3A_204 = arith.constant 0 : index
      %swap3A_205 = tpu.vector_load %arg11[%swap3A_203, %swap3A_204] {strides = array<i32>} : memref<32x128xf32, #tpu.memory_space<vmem>>, vector<16xf32>,
      tpu.vector_store %arg11[%swap3A_203, %swap3A_204], %mul3A_201 {strides = array<i32>} : memref<32x128xf32, #tpu.memory_space<vmem>>, vector<16xf32>,
      %get3A_206 = arith.constant 1 : i32
      %get3A_207 = arith.index_cast %get3A_206 : i32 to index
      %get3A_208 = arith.constant 16 : index
      %get3A_209 = tpu.vector_load %arg11[%get3A_207, %get3A_208] {strides = array<i32>} : memref<32x128xf32, #tpu.memory_space<vmem>>, vector<16xf32>,
      %mul3A_210 = arith.mulf %get3A_209, %broadcast_in_dim3A_196 : vector<16xf32>
      %swap3A_211 = arith.constant 1 : i32
      %swap3A_212 = arith.index_cast %swap3A_211 : i32 to index
      %swap3A_213 = arith.constant 16 : index
      %swap3A_214 = tpu.vector_load %arg11[%swap3A_212, %swap3A_213] {strides = array<i32>} : memref<32x128xf32, #tpu.memory_space<vmem>>, vector<16xf32>,
      tpu.vector_store %arg11[%swap3A_212, %swap3A_213], %mul3A_210 {strides = array<i32>} : memref<32x128xf32, #tpu.memory_space<vmem>>, vector<16xf32>,
      %get3A_215 = arith.constant 1 : i32
      %get3A_216 = arith.index_cast %get3A_215 : i32 to index
      %get3A_217 = arith.constant 32 : index
      %get3A_218 = tpu.vector_load %arg11[%get3A_216, %get3A_217] {strides = array<i32>} : memref<32x128xf32, #tpu.memory_space<vmem>>, vector<16xf32>,
      %mul3A_219 = arith.mulf %get3A_218, %broadcast_in_dim3A_196 : vector<16xf32>
      %swap3A_220 = arith.constant 1 : i32
      %swap3A_221 = arith.index_cast %swap3A_220 : i32 to index
      %swap3A_222 = arith.constant 32 : index
      %swap3A_223 = tpu.vector_load %arg11[%swap3A_221, %swap3A_222] {strides = array<i32>} : memref<32x128xf32, #tpu.memory_space<vmem>>, vector<16xf32>,
      tpu.vector_store %arg11[%swap3A_221, %swap3A_222], %mul3A_219 {strides = array<i32>} : memref<32x128xf32, #tpu.memory_space<vmem>>, vector<16xf32>,
      %get3A_224 = arith.constant 1 : i32
      %get3A_225 = arith.index_cast %get3A_224 : i32 to index
      %get3A_226 = arith.constant 48 : index
      %get3A_227 = tpu.vector_load %arg11[%get3A_225, %get3A_226] {strides = array<i32>} : memref<32x128xf32, #tpu.memory_space<vmem>>, vector<16xf32>,
      %mul3A_228 = arith.mulf %get3A_227, %broadcast_in_dim3A_196 : vector<16xf32>
      %swap3A_229 = arith.constant 1 : i32
      %swap3A_230 = arith.index_cast %swap3A_229 : i32 to index
      %swap3A_231 = arith.constant 48 : index
      %swap3A_232 = tpu.vector_load %arg11[%swap3A_230, %swap3A_231] {strides = array<i32>} : memref<32x128xf32, #tpu.memory_space<vmem>>, vector<16xf32>,
      tpu.vector_store %arg11[%swap3A_230, %swap3A_231], %mul3A_228 {strides = array<i32>} : memref<32x128xf32, #tpu.memory_space<vmem>>, vector<16xf32>,
      %get3A_233 = arith.constant 1 : i32
      %get3A_234 = arith.index_cast %get3A_233 : i32 to index
      %get3A_235 = arith.constant 64 : index
      %get3A_236 = tpu.vector_load %arg11[%get3A_234, %get3A_235] {strides = array<i32>} : memref<32x128xf32, #tpu.memory_space<vmem>>, vector<16xf32>,
      %mul3A_237 = arith.mulf %get3A_236, %broadcast_in_dim3A_196 : vector<16xf32>
      %swap3A_238 = arith.constant 1 : i32
      %swap3A_239 = arith.index_cast %swap3A_238 : i32 to index
      %swap3A_240 = arith.constant 64 : index
      %swap3A_241 = tpu.vector_load %arg11[%swap3A_239, %swap3A_240] {strides = array<i32>} : memref<32x128xf32, #tpu.memory_space<vmem>>, vector<16xf32>,
      tpu.vector_store %arg11[%swap3A_239, %swap3A_240], %mul3A_237 {strides = array<i32>} : memref<32x128xf32, #tpu.memory_space<vmem>>, vector<16xf32>,
      %get3A_242 = arith.constant 1 : i32
      %get3A_243 = arith.index_cast %get3A_242 : i32 to index
      %get3A_244 = arith.constant 80 : index
      %get3A_245 = tpu.vector_load %arg11[%get3A_243, %get3A_244] {strides = array<i32>} : memref<32x128xf32, #tpu.memory_space<vmem>>, vector<16xf32>,
      %mul3A_246 = arith.mulf %get3A_245, %broadcast_in_dim3A_196 : vector<16xf32>
      %swap3A_247 = arith.constant 1 : i32
      %swap3A_248 = arith.index_cast %swap3A_247 : i32 to index
      %swap3A_249 = arith.constant 80 : index
      %swap3A_250 = tpu.vector_load %arg11[%swap3A_248, %swap3A_249] {strides = array<i32>} : memref<32x128xf32, #tpu.memory_space<vmem>>, vector<16xf32>,
      tpu.vector_store %arg11[%swap3A_248, %swap3A_249], %mul3A_246 {strides = array<i32>} : memref<32x128xf32, #tpu.memory_space<vmem>>, vector<16xf32>,
      %get3A_251 = arith.constant 1 : i32
      %get3A_252 = arith.index_cast %get3A_251 : i32 to index
      %get3A_253 = arith.constant 96 : index
      %get3A_254 = tpu.vector_load %arg11[%get3A_252, %get3A_253] {strides = array<i32>} : memref<32x128xf32, #tpu.memory_space<vmem>>, vector<16xf32>,
      %mul3A_255 = arith.mulf %get3A_254, %broadcast_in_dim3A_196 : vector<16xf32>
      %swap3A_256 = arith.constant 1 : i32
      %swap3A_257 = arith.index_cast %swap3A_256 : i32 to index
      %swap3A_258 = arith.constant 96 : index
      %swap3A_259 = tpu.vector_load %arg11[%swap3A_257, %swap3A_258] {strides = array<i32>} : memref<32x128xf32, #tpu.memory_space<vmem>>, vector<16xf32>,
      tpu.vector_store %arg11[%swap3A_257, %swap3A_258], %mul3A_255 {strides = array<i32>} : memref<32x128xf32, #tpu.memory_space<vmem>>, vector<16xf32>,
      %get3A_260 = arith.constant 1 : i32
      %get3A_261 = arith.index_cast %get3A_260 : i32 to index
      %get3A_262 = arith.constant 112 : index
      %get3A_263 = tpu.vector_load %arg11[%get3A_261, %get3A_262] {strides = array<i32>} : memref<32x128xf32, #tpu.memory_space<vmem>>, vector<16xf32>,
      %mul3A_264 = arith.mulf %get3A_263, %broadcast_in_dim3A_196 : vector<16xf32>
      %swap3A_265 = arith.constant 1 : i32
      %swap3A_266 = arith.index_cast %swap3A_265 : i32 to index
      %swap3A_267 = arith.constant 112 : index
      %swap3A_268 = tpu.vector_load %arg11[%swap3A_266, %swap3A_267] {strides = array<i32>} : memref<32x128xf32, #tpu.memory_space<vmem>>, vector<16xf32>,
      tpu.vector_store %arg11[%swap3A_266, %swap3A_267], %mul3A_264 {strides = array<i32>} : memref<32x128xf32, #tpu.memory_space<vmem>>, vector<16xf32>,
      %slice3A_269 = vector.extract_strided_slice %neg3A_120 {offsets = [2], sizes = [1], strides = [1]} : vector<16xf32> to vector<1xf32>
      %squeeze3A_270 = vector.extract %slice3A_269[0] : f32 from vector<1xf32>
      %broadcast_in_dim3A_271 = vector.broadcast %squeeze3A_270 : f32 to vector<16xf32>
      %get3A_272 = arith.constant 2 : i32
      %get3A_273 = arith.index_cast %get3A_272 : i32 to index
      %get3A_274 = arith.constant 0 : index
      %get3A_275 = tpu.vector_load %arg11[%get3A_273, %get3A_274] {strides = array<i32>} : memref<32x128xf32, #tpu.memory_space<vmem>>, vector<16xf32>,
      %mul3A_276 = arith.mulf %get3A_275, %broadcast_in_dim3A_271 : vector<16xf32>
      %swap3A_277 = arith.constant 2 : i32
      %swap3A_278 = arith.index_cast %swap3A_277 : i32 to index
      %swap3A_279 = arith.constant 0 : index
      %swap3A_280 = tpu.vector_load %arg11[%swap3A_278, %swap3A_279] {strides = array<i32>} : memref<32x128xf32, #tpu.memory_space<vmem>>, vector<16xf32>,
      tpu.vector_store %arg11[%swap3A_278, %swap3A_279], %mul3A_276 {strides = array<i32>} : memref<32x128xf32, #tpu.memory_space<vmem>>, vector<16xf32>,
      %get3A_281 = arith.constant 2 : i32
      %get3A_282 = arith.index_cast %get3A_281 : i32 to index
      %get3A_283 = arith.constant 16 : index
      %get3A_284 = tpu.vector_load %arg11[%get3A_282, %get3A_283] {strides = array<i32>} : memref<32x128xf32, #tpu.memory_space<vmem>>, vector<16xf32>,
      %mul3A_285 = arith.mulf %get3A_284, %broadcast_in_dim3A_271 : vector<16xf32>
      %swap3A_286 = arith.constant 2 : i32
      %swap3A_287 = arith.index_cast %swap3A_286 : i32 to index
      %swap3A_288 = arith.constant 16 : index
      %swap3A_289 = tpu.vector_load %arg11[%swap3A_287, %swap3A_288] {strides = array<i32>} : memref<32x128xf32, #tpu.memory_space<vmem>>, vector<16xf32>,
      tpu.vector_store %arg11[%swap3A_287, %swap3A_288], %mul3A_285 {strides = array<i32>} : memref<32x128xf32, #tpu.memory_space<vmem>>, vector<16xf32>,
      %get3A_290 = arith.constant 2 : i32
      %get3A_291 = arith.index_cast %get3A_290 : i32 to index
      %get3A_292 = arith.constant 32 : index
      %get3A_293 = tpu.vector_load %arg11[%get3A_291, %get3A_292] {strides = array<i32>} : memref<32x128xf32, #tpu.memory_space<vmem>>, vector<16xf32>,
      %mul3A_294 = arith.mulf %get3A_293, %broadcast_in_dim3A_271 : vector<16xf32>
      %swap3A_295 = arith.constant 2 : i32
      %swap3A_296 = arith.index_cast %swap3A_295 : i32 to index
      %swap3A_297 = arith.constant 32 : index
      %swap3A_298 = tpu.vector_load %arg11[%swap3A_296, %swap3A_297] {strides = array<i32>} : memref<32x128xf32, #tpu.memory_space<vmem>>, vector<16xf32>,
      tpu.vector_store %arg11[%swap3A_296, %swap3A_297], %mul3A_294 {strides = array<i32>} : memref<32x128xf32, #tpu.memory_space<vmem>>, vector<16xf32>,
      %get3A_299 = arith.constant 2 : i32
      %get3A_300 = arith.index_cast %get3A_299 : i32 to index
      %get3A_301 = arith.constant 48 : index
      %get3A_302 = tpu.vector_load %arg11[%get3A_300, %get3A_301] {strides = array<i32>} : memref<32x128xf32, #tpu.memory_space<vmem>>, vector<16xf32>,
      %mul3A_303 = arith.mulf %get3A_302, %broadcast_in_dim3A_271 : vector<16xf32>
      %swap3A_304 = arith.constant 2 : i32
      %swap3A_305 = arith.index_cast %swap3A_304 : i32 to index
      %swap3A_306 = arith.constant 48 : index
      %swap3A_307 = tpu.vector_load %arg11[%swap3A_305, %swap3A_306] {strides = array<i32>} : memref<32x128xf32, #tpu.memory_space<vmem>>, vector<16xf32>,
      tpu.vector_store %arg11[%swap3A_305, %swap3A_306], %mul3A_303 {strides = array<i32>} : memref<32x128xf32, #tpu.memory_space<vmem>>, vector<16xf32>,
      %get3A_308 = arith.constant 2 : i32
      %get3A_309 = arith.index_cast %get3A_308 : i32 to index
      %get3A_310 = arith.constant 64 : index
      %get3A_311 = tpu.vector_load %arg11[%get3A_309, %get3A_310] {strides = array<i32>} : memref<32x128xf32, #tpu.memory_space<vmem>>, vector<16xf32>,
      %mul3A_312 = arith.mulf %get3A_311, %broadcast_in_dim3A_271 : vector<16xf32>
      %swap3A_313 = arith.constant 2 : i32
      %swap3A_314 = arith.index_cast %swap3A_313 : i32 to index
      %swap3A_315 = arith.constant 64 : index
      %swap3A_316 = tpu.vector_load %arg11[%swap3A_314, %swap3A_315] {strides = array<i32>} : memref<32x128xf32, #tpu.memory_space<vmem>>, vector<16xf32>,
      tpu.vector_store %arg11[%swap3A_314, %swap3A_315], %mul3A_312 {strides = array<i32>} : memref<32x128xf32, #tpu.memory_space<vmem>>, vector<16xf32>,
      %get3A_317 = arith.constant 2 : i32
      %get3A_318 = arith.index_cast %get3A_317 : i32 to index
      %get3A_319 = arith.constant 80 : index
      %get3A_320 = tpu.vector_load %arg11[%get3A_318, %get3A_319] {strides = array<i32>} : memref<32x128xf32, #tpu.memory_space<vmem>>, vector<16xf32>,
      %mul3A_321 = arith.mulf %get3A_320, %broadcast_in_dim3A_271 : vector<16xf32>
      %swap3A_322 = arith.constant 2 : i32
      %swap3A_323 = arith.index_cast %swap3A_322 : i32 to index
      %swap3A_324 = arith.constant 80 : index
      %swap3A_325 = tpu.vector_load %arg11[%swap3A_323, %swap3A_324] {strides = array<i32>} : memref<32x128xf32, #tpu.memory_space<vmem>>, vector<16xf32>,
      tpu.vector_store %arg11[%swap3A_323, %swap3A_324], %mul3A_321 {strides = array<i32>} : memref<32x128xf32, #tpu.memory_space<vmem>>, vector<16xf32>,
      %get3A_326 = arith.constant 2 : i32
      %get3A_327 = arith.index_cast %get3A_326 : i32 to index
      %get3A_328 = arith.constant 96 : index
      %get3A_329 = tpu.vector_load %arg11[%get3A_327, %get3A_328] {strides = array<i32>} : memref<32x128xf32, #tpu.memory_space<vmem>>, vector<16xf32>,
      %mul3A_330 = arith.mulf %get3A_329, %broadcast_in_dim3A_271 : vector<16xf32>
      %swap3A_331 = arith.constant 2 : i32
      %swap3A_332 = arith.index_cast %swap3A_331 : i32 to index
      %swap3A_333 = arith.constant 96 : index
      %swap3A_334 = tpu.vector_load %arg11[%swap3A_332, %swap3A_333] {strides = array<i32>} : memref<32x128xf32, #tpu.memory_space<vmem>>, vector<16xf32>,
      tpu.vector_store %arg11[%swap3A_332, %swap3A_333], %mul3A_330 {strides = array<i32>} : memref<32x128xf32, #tpu.memory_space<vmem>>, vector<16xf32>,
      %get3A_335 = arith.constant 2 : i32
      %get3A_336 = arith.index_cast %get3A_335 : i32 to index
      %get3A_337 = arith.constant 112 : index
      %get3A_338 = tpu.vector_load %arg11[%get3A_336, %get3A_337] {strides = array<i32>} : memref<32x128xf32, #tpu.memory_space<vmem>>, vector<16xf32>,
      %mul3A_339 = arith.mulf %get3A_338, %broadcast_in_dim3A_271 : vector<16xf32>
      %swap3A_340 = arith.constant 2 : i32
      %swap3A_341 = arith.index_cast %swap3A_340 : i32 to index
      %swap3A_342 = arith.constant 112 : index
      %swap3A_343 = tpu.vector_load %arg11[%swap3A_341, %swap3A_342] {strides = array<i32>} : memref<32x128xf32, #tpu.memory_space<vmem>>, vector<16xf32>,
      tpu.vector_store %arg11[%swap3A_341, %swap3A_342], %mul3A_339 {strides = array<i32>} : memref<32x128xf32, #tpu.memory_space<vmem>>, vector<16xf32>,
      %slice3A_344 = vector.extract_strided_slice %neg3A_120 {offsets = [3], sizes = [1], strides = [1]} : vector<16xf32> to vector<1xf32>
      %squeeze3A_345 = vector.extract %slice3A_344[0] : f32 from vector<1xf32>
      %broadcast_in_dim3A_346 = vector.broadcast %squeeze3A_345 : f32 to vector<16xf32>
      %get3A_347 = arith.constant 3 : i32
      %get3A_348 = arith.index_cast %get3A_347 : i32 to index
      %get3A_349 = arith.constant 0 : index
      %get3A_350 = tpu.vector_load %arg11[%get3A_348, %get3A_349] {strides = array<i32>} : memref<32x128xf32, #tpu.memory_space<vmem>>, vector<16xf32>,
      %mul3A_351 = arith.mulf %get3A_350, %broadcast_in_dim3A_346 : vector<16xf32>
      %swap3A_352 = arith.constant 3 : i32
      %swap3A_353 = arith.index_cast %swap3A_352 : i32 to index
      %swap3A_354 = arith.constant 0 : index
      %swap3A_355 = tpu.vector_load %arg11[%swap3A_353, %swap3A_354] {strides = array<i32>} : memref<32x128xf32, #tpu.memory_space<vmem>>, vector<16xf32>,
      tpu.vector_store %arg11[%swap3A_353, %swap3A_354], %mul3A_351 {strides = array<i32>} : memref<32x128xf32, #tpu.memory_space<vmem>>, vector<16xf32>,
      %get3A_356 = arith.constant 3 : i32
      %get3A_357 = arith.index_cast %get3A_356 : i32 to index
      %get3A_358 = arith.constant 16 : index
      %get3A_359 = tpu.vector_load %arg11[%get3A_357, %get3A_358] {strides = array<i32>} : memref<32x128xf32, #tpu.memory_space<vmem>>, vector<16xf32>,
      %mul3A_360 = arith.mulf %get3A_359, %broadcast_in_dim3A_346 : vector<16xf32>
      %swap3A_361 = arith.constant 3 : i32
      %swap3A_362 = arith.index_cast %swap3A_361 : i32 to index
      %swap3A_363 = arith.constant 16 : index
      %swap3A_364 = tpu.vector_load %arg11[%swap3A_362, %swap3A_363] {strides = array<i32>} : memref<32x128xf32, #tpu.memory_space<vmem>>, vector<16xf32>,
      tpu.vector_store %arg11[%swap3A_362, %swap3A_363], %mul3A_360 {strides = array<i32>} : memref<32x128xf32, #tpu.memory_space<vmem>>, vector<16xf32>,
      %get3A_365 = arith.constant 3 : i32
      %get3A_366 = arith.index_cast %get3A_365 : i32 to index
      %get3A_367 = arith.constant 32 : index
      %get3A_368 = tpu.vector_load %arg11[%get3A_366, %get3A_367] {strides = array<i32>} : memref<32x128xf32, #tpu.memory_space<vmem>>, vector<16xf32>,
      %mul3A_369 = arith.mulf %get3A_368, %broadcast_in_dim3A_346 : vector<16xf32>
      %swap3A_370 = arith.constant 3 : i32
      %swap3A_371 = arith.index_cast %swap3A_370 : i32 to index
      %swap3A_372 = arith.constant 32 : index
      %swap3A_373 = tpu.vector_load %arg11[%swap3A_371, %swap3A_372] {strides = array<i32>} : memref<32x128xf32, #tpu.memory_space<vmem>>, vector<16xf32>,
      tpu.vector_store %arg11[%swap3A_371, %swap3A_372], %mul3A_369 {strides = array<i32>} : memref<32x128xf32, #tpu.memory_space<vmem>>, vector<16xf32>,
      %get3A_374 = arith.constant 3 : i32
      %get3A_375 = arith.index_cast %get3A_374 : i32 to index
      %get3A_376 = arith.constant 48 : index
      %get3A_377 = tpu.vector_load %arg11[%get3A_375, %get3A_376] {strides = array<i32>} : memref<32x128xf32, #tpu.memory_space<vmem>>, vector<16xf32>,
      %mul3A_378 = arith.mulf %get3A_377, %broadcast_in_dim3A_346 : vector<16xf32>
      %swap3A_379 = arith.constant 3 : i32
      %swap3A_380 = arith.index_cast %swap3A_379 : i32 to index
      %swap3A_381 = arith.constant 48 : index
      %swap3A_382 = tpu.vector_load %arg11[%swap3A_380, %swap3A_381] {strides = array<i32>} : memref<32x128xf32, #tpu.memory_space<vmem>>, vector<16xf32>,
      tpu.vector_store %arg11[%swap3A_380, %swap3A_381], %mul3A_378 {strides = array<i32>} : memref<32x128xf32, #tpu.memory_space<vmem>>, vector<16xf32>,
      %get3A_383 = arith.constant 3 : i32
      %get3A_384 = arith.index_cast %get3A_383 : i32 to index
      %get3A_385 = arith.constant 64 : index
      %get3A_386 = tpu.vector_load %arg11[%get3A_384, %get3A_385] {strides = array<i32>} : memref<32x128xf32, #tpu.memory_space<vmem>>, vector<16xf32>,
      %mul3A_387 = arith.mulf %get3A_386, %broadcast_in_dim3A_346 : vector<16xf32>
      %swap3A_388 = arith.constant 3 : i32
      %swap3A_389 = arith.index_cast %swap3A_388 : i32 to index
      %swap3A_390 = arith.constant 64 : index
      %swap3A_391 = tpu.vector_load %arg11[%swap3A_389, %swap3A_390] {strides = array<i32>} : memref<32x128xf32, #tpu.memory_space<vmem>>, vector<16xf32>,
      tpu.vector_store %arg11[%swap3A_389, %swap3A_390], %mul3A_387 {strides = array<i32>} : memref<32x128xf32, #tpu.memory_space<vmem>>, vector<16xf32>,
      %get3A_392 = arith.constant 3 : i32
      %get3A_393 = arith.index_cast %get3A_392 : i32 to index
      %get3A_394 = arith.constant 80 : index
      %get3A_395 = tpu.vector_load %arg11[%get3A_393, %get3A_394] {strides = array<i32>} : memref<32x128xf32, #tpu.memory_space<vmem>>, vector<16xf32>,
      %mul3A_396 = arith.mulf %get3A_395, %broadcast_in_dim3A_346 : vector<16xf32>
      %swap3A_397 = arith.constant 3 : i32
      %swap3A_398 = arith.index_cast %swap3A_397 : i32 to index
      %swap3A_399 = arith.constant 80 : index
      %swap3A_400 = tpu.vector_load %arg11[%swap3A_398, %swap3A_399] {strides = array<i32>} : memref<32x128xf32, #tpu.memory_space<vmem>>, vector<16xf32>,
      tpu.vector_store %arg11[%swap3A_398, %swap3A_399], %mul3A_396 {strides = array<i32>} : memref<32x128xf32, #tpu.memory_space<vmem>>, vector<16xf32>,
      %get3A_401 = arith.constant 3 : i32
      %get3A_402 = arith.index_cast %get3A_401 : i32 to index
      %get3A_403 = arith.constant 96 : index
      %get3A_404 = tpu.vector_load %arg11[%get3A_402, %get3A_403] {strides = array<i32>} : memref<32x128xf32, #tpu.memory_space<vmem>>, vector<16xf32>,
      %mul3A_405 = arith.mulf %get3A_404, %broadcast_in_dim3A_346 : vector<16xf32>
      %swap3A_406 = arith.constant 3 : i32
      %swap3A_407 = arith.index_cast %swap3A_406 : i32 to index
      %swap3A_408 = arith.constant 96 : index
      %swap3A_409 = tpu.vector_load %arg11[%swap3A_407, %swap3A_408] {strides = array<i32>} : memref<32x128xf32, #tpu.memory_space<vmem>>, vector<16xf32>,
      tpu.vector_store %arg11[%swap3A_407, %swap3A_408], %mul3A_405 {strides = array<i32>} : memref<32x128xf32, #tpu.memory_space<vmem>>, vector<16xf32>,
      %get3A_410 = arith.constant 3 : i32
      %get3A_411 = arith.index_cast %get3A_410 : i32 to index
      %get3A_412 = arith.constant 112 : index
      %get3A_413 = tpu.vector_load %arg11[%get3A_411, %get3A_412] {strides = array<i32>} : memref<32x128xf32, #tpu.memory_space<vmem>>, vector<16xf32>,
      %mul3A_414 = arith.mulf %get3A_413, %broadcast_in_dim3A_346 : vector<16xf32>
      %swap3A_415 = arith.constant 3 : i32
      %swap3A_416 = arith.index_cast %swap3A_415 : i32 to index
      %swap3A_417 = arith.constant 112 : index
      %swap3A_418 = tpu.vector_load %arg11[%swap3A_416, %swap3A_417] {strides = array<i32>} : memref<32x128xf32, #tpu.memory_space<vmem>>, vector<16xf32>,
      tpu.vector_store %arg11[%swap3A_416, %swap3A_417], %mul3A_414 {strides = array<i32>} : memref<32x128xf32, #tpu.memory_space<vmem>>, vector<16xf32>,
      %slice3A_419 = vector.extract_strided_slice %neg3A_120 {offsets = [4], sizes = [1], strides = [1]} : vector<16xf32> to vector<1xf32>
      %squeeze3A_420 = vector.extract %slice3A_419[0] : f32 from vector<1xf32>
      %broadcast_in_dim3A_421 = vector.broadcast %squeeze3A_420 : f32 to vector<16xf32>
      %get3A_422 = arith.constant 4 : i32
      %get3A_423 = arith.index_cast %get3A_422 : i32 to index
      %get3A_424 = arith.constant 0 : index
      %get3A_425 = tpu.vector_load %arg11[%get3A_423, %get3A_424] {strides = array<i32>} : memref<32x128xf32, #tpu.memory_space<vmem>>, vector<16xf32>,
      %mul3A_426 = arith.mulf %get3A_425, %broadcast_in_dim3A_421 : vector<16xf32>
      %swap3A_427 = arith.constant 4 : i32
      %swap3A_428 = arith.index_cast %swap3A_427 : i32 to index
      %swap3A_429 = arith.constant 0 : index
      %swap3A_430 = tpu.vector_load %arg11[%swap3A_428, %swap3A_429] {strides = array<i32>} : memref<32x128xf32, #tpu.memory_space<vmem>>, vector<16xf32>,
      tpu.vector_store %arg11[%swap3A_428, %swap3A_429], %mul3A_426 {strides = array<i32>} : memref<32x128xf32, #tpu.memory_space<vmem>>, vector<16xf32>,
      %get3A_431 = arith.constant 4 : i32
      %get3A_432 = arith.index_cast %get3A_431 : i32 to index
      %get3A_433 = arith.constant 16 : index
      %get3A_434 = tpu.vector_load %arg11[%get3A_432, %get3A_433] {strides = array<i32>} : memref<32x128xf32, #tpu.memory_space<vmem>>, vector<16xf32>,
      %mul3A_435 = arith.mulf %get3A_434, %broadcast_in_dim3A_421 : vector<16xf32>
      %swap3A_436 = arith.constant 4 : i32
      %swap3A_437 = arith.index_cast %swap3A_436 : i32 to index
      %swap3A_438 = arith.constant 16 : index
      %swap3A_439 = tpu.vector_load %arg11[%swap3A_437, %swap3A_438] {strides = array<i32>} : memref<32x128xf32, #tpu.memory_space<vmem>>, vector<16xf32>,
      tpu.vector_store %arg11[%swap3A_437, %swap3A_438], %mul3A_435 {strides = array<i32>} : memref<32x128xf32, #tpu.memory_space<vmem>>, vector<16xf32>,
      %get3A_440 = arith.constant 4 : i32
      %get3A_441 = arith.index_cast %get3A_440 : i32 to index
      %get3A_442 = arith.constant 32 : index
      %get3A_443 = tpu.vector_load %arg11[%get3A_441, %get3A_442] {strides = array<i32>} : memref<32x128xf32, #tpu.memory_space<vmem>>, vector<16xf32>,
      %mul3A_444 = arith.mulf %get3A_443, %broadcast_in_dim3A_421 : vector<16xf32>
      %swap3A_445 = arith.constant 4 : i32
      %swap3A_446 = arith.index_cast %swap3A_445 : i32 to index
      %swap3A_447 = arith.constant 32 : index
      %swap3A_448 = tpu.vector_load %arg11[%swap3A_446, %swap3A_447] {strides = array<i32>} : memref<32x128xf32, #tpu.memory_space<vmem>>, vector<16xf32>,
      tpu.vector_store %arg11[%swap3A_446, %swap3A_447], %mul3A_444 {strides = array<i32>} : memref<32x128xf32, #tpu.memory_space<vmem>>, vector<16xf32>,
      %get3A_449 = arith.constant 4 : i32
      %get3A_450 = arith.index_cast %get3A_449 : i32 to index
      %get3A_451 = arith.constant 48 : index
      %get3A_452 = tpu.vector_load %arg11[%get3A_450, %get3A_451] {strides = array<i32>} : memref<32x128xf32, #tpu.memory_space<vmem>>, vector<16xf32>,
      %mul3A_453 = arith.mulf %get3A_452, %broadcast_in_dim3A_421 : vector<16xf32>
      %swap3A_454 = arith.constant 4 : i32
      %swap3A_455 = arith.index_cast %swap3A_454 : i32 to index
      %swap3A_456 = arith.constant 48 : index
      %swap3A_457 = tpu.vector_load %arg11[%swap3A_455, %swap3A_456] {strides = array<i32>} : memref<32x128xf32, #tpu.memory_space<vmem>>, vector<16xf32>,
      tpu.vector_store %arg11[%swap3A_455, %swap3A_456], %mul3A_453 {strides = array<i32>} : memref<32x128xf32, #tpu.memory_space<vmem>>, vector<16xf32>,
      %get3A_458 = arith.constant 4 : i32
      %get3A_459 = arith.index_cast %get3A_458 : i32 to index
      %get3A_460 = arith.constant 64 : index
      %get3A_461 = tpu.vector_load %arg11[%get3A_459, %get3A_460] {strides = array<i32>} : memref<32x128xf32, #tpu.memory_space<vmem>>, vector<16xf32>,
      %mul3A_462 = arith.mulf %get3A_461, %broadcast_in_dim3A_421 : vector<16xf32>
      %swap3A_463 = arith.constant 4 : i32
      %swap3A_464 = arith.index_cast %swap3A_463 : i32 to index
      %swap3A_465 = arith.constant 64 : index
      %swap3A_466 = tpu.vector_load %arg11[%swap3A_464, %swap3A_465] {strides = array<i32>} : memref<32x128xf32, #tpu.memory_space<vmem>>, vector<16xf32>,
      tpu.vector_store %arg11[%swap3A_464, %swap3A_465], %mul3A_462 {strides = array<i32>} : memref<32x128xf32, #tpu.memory_space<vmem>>, vector<16xf32>,
      %get3A_467 = arith.constant 4 : i32
      %get3A_468 = arith.index_cast %get3A_467 : i32 to index
      %get3A_469 = arith.constant 80 : index
      %get3A_470 = tpu.vector_load %arg11[%get3A_468, %get3A_469] {strides = array<i32>} : memref<32x128xf32, #tpu.memory_space<vmem>>, vector<16xf32>,
      %mul3A_471 = arith.mulf %get3A_470, %broadcast_in_dim3A_421 : vector<16xf32>
      %swap3A_472 = arith.constant 4 : i32
      %swap3A_473 = arith.index_cast %swap3A_472 : i32 to index
      %swap3A_474 = arith.constant 80 : index
      %swap3A_475 = tpu.vector_load %arg11[%swap3A_473, %swap3A_474] {strides = array<i32>} : memref<32x128xf32, #tpu.memory_space<vmem>>, vector<16xf32>,
      tpu.vector_store %arg11[%swap3A_473, %swap3A_474], %mul3A_471 {strides = array<i32>} : memref<32x128xf32, #tpu.memory_space<vmem>>, vector<16xf32>,
      %get3A_476 = arith.constant 4 : i32
      %get3A_477 = arith.index_cast %get3A_476 : i32 to index
      %get3A_478 = arith.constant 96 : index
      %get3A_479 = tpu.vector_load %arg11[%get3A_477, %get3A_478] {strides = array<i32>} : memref<32x128xf32, #tpu.memory_space<vmem>>, vector<16xf32>,
      %mul3A_480 = arith.mulf %get3A_479, %broadcast_in_dim3A_421 : vector<16xf32>
      %swap3A_481 = arith.constant 4 : i32
      %swap3A_482 = arith.index_cast %swap3A_481 : i32 to index
      %swap3A_483 = arith.constant 96 : index
      %swap3A_484 = tpu.vector_load %arg11[%swap3A_482, %swap3A_483] {strides = array<i32>} : memref<32x128xf32, #tpu.memory_space<vmem>>, vector<16xf32>,
      tpu.vector_store %arg11[%swap3A_482, %swap3A_483], %mul3A_480 {strides = array<i32>} : memref<32x128xf32, #tpu.memory_space<vmem>>, vector<16xf32>,
      %get3A_485 = arith.constant 4 : i32
      %get3A_486 = arith.index_cast %get3A_485 : i32 to index
      %get3A_487 = arith.constant 112 : index
      %get3A_488 = tpu.vector_load %arg11[%get3A_486, %get3A_487] {strides = array<i32>} : memref<32x128xf32, #tpu.memory_space<vmem>>, vector<16xf32>,
      %mul3A_489 = arith.mulf %get3A_488, %broadcast_in_dim3A_421 : vector<16xf32>
      %swap3A_490 = arith.constant 4 : i32
      %swap3A_491 = arith.index_cast %swap3A_490 : i32 to index
      %swap3A_492 = arith.constant 112 : index
      %swap3A_493 = tpu.vector_load %arg11[%swap3A_491, %swap3A_492] {strides = array<i32>} : memref<32x128xf32, #tpu.memory_space<vmem>>, vector<16xf32>,
      tpu.vector_store %arg11[%swap3A_491, %swap3A_492], %mul3A_489 {strides = array<i32>} : memref<32x128xf32, #tpu.memory_space<vmem>>, vector<16xf32>,
      %slice3A_494 = vector.extract_strided_slice %neg3A_120 {offsets = [5], sizes = [1], strides = [1]} : vector<16xf32> to vector<1xf32>
      %squeeze3A_495 = vector.extract %slice3A_494[0] : f32 from vector<1xf32>
      %broadcast_in_dim3A_496 = vector.broadcast %squeeze3A_495 : f32 to vector<16xf32>
      %get3A_497 = arith.constant 5 : i32
      %get3A_498 = arith.index_cast %get3A_497 : i32 to index
      %get3A_499 = arith.constant 0 : index
      %get3A_500 = tpu.vector_load %arg11[%get3A_498, %get3A_499] {strides = array<i32>} : memref<32x128xf32, #tpu.memory_space<vmem>>, vector<16xf32>,
      %mul3A_501 = arith.mulf %get3A_500, %broadcast_in_dim3A_496 : vector<16xf32>
      %swap3A_502 = arith.constant 5 : i32
      %swap3A_503 = arith.index_cast %swap3A_502 : i32 to index
      %swap3A_504 = arith.constant 0 : index
      %swap3A_505 = tpu.vector_load %arg11[%swap3A_503, %swap3A_504] {strides = array<i32>} : memref<32x128xf32, #tpu.memory_space<vmem>>, vector<16xf32>,
      tpu.vector_store %arg11[%swap3A_503, %swap3A_504], %mul3A_501 {strides = array<i32>} : memref<32x128xf32, #tpu.memory_space<vmem>>, vector<16xf32>,
      %get3A_506 = arith.constant 5 : i32
      %get3A_507 = arith.index_cast %get3A_506 : i32 to index
      %get3A_508 = arith.constant 16 : index
      %get3A_509 = tpu.vector_load %arg11[%get3A_507, %get3A_508] {strides = array<i32>} : memref<32x128xf32, #tpu.memory_space<vmem>>, vector<16xf32>,
      %mul3A_510 = arith.mulf %get3A_509, %broadcast_in_dim3A_496 : vector<16xf32>
      %swap3A_511 = arith.constant 5 : i32
      %swap3A_512 = arith.index_cast %swap3A_511 : i32 to index
      %swap3A_513 = arith.constant 16 : index
      %swap3A_514 = tpu.vector_load %arg11[%swap3A_512, %swap3A_513] {strides = array<i32>} : memref<32x128xf32, #tpu.memory_space<vmem>>, vector<16xf32>,
      tpu.vector_store %arg11[%swap3A_512, %swap3A_513], %mul3A_510 {strides = array<i32>} : memref<32x128xf32, #tpu.memory_space<vmem>>, vector<16xf32>,
      %get3A_515 = arith.constant 5 : i32
      %get3A_516 = arith.index_cast %get3A_515 : i32 to index
      %get3A_517 = arith.constant 32 : index
      %get3A_518 = tpu.vector_load %arg11[%get3A_516, %get3A_517] {strides = array<i32>} : memref<32x128xf32, #tpu.memory_space<vmem>>, vector<16xf32>,
      %mul3A_519 = arith.mulf %get3A_518, %broadcast_in_dim3A_496 : vector<16xf32>
      %swap3A_520 = arith.constant 5 : i32
      %swap3A_521 = arith.index_cast %swap3A_520 : i32 to index
      %swap3A_522 = arith.constant 32 : index
      %swap3A_523 = tpu.vector_load %arg11[%swap3A_521, %swap3A_522] {strides = array<i32>} : memref<32x128xf32, #tpu.memory_space<vmem>>, vector<16xf32>,
      tpu.vector_store %arg11[%swap3A_521, %swap3A_522], %mul3A_519 {strides = array<i32>} : memref<32x128xf32, #tpu.memory_space<vmem>>, vector<16xf32>,
      %get3A_524 = arith.constant 5 : i32
      %get3A_525 = arith.index_cast %get3A_524 : i32 to index
      %get3A_526 = arith.constant 48 : index
      %get3A_527 = tpu.vector_load %arg11[%get3A_525, %get3A_526] {strides = array<i32>} : memref<32x128xf32, #tpu.memory_space<vmem>>, vector<16xf32>,
      %mul3A_528 = arith.mulf %get3A_527, %broadcast_in_dim3A_496 : vector<16xf32>
      %swap3A_529 = arith.constant 5 : i32
      %swap3A_530 = arith.index_cast %swap3A_529 : i32 to index
      %swap3A_531 = arith.constant 48 : index
      %swap3A_532 = tpu.vector_load %arg11[%swap3A_530, %swap3A_531] {strides = array<i32>} : memref<32x128xf32, #tpu.memory_space<vmem>>, vector<16xf32>,
      tpu.vector_store %arg11[%swap3A_530, %swap3A_531], %mul3A_528 {strides = array<i32>} : memref<32x128xf32, #tpu.memory_space<vmem>>, vector<16xf32>,
      %get3A_533 = arith.constant 5 : i32
      %get3A_534 = arith.index_cast %get3A_533 : i32 to index
      %get3A_535 = arith.constant 64 : index
      %get3A_536 = tpu.vector_load %arg11[%get3A_534, %get3A_535] {strides = array<i32>} : memref<32x128xf32, #tpu.memory_space<vmem>>, vector<16xf32>,
      %mul3A_537 = arith.mulf %get3A_536, %broadcast_in_dim3A_496 : vector<16xf32>
      %swap3A_538 = arith.constant 5 : i32
      %swap3A_539 = arith.index_cast %swap3A_538 : i32 to index
      %swap3A_540 = arith.constant 64 : index
      %swap3A_541 = tpu.vector_load %arg11[%swap3A_539, %swap3A_540] {strides = array<i32>} : memref<32x128xf32, #tpu.memory_space<vmem>>, vector<16xf32>,
      tpu.vector_store %arg11[%swap3A_539, %swap3A_540], %mul3A_537 {strides = array<i32>} : memref<32x128xf32, #tpu.memory_space<vmem>>, vector<16xf32>,
      %get3A_542 = arith.constant 5 : i32
      %get3A_543 = arith.index_cast %get3A_542 : i32 to index
      %get3A_544 = arith.constant 80 : index
      %get3A_545 = tpu.vector_load %arg11[%get3A_543, %get3A_544] {strides = array<i32>} : memref<32x128xf32, #tpu.memory_space<vmem>>, vector<16xf32>,
      %mul3A_546 = arith.mulf %get3A_545, %broadcast_in_dim3A_496 : vector<16xf32>
      %swap3A_547 = arith.constant 5 : i32
      %swap3A_548 = arith.index_cast %swap3A_547 : i32 to index
      %swap3A_549 = arith.constant 80 : index
      %swap3A_550 = tpu.vector_load %arg11[%swap3A_548, %swap3A_549] {strides = array<i32>} : memref<32x128xf32, #tpu.memory_space<vmem>>, vector<16xf32>,
      tpu.vector_store %arg11[%swap3A_548, %swap3A_549], %mul3A_546 {strides = array<i32>} : memref<32x128xf32, #tpu.memory_space<vmem>>, vector<16xf32>,
      %get3A_551 = arith.constant 5 : i32
      %get3A_552 = arith.index_cast %get3A_551 : i32 to index
      %get3A_553 = arith.constant 96 : index
      %get3A_554 = tpu.vector_load %arg11[%get3A_552, %get3A_553] {strides = array<i32>} : memref<32x128xf32, #tpu.memory_space<vmem>>, vector<16xf32>,
      %mul3A_555 = arith.mulf %get3A_554, %broadcast_in_dim3A_496 : vector<16xf32>
      %swap3A_556 = arith.constant 5 : i32
      %swap3A_557 = arith.index_cast %swap3A_556 : i32 to index
      %swap3A_558 = arith.constant 96 : index
      %swap3A_559 = tpu.vector_load %arg11[%swap3A_557, %swap3A_558] {strides = array<i32>} : memref<32x128xf32, #tpu.memory_space<vmem>>, vector<16xf32>,
      tpu.vector_store %arg11[%swap3A_557, %swap3A_558], %mul3A_555 {strides = array<i32>} : memref<32x128xf32, #tpu.memory_space<vmem>>, vector<16xf32>,
      %get3A_560 = arith.constant 5 : i32
      %get3A_561 = arith.index_cast %get3A_560 : i32 to index
      %get3A_562 = arith.constant 112 : index
      %get3A_563 = tpu.vector_load %arg11[%get3A_561, %get3A_562] {strides = array<i32>} : memref<32x128xf32, #tpu.memory_space<vmem>>, vector<16xf32>,
      %mul3A_564 = arith.mulf %get3A_563, %broadcast_in_dim3A_496 : vector<16xf32>
      %swap3A_565 = arith.constant 5 : i32
      %swap3A_566 = arith.index_cast %swap3A_565 : i32 to index
      %swap3A_567 = arith.constant 112 : index
      %swap3A_568 = tpu.vector_load %arg11[%swap3A_566, %swap3A_567] {strides = array<i32>} : memref<32x128xf32, #tpu.memory_space<vmem>>, vector<16xf32>,
      tpu.vector_store %arg11[%swap3A_566, %swap3A_567], %mul3A_564 {strides = array<i32>} : memref<32x128xf32, #tpu.memory_space<vmem>>, vector<16xf32>,
      %slice3A_569 = vector.extract_strided_slice %neg3A_120 {offsets = [6], sizes = [1], strides = [1]} : vector<16xf32> to vector<1xf32>
      %squeeze3A_570 = vector.extract %slice3A_569[0] : f32 from vector<1xf32>
      %broadcast_in_dim3A_571 = vector.broadcast %squeeze3A_570 : f32 to vector<16xf32>
      %get3A_572 = arith.constant 6 : i32
      %get3A_573 = arith.index_cast %get3A_572 : i32 to index
      %get3A_574 = arith.constant 0 : index
      %get3A_575 = tpu.vector_load %arg11[%get3A_573, %get3A_574] {strides = array<i32>} : memref<32x128xf32, #tpu.memory_space<vmem>>, vector<16xf32>,
      %mul3A_576 = arith.mulf %get3A_575, %broadcast_in_dim3A_571 : vector<16xf32>
      %swap3A_577 = arith.constant 6 : i32
      %swap3A_578 = arith.index_cast %swap3A_577 : i32 to index
      %swap3A_579 = arith.constant 0 : index
      %swap3A_580 = tpu.vector_load %arg11[%swap3A_578, %swap3A_579] {strides = array<i32>} : memref<32x128xf32, #tpu.memory_space<vmem>>, vector<16xf32>,
      tpu.vector_store %arg11[%swap3A_578, %swap3A_579], %mul3A_576 {strides = array<i32>} : memref<32x128xf32, #tpu.memory_space<vmem>>, vector<16xf32>,
      %get3A_581 = arith.constant 6 : i32
      %get3A_582 = arith.index_cast %get3A_581 : i32 to index
      %get3A_583 = arith.constant 16 : index
      %get3A_584 = tpu.vector_load %arg11[%get3A_582, %get3A_583] {strides = array<i32>} : memref<32x128xf32, #tpu.memory_space<vmem>>, vector<16xf32>,
      %mul3A_585 = arith.mulf %get3A_584, %broadcast_in_dim3A_571 : vector<16xf32>
      %swap3A_586 = arith.constant 6 : i32
      %swap3A_587 = arith.index_cast %swap3A_586 : i32 to index
      %swap3A_588 = arith.constant 16 : index
      %swap3A_589 = tpu.vector_load %arg11[%swap3A_587, %swap3A_588] {strides = array<i32>} : memref<32x128xf32, #tpu.memory_space<vmem>>, vector<16xf32>,
      tpu.vector_store %arg11[%swap3A_587, %swap3A_588], %mul3A_585 {strides = array<i32>} : memref<32x128xf32, #tpu.memory_space<vmem>>, vector<16xf32>,
      %get3A_590 = arith.constant 6 : i32
      %get3A_591 = arith.index_cast %get3A_590 : i32 to index
      %get3A_592 = arith.constant 32 : index
      %get3A_593 = tpu.vector_load %arg11[%get3A_591, %get3A_592] {strides = array<i32>} : memref<32x128xf32, #tpu.memory_space<vmem>>, vector<16xf32>,
      %mul3A_594 = arith.mulf %get3A_593, %broadcast_in_dim3A_571 : vector<16xf32>
      %swap3A_595 = arith.constant 6 : i32
      %swap3A_596 = arith.index_cast %swap3A_595 : i32 to index
      %swap3A_597 = arith.constant 32 : index
      %swap3A_598 = tpu.vector_load %arg11[%swap3A_596, %swap3A_597] {strides = array<i32>} : memref<32x128xf32, #tpu.memory_space<vmem>>, vector<16xf32>,
      tpu.vector_store %arg11[%swap3A_596, %swap3A_597], %mul3A_594 {strides = array<i32>} : memref<32x128xf32, #tpu.memory_space<vmem>>, vector<16xf32>,
      %get3A_599 = arith.constant 6 : i32
      %get3A_600 = arith.index_cast %get3A_599 : i32 to index
      %get3A_601 = arith.constant 48 : index
      %get3A_602 = tpu.vector_load %arg11[%get3A_600, %get3A_601] {strides = array<i32>} : memref<32x128xf32, #tpu.memory_space<vmem>>, vector<16xf32>,
      %mul3A_603 = arith.mulf %get3A_602, %broadcast_in_dim3A_571 : vector<16xf32>
      %swap3A_604 = arith.constant 6 : i32
      %swap3A_605 = arith.index_cast %swap3A_604 : i32 to index
      %swap3A_606 = arith.constant 48 : index
      %swap3A_607 = tpu.vector_load %arg11[%swap3A_605, %swap3A_606] {strides = array<i32>} : memref<32x128xf32, #tpu.memory_space<vmem>>, vector<16xf32>,
      tpu.vector_store %arg11[%swap3A_605, %swap3A_606], %mul3A_603 {strides = array<i32>} : memref<32x128xf32, #tpu.memory_space<vmem>>, vector<16xf32>,
      %get3A_608 = arith.constant 6 : i32
      %get3A_609 = arith.index_cast %get3A_608 : i32 to index
      %get3A_610 = arith.constant 64 : index
      %get3A_611 = tpu.vector_load %arg11[%get3A_609, %get3A_610] {strides = array<i32>} : memref<32x128xf32, #tpu.memory_space<vmem>>, vector<16xf32>,
      %mul3A_612 = arith.mulf %get3A_611, %broadcast_in_dim3A_571 : vector<16xf32>
      %swap3A_613 = arith.constant 6 : i32
      %swap3A_614 = arith.index_cast %swap3A_613 : i32 to index
      %swap3A_615 = arith.constant 64 : index
      %swap3A_616 = tpu.vector_load %arg11[%swap3A_614, %swap3A_615] {strides = array<i32>} : memref<32x128xf32, #tpu.memory_space<vmem>>, vector<16xf32>,
      tpu.vector_store %arg11[%swap3A_614, %swap3A_615], %mul3A_612 {strides = array<i32>} : memref<32x128xf32, #tpu.memory_space<vmem>>, vector<16xf32>,
      %get3A_617 = arith.constant 6 : i32
      %get3A_618 = arith.index_cast %get3A_617 : i32 to index
      %get3A_619 = arith.constant 80 : index
      %get3A_620 = tpu.vector_load %arg11[%get3A_618, %get3A_619] {strides = array<i32>} : memref<32x128xf32, #tpu.memory_space<vmem>>, vector<16xf32>,
      %mul3A_621 = arith.mulf %get3A_620, %broadcast_in_dim3A_571 : vector<16xf32>
      %swap3A_622 = arith.constant 6 : i32
      %swap3A_623 = arith.index_cast %swap3A_622 : i32 to index
      %swap3A_624 = arith.constant 80 : index
      %swap3A_625 = tpu.vector_load %arg11[%swap3A_623, %swap3A_624] {strides = array<i32>} : memref<32x128xf32, #tpu.memory_space<vmem>>, vector<16xf32>,
      tpu.vector_store %arg11[%swap3A_623, %swap3A_624], %mul3A_621 {strides = array<i32>} : memref<32x128xf32, #tpu.memory_space<vmem>>, vector<16xf32>,
      %get3A_626 = arith.constant 6 : i32
      %get3A_627 = arith.index_cast %get3A_626 : i32 to index
      %get3A_628 = arith.constant 96 : index
      %get3A_629 = tpu.vector_load %arg11[%get3A_627, %get3A_628] {strides = array<i32>} : memref<32x128xf32, #tpu.memory_space<vmem>>, vector<16xf32>,
      %mul3A_630 = arith.mulf %get3A_629, %broadcast_in_dim3A_571 : vector<16xf32>
      %swap3A_631 = arith.constant 6 : i32
      %swap3A_632 = arith.index_cast %swap3A_631 : i32 to index
      %swap3A_633 = arith.constant 96 : index
      %swap3A_634 = tpu.vector_load %arg11[%swap3A_632, %swap3A_633] {strides = array<i32>} : memref<32x128xf32, #tpu.memory_space<vmem>>, vector<16xf32>,
      tpu.vector_store %arg11[%swap3A_632, %swap3A_633], %mul3A_630 {strides = array<i32>} : memref<32x128xf32, #tpu.memory_space<vmem>>, vector<16xf32>,
      %get3A_635 = arith.constant 6 : i32
      %get3A_636 = arith.index_cast %get3A_635 : i32 to index
      %get3A_637 = arith.constant 112 : index
      %get3A_638 = tpu.vector_load %arg11[%get3A_636, %get3A_637] {strides = array<i32>} : memref<32x128xf32, #tpu.memory_space<vmem>>, vector<16xf32>,
      %mul3A_639 = arith.mulf %get3A_638, %broadcast_in_dim3A_571 : vector<16xf32>
      %swap3A_640 = arith.constant 6 : i32
      %swap3A_641 = arith.index_cast %swap3A_640 : i32 to index
      %swap3A_642 = arith.constant 112 : index
      %swap3A_643 = tpu.vector_load %arg11[%swap3A_641, %swap3A_642] {strides = array<i32>} : memref<32x128xf32, #tpu.memory_space<vmem>>, vector<16xf32>,
      tpu.vector_store %arg11[%swap3A_641, %swap3A_642], %mul3A_639 {strides = array<i32>} : memref<32x128xf32, #tpu.memory_space<vmem>>, vector<16xf32>,
      %slice3A_644 = vector.extract_strided_slice %neg3A_120 {offsets = [7], sizes = [1], strides = [1]} : vector<16xf32> to vector<1xf32>
      %squeeze3A_645 = vector.extract %slice3A_644[0] : f32 from vector<1xf32>
      %broadcast_in_dim3A_646 = vector.broadcast %squeeze3A_645 : f32 to vector<16xf32>
      %get3A_647 = arith.constant 7 : i32
      %get3A_648 = arith.index_cast %get3A_647 : i32 to index
      %get3A_649 = arith.constant 0 : index
      %get3A_650 = tpu.vector_load %arg11[%get3A_648, %get3A_649] {strides = array<i32>} : memref<32x128xf32, #tpu.memory_space<vmem>>, vector<16xf32>,
      %mul3A_651 = arith.mulf %get3A_650, %broadcast_in_dim3A_646 : vector<16xf32>
      %swap3A_652 = arith.constant 7 : i32
      %swap3A_653 = arith.index_cast %swap3A_652 : i32 to index
      %swap3A_654 = arith.constant 0 : index
      %swap3A_655 = tpu.vector_load %arg11[%swap3A_653, %swap3A_654] {strides = array<i32>} : memref<32x128xf32, #tpu.memory_space<vmem>>, vector<16xf32>,
      tpu.vector_store %arg11[%swap3A_653, %swap3A_654], %mul3A_651 {strides = array<i32>} : memref<32x128xf32, #tpu.memory_space<vmem>>, vector<16xf32>,
      %get3A_656 = arith.constant 7 : i32
      %get3A_657 = arith.index_cast %get3A_656 : i32 to index
      %get3A_658 = arith.constant 16 : index
      %get3A_659 = tpu.vector_load %arg11[%get3A_657, %get3A_658] {strides = array<i32>} : memref<32x128xf32, #tpu.memory_space<vmem>>, vector<16xf32>,
      %mul3A_660 = arith.mulf %get3A_659, %broadcast_in_dim3A_646 : vector<16xf32>
      %swap3A_661 = arith.constant 7 : i32
      %swap3A_662 = arith.index_cast %swap3A_661 : i32 to index
      %swap3A_663 = arith.constant 16 : index
      %swap3A_664 = tpu.vector_load %arg11[%swap3A_662, %swap3A_663] {strides = array<i32>} : memref<32x128xf32, #tpu.memory_space<vmem>>, vector<16xf32>,
      tpu.vector_store %arg11[%swap3A_662, %swap3A_663], %mul3A_660 {strides = array<i32>} : memref<32x128xf32, #tpu.memory_space<vmem>>, vector<16xf32>,
      %get3A_665 = arith.constant 7 : i32
      %get3A_666 = arith.index_cast %get3A_665 : i32 to index
      %get3A_667 = arith.constant 32 : index
      %get3A_668 = tpu.vector_load %arg11[%get3A_666, %get3A_667] {strides = array<i32>} : memref<32x128xf32, #tpu.memory_space<vmem>>, vector<16xf32>,
      %mul3A_669 = arith.mulf %get3A_668, %broadcast_in_dim3A_646 : vector<16xf32>
      %swap3A_670 = arith.constant 7 : i32
      %swap3A_671 = arith.index_cast %swap3A_670 : i32 to index
      %swap3A_672 = arith.constant 32 : index
      %swap3A_673 = tpu.vector_load %arg11[%swap3A_671, %swap3A_672] {strides = array<i32>} : memref<32x128xf32, #tpu.memory_space<vmem>>, vector<16xf32>,
      tpu.vector_store %arg11[%swap3A_671, %swap3A_672], %mul3A_669 {strides = array<i32>} : memref<32x128xf32, #tpu.memory_space<vmem>>, vector<16xf32>,
      %get3A_674 = arith.constant 7 : i32
      %get3A_675 = arith.index_cast %get3A_674 : i32 to index
      %get3A_676 = arith.constant 48 : index
      %get3A_677 = tpu.vector_load %arg11[%get3A_675, %get3A_676] {strides = array<i32>} : memref<32x128xf32, #tpu.memory_space<vmem>>, vector<16xf32>,
      %mul3A_678 = arith.mulf %get3A_677, %broadcast_in_dim3A_646 : vector<16xf32>
      %swap3A_679 = arith.constant 7 : i32
      %swap3A_680 = arith.index_cast %swap3A_679 : i32 to index
      %swap3A_681 = arith.constant 48 : index
      %swap3A_682 = tpu.vector_load %arg11[%swap3A_680, %swap3A_681] {strides = array<i32>} : memref<32x128xf32, #tpu.memory_space<vmem>>, vector<16xf32>,
      tpu.vector_store %arg11[%swap3A_680, %swap3A_681], %mul3A_678 {strides = array<i32>} : memref<32x128xf32, #tpu.memory_space<vmem>>, vector<16xf32>,
      %get3A_683 = arith.constant 7 : i32
      %get3A_684 = arith.index_cast %get3A_683 : i32 to index
      %get3A_685 = arith.constant 64 : index
      %get3A_686 = tpu.vector_load %arg11[%get3A_684, %get3A_685] {strides = array<i32>} : memref<32x128xf32, #tpu.memory_space<vmem>>, vector<16xf32>,
      %mul3A_687 = arith.mulf %get3A_686, %broadcast_in_dim3A_646 : vector<16xf32>
      %swap3A_688 = arith.constant 7 : i32
      %swap3A_689 = arith.index_cast %swap3A_688 : i32 to index
      %swap3A_690 = arith.constant 64 : index
      %swap3A_691 = tpu.vector_load %arg11[%swap3A_689, %swap3A_690] {strides = array<i32>} : memref<32x128xf32, #tpu.memory_space<vmem>>, vector<16xf32>,
      tpu.vector_store %arg11[%swap3A_689, %swap3A_690], %mul3A_687 {strides = array<i32>} : memref<32x128xf32, #tpu.memory_space<vmem>>, vector<16xf32>,
      %get3A_692 = arith.constant 7 : i32
      %get3A_693 = arith.index_cast %get3A_692 : i32 to index
      %get3A_694 = arith.constant 80 : index
      %get3A_695 = tpu.vector_load %arg11[%get3A_693, %get3A_694] {strides = array<i32>} : memref<32x128xf32, #tpu.memory_space<vmem>>, vector<16xf32>,
      %mul3A_696 = arith.mulf %get3A_695, %broadcast_in_dim3A_646 : vector<16xf32>
      %swap3A_697 = arith.constant 7 : i32
      %swap3A_698 = arith.index_cast %swap3A_697 : i32 to index
      %swap3A_699 = arith.constant 80 : index
      %swap3A_700 = tpu.vector_load %arg11[%swap3A_698, %swap3A_699] {strides = array<i32>} : memref<32x128xf32, #tpu.memory_space<vmem>>, vector<16xf32>,
      tpu.vector_store %arg11[%swap3A_698, %swap3A_699], %mul3A_696 {strides = array<i32>} : memref<32x128xf32, #tpu.memory_space<vmem>>, vector<16xf32>,
      %get3A_701 = arith.constant 7 : i32
      %get3A_702 = arith.index_cast %get3A_701 : i32 to index
      %get3A_703 = arith.constant 96 : index
      %get3A_704 = tpu.vector_load %arg11[%get3A_702, %get3A_703] {strides = array<i32>} : memref<32x128xf32, #tpu.memory_space<vmem>>, vector<16xf32>,
      %mul3A_705 = arith.mulf %get3A_704, %broadcast_in_dim3A_646 : vector<16xf32>
      %swap3A_706 = arith.constant 7 : i32
      %swap3A_707 = arith.index_cast %swap3A_706 : i32 to index
      %swap3A_708 = arith.constant 96 : index
      %swap3A_709 = tpu.vector_load %arg11[%swap3A_707, %swap3A_708] {strides = array<i32>} : memref<32x128xf32, #tpu.memory_space<vmem>>, vector<16xf32>,
      tpu.vector_store %arg11[%swap3A_707, %swap3A_708], %mul3A_705 {strides = array<i32>} : memref<32x128xf32, #tpu.memory_space<vmem>>, vector<16xf32>,
      %get3A_710 = arith.constant 7 : i32
      %get3A_711 = arith.index_cast %get3A_710 : i32 to index
      %get3A_712 = arith.constant 112 : index
      %get3A_713 = tpu.vector_load %arg11[%get3A_711, %get3A_712] {strides = array<i32>} : memref<32x128xf32, #tpu.memory_space<vmem>>, vector<16xf32>,
      %mul3A_714 = arith.mulf %get3A_713, %broadcast_in_dim3A_646 : vector<16xf32>
      %swap3A_715 = arith.constant 7 : i32
      %swap3A_716 = arith.index_cast %swap3A_715 : i32 to index
      %swap3A_717 = arith.constant 112 : index
      %swap3A_718 = tpu.vector_load %arg11[%swap3A_716, %swap3A_717] {strides = array<i32>} : memref<32x128xf32, #tpu.memory_space<vmem>>, vector<16xf32>,
      tpu.vector_store %arg11[%swap3A_716, %swap3A_717], %mul3A_714 {strides = array<i32>} : memref<32x128xf32, #tpu.memory_space<vmem>>, vector<16xf32>,
      %slice3A_719 = vector.extract_strided_slice %neg3A_120 {offsets = [8], sizes = [1], strides = [1]} : vector<16xf32> to vector<1xf32>
      %squeeze3A_720 = vector.extract %slice3A_719[0] : f32 from vector<1xf32>
      %broadcast_in_dim3A_721 = vector.broadcast %squeeze3A_720 : f32 to vector<16xf32>
      %get3A_722 = arith.constant 8 : i32
      %get3A_723 = arith.index_cast %get3A_722 : i32 to index
      %get3A_724 = arith.constant 0 : index
      %get3A_725 = tpu.vector_load %arg11[%get3A_723, %get3A_724] {strides = array<i32>} : memref<32x128xf32, #tpu.memory_space<vmem>>, vector<16xf32>,
      %mul3A_726 = arith.mulf %get3A_725, %broadcast_in_dim3A_721 : vector<16xf32>
      %swap3A_727 = arith.constant 8 : i32
      %swap3A_728 = arith.index_cast %swap3A_727 : i32 to index
      %swap3A_729 = arith.constant 0 : index
      %swap3A_730 = tpu.vector_load %arg11[%swap3A_728, %swap3A_729] {strides = array<i32>} : memref<32x128xf32, #tpu.memory_space<vmem>>, vector<16xf32>,
      tpu.vector_store %arg11[%swap3A_728, %swap3A_729], %mul3A_726 {strides = array<i32>} : memref<32x128xf32, #tpu.memory_space<vmem>>, vector<16xf32>,
      %get3A_731 = arith.constant 8 : i32
      %get3A_732 = arith.index_cast %get3A_731 : i32 to index
      %get3A_733 = arith.constant 16 : index
      %get3A_734 = tpu.vector_load %arg11[%get3A_732, %get3A_733] {strides = array<i32>} : memref<32x128xf32, #tpu.memory_space<vmem>>, vector<16xf32>,
      %mul3A_735 = arith.mulf %get3A_734, %broadcast_in_dim3A_721 : vector<16xf32>
      %swap3A_736 = arith.constant 8 : i32
      %swap3A_737 = arith.index_cast %swap3A_736 : i32 to index
      %swap3A_738 = arith.constant 16 : index
      %swap3A_739 = tpu.vector_load %arg11[%swap3A_737, %swap3A_738] {strides = array<i32>} : memref<32x128xf32, #tpu.memory_space<vmem>>, vector<16xf32>,
      tpu.vector_store %arg11[%swap3A_737, %swap3A_738], %mul3A_735 {strides = array<i32>} : memref<32x128xf32, #tpu.memory_space<vmem>>, vector<16xf32>,
      %get3A_740 = arith.constant 8 : i32
      %get3A_741 = arith.index_cast %get3A_740 : i32 to index
      %get3A_742 = arith.constant 32 : index
      %get3A_743 = tpu.vector_load %arg11[%get3A_741, %get3A_742] {strides = array<i32>} : memref<32x128xf32, #tpu.memory_space<vmem>>, vector<16xf32>,
      %mul3A_744 = arith.mulf %get3A_743, %broadcast_in_dim3A_721 : vector<16xf32>
      %swap3A_745 = arith.constant 8 : i32
      %swap3A_746 = arith.index_cast %swap3A_745 : i32 to index
      %swap3A_747 = arith.constant 32 : index
      %swap3A_748 = tpu.vector_load %arg11[%swap3A_746, %swap3A_747] {strides = array<i32>} : memref<32x128xf32, #tpu.memory_space<vmem>>, vector<16xf32>,
      tpu.vector_store %arg11[%swap3A_746, %swap3A_747], %mul3A_744 {strides = array<i32>} : memref<32x128xf32, #tpu.memory_space<vmem>>, vector<16xf32>,
      %get3A_749 = arith.constant 8 : i32
      %get3A_750 = arith.index_cast %get3A_749 : i32 to index
      %get3A_751 = arith.constant 48 : index
      %get3A_752 = tpu.vector_load %arg11[%get3A_750, %get3A_751] {strides = array<i32>} : memref<32x128xf32, #tpu.memory_space<vmem>>, vector<16xf32>,
      %mul3A_753 = arith.mulf %get3A_752, %broadcast_in_dim3A_721 : vector<16xf32>
      %swap3A_754 = arith.constant 8 : i32
      %swap3A_755 = arith.index_cast %swap3A_754 : i32 to index
      %swap3A_756 = arith.constant 48 : index
      %swap3A_757 = tpu.vector_load %arg11[%swap3A_755, %swap3A_756] {strides = array<i32>} : memref<32x128xf32, #tpu.memory_space<vmem>>, vector<16xf32>,
      tpu.vector_store %arg11[%swap3A_755, %swap3A_756], %mul3A_753 {strides = array<i32>} : memref<32x128xf32, #tpu.memory_space<vmem>>, vector<16xf32>,
      %get3A_758 = arith.constant 8 : i32
      %get3A_759 = arith.index_cast %get3A_758 : i32 to index
      %get3A_760 = arith.constant 64 : index
      %get3A_761 = tpu.vector_load %arg11[%get3A_759, %get3A_760] {strides = array<i32>} : memref<32x128xf32, #tpu.memory_space<vmem>>, vector<16xf32>,
      %mul3A_762 = arith.mulf %get3A_761, %broadcast_in_dim3A_721 : vector<16xf32>
      %swap3A_763 = arith.constant 8 : i32
      %swap3A_764 = arith.index_cast %swap3A_763 : i32 to index
      %swap3A_765 = arith.constant 64 : index
      %swap3A_766 = tpu.vector_load %arg11[%swap3A_764, %swap3A_765] {strides = array<i32>} : memref<32x128xf32, #tpu.memory_space<vmem>>, vector<16xf32>,
      tpu.vector_store %arg11[%swap3A_764, %swap3A_765], %mul3A_762 {strides = array<i32>} : memref<32x128xf32, #tpu.memory_space<vmem>>, vector<16xf32>,
      %get3A_767 = arith.constant 8 : i32
      %get3A_768 = arith.index_cast %get3A_767 : i32 to index
      %get3A_769 = arith.constant 80 : index
      %get3A_770 = tpu.vector_load %arg11[%get3A_768, %get3A_769] {strides = array<i32>} : memref<32x128xf32, #tpu.memory_space<vmem>>, vector<16xf32>,
      %mul3A_771 = arith.mulf %get3A_770, %broadcast_in_dim3A_721 : vector<16xf32>
      %swap3A_772 = arith.constant 8 : i32
      %swap3A_773 = arith.index_cast %swap3A_772 : i32 to index
      %swap3A_774 = arith.constant 80 : index
      %swap3A_775 = tpu.vector_load %arg11[%swap3A_773, %swap3A_774] {strides = array<i32>} : memref<32x128xf32, #tpu.memory_space<vmem>>, vector<16xf32>,
      tpu.vector_store %arg11[%swap3A_773, %swap3A_774], %mul3A_771 {strides = array<i32>} : memref<32x128xf32, #tpu.memory_space<vmem>>, vector<16xf32>,
      %get3A_776 = arith.constant 8 : i32
      %get3A_777 = arith.index_cast %get3A_776 : i32 to index
      %get3A_778 = arith.constant 96 : index
      %get3A_779 = tpu.vector_load %arg11[%get3A_777, %get3A_778] {strides = array<i32>} : memref<32x128xf32, #tpu.memory_space<vmem>>, vector<16xf32>,
      %mul3A_780 = arith.mulf %get3A_779, %broadcast_in_dim3A_721 : vector<16xf32>
      %swap3A_781 = arith.constant 8 : i32
      %swap3A_782 = arith.index_cast %swap3A_781 : i32 to index
      %swap3A_783 = arith.constant 96 : index
      %swap3A_784 = tpu.vector_load %arg11[%swap3A_782, %swap3A_783] {strides = array<i32>} : memref<32x128xf32, #tpu.memory_space<vmem>>, vector<16xf32>,
      tpu.vector_store %arg11[%swap3A_782, %swap3A_783], %mul3A_780 {strides = array<i32>} : memref<32x128xf32, #tpu.memory_space<vmem>>, vector<16xf32>,
      %get3A_785 = arith.constant 8 : i32
      %get3A_786 = arith.index_cast %get3A_785 : i32 to index
      %get3A_787 = arith.constant 112 : index
      %get3A_788 = tpu.vector_load %arg11[%get3A_786, %get3A_787] {strides = array<i32>} : memref<32x128xf32, #tpu.memory_space<vmem>>, vector<16xf32>,
      %mul3A_789 = arith.mulf %get3A_788, %broadcast_in_dim3A_721 : vector<16xf32>
      %swap3A_790 = arith.constant 8 : i32
      %swap3A_791 = arith.index_cast %swap3A_790 : i32 to index
      %swap3A_792 = arith.constant 112 : index
      %swap3A_793 = tpu.vector_load %arg11[%swap3A_791, %swap3A_792] {strides = array<i32>} : memref<32x128xf32, #tpu.memory_space<vmem>>, vector<16xf32>,
      tpu.vector_store %arg11[%swap3A_791, %swap3A_792], %mul3A_789 {strides = array<i32>} : memref<32x128xf32, #tpu.memory_space<vmem>>, vector<16xf32>,
      %slice3A_794 = vector.extract_strided_slice %neg3A_120 {offsets = [9], sizes = [1], strides = [1]} : vector<16xf32> to vector<1xf32>
      %squeeze3A_795 = vector.extract %slice3A_794[0] : f32 from vector<1xf32>
      %broadcast_in_dim3A_796 = vector.broadcast %squeeze3A_795 : f32 to vector<16xf32>
      %get3A_797 = arith.constant 9 : i32
      %get3A_798 = arith.index_cast %get3A_797 : i32 to index
      %get3A_799 = arith.constant 0 : index
      %get3A_800 = tpu.vector_load %arg11[%get3A_798, %get3A_799] {strides = array<i32>} : memref<32x128xf32, #tpu.memory_space<vmem>>, vector<16xf32>,
      %mul3A_801 = arith.mulf %get3A_800, %broadcast_in_dim3A_796 : vector<16xf32>
      %swap3A_802 = arith.constant 9 : i32
      %swap3A_803 = arith.index_cast %swap3A_802 : i32 to index
      %swap3A_804 = arith.constant 0 : index
      %swap3A_805 = tpu.vector_load %arg11[%swap3A_803, %swap3A_804] {strides = array<i32>} : memref<32x128xf32, #tpu.memory_space<vmem>>, vector<16xf32>,
      tpu.vector_store %arg11[%swap3A_803, %swap3A_804], %mul3A_801 {strides = array<i32>} : memref<32x128xf32, #tpu.memory_space<vmem>>, vector<16xf32>,
      %get3A_806 = arith.constant 9 : i32
      %get3A_807 = arith.index_cast %get3A_806 : i32 to index
      %get3A_808 = arith.constant 16 : index
      %get3A_809 = tpu.vector_load %arg11[%get3A_807, %get3A_808] {strides = array<i32>} : memref<32x128xf32, #tpu.memory_space<vmem>>, vector<16xf32>,
      %mul3A_810 = arith.mulf %get3A_809, %broadcast_in_dim3A_796 : vector<16xf32>
      %swap3A_811 = arith.constant 9 : i32
      %swap3A_812 = arith.index_cast %swap3A_811 : i32 to index
      %swap3A_813 = arith.constant 16 : index
      %swap3A_814 = tpu.vector_load %arg11[%swap3A_812, %swap3A_813] {strides = array<i32>} : memref<32x128xf32, #tpu.memory_space<vmem>>, vector<16xf32>,
      tpu.vector_store %arg11[%swap3A_812, %swap3A_813], %mul3A_810 {strides = array<i32>} : memref<32x128xf32, #tpu.memory_space<vmem>>, vector<16xf32>,
      %get3A_815 = arith.constant 9 : i32
      %get3A_816 = arith.index_cast %get3A_815 : i32 to index
      %get3A_817 = arith.constant 32 : index
      %get3A_818 = tpu.vector_load %arg11[%get3A_816, %get3A_817] {strides = array<i32>} : memref<32x128xf32, #tpu.memory_space<vmem>>, vector<16xf32>,
      %mul3A_819 = arith.mulf %get3A_818, %broadcast_in_dim3A_796 : vector<16xf32>
      %swap3A_820 = arith.constant 9 : i32
      %swap3A_821 = arith.index_cast %swap3A_820 : i32 to index
      %swap3A_822 = arith.constant 32 : index
      %swap3A_823 = tpu.vector_load %arg11[%swap3A_821, %swap3A_822] {strides = array<i32>} : memref<32x128xf32, #tpu.memory_space<vmem>>, vector<16xf32>,
      tpu.vector_store %arg11[%swap3A_821, %swap3A_822], %mul3A_819 {strides = array<i32>} : memref<32x128xf32, #tpu.memory_space<vmem>>, vector<16xf32>,
      %get3A_824 = arith.constant 9 : i32
      %get3A_825 = arith.index_cast %get3A_824 : i32 to index
      %get3A_826 = arith.constant 48 : index
      %get3A_827 = tpu.vector_load %arg11[%get3A_825, %get3A_826] {strides = array<i32>} : memref<32x128xf32, #tpu.memory_space<vmem>>, vector<16xf32>,
      %mul3A_828 = arith.mulf %get3A_827, %broadcast_in_dim3A_796 : vector<16xf32>
      %swap3A_829 = arith.constant 9 : i32
      %swap3A_830 = arith.index_cast %swap3A_829 : i32 to index
      %swap3A_831 = arith.constant 48 : index
      %swap3A_832 = tpu.vector_load %arg11[%swap3A_830, %swap3A_831] {strides = array<i32>} : memref<32x128xf32, #tpu.memory_space<vmem>>, vector<16xf32>,
      tpu.vector_store %arg11[%swap3A_830, %swap3A_831], %mul3A_828 {strides = array<i32>} : memref<32x128xf32, #tpu.memory_space<vmem>>, vector<16xf32>,
      %get3A_833 = arith.constant 9 : i32
      %get3A_834 = arith.index_cast %get3A_833 : i32 to index
      %get3A_835 = arith.constant 64 : index
      %get3A_836 = tpu.vector_load %arg11[%get3A_834, %get3A_835] {strides = array<i32>} : memref<32x128xf32, #tpu.memory_space<vmem>>, vector<16xf32>,
      %mul3A_837 = arith.mulf %get3A_836, %broadcast_in_dim3A_796 : vector<16xf32>
      %swap3A_838 = arith.constant 9 : i32
      %swap3A_839 = arith.index_cast %swap3A_838 : i32 to index
      %swap3A_840 = arith.constant 64 : index
      %swap3A_841 = tpu.vector_load %arg11[%swap3A_839, %swap3A_840] {strides = array<i32>} : memref<32x128xf32, #tpu.memory_space<vmem>>, vector<16xf32>,
      tpu.vector_store %arg11[%swap3A_839, %swap3A_840], %mul3A_837 {strides = array<i32>} : memref<32x128xf32, #tpu.memory_space<vmem>>, vector<16xf32>,
      %get3A_842 = arith.constant 9 : i32
      %get3A_843 = arith.index_cast %get3A_842 : i32 to index
      %get3A_844 = arith.constant 80 : index
      %get3A_845 = tpu.vector_load %arg11[%get3A_843, %get3A_844] {strides = array<i32>} : memref<32x128xf32, #tpu.memory_space<vmem>>, vector<16xf32>,
      %mul3A_846 = arith.mulf %get3A_845, %broadcast_in_dim3A_796 : vector<16xf32>
      %swap3A_847 = arith.constant 9 : i32
      %swap3A_848 = arith.index_cast %swap3A_847 : i32 to index
      %swap3A_849 = arith.constant 80 : index
      %swap3A_850 = tpu.vector_load %arg11[%swap3A_848, %swap3A_849] {strides = array<i32>} : memref<32x128xf32, #tpu.memory_space<vmem>>, vector<16xf32>,
      tpu.vector_store %arg11[%swap3A_848, %swap3A_849], %mul3A_846 {strides = array<i32>} : memref<32x128xf32, #tpu.memory_space<vmem>>, vector<16xf32>,
      %get3A_851 = arith.constant 9 : i32
      %get3A_852 = arith.index_cast %get3A_851 : i32 to index
      %get3A_853 = arith.constant 96 : index
      %get3A_854 = tpu.vector_load %arg11[%get3A_852, %get3A_853] {strides = array<i32>} : memref<32x128xf32, #tpu.memory_space<vmem>>, vector<16xf32>,
      %mul3A_855 = arith.mulf %get3A_854, %broadcast_in_dim3A_796 : vector<16xf32>
      %swap3A_856 = arith.constant 9 : i32
      %swap3A_857 = arith.index_cast %swap3A_856 : i32 to index
      %swap3A_858 = arith.constant 96 : index
      %swap3A_859 = tpu.vector_load %arg11[%swap3A_857, %swap3A_858] {strides = array<i32>} : memref<32x128xf32, #tpu.memory_space<vmem>>, vector<16xf32>,
      tpu.vector_store %arg11[%swap3A_857, %swap3A_858], %mul3A_855 {strides = array<i32>} : memref<32x128xf32, #tpu.memory_space<vmem>>, vector<16xf32>,
      %get3A_860 = arith.constant 9 : i32
      %get3A_861 = arith.index_cast %get3A_860 : i32 to index
      %get3A_862 = arith.constant 112 : index
      %get3A_863 = tpu.vector_load %arg11[%get3A_861, %get3A_862] {strides = array<i32>} : memref<32x128xf32, #tpu.memory_space<vmem>>, vector<16xf32>,
      %mul3A_864 = arith.mulf %get3A_863, %broadcast_in_dim3A_796 : vector<16xf32>
      %swap3A_865 = arith.constant 9 : i32
      %swap3A_866 = arith.index_cast %swap3A_865 : i32 to index
      %swap3A_867 = arith.constant 112 : index
      %swap3A_868 = tpu.vector_load %arg11[%swap3A_866, %swap3A_867] {strides = array<i32>} : memref<32x128xf32, #tpu.memory_space<vmem>>, vector<16xf32>,
      tpu.vector_store %arg11[%swap3A_866, %swap3A_867], %mul3A_864 {strides = array<i32>} : memref<32x128xf32, #tpu.memory_space<vmem>>, vector<16xf32>,
      %slice3A_869 = vector.extract_strided_slice %neg3A_120 {offsets = [10], sizes = [1], strides = [1]} : vector<16xf32> to vector<1xf32>
      %squeeze3A_870 = vector.extract %slice3A_869[0] : f32 from vector<1xf32>
      %broadcast_in_dim3A_871 = vector.broadcast %squeeze3A_870 : f32 to vector<16xf32>
      %get3A_872 = arith.constant 10 : i32
      %get3A_873 = arith.index_cast %get3A_872 : i32 to index
      %get3A_874 = arith.constant 0 : index
      %get3A_875 = tpu.vector_load %arg11[%get3A_873, %get3A_874] {strides = array<i32>} : memref<32x128xf32, #tpu.memory_space<vmem>>, vector<16xf32>,
      %mul3A_876 = arith.mulf %get3A_875, %broadcast_in_dim3A_871 : vector<16xf32>
      %swap3A_877 = arith.constant 10 : i32
      %swap3A_878 = arith.index_cast %swap3A_877 : i32 to index
      %swap3A_879 = arith.constant 0 : index
      %swap3A_880 = tpu.vector_load %arg11[%swap3A_878, %swap3A_879] {strides = array<i32>} : memref<32x128xf32, #tpu.memory_space<vmem>>, vector<16xf32>,
      tpu.vector_store %arg11[%swap3A_878, %swap3A_879], %mul3A_876 {strides = array<i32>} : memref<32x128xf32, #tpu.memory_space<vmem>>, vector<16xf32>,
      %get3A_881 = arith.constant 10 : i32
      %get3A_882 = arith.index_cast %get3A_881 : i32 to index
      %get3A_883 = arith.constant 16 : index
      %get3A_884 = tpu.vector_load %arg11[%get3A_882, %get3A_883] {strides = array<i32>} : memref<32x128xf32, #tpu.memory_space<vmem>>, vector<16xf32>,
      %mul3A_885 = arith.mulf %get3A_884, %broadcast_in_dim3A_871 : vector<16xf32>
      %swap3A_886 = arith.constant 10 : i32
      %swap3A_887 = arith.index_cast %swap3A_886 : i32 to index
      %swap3A_888 = arith.constant 16 : index
      %swap3A_889 = tpu.vector_load %arg11[%swap3A_887, %swap3A_888] {strides = array<i32>} : memref<32x128xf32, #tpu.memory_space<vmem>>, vector<16xf32>,
      tpu.vector_store %arg11[%swap3A_887, %swap3A_888], %mul3A_885 {strides = array<i32>} : memref<32x128xf32, #tpu.memory_space<vmem>>, vector<16xf32>,
      %get3A_890 = arith.constant 10 : i32
      %get3A_891 = arith.index_cast %get3A_890 : i32 to index
      %get3A_892 = arith.constant 32 : index
      %get3A_893 = tpu.vector_load %arg11[%get3A_891, %get3A_892] {strides = array<i32>} : memref<32x128xf32, #tpu.memory_space<vmem>>, vector<16xf32>,
      %mul3A_894 = arith.mulf %get3A_893, %broadcast_in_dim3A_871 : vector<16xf32>
      %swap3A_895 = arith.constant 10 : i32
      %swap3A_896 = arith.index_cast %swap3A_895 : i32 to index
      %swap3A_897 = arith.constant 32 : index
      %swap3A_898 = tpu.vector_load %arg11[%swap3A_896, %swap3A_897] {strides = array<i32>} : memref<32x128xf32, #tpu.memory_space<vmem>>, vector<16xf32>,
      tpu.vector_store %arg11[%swap3A_896, %swap3A_897], %mul3A_894 {strides = array<i32>} : memref<32x128xf32, #tpu.memory_space<vmem>>, vector<16xf32>,
      %get3A_899 = arith.constant 10 : i32
      %get3A_900 = arith.index_cast %get3A_899 : i32 to index
      %get3A_901 = arith.constant 48 : index
      %get3A_902 = tpu.vector_load %arg11[%get3A_900, %get3A_901] {strides = array<i32>} : memref<32x128xf32, #tpu.memory_space<vmem>>, vector<16xf32>,
      %mul3A_903 = arith.mulf %get3A_902, %broadcast_in_dim3A_871 : vector<16xf32>
      %swap3A_904 = arith.constant 10 : i32
      %swap3A_905 = arith.index_cast %swap3A_904 : i32 to index
      %swap3A_906 = arith.constant 48 : index
      %swap3A_907 = tpu.vector_load %arg11[%swap3A_905, %swap3A_906] {strides = array<i32>} : memref<32x128xf32, #tpu.memory_space<vmem>>, vector<16xf32>,
      tpu.vector_store %arg11[%swap3A_905, %swap3A_906], %mul3A_903 {strides = array<i32>} : memref<32x128xf32, #tpu.memory_space<vmem>>, vector<16xf32>,
      %get3A_908 = arith.constant 10 : i32
      %get3A_909 = arith.index_cast %get3A_908 : i32 to index
      %get3A_910 = arith.constant 64 : index
      %get3A_911 = tpu.vector_load %arg11[%get3A_909, %get3A_910] {strides = array<i32>} : memref<32x128xf32, #tpu.memory_space<vmem>>, vector<16xf32>,
      %mul3A_912 = arith.mulf %get3A_911, %broadcast_in_dim3A_871 : vector<16xf32>
      %swap3A_913 = arith.constant 10 : i32
      %swap3A_914 = arith.index_cast %swap3A_913 : i32 to index
      %swap3A_915 = arith.constant 64 : index
      %swap3A_916 = tpu.vector_load %arg11[%swap3A_914, %swap3A_915] {strides = array<i32>} : memref<32x128xf32, #tpu.memory_space<vmem>>, vector<16xf32>,
      tpu.vector_store %arg11[%swap3A_914, %swap3A_915], %mul3A_912 {strides = array<i32>} : memref<32x128xf32, #tpu.memory_space<vmem>>, vector<16xf32>,
      %get3A_917 = arith.constant 10 : i32
      %get3A_918 = arith.index_cast %get3A_917 : i32 to index
      %get3A_919 = arith.constant 80 : index
      %get3A_920 = tpu.vector_load %arg11[%get3A_918, %get3A_919] {strides = array<i32>} : memref<32x128xf32, #tpu.memory_space<vmem>>, vector<16xf32>,
      %mul3A_921 = arith.mulf %get3A_920, %broadcast_in_dim3A_871 : vector<16xf32>
      %swap3A_922 = arith.constant 10 : i32
      %swap3A_923 = arith.index_cast %swap3A_922 : i32 to index
      %swap3A_924 = arith.constant 80 : index
      %swap3A_925 = tpu.vector_load %arg11[%swap3A_923, %swap3A_924] {strides = array<i32>} : memref<32x128xf32, #tpu.memory_space<vmem>>, vector<16xf32>,
      tpu.vector_store %arg11[%swap3A_923, %swap3A_924], %mul3A_921 {strides = array<i32>} : memref<32x128xf32, #tpu.memory_space<vmem>>, vector<16xf32>,
      %get3A_926 = arith.constant 10 : i32
      %get3A_927 = arith.index_cast %get3A_926 : i32 to index
      %get3A_928 = arith.constant 96 : index
      %get3A_929 = tpu.vector_load %arg11[%get3A_927, %get3A_928] {strides = array<i32>} : memref<32x128xf32, #tpu.memory_space<vmem>>, vector<16xf32>,
      %mul3A_930 = arith.mulf %get3A_929, %broadcast_in_dim3A_871 : vector<16xf32>
      %swap3A_931 = arith.constant 10 : i32
      %swap3A_932 = arith.index_cast %swap3A_931 : i32 to index
      %swap3A_933 = arith.constant 96 : index
      %swap3A_934 = tpu.vector_load %arg11[%swap3A_932, %swap3A_933] {strides = array<i32>} : memref<32x128xf32, #tpu.memory_space<vmem>>, vector<16xf32>,
      tpu.vector_store %arg11[%swap3A_932, %swap3A_933], %mul3A_930 {strides = array<i32>} : memref<32x128xf32, #tpu.memory_space<vmem>>, vector<16xf32>,
      %get3A_935 = arith.constant 10 : i32
      %get3A_936 = arith.index_cast %get3A_935 : i32 to index
      %get3A_937 = arith.constant 112 : index
      %get3A_938 = tpu.vector_load %arg11[%get3A_936, %get3A_937] {strides = array<i32>} : memref<32x128xf32, #tpu.memory_space<vmem>>, vector<16xf32>,
      %mul3A_939 = arith.mulf %get3A_938, %broadcast_in_dim3A_871 : vector<16xf32>
      %swap3A_940 = arith.constant 10 : i32
      %swap3A_941 = arith.index_cast %swap3A_940 : i32 to index
      %swap3A_942 = arith.constant 112 : index
      %swap3A_943 = tpu.vector_load %arg11[%swap3A_941, %swap3A_942] {strides = array<i32>} : memref<32x128xf32, #tpu.memory_space<vmem>>, vector<16xf32>,
      tpu.vector_store %arg11[%swap3A_941, %swap3A_942], %mul3A_939 {strides = array<i32>} : memref<32x128xf32, #tpu.memory_space<vmem>>, vector<16xf32>,
      %slice3A_944 = vector.extract_strided_slice %neg3A_120 {offsets = [11], sizes = [1], strides = [1]} : vector<16xf32> to vector<1xf32>
      %squeeze3A_945 = vector.extract %slice3A_944[0] : f32 from vector<1xf32>
      %broadcast_in_dim3A_946 = vector.broadcast %squeeze3A_945 : f32 to vector<16xf32>
      %get3A_947 = arith.constant 11 : i32
      %get3A_948 = arith.index_cast %get3A_947 : i32 to index
      %get3A_949 = arith.constant 0 : index
      %get3A_950 = tpu.vector_load %arg11[%get3A_948, %get3A_949] {strides = array<i32>} : memref<32x128xf32, #tpu.memory_space<vmem>>, vector<16xf32>,
      %mul3A_951 = arith.mulf %get3A_950, %broadcast_in_dim3A_946 : vector<16xf32>
      %swap3A_952 = arith.constant 11 : i32
      %swap3A_953 = arith.index_cast %swap3A_952 : i32 to index
      %swap3A_954 = arith.constant 0 : index
      %swap3A_955 = tpu.vector_load %arg11[%swap3A_953, %swap3A_954] {strides = array<i32>} : memref<32x128xf32, #tpu.memory_space<vmem>>, vector<16xf32>,
      tpu.vector_store %arg11[%swap3A_953, %swap3A_954], %mul3A_951 {strides = array<i32>} : memref<32x128xf32, #tpu.memory_space<vmem>>, vector<16xf32>,
      %get3A_956 = arith.constant 11 : i32
      %get3A_957 = arith.index_cast %get3A_956 : i32 to index
      %get3A_958 = arith.constant 16 : index
      %get3A_959 = tpu.vector_load %arg11[%get3A_957, %get3A_958] {strides = array<i32>} : memref<32x128xf32, #tpu.memory_space<vmem>>, vector<16xf32>,
      %mul3A_960 = arith.mulf %get3A_959, %broadcast_in_dim3A_946 : vector<16xf32>
      %swap3A_961 = arith.constant 11 : i32
      %swap3A_962 = arith.index_cast %swap3A_961 : i32 to index
      %swap3A_963 = arith.constant 16 : index
      %swap3A_964 = tpu.vector_load %arg11[%swap3A_962, %swap3A_963] {strides = array<i32>} : memref<32x128xf32, #tpu.memory_space<vmem>>, vector<16xf32>,
      tpu.vector_store %arg11[%swap3A_962, %swap3A_963], %mul3A_960 {strides = array<i32>} : memref<32x128xf32, #tpu.memory_space<vmem>>, vector<16xf32>,
      %get3A_965 = arith.constant 11 : i32
      %get3A_966 = arith.index_cast %get3A_965 : i32 to index
      %get3A_967 = arith.constant 32 : index
      %get3A_968 = tpu.vector_load %arg11[%get3A_966, %get3A_967] {strides = array<i32>} : memref<32x128xf32, #tpu.memory_space<vmem>>, vector<16xf32>,
      %mul3A_969 = arith.mulf %get3A_968, %broadcast_in_dim3A_946 : vector<16xf32>
      %swap3A_970 = arith.constant 11 : i32
      %swap3A_971 = arith.index_cast %swap3A_970 : i32 to index
      %swap3A_972 = arith.constant 32 : index
      %swap3A_973 = tpu.vector_load %arg11[%swap3A_971, %swap3A_972] {strides = array<i32>} : memref<32x128xf32, #tpu.memory_space<vmem>>, vector<16xf32>,
      tpu.vector_store %arg11[%swap3A_971, %swap3A_972], %mul3A_969 {strides = array<i32>} : memref<32x128xf32, #tpu.memory_space<vmem>>, vector<16xf32>,
      %get3A_974 = arith.constant 11 : i32
      %get3A_975 = arith.index_cast %get3A_974 : i32 to index
      %get3A_976 = arith.constant 48 : index
      %get3A_977 = tpu.vector_load %arg11[%get3A_975, %get3A_976] {strides = array<i32>} : memref<32x128xf32, #tpu.memory_space<vmem>>, vector<16xf32>,
      %mul3A_978 = arith.mulf %get3A_977, %broadcast_in_dim3A_946 : vector<16xf32>
      %swap3A_979 = arith.constant 11 : i32
      %swap3A_980 = arith.index_cast %swap3A_979 : i32 to index
      %swap3A_981 = arith.constant 48 : index
      %swap3A_982 = tpu.vector_load %arg11[%swap3A_980, %swap3A_981] {strides = array<i32>} : memref<32x128xf32, #tpu.memory_space<vmem>>, vector<16xf32>,
      tpu.vector_store %arg11[%swap3A_980, %swap3A_981], %mul3A_978 {strides = array<i32>} : memref<32x128xf32, #tpu.memory_space<vmem>>, vector<16xf32>,
      %get3A_983 = arith.constant 11 : i32
      %get3A_984 = arith.index_cast %get3A_983 : i32 to index
      %get3A_985 = arith.constant 64 : index
      %get3A_986 = tpu.vector_load %arg11[%get3A_984, %get3A_985] {strides = array<i32>} : memref<32x128xf32, #tpu.memory_space<vmem>>, vector<16xf32>,
      %mul3A_987 = arith.mulf %get3A_986, %broadcast_in_dim3A_946 : vector<16xf32>
      %swap3A_988 = arith.constant 11 : i32
      %swap3A_989 = arith.index_cast %swap3A_988 : i32 to index
      %swap3A_990 = arith.constant 64 : index
      %swap3A_991 = tpu.vector_load %arg11[%swap3A_989, %swap3A_990] {strides = array<i32>} : memref<32x128xf32, #tpu.memory_space<vmem>>, vector<16xf32>,
      tpu.vector_store %arg11[%swap3A_989, %swap3A_990], %mul3A_987 {strides = array<i32>} : memref<32x128xf32, #tpu.memory_space<vmem>>, vector<16xf32>,
      %get3A_992 = arith.constant 11 : i32
      %get3A_993 = arith.index_cast %get3A_992 : i32 to index
      %get3A_994 = arith.constant 80 : index
      %get3A_995 = tpu.vector_load %arg11[%get3A_993, %get3A_994] {strides = array<i32>} : memref<32x128xf32, #tpu.memory_space<vmem>>, vector<16xf32>,
      %mul3A_996 = arith.mulf %get3A_995, %broadcast_in_dim3A_946 : vector<16xf32>
      %swap3A_997 = arith.constant 11 : i32
      %swap3A_998 = arith.index_cast %swap3A_997 : i32 to index
      %swap3A_999 = arith.constant 80 : index
      %swap3A_1000 = tpu.vector_load %arg11[%swap3A_998, %swap3A_999] {strides = array<i32>} : memref<32x128xf32, #tpu.memory_space<vmem>>, vector<16xf32>,
      tpu.vector_store %arg11[%swap3A_998, %swap3A_999], %mul3A_996 {strides = array<i32>} : memref<32x128xf32, #tpu.memory_space<vmem>>, vector<16xf32>,
      %get3A_1001 = arith.constant 11 : i32
      %get3A_1002 = arith.index_cast %get3A_1001 : i32 to index
      %get3A_1003 = arith.constant 96 : index
      %get3A_1004 = tpu.vector_load %arg11[%get3A_1002, %get3A_1003] {strides = array<i32>} : memref<32x128xf32, #tpu.memory_space<vmem>>, vector<16xf32>,
      %mul3A_1005 = arith.mulf %get3A_1004, %broadcast_in_dim3A_946 : vector<16xf32>
      %swap3A_1006 = arith.constant 11 : i32
      %swap3A_1007 = arith.index_cast %swap3A_1006 : i32 to index
      %swap3A_1008 = arith.constant 96 : index
      %swap3A_1009 = tpu.vector_load %arg11[%swap3A_1007, %swap3A_1008] {strides = array<i32>} : memref<32x128xf32, #tpu.memory_space<vmem>>, vector<16xf32>,
      tpu.vector_store %arg11[%swap3A_1007, %swap3A_1008], %mul3A_1005 {strides = array<i32>} : memref<32x128xf32, #tpu.memory_space<vmem>>, vector<16xf32>,
      %get3A_1010 = arith.constant 11 : i32
      %get3A_1011 = arith.index_cast %get3A_1010 : i32 to index
      %get3A_1012 = arith.constant 112 : index
      %get3A_1013 = tpu.vector_load %arg11[%get3A_1011, %get3A_1012] {strides = array<i32>} : memref<32x128xf32, #tpu.memory_space<vmem>>, vector<16xf32>,
      %mul3A_1014 = arith.mulf %get3A_1013, %broadcast_in_dim3A_946 : vector<16xf32>
      %swap3A_1015 = arith.constant 11 : i32
      %swap3A_1016 = arith.index_cast %swap3A_1015 : i32 to index
      %swap3A_1017 = arith.constant 112 : index
      %swap3A_1018 = tpu.vector_load %arg11[%swap3A_1016, %swap3A_1017] {strides = array<i32>} : memref<32x128xf32, #tpu.memory_space<vmem>>, vector<16xf32>,
      tpu.vector_store %arg11[%swap3A_1016, %swap3A_1017], %mul3A_1014 {strides = array<i32>} : memref<32x128xf32, #tpu.memory_space<vmem>>, vector<16xf32>,
      %slice3A_1019 = vector.extract_strided_slice %neg3A_120 {offsets = [12], sizes = [1], strides = [1]} : vector<16xf32> to vector<1xf32>
      %squeeze3A_1020 = vector.extract %slice3A_1019[0] : f32 from vector<1xf32>
      %broadcast_in_dim3A_1021 = vector.broadcast %squeeze3A_1020 : f32 to vector<16xf32>
      %get3A_1022 = arith.constant 12 : i32
      %get3A_1023 = arith.index_cast %get3A_1022 : i32 to index
      %get3A_1024 = arith.constant 0 : index
      %get3A_1025 = tpu.vector_load %arg11[%get3A_1023, %get3A_1024] {strides = array<i32>} : memref<32x128xf32, #tpu.memory_space<vmem>>, vector<16xf32>,
      %mul3A_1026 = arith.mulf %get3A_1025, %broadcast_in_dim3A_1021 : vector<16xf32>
      %swap3A_1027 = arith.constant 12 : i32
      %swap3A_1028 = arith.index_cast %swap3A_1027 : i32 to index
      %swap3A_1029 = arith.constant 0 : index
      %swap3A_1030 = tpu.vector_load %arg11[%swap3A_1028, %swap3A_1029] {strides = array<i32>} : memref<32x128xf32, #tpu.memory_space<vmem>>, vector<16xf32>,
      tpu.vector_store %arg11[%swap3A_1028, %swap3A_1029], %mul3A_1026 {strides = array<i32>} : memref<32x128xf32, #tpu.memory_space<vmem>>, vector<16xf32>,
      %get3A_1031 = arith.constant 12 : i32
      %get3A_1032 = arith.index_cast %get3A_1031 : i32 to index
      %get3A_1033 = arith.constant 16 : index
      %get3A_1034 = tpu.vector_load %arg11[%get3A_1032, %get3A_1033] {strides = array<i32>} : memref<32x128xf32, #tpu.memory_space<vmem>>, vector<16xf32>,
      %mul3A_1035 = arith.mulf %get3A_1034, %broadcast_in_dim3A_1021 : vector<16xf32>
      %swap3A_1036 = arith.constant 12 : i32
      %swap3A_1037 = arith.index_cast %swap3A_1036 : i32 to index
      %swap3A_1038 = arith.constant 16 : index
      %swap3A_1039 = tpu.vector_load %arg11[%swap3A_1037, %swap3A_1038] {strides = array<i32>} : memref<32x128xf32, #tpu.memory_space<vmem>>, vector<16xf32>,
      tpu.vector_store %arg11[%swap3A_1037, %swap3A_1038], %mul3A_1035 {strides = array<i32>} : memref<32x128xf32, #tpu.memory_space<vmem>>, vector<16xf32>,
      %get3A_1040 = arith.constant 12 : i32
      %get3A_1041 = arith.index_cast %get3A_1040 : i32 to index
      %get3A_1042 = arith.constant 32 : index
      %get3A_1043 = tpu.vector_load %arg11[%get3A_1041, %get3A_1042] {strides = array<i32>} : memref<32x128xf32, #tpu.memory_space<vmem>>, vector<16xf32>,
      %mul3A_1044 = arith.mulf %get3A_1043, %broadcast_in_dim3A_1021 : vector<16xf32>
      %swap3A_1045 = arith.constant 12 : i32
      %swap3A_1046 = arith.index_cast %swap3A_1045 : i32 to index
      %swap3A_1047 = arith.constant 32 : index
      %swap3A_1048 = tpu.vector_load %arg11[%swap3A_1046, %swap3A_1047] {strides = array<i32>} : memref<32x128xf32, #tpu.memory_space<vmem>>, vector<16xf32>,
      tpu.vector_store %arg11[%swap3A_1046, %swap3A_1047], %mul3A_1044 {strides = array<i32>} : memref<32x128xf32, #tpu.memory_space<vmem>>, vector<16xf32>,
      %get3A_1049 = arith.constant 12 : i32
      %get3A_1050 = arith.index_cast %get3A_1049 : i32 to index
      %get3A_1051 = arith.constant 48 : index
      %get3A_1052 = tpu.vector_load %arg11[%get3A_1050, %get3A_1051] {strides = array<i32>} : memref<32x128xf32, #tpu.memory_space<vmem>>, vector<16xf32>,
      %mul3A_1053 = arith.mulf %get3A_1052, %broadcast_in_dim3A_1021 : vector<16xf32>
      %swap3A_1054 = arith.constant 12 : i32
      %swap3A_1055 = arith.index_cast %swap3A_1054 : i32 to index
      %swap3A_1056 = arith.constant 48 : index
      %swap3A_1057 = tpu.vector_load %arg11[%swap3A_1055, %swap3A_1056] {strides = array<i32>} : memref<32x128xf32, #tpu.memory_space<vmem>>, vector<16xf32>,
      tpu.vector_store %arg11[%swap3A_1055, %swap3A_1056], %mul3A_1053 {strides = array<i32>} : memref<32x128xf32, #tpu.memory_space<vmem>>, vector<16xf32>,
      %get3A_1058 = arith.constant 12 : i32
      %get3A_1059 = arith.index_cast %get3A_1058 : i32 to index
      %get3A_1060 = arith.constant 64 : index
      %get3A_1061 = tpu.vector_load %arg11[%get3A_1059, %get3A_1060] {strides = array<i32>} : memref<32x128xf32, #tpu.memory_space<vmem>>, vector<16xf32>,
      %mul3A_1062 = arith.mulf %get3A_1061, %broadcast_in_dim3A_1021 : vector<16xf32>
      %swap3A_1063 = arith.constant 12 : i32
      %swap3A_1064 = arith.index_cast %swap3A_1063 : i32 to index
      %swap3A_1065 = arith.constant 64 : index
      %swap3A_1066 = tpu.vector_load %arg11[%swap3A_1064, %swap3A_1065] {strides = array<i32>} : memref<32x128xf32, #tpu.memory_space<vmem>>, vector<16xf32>,
      tpu.vector_store %arg11[%swap3A_1064, %swap3A_1065], %mul3A_1062 {strides = array<i32>} : memref<32x128xf32, #tpu.memory_space<vmem>>, vector<16xf32>,
      %get3A_1067 = arith.constant 12 : i32
      %get3A_1068 = arith.index_cast %get3A_1067 : i32 to index
      %get3A_1069 = arith.constant 80 : index
      %get3A_1070 = tpu.vector_load %arg11[%get3A_1068, %get3A_1069] {strides = array<i32>} : memref<32x128xf32, #tpu.memory_space<vmem>>, vector<16xf32>,
      %mul3A_1071 = arith.mulf %get3A_1070, %broadcast_in_dim3A_1021 : vector<16xf32>
      %swap3A_1072 = arith.constant 12 : i32
      %swap3A_1073 = arith.index_cast %swap3A_1072 : i32 to index
      %swap3A_1074 = arith.constant 80 : index
      %swap3A_1075 = tpu.vector_load %arg11[%swap3A_1073, %swap3A_1074] {strides = array<i32>} : memref<32x128xf32, #tpu.memory_space<vmem>>, vector<16xf32>,
      tpu.vector_store %arg11[%swap3A_1073, %swap3A_1074], %mul3A_1071 {strides = array<i32>} : memref<32x128xf32, #tpu.memory_space<vmem>>, vector<16xf32>,
      %get3A_1076 = arith.constant 12 : i32
      %get3A_1077 = arith.index_cast %get3A_1076 : i32 to index
      %get3A_1078 = arith.constant 96 : index
      %get3A_1079 = tpu.vector_load %arg11[%get3A_1077, %get3A_1078] {strides = array<i32>} : memref<32x128xf32, #tpu.memory_space<vmem>>, vector<16xf32>,
      %mul3A_1080 = arith.mulf %get3A_1079, %broadcast_in_dim3A_1021 : vector<16xf32>
      %swap3A_1081 = arith.constant 12 : i32
      %swap3A_1082 = arith.index_cast %swap3A_1081 : i32 to index
      %swap3A_1083 = arith.constant 96 : index
      %swap3A_1084 = tpu.vector_load %arg11[%swap3A_1082, %swap3A_1083] {strides = array<i32>} : memref<32x128xf32, #tpu.memory_space<vmem>>, vector<16xf32>,
      tpu.vector_store %arg11[%swap3A_1082, %swap3A_1083], %mul3A_1080 {strides = array<i32>} : memref<32x128xf32, #tpu.memory_space<vmem>>, vector<16xf32>,
      %get3A_1085 = arith.constant 12 : i32
      %get3A_1086 = arith.index_cast %get3A_1085 : i32 to index
      %get3A_1087 = arith.constant 112 : index
      %get3A_1088 = tpu.vector_load %arg11[%get3A_1086, %get3A_1087] {strides = array<i32>} : memref<32x128xf32, #tpu.memory_space<vmem>>, vector<16xf32>,
      %mul3A_1089 = arith.mulf %get3A_1088, %broadcast_in_dim3A_1021 : vector<16xf32>
      %swap3A_1090 = arith.constant 12 : i32
      %swap3A_1091 = arith.index_cast %swap3A_1090 : i32 to index
      %swap3A_1092 = arith.constant 112 : index
      %swap3A_1093 = tpu.vector_load %arg11[%swap3A_1091, %swap3A_1092] {strides = array<i32>} : memref<32x128xf32, #tpu.memory_space<vmem>>, vector<16xf32>,
      tpu.vector_store %arg11[%swap3A_1091, %swap3A_1092], %mul3A_1089 {strides = array<i32>} : memref<32x128xf32, #tpu.memory_space<vmem>>, vector<16xf32>,
      %slice3A_1094 = vector.extract_strided_slice %neg3A_120 {offsets = [13], sizes = [1], strides = [1]} : vector<16xf32> to vector<1xf32>
      %squeeze3A_1095 = vector.extract %slice3A_1094[0] : f32 from vector<1xf32>
      %broadcast_in_dim3A_1096 = vector.broadcast %squeeze3A_1095 : f32 to vector<16xf32>
      %get3A_1097 = arith.constant 13 : i32
      %get3A_1098 = arith.index_cast %get3A_1097 : i32 to index
      %get3A_1099 = arith.constant 0 : index
      %get3A_1100 = tpu.vector_load %arg11[%get3A_1098, %get3A_1099] {strides = array<i32>} : memref<32x128xf32, #tpu.memory_space<vmem>>, vector<16xf32>,
      %mul3A_1101 = arith.mulf %get3A_1100, %broadcast_in_dim3A_1096 : vector<16xf32>
      %swap3A_1102 = arith.constant 13 : i32
      %swap3A_1103 = arith.index_cast %swap3A_1102 : i32 to index
      %swap3A_1104 = arith.constant 0 : index
      %swap3A_1105 = tpu.vector_load %arg11[%swap3A_1103, %swap3A_1104] {strides = array<i32>} : memref<32x128xf32, #tpu.memory_space<vmem>>, vector<16xf32>,
      tpu.vector_store %arg11[%swap3A_1103, %swap3A_1104], %mul3A_1101 {strides = array<i32>} : memref<32x128xf32, #tpu.memory_space<vmem>>, vector<16xf32>,
      %get3A_1106 = arith.constant 13 : i32
      %get3A_1107 = arith.index_cast %get3A_1106 : i32 to index
      %get3A_1108 = arith.constant 16 : index
      %get3A_1109 = tpu.vector_load %arg11[%get3A_1107, %get3A_1108] {strides = array<i32>} : memref<32x128xf32, #tpu.memory_space<vmem>>, vector<16xf32>,
      %mul3A_1110 = arith.mulf %get3A_1109, %broadcast_in_dim3A_1096 : vector<16xf32>
      %swap3A_1111 = arith.constant 13 : i32
      %swap3A_1112 = arith.index_cast %swap3A_1111 : i32 to index
      %swap3A_1113 = arith.constant 16 : index
      %swap3A_1114 = tpu.vector_load %arg11[%swap3A_1112, %swap3A_1113] {strides = array<i32>} : memref<32x128xf32, #tpu.memory_space<vmem>>, vector<16xf32>,
      tpu.vector_store %arg11[%swap3A_1112, %swap3A_1113], %mul3A_1110 {strides = array<i32>} : memref<32x128xf32, #tpu.memory_space<vmem>>, vector<16xf32>,
      %get3A_1115 = arith.constant 13 : i32
      %get3A_1116 = arith.index_cast %get3A_1115 : i32 to index
      %get3A_1117 = arith.constant 32 : index
      %get3A_1118 = tpu.vector_load %arg11[%get3A_1116, %get3A_1117] {strides = array<i32>} : memref<32x128xf32, #tpu.memory_space<vmem>>, vector<16xf32>,
      %mul3A_1119 = arith.mulf %get3A_1118, %broadcast_in_dim3A_1096 : vector<16xf32>
      %swap3A_1120 = arith.constant 13 : i32
      %swap3A_1121 = arith.index_cast %swap3A_1120 : i32 to index
      %swap3A_1122 = arith.constant 32 : index
      %swap3A_1123 = tpu.vector_load %arg11[%swap3A_1121, %swap3A_1122] {strides = array<i32>} : memref<32x128xf32, #tpu.memory_space<vmem>>, vector<16xf32>,
      tpu.vector_store %arg11[%swap3A_1121, %swap3A_1122], %mul3A_1119 {strides = array<i32>} : memref<32x128xf32, #tpu.memory_space<vmem>>, vector<16xf32>,
      %get3A_1124 = arith.constant 13 : i32
      %get3A_1125 = arith.index_cast %get3A_1124 : i32 to index
      %get3A_1126 = arith.constant 48 : index
      %get3A_1127 = tpu.vector_load %arg11[%get3A_1125, %get3A_1126] {strides = array<i32>} : memref<32x128xf32, #tpu.memory_space<vmem>>, vector<16xf32>,
      %mul3A_1128 = arith.mulf %get3A_1127, %broadcast_in_dim3A_1096 : vector<16xf32>
      %swap3A_1129 = arith.constant 13 : i32
      %swap3A_1130 = arith.index_cast %swap3A_1129 : i32 to index
      %swap3A_1131 = arith.constant 48 : index
      %swap3A_1132 = tpu.vector_load %arg11[%swap3A_1130, %swap3A_1131] {strides = array<i32>} : memref<32x128xf32, #tpu.memory_space<vmem>>, vector<16xf32>,
      tpu.vector_store %arg11[%swap3A_1130, %swap3A_1131], %mul3A_1128 {strides = array<i32>} : memref<32x128xf32, #tpu.memory_space<vmem>>, vector<16xf32>,
      %get3A_1133 = arith.constant 13 : i32
      %get3A_1134 = arith.index_cast %get3A_1133 : i32 to index
      %get3A_1135 = arith.constant 64 : index
      %get3A_1136 = tpu.vector_load %arg11[%get3A_1134, %get3A_1135] {strides = array<i32>} : memref<32x128xf32, #tpu.memory_space<vmem>>, vector<16xf32>,
      %mul3A_1137 = arith.mulf %get3A_1136, %broadcast_in_dim3A_1096 : vector<16xf32>
      %swap3A_1138 = arith.constant 13 : i32
      %swap3A_1139 = arith.index_cast %swap3A_1138 : i32 to index
      %swap3A_1140 = arith.constant 64 : index
      %swap3A_1141 = tpu.vector_load %arg11[%swap3A_1139, %swap3A_1140] {strides = array<i32>} : memref<32x128xf32, #tpu.memory_space<vmem>>, vector<16xf32>,
      tpu.vector_store %arg11[%swap3A_1139, %swap3A_1140], %mul3A_1137 {strides = array<i32>} : memref<32x128xf32, #tpu.memory_space<vmem>>, vector<16xf32>,
      %get3A_1142 = arith.constant 13 : i32
      %get3A_1143 = arith.index_cast %get3A_1142 : i32 to index
      %get3A_1144 = arith.constant 80 : index
      %get3A_1145 = tpu.vector_load %arg11[%get3A_1143, %get3A_1144] {strides = array<i32>} : memref<32x128xf32, #tpu.memory_space<vmem>>, vector<16xf32>,
      %mul3A_1146 = arith.mulf %get3A_1145, %broadcast_in_dim3A_1096 : vector<16xf32>
      %swap3A_1147 = arith.constant 13 : i32
      %swap3A_1148 = arith.index_cast %swap3A_1147 : i32 to index
      %swap3A_1149 = arith.constant 80 : index
      %swap3A_1150 = tpu.vector_load %arg11[%swap3A_1148, %swap3A_1149] {strides = array<i32>} : memref<32x128xf32, #tpu.memory_space<vmem>>, vector<16xf32>,
      tpu.vector_store %arg11[%swap3A_1148, %swap3A_1149], %mul3A_1146 {strides = array<i32>} : memref<32x128xf32, #tpu.memory_space<vmem>>, vector<16xf32>,
      %get3A_1151 = arith.constant 13 : i32
      %get3A_1152 = arith.index_cast %get3A_1151 : i32 to index
      %get3A_1153 = arith.constant 96 : index
      %get3A_1154 = tpu.vector_load %arg11[%get3A_1152, %get3A_1153] {strides = array<i32>} : memref<32x128xf32, #tpu.memory_space<vmem>>, vector<16xf32>,
      %mul3A_1155 = arith.mulf %get3A_1154, %broadcast_in_dim3A_1096 : vector<16xf32>
      %swap3A_1156 = arith.constant 13 : i32
      %swap3A_1157 = arith.index_cast %swap3A_1156 : i32 to index
      %swap3A_1158 = arith.constant 96 : index
      %swap3A_1159 = tpu.vector_load %arg11[%swap3A_1157, %swap3A_1158] {strides = array<i32>} : memref<32x128xf32, #tpu.memory_space<vmem>>, vector<16xf32>,
      tpu.vector_store %arg11[%swap3A_1157, %swap3A_1158], %mul3A_1155 {strides = array<i32>} : memref<32x128xf32, #tpu.memory_space<vmem>>, vector<16xf32>,
      %get3A_1160 = arith.constant 13 : i32
      %get3A_1161 = arith.index_cast %get3A_1160 : i32 to index
      %get3A_1162 = arith.constant 112 : index
      %get3A_1163 = tpu.vector_load %arg11[%get3A_1161, %get3A_1162] {strides = array<i32>} : memref<32x128xf32, #tpu.memory_space<vmem>>, vector<16xf32>,
      %mul3A_1164 = arith.mulf %get3A_1163, %broadcast_in_dim3A_1096 : vector<16xf32>
      %swap3A_1165 = arith.constant 13 : i32
      %swap3A_1166 = arith.index_cast %swap3A_1165 : i32 to index
      %swap3A_1167 = arith.constant 112 : index
      %swap3A_1168 = tpu.vector_load %arg11[%swap3A_1166, %swap3A_1167] {strides = array<i32>} : memref<32x128xf32, #tpu.memory_space<vmem>>, vector<16xf32>,
      tpu.vector_store %arg11[%swap3A_1166, %swap3A_1167], %mul3A_1164 {strides = array<i32>} : memref<32x128xf32, #tpu.memory_space<vmem>>, vector<16xf32>,
      %slice3A_1169 = vector.extract_strided_slice %neg3A_120 {offsets = [14], sizes = [1], strides = [1]} : vector<16xf32> to vector<1xf32>
      %squeeze3A_1170 = vector.extract %slice3A_1169[0] : f32 from vector<1xf32>
      %broadcast_in_dim3A_1171 = vector.broadcast %squeeze3A_1170 : f32 to vector<16xf32>
      %get3A_1172 = arith.constant 14 : i32
      %get3A_1173 = arith.index_cast %get3A_1172 : i32 to index
      %get3A_1174 = arith.constant 0 : index
      %get3A_1175 = tpu.vector_load %arg11[%get3A_1173, %get3A_1174] {strides = array<i32>} : memref<32x128xf32, #tpu.memory_space<vmem>>, vector<16xf32>,
      %mul3A_1176 = arith.mulf %get3A_1175, %broadcast_in_dim3A_1171 : vector<16xf32>
      %swap3A_1177 = arith.constant 14 : i32
      %swap3A_1178 = arith.index_cast %swap3A_1177 : i32 to index
      %swap3A_1179 = arith.constant 0 : index
      %swap3A_1180 = tpu.vector_load %arg11[%swap3A_1178, %swap3A_1179] {strides = array<i32>} : memref<32x128xf32, #tpu.memory_space<vmem>>, vector<16xf32>,
      tpu.vector_store %arg11[%swap3A_1178, %swap3A_1179], %mul3A_1176 {strides = array<i32>} : memref<32x128xf32, #tpu.memory_space<vmem>>, vector<16xf32>,
      %get3A_1181 = arith.constant 14 : i32
      %get3A_1182 = arith.index_cast %get3A_1181 : i32 to index
      %get3A_1183 = arith.constant 16 : index
      %get3A_1184 = tpu.vector_load %arg11[%get3A_1182, %get3A_1183] {strides = array<i32>} : memref<32x128xf32, #tpu.memory_space<vmem>>, vector<16xf32>,
      %mul3A_1185 = arith.mulf %get3A_1184, %broadcast_in_dim3A_1171 : vector<16xf32>
      %swap3A_1186 = arith.constant 14 : i32
      %swap3A_1187 = arith.index_cast %swap3A_1186 : i32 to index
      %swap3A_1188 = arith.constant 16 : index
      %swap3A_1189 = tpu.vector_load %arg11[%swap3A_1187, %swap3A_1188] {strides = array<i32>} : memref<32x128xf32, #tpu.memory_space<vmem>>, vector<16xf32>,
      tpu.vector_store %arg11[%swap3A_1187, %swap3A_1188], %mul3A_1185 {strides = array<i32>} : memref<32x128xf32, #tpu.memory_space<vmem>>, vector<16xf32>,
      %get3A_1190 = arith.constant 14 : i32
      %get3A_1191 = arith.index_cast %get3A_1190 : i32 to index
      %get3A_1192 = arith.constant 32 : index
      %get3A_1193 = tpu.vector_load %arg11[%get3A_1191, %get3A_1192] {strides = array<i32>} : memref<32x128xf32, #tpu.memory_space<vmem>>, vector<16xf32>,
      %mul3A_1194 = arith.mulf %get3A_1193, %broadcast_in_dim3A_1171 : vector<16xf32>
      %swap3A_1195 = arith.constant 14 : i32
      %swap3A_1196 = arith.index_cast %swap3A_1195 : i32 to index
      %swap3A_1197 = arith.constant 32 : index
      %swap3A_1198 = tpu.vector_load %arg11[%swap3A_1196, %swap3A_1197] {strides = array<i32>} : memref<32x128xf32, #tpu.memory_space<vmem>>, vector<16xf32>,
      tpu.vector_store %arg11[%swap3A_1196, %swap3A_1197], %mul3A_1194 {strides = array<i32>} : memref<32x128xf32, #tpu.memory_space<vmem>>, vector<16xf32>,
      %get3A_1199 = arith.constant 14 : i32
      %get3A_1200 = arith.index_cast %get3A_1199 : i32 to index
      %get3A_1201 = arith.constant 48 : index
      %get3A_1202 = tpu.vector_load %arg11[%get3A_1200, %get3A_1201] {strides = array<i32>} : memref<32x128xf32, #tpu.memory_space<vmem>>, vector<16xf32>,
      %mul3A_1203 = arith.mulf %get3A_1202, %broadcast_in_dim3A_1171 : vector<16xf32>
      %swap3A_1204 = arith.constant 14 : i32
      %swap3A_1205 = arith.index_cast %swap3A_1204 : i32 to index
      %swap3A_1206 = arith.constant 48 : index
      %swap3A_1207 = tpu.vector_load %arg11[%swap3A_1205, %swap3A_1206] {strides = array<i32>} : memref<32x128xf32, #tpu.memory_space<vmem>>, vector<16xf32>,
      tpu.vector_store %arg11[%swap3A_1205, %swap3A_1206], %mul3A_1203 {strides = array<i32>} : memref<32x128xf32, #tpu.memory_space<vmem>>, vector<16xf32>,
      %get3A_1208 = arith.constant 14 : i32
      %get3A_1209 = arith.index_cast %get3A_1208 : i32 to index
      %get3A_1210 = arith.constant 64 : index
      %get3A_1211 = tpu.vector_load %arg11[%get3A_1209, %get3A_1210] {strides = array<i32>} : memref<32x128xf32, #tpu.memory_space<vmem>>, vector<16xf32>,
      %mul3A_1212 = arith.mulf %get3A_1211, %broadcast_in_dim3A_1171 : vector<16xf32>
      %swap3A_1213 = arith.constant 14 : i32
      %swap3A_1214 = arith.index_cast %swap3A_1213 : i32 to index
      %swap3A_1215 = arith.constant 64 : index
      %swap3A_1216 = tpu.vector_load %arg11[%swap3A_1214, %swap3A_1215] {strides = array<i32>} : memref<32x128xf32, #tpu.memory_space<vmem>>, vector<16xf32>,
      tpu.vector_store %arg11[%swap3A_1214, %swap3A_1215], %mul3A_1212 {strides = array<i32>} : memref<32x128xf32, #tpu.memory_space<vmem>>, vector<16xf32>,
      %get3A_1217 = arith.constant 14 : i32
      %get3A_1218 = arith.index_cast %get3A_1217 : i32 to index
      %get3A_1219 = arith.constant 80 : index
      %get3A_1220 = tpu.vector_load %arg11[%get3A_1218, %get3A_1219] {strides = array<i32>} : memref<32x128xf32, #tpu.memory_space<vmem>>, vector<16xf32>,
      %mul3A_1221 = arith.mulf %get3A_1220, %broadcast_in_dim3A_1171 : vector<16xf32>
      %swap3A_1222 = arith.constant 14 : i32
      %swap3A_1223 = arith.index_cast %swap3A_1222 : i32 to index
      %swap3A_1224 = arith.constant 80 : index
      %swap3A_1225 = tpu.vector_load %arg11[%swap3A_1223, %swap3A_1224] {strides = array<i32>} : memref<32x128xf32, #tpu.memory_space<vmem>>, vector<16xf32>,
      tpu.vector_store %arg11[%swap3A_1223, %swap3A_1224], %mul3A_1221 {strides = array<i32>} : memref<32x128xf32, #tpu.memory_space<vmem>>, vector<16xf32>,
      %get3A_1226 = arith.constant 14 : i32
      %get3A_1227 = arith.index_cast %get3A_1226 : i32 to index
      %get3A_1228 = arith.constant 96 : index
      %get3A_1229 = tpu.vector_load %arg11[%get3A_1227, %get3A_1228] {strides = array<i32>} : memref<32x128xf32, #tpu.memory_space<vmem>>, vector<16xf32>,
      %mul3A_1230 = arith.mulf %get3A_1229, %broadcast_in_dim3A_1171 : vector<16xf32>
      %swap3A_1231 = arith.constant 14 : i32
      %swap3A_1232 = arith.index_cast %swap3A_1231 : i32 to index
      %swap3A_1233 = arith.constant 96 : index
      %swap3A_1234 = tpu.vector_load %arg11[%swap3A_1232, %swap3A_1233] {strides = array<i32>} : memref<32x128xf32, #tpu.memory_space<vmem>>, vector<16xf32>,
      tpu.vector_store %arg11[%swap3A_1232, %swap3A_1233], %mul3A_1230 {strides = array<i32>} : memref<32x128xf32, #tpu.memory_space<vmem>>, vector<16xf32>,
      %get3A_1235 = arith.constant 14 : i32
      %get3A_1236 = arith.index_cast %get3A_1235 : i32 to index
      %get3A_1237 = arith.constant 112 : index
      %get3A_1238 = tpu.vector_load %arg11[%get3A_1236, %get3A_1237] {strides = array<i32>} : memref<32x128xf32, #tpu.memory_space<vmem>>, vector<16xf32>,
      %mul3A_1239 = arith.mulf %get3A_1238, %broadcast_in_dim3A_1171 : vector<16xf32>
      %swap3A_1240 = arith.constant 14 : i32
      %swap3A_1241 = arith.index_cast %swap3A_1240 : i32 to index
      %swap3A_1242 = arith.constant 112 : index
      %swap3A_1243 = tpu.vector_load %arg11[%swap3A_1241, %swap3A_1242] {strides = array<i32>} : memref<32x128xf32, #tpu.memory_space<vmem>>, vector<16xf32>,
      tpu.vector_store %arg11[%swap3A_1241, %swap3A_1242], %mul3A_1239 {strides = array<i32>} : memref<32x128xf32, #tpu.memory_space<vmem>>, vector<16xf32>,
      %slice3A_1244 = vector.extract_strided_slice %neg3A_120 {offsets = [15], sizes = [1], strides = [1]} : vector<16xf32> to vector<1xf32>
      %squeeze3A_1245 = vector.extract %slice3A_1244[0] : f32 from vector<1xf32>
      %broadcast_in_dim3A_1246 = vector.broadcast %squeeze3A_1245 : f32 to vector<16xf32>
      %get3A_1247 = arith.constant 15 : i32
      %get3A_1248 = arith.index_cast %get3A_1247 : i32 to index
      %get3A_1249 = arith.constant 0 : index
      %get3A_1250 = tpu.vector_load %arg11[%get3A_1248, %get3A_1249] {strides = array<i32>} : memref<32x128xf32, #tpu.memory_space<vmem>>, vector<16xf32>,
      %mul3A_1251 = arith.mulf %get3A_1250, %broadcast_in_dim3A_1246 : vector<16xf32>
      %swap3A_1252 = arith.constant 15 : i32
      %swap3A_1253 = arith.index_cast %swap3A_1252 : i32 to index
      %swap3A_1254 = arith.constant 0 : index
      %swap3A_1255 = tpu.vector_load %arg11[%swap3A_1253, %swap3A_1254] {strides = array<i32>} : memref<32x128xf32, #tpu.memory_space<vmem>>, vector<16xf32>,
      tpu.vector_store %arg11[%swap3A_1253, %swap3A_1254], %mul3A_1251 {strides = array<i32>} : memref<32x128xf32, #tpu.memory_space<vmem>>, vector<16xf32>,
      %get3A_1256 = arith.constant 15 : i32
      %get3A_1257 = arith.index_cast %get3A_1256 : i32 to index
      %get3A_1258 = arith.constant 16 : index
      %get3A_1259 = tpu.vector_load %arg11[%get3A_1257, %get3A_1258] {strides = array<i32>} : memref<32x128xf32, #tpu.memory_space<vmem>>, vector<16xf32>,
      %mul3A_1260 = arith.mulf %get3A_1259, %broadcast_in_dim3A_1246 : vector<16xf32>
      %swap3A_1261 = arith.constant 15 : i32
      %swap3A_1262 = arith.index_cast %swap3A_1261 : i32 to index
      %swap3A_1263 = arith.constant 16 : index
      %swap3A_1264 = tpu.vector_load %arg11[%swap3A_1262, %swap3A_1263] {strides = array<i32>} : memref<32x128xf32, #tpu.memory_space<vmem>>, vector<16xf32>,
      tpu.vector_store %arg11[%swap3A_1262, %swap3A_1263], %mul3A_1260 {strides = array<i32>} : memref<32x128xf32, #tpu.memory_space<vmem>>, vector<16xf32>,
      %get3A_1265 = arith.constant 15 : i32
      %get3A_1266 = arith.index_cast %get3A_1265 : i32 to index
      %get3A_1267 = arith.constant 32 : index
      %get3A_1268 = tpu.vector_load %arg11[%get3A_1266, %get3A_1267] {strides = array<i32>} : memref<32x128xf32, #tpu.memory_space<vmem>>, vector<16xf32>,
      %mul3A_1269 = arith.mulf %get3A_1268, %broadcast_in_dim3A_1246 : vector<16xf32>
      %swap3A_1270 = arith.constant 15 : i32
      %swap3A_1271 = arith.index_cast %swap3A_1270 : i32 to index
      %swap3A_1272 = arith.constant 32 : index
      %swap3A_1273 = tpu.vector_load %arg11[%swap3A_1271, %swap3A_1272] {strides = array<i32>} : memref<32x128xf32, #tpu.memory_space<vmem>>, vector<16xf32>,
      tpu.vector_store %arg11[%swap3A_1271, %swap3A_1272], %mul3A_1269 {strides = array<i32>} : memref<32x128xf32, #tpu.memory_space<vmem>>, vector<16xf32>,
      %get3A_1274 = arith.constant 15 : i32
      %get3A_1275 = arith.index_cast %get3A_1274 : i32 to index
      %get3A_1276 = arith.constant 48 : index
      %get3A_1277 = tpu.vector_load %arg11[%get3A_1275, %get3A_1276] {strides = array<i32>} : memref<32x128xf32, #tpu.memory_space<vmem>>, vector<16xf32>,
      %mul3A_1278 = arith.mulf %get3A_1277, %broadcast_in_dim3A_1246 : vector<16xf32>
      %swap3A_1279 = arith.constant 15 : i32
      %swap3A_1280 = arith.index_cast %swap3A_1279 : i32 to index
      %swap3A_1281 = arith.constant 48 : index
      %swap3A_1282 = tpu.vector_load %arg11[%swap3A_1280, %swap3A_1281] {strides = array<i32>} : memref<32x128xf32, #tpu.memory_space<vmem>>, vector<16xf32>,
      tpu.vector_store %arg11[%swap3A_1280, %swap3A_1281], %mul3A_1278 {strides = array<i32>} : memref<32x128xf32, #tpu.memory_space<vmem>>, vector<16xf32>,
      %get3A_1283 = arith.constant 15 : i32
      %get3A_1284 = arith.index_cast %get3A_1283 : i32 to index
      %get3A_1285 = arith.constant 64 : index
      %get3A_1286 = tpu.vector_load %arg11[%get3A_1284, %get3A_1285] {strides = array<i32>} : memref<32x128xf32, #tpu.memory_space<vmem>>, vector<16xf32>,
      %mul3A_1287 = arith.mulf %get3A_1286, %broadcast_in_dim3A_1246 : vector<16xf32>
      %swap3A_1288 = arith.constant 15 : i32
      %swap3A_1289 = arith.index_cast %swap3A_1288 : i32 to index
      %swap3A_1290 = arith.constant 64 : index
      %swap3A_1291 = tpu.vector_load %arg11[%swap3A_1289, %swap3A_1290] {strides = array<i32>} : memref<32x128xf32, #tpu.memory_space<vmem>>, vector<16xf32>,
      tpu.vector_store %arg11[%swap3A_1289, %swap3A_1290], %mul3A_1287 {strides = array<i32>} : memref<32x128xf32, #tpu.memory_space<vmem>>, vector<16xf32>,
      %get3A_1292 = arith.constant 15 : i32
      %get3A_1293 = arith.index_cast %get3A_1292 : i32 to index
      %get3A_1294 = arith.constant 80 : index
      %get3A_1295 = tpu.vector_load %arg11[%get3A_1293, %get3A_1294] {strides = array<i32>} : memref<32x128xf32, #tpu.memory_space<vmem>>, vector<16xf32>,
      %mul3A_1296 = arith.mulf %get3A_1295, %broadcast_in_dim3A_1246 : vector<16xf32>
      %swap3A_1297 = arith.constant 15 : i32
      %swap3A_1298 = arith.index_cast %swap3A_1297 : i32 to index
      %swap3A_1299 = arith.constant 80 : index
      %swap3A_1300 = tpu.vector_load %arg11[%swap3A_1298, %swap3A_1299] {strides = array<i32>} : memref<32x128xf32, #tpu.memory_space<vmem>>, vector<16xf32>,
      tpu.vector_store %arg11[%swap3A_1298, %swap3A_1299], %mul3A_1296 {strides = array<i32>} : memref<32x128xf32, #tpu.memory_space<vmem>>, vector<16xf32>,
      %get3A_1301 = arith.constant 15 : i32
      %get3A_1302 = arith.index_cast %get3A_1301 : i32 to index
      %get3A_1303 = arith.constant 96 : index
      %get3A_1304 = tpu.vector_load %arg11[%get3A_1302, %get3A_1303] {strides = array<i32>} : memref<32x128xf32, #tpu.memory_space<vmem>>, vector<16xf32>,
      %mul3A_1305 = arith.mulf %get3A_1304, %broadcast_in_dim3A_1246 : vector<16xf32>
      %swap3A_1306 = arith.constant 15 : i32
      %swap3A_1307 = arith.index_cast %swap3A_1306 : i32 to index
      %swap3A_1308 = arith.constant 96 : index
      %swap3A_1309 = tpu.vector_load %arg11[%swap3A_1307, %swap3A_1308] {strides = array<i32>} : memref<32x128xf32, #tpu.memory_space<vmem>>, vector<16xf32>,
      tpu.vector_store %arg11[%swap3A_1307, %swap3A_1308], %mul3A_1305 {strides = array<i32>} : memref<32x128xf32, #tpu.memory_space<vmem>>, vector<16xf32>,
      %get3A_1310 = arith.constant 15 : i32
      %get3A_1311 = arith.index_cast %get3A_1310 : i32 to index
      %get3A_1312 = arith.constant 112 : index
      %get3A_1313 = tpu.vector_load %arg11[%get3A_1311, %get3A_1312] {strides = array<i32>} : memref<32x128xf32, #tpu.memory_space<vmem>>, vector<16xf32>,
      %mul3A_1314 = arith.mulf %get3A_1313, %broadcast_in_dim3A_1246 : vector<16xf32>
      %swap3A_1315 = arith.constant 15 : i32
      %swap3A_1316 = arith.index_cast %swap3A_1315 : i32 to index
      %swap3A_1317 = arith.constant 112 : index
      %swap3A_1318 = tpu.vector_load %arg11[%swap3A_1316, %swap3A_1317] {strides = array<i32>} : memref<32x128xf32, #tpu.memory_space<vmem>>, vector<16xf32>,
      tpu.vector_store %arg11[%swap3A_1316, %swap3A_1317], %mul3A_1314 {strides = array<i32>} : memref<32x128xf32, #tpu.memory_space<vmem>>, vector<16xf32>,
      %add3A_1319 = arith.constant 16 : i32
      %add3A_1320 = arith.addi %mul3A_113, %add3A_1319 : i32
      %get3A_1321 = arith.index_cast %add3A_1320 : i32 to index
      %get3A_1322 = tpu.vector_load %arg10[%get3A_1321] {strides = array<i32>} : memref<640xf32, #tpu.memory_space<vmem>>, vector<16xf32>,
      %neg3A_1323 = arith.constant 0.000000e+00 : f32
      %neg3A_1324 = vector.broadcast %neg3A_1323 : f32 to vector<16xf32>
      %neg3A_1325 = arith.subf %neg3A_1324, %get3A_1322 : vector<16xf32>
      %slice3A_1326 = vector.extract_strided_slice %neg3A_1325 {offsets = [0], sizes = [1], strides = [1]} : vector<16xf32> to vector<1xf32>
      %squeeze3A_1327 = vector.extract %slice3A_1326[0] : f32 from vector<1xf32>
      %broadcast_in_dim3A_1328 = vector.broadcast %squeeze3A_1327 : f32 to vector<16xf32>
      %get3A_1329 = arith.constant 16 : i32
      %get3A_1330 = arith.index_cast %get3A_1329 : i32 to index
      %get3A_1331 = arith.constant 0 : index
      %get3A_1332 = tpu.vector_load %arg11[%get3A_1330, %get3A_1331] {strides = array<i32>} : memref<32x128xf32, #tpu.memory_space<vmem>>, vector<16xf32>,
      %mul3A_1333 = arith.mulf %get3A_1332, %broadcast_in_dim3A_1328 : vector<16xf32>
      %swap3A_1334 = arith.constant 16 : i32
      %swap3A_1335 = arith.index_cast %swap3A_1334 : i32 to index
      %swap3A_1336 = arith.constant 0 : index
      %swap3A_1337 = tpu.vector_load %arg11[%swap3A_1335, %swap3A_1336] {strides = array<i32>} : memref<32x128xf32, #tpu.memory_space<vmem>>, vector<16xf32>,
      tpu.vector_store %arg11[%swap3A_1335, %swap3A_1336], %mul3A_1333 {strides = array<i32>} : memref<32x128xf32, #tpu.memory_space<vmem>>, vector<16xf32>,
      %get3A_1338 = arith.constant 16 : i32
      %get3A_1339 = arith.index_cast %get3A_1338 : i32 to index
      %get3A_1340 = arith.constant 16 : index
      %get3A_1341 = tpu.vector_load %arg11[%get3A_1339, %get3A_1340] {strides = array<i32>} : memref<32x128xf32, #tpu.memory_space<vmem>>, vector<16xf32>,
      %mul3A_1342 = arith.mulf %get3A_1341, %broadcast_in_dim3A_1328 : vector<16xf32>
      %swap3A_1343 = arith.constant 16 : i32
      %swap3A_1344 = arith.index_cast %swap3A_1343 : i32 to index
      %swap3A_1345 = arith.constant 16 : index
      %swap3A_1346 = tpu.vector_load %arg11[%swap3A_1344, %swap3A_1345] {strides = array<i32>} : memref<32x128xf32, #tpu.memory_space<vmem>>, vector<16xf32>,
      tpu.vector_store %arg11[%swap3A_1344, %swap3A_1345], %mul3A_1342 {strides = array<i32>} : memref<32x128xf32, #tpu.memory_space<vmem>>, vector<16xf32>,
      %get3A_1347 = arith.constant 16 : i32
      %get3A_1348 = arith.index_cast %get3A_1347 : i32 to index
      %get3A_1349 = arith.constant 32 : index
      %get3A_1350 = tpu.vector_load %arg11[%get3A_1348, %get3A_1349] {strides = array<i32>} : memref<32x128xf32, #tpu.memory_space<vmem>>, vector<16xf32>,
      %mul3A_1351 = arith.mulf %get3A_1350, %broadcast_in_dim3A_1328 : vector<16xf32>
      %swap3A_1352 = arith.constant 16 : i32
      %swap3A_1353 = arith.index_cast %swap3A_1352 : i32 to index
      %swap3A_1354 = arith.constant 32 : index
      %swap3A_1355 = tpu.vector_load %arg11[%swap3A_1353, %swap3A_1354] {strides = array<i32>} : memref<32x128xf32, #tpu.memory_space<vmem>>, vector<16xf32>,
      tpu.vector_store %arg11[%swap3A_1353, %swap3A_1354], %mul3A_1351 {strides = array<i32>} : memref<32x128xf32, #tpu.memory_space<vmem>>, vector<16xf32>,
      %get3A_1356 = arith.constant 16 : i32
      %get3A_1357 = arith.index_cast %get3A_1356 : i32 to index
      %get3A_1358 = arith.constant 48 : index
      %get3A_1359 = tpu.vector_load %arg11[%get3A_1357, %get3A_1358] {strides = array<i32>} : memref<32x128xf32, #tpu.memory_space<vmem>>, vector<16xf32>,
      %mul3A_1360 = arith.mulf %get3A_1359, %broadcast_in_dim3A_1328 : vector<16xf32>
      %swap3A_1361 = arith.constant 16 : i32
      %swap3A_1362 = arith.index_cast %swap3A_1361 : i32 to index
      %swap3A_1363 = arith.constant 48 : index
      %swap3A_1364 = tpu.vector_load %arg11[%swap3A_1362, %swap3A_1363] {strides = array<i32>} : memref<32x128xf32, #tpu.memory_space<vmem>>, vector<16xf32>,
      tpu.vector_store %arg11[%swap3A_1362, %swap3A_1363], %mul3A_1360 {strides = array<i32>} : memref<32x128xf32, #tpu.memory_space<vmem>>, vector<16xf32>,
      %get3A_1365 = arith.constant 16 : i32
      %get3A_1366 = arith.index_cast %get3A_1365 : i32 to index
      %get3A_1367 = arith.constant 64 : index
      %get3A_1368 = tpu.vector_load %arg11[%get3A_1366, %get3A_1367] {strides = array<i32>} : memref<32x128xf32, #tpu.memory_space<vmem>>, vector<16xf32>,
      %mul3A_1369 = arith.mulf %get3A_1368, %broadcast_in_dim3A_1328 : vector<16xf32>
      %swap3A_1370 = arith.constant 16 : i32
      %swap3A_1371 = arith.index_cast %swap3A_1370 : i32 to index
      %swap3A_1372 = arith.constant 64 : index
      %swap3A_1373 = tpu.vector_load %arg11[%swap3A_1371, %swap3A_1372] {strides = array<i32>} : memref<32x128xf32, #tpu.memory_space<vmem>>, vector<16xf32>,
      tpu.vector_store %arg11[%swap3A_1371, %swap3A_1372], %mul3A_1369 {strides = array<i32>} : memref<32x128xf32, #tpu.memory_space<vmem>>, vector<16xf32>,
      %get3A_1374 = arith.constant 16 : i32
      %get3A_1375 = arith.index_cast %get3A_1374 : i32 to index
      %get3A_1376 = arith.constant 80 : index
      %get3A_1377 = tpu.vector_load %arg11[%get3A_1375, %get3A_1376] {strides = array<i32>} : memref<32x128xf32, #tpu.memory_space<vmem>>, vector<16xf32>,
      %mul3A_1378 = arith.mulf %get3A_1377, %broadcast_in_dim3A_1328 : vector<16xf32>
      %swap3A_1379 = arith.constant 16 : i32
      %swap3A_1380 = arith.index_cast %swap3A_1379 : i32 to index
      %swap3A_1381 = arith.constant 80 : index
      %swap3A_1382 = tpu.vector_load %arg11[%swap3A_1380, %swap3A_1381] {strides = array<i32>} : memref<32x128xf32, #tpu.memory_space<vmem>>, vector<16xf32>,
      tpu.vector_store %arg11[%swap3A_1380, %swap3A_1381], %mul3A_1378 {strides = array<i32>} : memref<32x128xf32, #tpu.memory_space<vmem>>, vector<16xf32>,
      %get3A_1383 = arith.constant 16 : i32
      %get3A_1384 = arith.index_cast %get3A_1383 : i32 to index
      %get3A_1385 = arith.constant 96 : index
      %get3A_1386 = tpu.vector_load %arg11[%get3A_1384, %get3A_1385] {strides = array<i32>} : memref<32x128xf32, #tpu.memory_space<vmem>>, vector<16xf32>,
      %mul3A_1387 = arith.mulf %get3A_1386, %broadcast_in_dim3A_1328 : vector<16xf32>
      %swap3A_1388 = arith.constant 16 : i32
      %swap3A_1389 = arith.index_cast %swap3A_1388 : i32 to index
      %swap3A_1390 = arith.constant 96 : index
      %swap3A_1391 = tpu.vector_load %arg11[%swap3A_1389, %swap3A_1390] {strides = array<i32>} : memref<32x128xf32, #tpu.memory_space<vmem>>, vector<16xf32>,
      tpu.vector_store %arg11[%swap3A_1389, %swap3A_1390], %mul3A_1387 {strides = array<i32>} : memref<32x128xf32, #tpu.memory_space<vmem>>, vector<16xf32>,
      %get3A_1392 = arith.constant 16 : i32
      %get3A_1393 = arith.index_cast %get3A_1392 : i32 to index
      %get3A_1394 = arith.constant 112 : index
      %get3A_1395 = tpu.vector_load %arg11[%get3A_1393, %get3A_1394] {strides = array<i32>} : memref<32x128xf32, #tpu.memory_space<vmem>>, vector<16xf32>,
      %mul3A_1396 = arith.mulf %get3A_1395, %broadcast_in_dim3A_1328 : vector<16xf32>
      %swap3A_1397 = arith.constant 16 : i32
      %swap3A_1398 = arith.index_cast %swap3A_1397 : i32 to index
      %swap3A_1399 = arith.constant 112 : index
      %swap3A_1400 = tpu.vector_load %arg11[%swap3A_1398, %swap3A_1399] {strides = array<i32>} : memref<32x128xf32, #tpu.memory_space<vmem>>, vector<16xf32>,
      tpu.vector_store %arg11[%swap3A_1398, %swap3A_1399], %mul3A_1396 {strides = array<i32>} : memref<32x128xf32, #tpu.memory_space<vmem>>, vector<16xf32>,
      %slice3A_1401 = vector.extract_strided_slice %neg3A_1325 {offsets = [1], sizes = [1], strides = [1]} : vector<16xf32> to vector<1xf32>
      %squeeze3A_1402 = vector.extract %slice3A_1401[0] : f32 from vector<1xf32>
      %broadcast_in_dim3A_1403 = vector.broadcast %squeeze3A_1402 : f32 to vector<16xf32>
      %get3A_1404 = arith.constant 17 : i32
      %get3A_1405 = arith.index_cast %get3A_1404 : i32 to index
      %get3A_1406 = arith.constant 0 : index
      %get3A_1407 = tpu.vector_load %arg11[%get3A_1405, %get3A_1406] {strides = array<i32>} : memref<32x128xf32, #tpu.memory_space<vmem>>, vector<16xf32>,
      %mul3A_1408 = arith.mulf %get3A_1407, %broadcast_in_dim3A_1403 : vector<16xf32>
      %swap3A_1409 = arith.constant 17 : i32
      %swap3A_1410 = arith.index_cast %swap3A_1409 : i32 to index
      %swap3A_1411 = arith.constant 0 : index
      %swap3A_1412 = tpu.vector_load %arg11[%swap3A_1410, %swap3A_1411] {strides = array<i32>} : memref<32x128xf32, #tpu.memory_space<vmem>>, vector<16xf32>,
      tpu.vector_store %arg11[%swap3A_1410, %swap3A_1411], %mul3A_1408 {strides = array<i32>} : memref<32x128xf32, #tpu.memory_space<vmem>>, vector<16xf32>,
      %get3A_1413 = arith.constant 17 : i32
      %get3A_1414 = arith.index_cast %get3A_1413 : i32 to index
      %get3A_1415 = arith.constant 16 : index
      %get3A_1416 = tpu.vector_load %arg11[%get3A_1414, %get3A_1415] {strides = array<i32>} : memref<32x128xf32, #tpu.memory_space<vmem>>, vector<16xf32>,
      %mul3A_1417 = arith.mulf %get3A_1416, %broadcast_in_dim3A_1403 : vector<16xf32>
      %swap3A_1418 = arith.constant 17 : i32
      %swap3A_1419 = arith.index_cast %swap3A_1418 : i32 to index
      %swap3A_1420 = arith.constant 16 : index
      %swap3A_1421 = tpu.vector_load %arg11[%swap3A_1419, %swap3A_1420] {strides = array<i32>} : memref<32x128xf32, #tpu.memory_space<vmem>>, vector<16xf32>,
      tpu.vector_store %arg11[%swap3A_1419, %swap3A_1420], %mul3A_1417 {strides = array<i32>} : memref<32x128xf32, #tpu.memory_space<vmem>>, vector<16xf32>,
      %get3A_1422 = arith.constant 17 : i32
      %get3A_1423 = arith.index_cast %get3A_1422 : i32 to index
      %get3A_1424 = arith.constant 32 : index
      %get3A_1425 = tpu.vector_load %arg11[%get3A_1423, %get3A_1424] {strides = array<i32>} : memref<32x128xf32, #tpu.memory_space<vmem>>, vector<16xf32>,
      %mul3A_1426 = arith.mulf %get3A_1425, %broadcast_in_dim3A_1403 : vector<16xf32>
      %swap3A_1427 = arith.constant 17 : i32
      %swap3A_1428 = arith.index_cast %swap3A_1427 : i32 to index
      %swap3A_1429 = arith.constant 32 : index
      %swap3A_1430 = tpu.vector_load %arg11[%swap3A_1428, %swap3A_1429] {strides = array<i32>} : memref<32x128xf32, #tpu.memory_space<vmem>>, vector<16xf32>,
      tpu.vector_store %arg11[%swap3A_1428, %swap3A_1429], %mul3A_1426 {strides = array<i32>} : memref<32x128xf32, #tpu.memory_space<vmem>>, vector<16xf32>,
      %get3A_1431 = arith.constant 17 : i32
      %get3A_1432 = arith.index_cast %get3A_1431 : i32 to index
      %get3A_1433 = arith.constant 48 : index
      %get3A_1434 = tpu.vector_load %arg11[%get3A_1432, %get3A_1433] {strides = array<i32>} : memref<32x128xf32, #tpu.memory_space<vmem>>, vector<16xf32>,
      %mul3A_1435 = arith.mulf %get3A_1434, %broadcast_in_dim3A_1403 : vector<16xf32>
      %swap3A_1436 = arith.constant 17 : i32
      %swap3A_1437 = arith.index_cast %swap3A_1436 : i32 to index
      %swap3A_1438 = arith.constant 48 : index
      %swap3A_1439 = tpu.vector_load %arg11[%swap3A_1437, %swap3A_1438] {strides = array<i32>} : memref<32x128xf32, #tpu.memory_space<vmem>>, vector<16xf32>,
      tpu.vector_store %arg11[%swap3A_1437, %swap3A_1438], %mul3A_1435 {strides = array<i32>} : memref<32x128xf32, #tpu.memory_space<vmem>>, vector<16xf32>,
      %get3A_1440 = arith.constant 17 : i32
      %get3A_1441 = arith.index_cast %get3A_1440 : i32 to index
      %get3A_1442 = arith.constant 64 : index
      %get3A_1443 = tpu.vector_load %arg11[%get3A_1441, %get3A_1442] {strides = array<i32>} : memref<32x128xf32, #tpu.memory_space<vmem>>, vector<16xf32>,
      %mul3A_1444 = arith.mulf %get3A_1443, %broadcast_in_dim3A_1403 : vector<16xf32>
      %swap3A_1445 = arith.constant 17 : i32
      %swap3A_1446 = arith.index_cast %swap3A_1445 : i32 to index
      %swap3A_1447 = arith.constant 64 : index
      %swap3A_1448 = tpu.vector_load %arg11[%swap3A_1446, %swap3A_1447] {strides = array<i32>} : memref<32x128xf32, #tpu.memory_space<vmem>>, vector<16xf32>,
      tpu.vector_store %arg11[%swap3A_1446, %swap3A_1447], %mul3A_1444 {strides = array<i32>} : memref<32x128xf32, #tpu.memory_space<vmem>>, vector<16xf32>,
      %get3A_1449 = arith.constant 17 : i32
      %get3A_1450 = arith.index_cast %get3A_1449 : i32 to index
      %get3A_1451 = arith.constant 80 : index
      %get3A_1452 = tpu.vector_load %arg11[%get3A_1450, %get3A_1451] {strides = array<i32>} : memref<32x128xf32, #tpu.memory_space<vmem>>, vector<16xf32>,
      %mul3A_1453 = arith.mulf %get3A_1452, %broadcast_in_dim3A_1403 : vector<16xf32>
      %swap3A_1454 = arith.constant 17 : i32
      %swap3A_1455 = arith.index_cast %swap3A_1454 : i32 to index
      %swap3A_1456 = arith.constant 80 : index
      %swap3A_1457 = tpu.vector_load %arg11[%swap3A_1455, %swap3A_1456] {strides = array<i32>} : memref<32x128xf32, #tpu.memory_space<vmem>>, vector<16xf32>,
      tpu.vector_store %arg11[%swap3A_1455, %swap3A_1456], %mul3A_1453 {strides = array<i32>} : memref<32x128xf32, #tpu.memory_space<vmem>>, vector<16xf32>,
      %get3A_1458 = arith.constant 17 : i32
      %get3A_1459 = arith.index_cast %get3A_1458 : i32 to index
      %get3A_1460 = arith.constant 96 : index
      %get3A_1461 = tpu.vector_load %arg11[%get3A_1459, %get3A_1460] {strides = array<i32>} : memref<32x128xf32, #tpu.memory_space<vmem>>, vector<16xf32>,
      %mul3A_1462 = arith.mulf %get3A_1461, %broadcast_in_dim3A_1403 : vector<16xf32>
      %swap3A_1463 = arith.constant 17 : i32
      %swap3A_1464 = arith.index_cast %swap3A_1463 : i32 to index
      %swap3A_1465 = arith.constant 96 : index
      %swap3A_1466 = tpu.vector_load %arg11[%swap3A_1464, %swap3A_1465] {strides = array<i32>} : memref<32x128xf32, #tpu.memory_space<vmem>>, vector<16xf32>,
      tpu.vector_store %arg11[%swap3A_1464, %swap3A_1465], %mul3A_1462 {strides = array<i32>} : memref<32x128xf32, #tpu.memory_space<vmem>>, vector<16xf32>,
      %get3A_1467 = arith.constant 17 : i32
      %get3A_1468 = arith.index_cast %get3A_1467 : i32 to index
      %get3A_1469 = arith.constant 112 : index
      %get3A_1470 = tpu.vector_load %arg11[%get3A_1468, %get3A_1469] {strides = array<i32>} : memref<32x128xf32, #tpu.memory_space<vmem>>, vector<16xf32>,
      %mul3A_1471 = arith.mulf %get3A_1470, %broadcast_in_dim3A_1403 : vector<16xf32>
      %swap3A_1472 = arith.constant 17 : i32
      %swap3A_1473 = arith.index_cast %swap3A_1472 : i32 to index
      %swap3A_1474 = arith.constant 112 : index
      %swap3A_1475 = tpu.vector_load %arg11[%swap3A_1473, %swap3A_1474] {strides = array<i32>} : memref<32x128xf32, #tpu.memory_space<vmem>>, vector<16xf32>,
      tpu.vector_store %arg11[%swap3A_1473, %swap3A_1474], %mul3A_1471 {strides = array<i32>} : memref<32x128xf32, #tpu.memory_space<vmem>>, vector<16xf32>,
      %slice3A_1476 = vector.extract_strided_slice %neg3A_1325 {offsets = [2], sizes = [1], strides = [1]} : vector<16xf32> to vector<1xf32>
      %squeeze3A_1477 = vector.extract %slice3A_1476[0] : f32 from vector<1xf32>
      %broadcast_in_dim3A_1478 = vector.broadcast %squeeze3A_1477 : f32 to vector<16xf32>
      %get3A_1479 = arith.constant 18 : i32
      %get3A_1480 = arith.index_cast %get3A_1479 : i32 to index
      %get3A_1481 = arith.constant 0 : index
      %get3A_1482 = tpu.vector_load %arg11[%get3A_1480, %get3A_1481] {strides = array<i32>} : memref<32x128xf32, #tpu.memory_space<vmem>>, vector<16xf32>,
      %mul3A_1483 = arith.mulf %get3A_1482, %broadcast_in_dim3A_1478 : vector<16xf32>
      %swap3A_1484 = arith.constant 18 : i32
      %swap3A_1485 = arith.index_cast %swap3A_1484 : i32 to index
      %swap3A_1486 = arith.constant 0 : index
      %swap3A_1487 = tpu.vector_load %arg11[%swap3A_1485, %swap3A_1486] {strides = array<i32>} : memref<32x128xf32, #tpu.memory_space<vmem>>, vector<16xf32>,
      tpu.vector_store %arg11[%swap3A_1485, %swap3A_1486], %mul3A_1483 {strides = array<i32>} : memref<32x128xf32, #tpu.memory_space<vmem>>, vector<16xf32>,
      %get3A_1488 = arith.constant 18 : i32
      %get3A_1489 = arith.index_cast %get3A_1488 : i32 to index
      %get3A_1490 = arith.constant 16 : index
      %get3A_1491 = tpu.vector_load %arg11[%get3A_1489, %get3A_1490] {strides = array<i32>} : memref<32x128xf32, #tpu.memory_space<vmem>>, vector<16xf32>,
      %mul3A_1492 = arith.mulf %get3A_1491, %broadcast_in_dim3A_1478 : vector<16xf32>
      %swap3A_1493 = arith.constant 18 : i32
      %swap3A_1494 = arith.index_cast %swap3A_1493 : i32 to index
      %swap3A_1495 = arith.constant 16 : index
      %swap3A_1496 = tpu.vector_load %arg11[%swap3A_1494, %swap3A_1495] {strides = array<i32>} : memref<32x128xf32, #tpu.memory_space<vmem>>, vector<16xf32>,
      tpu.vector_store %arg11[%swap3A_1494, %swap3A_1495], %mul3A_1492 {strides = array<i32>} : memref<32x128xf32, #tpu.memory_space<vmem>>, vector<16xf32>,
      %get3A_1497 = arith.constant 18 : i32
      %get3A_1498 = arith.index_cast %get3A_1497 : i32 to index
      %get3A_1499 = arith.constant 32 : index
      %get3A_1500 = tpu.vector_load %arg11[%get3A_1498, %get3A_1499] {strides = array<i32>} : memref<32x128xf32, #tpu.memory_space<vmem>>, vector<16xf32>,
      %mul3A_1501 = arith.mulf %get3A_1500, %broadcast_in_dim3A_1478 : vector<16xf32>
      %swap3A_1502 = arith.constant 18 : i32
      %swap3A_1503 = arith.index_cast %swap3A_1502 : i32 to index
      %swap3A_1504 = arith.constant 32 : index
      %swap3A_1505 = tpu.vector_load %arg11[%swap3A_1503, %swap3A_1504] {strides = array<i32>} : memref<32x128xf32, #tpu.memory_space<vmem>>, vector<16xf32>,
      tpu.vector_store %arg11[%swap3A_1503, %swap3A_1504], %mul3A_1501 {strides = array<i32>} : memref<32x128xf32, #tpu.memory_space<vmem>>, vector<16xf32>,
      %get3A_1506 = arith.constant 18 : i32
      %get3A_1507 = arith.index_cast %get3A_1506 : i32 to index
      %get3A_1508 = arith.constant 48 : index
      %get3A_1509 = tpu.vector_load %arg11[%get3A_1507, %get3A_1508] {strides = array<i32>} : memref<32x128xf32, #tpu.memory_space<vmem>>, vector<16xf32>,
      %mul3A_1510 = arith.mulf %get3A_1509, %broadcast_in_dim3A_1478 : vector<16xf32>
      %swap3A_1511 = arith.constant 18 : i32
      %swap3A_1512 = arith.index_cast %swap3A_1511 : i32 to index
      %swap3A_1513 = arith.constant 48 : index
      %swap3A_1514 = tpu.vector_load %arg11[%swap3A_1512, %swap3A_1513] {strides = array<i32>} : memref<32x128xf32, #tpu.memory_space<vmem>>, vector<16xf32>,
      tpu.vector_store %arg11[%swap3A_1512, %swap3A_1513], %mul3A_1510 {strides = array<i32>} : memref<32x128xf32, #tpu.memory_space<vmem>>, vector<16xf32>,
      %get3A_1515 = arith.constant 18 : i32
      %get3A_1516 = arith.index_cast %get3A_1515 : i32 to index
      %get3A_1517 = arith.constant 64 : index
      %get3A_1518 = tpu.vector_load %arg11[%get3A_1516, %get3A_1517] {strides = array<i32>} : memref<32x128xf32, #tpu.memory_space<vmem>>, vector<16xf32>,
      %mul3A_1519 = arith.mulf %get3A_1518, %broadcast_in_dim3A_1478 : vector<16xf32>
      %swap3A_1520 = arith.constant 18 : i32
      %swap3A_1521 = arith.index_cast %swap3A_1520 : i32 to index
      %swap3A_1522 = arith.constant 64 : index
      %swap3A_1523 = tpu.vector_load %arg11[%swap3A_1521, %swap3A_1522] {strides = array<i32>} : memref<32x128xf32, #tpu.memory_space<vmem>>, vector<16xf32>,
      tpu.vector_store %arg11[%swap3A_1521, %swap3A_1522], %mul3A_1519 {strides = array<i32>} : memref<32x128xf32, #tpu.memory_space<vmem>>, vector<16xf32>,
      %get3A_1524 = arith.constant 18 : i32
      %get3A_1525 = arith.index_cast %get3A_1524 : i32 to index
      %get3A_1526 = arith.constant 80 : index
      %get3A_1527 = tpu.vector_load %arg11[%get3A_1525, %get3A_1526] {strides = array<i32>} : memref<32x128xf32, #tpu.memory_space<vmem>>, vector<16xf32>,
      %mul3A_1528 = arith.mulf %get3A_1527, %broadcast_in_dim3A_1478 : vector<16xf32>
      %swap3A_1529 = arith.constant 18 : i32
      %swap3A_1530 = arith.index_cast %swap3A_1529 : i32 to index
      %swap3A_1531 = arith.constant 80 : index
      %swap3A_1532 = tpu.vector_load %arg11[%swap3A_1530, %swap3A_1531] {strides = array<i32>} : memref<32x128xf32, #tpu.memory_space<vmem>>, vector<16xf32>,
      tpu.vector_store %arg11[%swap3A_1530, %swap3A_1531], %mul3A_1528 {strides = array<i32>} : memref<32x128xf32, #tpu.memory_space<vmem>>, vector<16xf32>,
      %get3A_1533 = arith.constant 18 : i32
      %get3A_1534 = arith.index_cast %get3A_1533 : i32 to index
      %get3A_1535 = arith.constant 96 : index
      %get3A_1536 = tpu.vector_load %arg11[%get3A_1534, %get3A_1535] {strides = array<i32>} : memref<32x128xf32, #tpu.memory_space<vmem>>, vector<16xf32>,
      %mul3A_1537 = arith.mulf %get3A_1536, %broadcast_in_dim3A_1478 : vector<16xf32>
      %swap3A_1538 = arith.constant 18 : i32
      %swap3A_1539 = arith.index_cast %swap3A_1538 : i32 to index
      %swap3A_1540 = arith.constant 96 : index
      %swap3A_1541 = tpu.vector_load %arg11[%swap3A_1539, %swap3A_1540] {strides = array<i32>} : memref<32x128xf32, #tpu.memory_space<vmem>>, vector<16xf32>,
      tpu.vector_store %arg11[%swap3A_1539, %swap3A_1540], %mul3A_1537 {strides = array<i32>} : memref<32x128xf32, #tpu.memory_space<vmem>>, vector<16xf32>,
      %get3A_1542 = arith.constant 18 : i32
      %get3A_1543 = arith.index_cast %get3A_1542 : i32 to index
      %get3A_1544 = arith.constant 112 : index
      %get3A_1545 = tpu.vector_load %arg11[%get3A_1543, %get3A_1544] {strides = array<i32>} : memref<32x128xf32, #tpu.memory_space<vmem>>, vector<16xf32>,
      %mul3A_1546 = arith.mulf %get3A_1545, %broadcast_in_dim3A_1478 : vector<16xf32>
      %swap3A_1547 = arith.constant 18 : i32
      %swap3A_1548 = arith.index_cast %swap3A_1547 : i32 to index
      %swap3A_1549 = arith.constant 112 : index
      %swap3A_1550 = tpu.vector_load %arg11[%swap3A_1548, %swap3A_1549] {strides = array<i32>} : memref<32x128xf32, #tpu.memory_space<vmem>>, vector<16xf32>,
      tpu.vector_store %arg11[%swap3A_1548, %swap3A_1549], %mul3A_1546 {strides = array<i32>} : memref<32x128xf32, #tpu.memory_space<vmem>>, vector<16xf32>,
      %slice3A_1551 = vector.extract_strided_slice %neg3A_1325 {offsets = [3], sizes = [1], strides = [1]} : vector<16xf32> to vector<1xf32>
      %squeeze3A_1552 = vector.extract %slice3A_1551[0] : f32 from vector<1xf32>
      %broadcast_in_dim3A_1553 = vector.broadcast %squeeze3A_1552 : f32 to vector<16xf32>
      %get3A_1554 = arith.constant 19 : i32
      %get3A_1555 = arith.index_cast %get3A_1554 : i32 to index
      %get3A_1556 = arith.constant 0 : index
      %get3A_1557 = tpu.vector_load %arg11[%get3A_1555, %get3A_1556] {strides = array<i32>} : memref<32x128xf32, #tpu.memory_space<vmem>>, vector<16xf32>,
      %mul3A_1558 = arith.mulf %get3A_1557, %broadcast_in_dim3A_1553 : vector<16xf32>
      %swap3A_1559 = arith.constant 19 : i32
      %swap3A_1560 = arith.index_cast %swap3A_1559 : i32 to index
      %swap3A_1561 = arith.constant 0 : index
      %swap3A_1562 = tpu.vector_load %arg11[%swap3A_1560, %swap3A_1561] {strides = array<i32>} : memref<32x128xf32, #tpu.memory_space<vmem>>, vector<16xf32>,
      tpu.vector_store %arg11[%swap3A_1560, %swap3A_1561], %mul3A_1558 {strides = array<i32>} : memref<32x128xf32, #tpu.memory_space<vmem>>, vector<16xf32>,
      %get3A_1563 = arith.constant 19 : i32
      %get3A_1564 = arith.index_cast %get3A_1563 : i32 to index
      %get3A_1565 = arith.constant 16 : index
      %get3A_1566 = tpu.vector_load %arg11[%get3A_1564, %get3A_1565] {strides = array<i32>} : memref<32x128xf32, #tpu.memory_space<vmem>>, vector<16xf32>,
      %mul3A_1567 = arith.mulf %get3A_1566, %broadcast_in_dim3A_1553 : vector<16xf32>
      %swap3A_1568 = arith.constant 19 : i32
      %swap3A_1569 = arith.index_cast %swap3A_1568 : i32 to index
      %swap3A_1570 = arith.constant 16 : index
      %swap3A_1571 = tpu.vector_load %arg11[%swap3A_1569, %swap3A_1570] {strides = array<i32>} : memref<32x128xf32, #tpu.memory_space<vmem>>, vector<16xf32>,
      tpu.vector_store %arg11[%swap3A_1569, %swap3A_1570], %mul3A_1567 {strides = array<i32>} : memref<32x128xf32, #tpu.memory_space<vmem>>, vector<16xf32>,
      %get3A_1572 = arith.constant 19 : i32
      %get3A_1573 = arith.index_cast %get3A_1572 : i32 to index
      %get3A_1574 = arith.constant 32 : index
      %get3A_1575 = tpu.vector_load %arg11[%get3A_1573, %get3A_1574] {strides = array<i32>} : memref<32x128xf32, #tpu.memory_space<vmem>>, vector<16xf32>,
      %mul3A_1576 = arith.mulf %get3A_1575, %broadcast_in_dim3A_1553 : vector<16xf32>
      %swap3A_1577 = arith.constant 19 : i32
      %swap3A_1578 = arith.index_cast %swap3A_1577 : i32 to index
      %swap3A_1579 = arith.constant 32 : index
      %swap3A_1580 = tpu.vector_load %arg11[%swap3A_1578, %swap3A_1579] {strides = array<i32>} : memref<32x128xf32, #tpu.memory_space<vmem>>, vector<16xf32>,
      tpu.vector_store %arg11[%swap3A_1578, %swap3A_1579], %mul3A_1576 {strides = array<i32>} : memref<32x128xf32, #tpu.memory_space<vmem>>, vector<16xf32>,
      %get3A_1581 = arith.constant 19 : i32
      %get3A_1582 = arith.index_cast %get3A_1581 : i32 to index
      %get3A_1583 = arith.constant 48 : index
      %get3A_1584 = tpu.vector_load %arg11[%get3A_1582, %get3A_1583] {strides = array<i32>} : memref<32x128xf32, #tpu.memory_space<vmem>>, vector<16xf32>,
      %mul3A_1585 = arith.mulf %get3A_1584, %broadcast_in_dim3A_1553 : vector<16xf32>
      %swap3A_1586 = arith.constant 19 : i32
      %swap3A_1587 = arith.index_cast %swap3A_1586 : i32 to index
      %swap3A_1588 = arith.constant 48 : index
      %swap3A_1589 = tpu.vector_load %arg11[%swap3A_1587, %swap3A_1588] {strides = array<i32>} : memref<32x128xf32, #tpu.memory_space<vmem>>, vector<16xf32>,
      tpu.vector_store %arg11[%swap3A_1587, %swap3A_1588], %mul3A_1585 {strides = array<i32>} : memref<32x128xf32, #tpu.memory_space<vmem>>, vector<16xf32>,
      %get3A_1590 = arith.constant 19 : i32
      %get3A_1591 = arith.index_cast %get3A_1590 : i32 to index
      %get3A_1592 = arith.constant 64 : index
      %get3A_1593 = tpu.vector_load %arg11[%get3A_1591, %get3A_1592] {strides = array<i32>} : memref<32x128xf32, #tpu.memory_space<vmem>>, vector<16xf32>,
      %mul3A_1594 = arith.mulf %get3A_1593, %broadcast_in_dim3A_1553 : vector<16xf32>
      %swap3A_1595 = arith.constant 19 : i32
      %swap3A_1596 = arith.index_cast %swap3A_1595 : i32 to index
      %swap3A_1597 = arith.constant 64 : index
      %swap3A_1598 = tpu.vector_load %arg11[%swap3A_1596, %swap3A_1597] {strides = array<i32>} : memref<32x128xf32, #tpu.memory_space<vmem>>, vector<16xf32>,
      tpu.vector_store %arg11[%swap3A_1596, %swap3A_1597], %mul3A_1594 {strides = array<i32>} : memref<32x128xf32, #tpu.memory_space<vmem>>, vector<16xf32>,
      %get3A_1599 = arith.constant 19 : i32
      %get3A_1600 = arith.index_cast %get3A_1599 : i32 to index
      %get3A_1601 = arith.constant 80 : index
      %get3A_1602 = tpu.vector_load %arg11[%get3A_1600, %get3A_1601] {strides = array<i32>} : memref<32x128xf32, #tpu.memory_space<vmem>>, vector<16xf32>,
      %mul3A_1603 = arith.mulf %get3A_1602, %broadcast_in_dim3A_1553 : vector<16xf32>
      %swap3A_1604 = arith.constant 19 : i32
      %swap3A_1605 = arith.index_cast %swap3A_1604 : i32 to index
      %swap3A_1606 = arith.constant 80 : index
      %swap3A_1607 = tpu.vector_load %arg11[%swap3A_1605, %swap3A_1606] {strides = array<i32>} : memref<32x128xf32, #tpu.memory_space<vmem>>, vector<16xf32>,
      tpu.vector_store %arg11[%swap3A_1605, %swap3A_1606], %mul3A_1603 {strides = array<i32>} : memref<32x128xf32, #tpu.memory_space<vmem>>, vector<16xf32>,
      %get3A_1608 = arith.constant 19 : i32
      %get3A_1609 = arith.index_cast %get3A_1608 : i32 to index
      %get3A_1610 = arith.constant 96 : index
      %get3A_1611 = tpu.vector_load %arg11[%get3A_1609, %get3A_1610] {strides = array<i32>} : memref<32x128xf32, #tpu.memory_space<vmem>>, vector<16xf32>,
      %mul3A_1612 = arith.mulf %get3A_1611, %broadcast_in_dim3A_1553 : vector<16xf32>
      %swap3A_1613 = arith.constant 19 : i32
      %swap3A_1614 = arith.index_cast %swap3A_1613 : i32 to index
      %swap3A_1615 = arith.constant 96 : index
      %swap3A_1616 = tpu.vector_load %arg11[%swap3A_1614, %swap3A_1615] {strides = array<i32>} : memref<32x128xf32, #tpu.memory_space<vmem>>, vector<16xf32>,
      tpu.vector_store %arg11[%swap3A_1614, %swap3A_1615], %mul3A_1612 {strides = array<i32>} : memref<32x128xf32, #tpu.memory_space<vmem>>, vector<16xf32>,
      %get3A_1617 = arith.constant 19 : i32
      %get3A_1618 = arith.index_cast %get3A_1617 : i32 to index
      %get3A_1619 = arith.constant 112 : index
      %get3A_1620 = tpu.vector_load %arg11[%get3A_1618, %get3A_1619] {strides = array<i32>} : memref<32x128xf32, #tpu.memory_space<vmem>>, vector<16xf32>,
      %mul3A_1621 = arith.mulf %get3A_1620, %broadcast_in_dim3A_1553 : vector<16xf32>
      %swap3A_1622 = arith.constant 19 : i32
      %swap3A_1623 = arith.index_cast %swap3A_1622 : i32 to index
      %swap3A_1624 = arith.constant 112 : index
      %swap3A_1625 = tpu.vector_load %arg11[%swap3A_1623, %swap3A_1624] {strides = array<i32>} : memref<32x128xf32, #tpu.memory_space<vmem>>, vector<16xf32>,
      tpu.vector_store %arg11[%swap3A_1623, %swap3A_1624], %mul3A_1621 {strides = array<i32>} : memref<32x128xf32, #tpu.memory_space<vmem>>, vector<16xf32>,
      %slice3A_1626 = vector.extract_strided_slice %neg3A_1325 {offsets = [4], sizes = [1], strides = [1]} : vector<16xf32> to vector<1xf32>
      %squeeze3A_1627 = vector.extract %slice3A_1626[0] : f32 from vector<1xf32>
      %broadcast_in_dim3A_1628 = vector.broadcast %squeeze3A_1627 : f32 to vector<16xf32>
      %get3A_1629 = arith.constant 20 : i32
      %get3A_1630 = arith.index_cast %get3A_1629 : i32 to index
      %get3A_1631 = arith.constant 0 : index
      %get3A_1632 = tpu.vector_load %arg11[%get3A_1630, %get3A_1631] {strides = array<i32>} : memref<32x128xf32, #tpu.memory_space<vmem>>, vector<16xf32>,
      %mul3A_1633 = arith.mulf %get3A_1632, %broadcast_in_dim3A_1628 : vector<16xf32>
      %swap3A_1634 = arith.constant 20 : i32
      %swap3A_1635 = arith.index_cast %swap3A_1634 : i32 to index
      %swap3A_1636 = arith.constant 0 : index
      %swap3A_1637 = tpu.vector_load %arg11[%swap3A_1635, %swap3A_1636] {strides = array<i32>} : memref<32x128xf32, #tpu.memory_space<vmem>>, vector<16xf32>,
      tpu.vector_store %arg11[%swap3A_1635, %swap3A_1636], %mul3A_1633 {strides = array<i32>} : memref<32x128xf32, #tpu.memory_space<vmem>>, vector<16xf32>,
      %get3A_1638 = arith.constant 20 : i32
      %get3A_1639 = arith.index_cast %get3A_1638 : i32 to index
      %get3A_1640 = arith.constant 16 : index
      %get3A_1641 = tpu.vector_load %arg11[%get3A_1639, %get3A_1640] {strides = array<i32>} : memref<32x128xf32, #tpu.memory_space<vmem>>, vector<16xf32>,
      %mul3A_1642 = arith.mulf %get3A_1641, %broadcast_in_dim3A_1628 : vector<16xf32>
      %swap3A_1643 = arith.constant 20 : i32
      %swap3A_1644 = arith.index_cast %swap3A_1643 : i32 to index
      %swap3A_1645 = arith.constant 16 : index
      %swap3A_1646 = tpu.vector_load %arg11[%swap3A_1644, %swap3A_1645] {strides = array<i32>} : memref<32x128xf32, #tpu.memory_space<vmem>>, vector<16xf32>,
      tpu.vector_store %arg11[%swap3A_1644, %swap3A_1645], %mul3A_1642 {strides = array<i32>} : memref<32x128xf32, #tpu.memory_space<vmem>>, vector<16xf32>,
      %get3A_1647 = arith.constant 20 : i32
      %get3A_1648 = arith.index_cast %get3A_1647 : i32 to index
      %get3A_1649 = arith.constant 32 : index
      %get3A_1650 = tpu.vector_load %arg11[%get3A_1648, %get3A_1649] {strides = array<i32>} : memref<32x128xf32, #tpu.memory_space<vmem>>, vector<16xf32>,
      %mul3A_1651 = arith.mulf %get3A_1650, %broadcast_in_dim3A_1628 : vector<16xf32>
      %swap3A_1652 = arith.constant 20 : i32
      %swap3A_1653 = arith.index_cast %swap3A_1652 : i32 to index
      %swap3A_1654 = arith.constant 32 : index
      %swap3A_1655 = tpu.vector_load %arg11[%swap3A_1653, %swap3A_1654] {strides = array<i32>} : memref<32x128xf32, #tpu.memory_space<vmem>>, vector<16xf32>,
      tpu.vector_store %arg11[%swap3A_1653, %swap3A_1654], %mul3A_1651 {strides = array<i32>} : memref<32x128xf32, #tpu.memory_space<vmem>>, vector<16xf32>,
      %get3A_1656 = arith.constant 20 : i32
      %get3A_1657 = arith.index_cast %get3A_1656 : i32 to index
      %get3A_1658 = arith.constant 48 : index
      %get3A_1659 = tpu.vector_load %arg11[%get3A_1657, %get3A_1658] {strides = array<i32>} : memref<32x128xf32, #tpu.memory_space<vmem>>, vector<16xf32>,
      %mul3A_1660 = arith.mulf %get3A_1659, %broadcast_in_dim3A_1628 : vector<16xf32>
      %swap3A_1661 = arith.constant 20 : i32
      %swap3A_1662 = arith.index_cast %swap3A_1661 : i32 to index
      %swap3A_1663 = arith.constant 48 : index
      %swap3A_1664 = tpu.vector_load %arg11[%swap3A_1662, %swap3A_1663] {strides = array<i32>} : memref<32x128xf32, #tpu.memory_space<vmem>>, vector<16xf32>,
      tpu.vector_store %arg11[%swap3A_1662, %swap3A_1663], %mul3A_1660 {strides = array<i32>} : memref<32x128xf32, #tpu.memory_space<vmem>>, vector<16xf32>,
      %get3A_1665 = arith.constant 20 : i32
      %get3A_1666 = arith.index_cast %get3A_1665 : i32 to index
      %get3A_1667 = arith.constant 64 : index
      %get3A_1668 = tpu.vector_load %arg11[%get3A_1666, %get3A_1667] {strides = array<i32>} : memref<32x128xf32, #tpu.memory_space<vmem>>, vector<16xf32>,
      %mul3A_1669 = arith.mulf %get3A_1668, %broadcast_in_dim3A_1628 : vector<16xf32>
      %swap3A_1670 = arith.constant 20 : i32
      %swap3A_1671 = arith.index_cast %swap3A_1670 : i32 to index
      %swap3A_1672 = arith.constant 64 : index
      %swap3A_1673 = tpu.vector_load %arg11[%swap3A_1671, %swap3A_1672] {strides = array<i32>} : memref<32x128xf32, #tpu.memory_space<vmem>>, vector<16xf32>,
      tpu.vector_store %arg11[%swap3A_1671, %swap3A_1672], %mul3A_1669 {strides = array<i32>} : memref<32x128xf32, #tpu.memory_space<vmem>>, vector<16xf32>,
      %get3A_1674 = arith.constant 20 : i32
      %get3A_1675 = arith.index_cast %get3A_1674 : i32 to index
      %get3A_1676 = arith.constant 80 : index
      %get3A_1677 = tpu.vector_load %arg11[%get3A_1675, %get3A_1676] {strides = array<i32>} : memref<32x128xf32, #tpu.memory_space<vmem>>, vector<16xf32>,
      %mul3A_1678 = arith.mulf %get3A_1677, %broadcast_in_dim3A_1628 : vector<16xf32>
      %swap3A_1679 = arith.constant 20 : i32
      %swap3A_1680 = arith.index_cast %swap3A_1679 : i32 to index
      %swap3A_1681 = arith.constant 80 : index
      %swap3A_1682 = tpu.vector_load %arg11[%swap3A_1680, %swap3A_1681] {strides = array<i32>} : memref<32x128xf32, #tpu.memory_space<vmem>>, vector<16xf32>,
      tpu.vector_store %arg11[%swap3A_1680, %swap3A_1681], %mul3A_1678 {strides = array<i32>} : memref<32x128xf32, #tpu.memory_space<vmem>>, vector<16xf32>,
      %get3A_1683 = arith.constant 20 : i32
      %get3A_1684 = arith.index_cast %get3A_1683 : i32 to index
      %get3A_1685 = arith.constant 96 : index
      %get3A_1686 = tpu.vector_load %arg11[%get3A_1684, %get3A_1685] {strides = array<i32>} : memref<32x128xf32, #tpu.memory_space<vmem>>, vector<16xf32>,
      %mul3A_1687 = arith.mulf %get3A_1686, %broadcast_in_dim3A_1628 : vector<16xf32>
      %swap3A_1688 = arith.constant 20 : i32
      %swap3A_1689 = arith.index_cast %swap3A_1688 : i32 to index
      %swap3A_1690 = arith.constant 96 : index
      %swap3A_1691 = tpu.vector_load %arg11[%swap3A_1689, %swap3A_1690] {strides = array<i32>} : memref<32x128xf32, #tpu.memory_space<vmem>>, vector<16xf32>,
      tpu.vector_store %arg11[%swap3A_1689, %swap3A_1690], %mul3A_1687 {strides = array<i32>} : memref<32x128xf32, #tpu.memory_space<vmem>>, vector<16xf32>,
      %get3A_1692 = arith.constant 20 : i32
      %get3A_1693 = arith.index_cast %get3A_1692 : i32 to index
      %get3A_1694 = arith.constant 112 : index
      %get3A_1695 = tpu.vector_load %arg11[%get3A_1693, %get3A_1694] {strides = array<i32>} : memref<32x128xf32, #tpu.memory_space<vmem>>, vector<16xf32>,
      %mul3A_1696 = arith.mulf %get3A_1695, %broadcast_in_dim3A_1628 : vector<16xf32>
      %swap3A_1697 = arith.constant 20 : i32
      %swap3A_1698 = arith.index_cast %swap3A_1697 : i32 to index
      %swap3A_1699 = arith.constant 112 : index
      %swap3A_1700 = tpu.vector_load %arg11[%swap3A_1698, %swap3A_1699] {strides = array<i32>} : memref<32x128xf32, #tpu.memory_space<vmem>>, vector<16xf32>,
      tpu.vector_store %arg11[%swap3A_1698, %swap3A_1699], %mul3A_1696 {strides = array<i32>} : memref<32x128xf32, #tpu.memory_space<vmem>>, vector<16xf32>,
      %slice3A_1701 = vector.extract_strided_slice %neg3A_1325 {offsets = [5], sizes = [1], strides = [1]} : vector<16xf32> to vector<1xf32>
      %squeeze3A_1702 = vector.extract %slice3A_1701[0] : f32 from vector<1xf32>
      %broadcast_in_dim3A_1703 = vector.broadcast %squeeze3A_1702 : f32 to vector<16xf32>
      %get3A_1704 = arith.constant 21 : i32
      %get3A_1705 = arith.index_cast %get3A_1704 : i32 to index
      %get3A_1706 = arith.constant 0 : index
      %get3A_1707 = tpu.vector_load %arg11[%get3A_1705, %get3A_1706] {strides = array<i32>} : memref<32x128xf32, #tpu.memory_space<vmem>>, vector<16xf32>,
      %mul3A_1708 = arith.mulf %get3A_1707, %broadcast_in_dim3A_1703 : vector<16xf32>
      %swap3A_1709 = arith.constant 21 : i32
      %swap3A_1710 = arith.index_cast %swap3A_1709 : i32 to index
      %swap3A_1711 = arith.constant 0 : index
      %swap3A_1712 = tpu.vector_load %arg11[%swap3A_1710, %swap3A_1711] {strides = array<i32>} : memref<32x128xf32, #tpu.memory_space<vmem>>, vector<16xf32>,
      tpu.vector_store %arg11[%swap3A_1710, %swap3A_1711], %mul3A_1708 {strides = array<i32>} : memref<32x128xf32, #tpu.memory_space<vmem>>, vector<16xf32>,
      %get3A_1713 = arith.constant 21 : i32
      %get3A_1714 = arith.index_cast %get3A_1713 : i32 to index
      %get3A_1715 = arith.constant 16 : index
      %get3A_1716 = tpu.vector_load %arg11[%get3A_1714, %get3A_1715] {strides = array<i32>} : memref<32x128xf32, #tpu.memory_space<vmem>>, vector<16xf32>,
      %mul3A_1717 = arith.mulf %get3A_1716, %broadcast_in_dim3A_1703 : vector<16xf32>
      %swap3A_1718 = arith.constant 21 : i32
      %swap3A_1719 = arith.index_cast %swap3A_1718 : i32 to index
      %swap3A_1720 = arith.constant 16 : index
      %swap3A_1721 = tpu.vector_load %arg11[%swap3A_1719, %swap3A_1720] {strides = array<i32>} : memref<32x128xf32, #tpu.memory_space<vmem>>, vector<16xf32>,
      tpu.vector_store %arg11[%swap3A_1719, %swap3A_1720], %mul3A_1717 {strides = array<i32>} : memref<32x128xf32, #tpu.memory_space<vmem>>, vector<16xf32>,
      %get3A_1722 = arith.constant 21 : i32
      %get3A_1723 = arith.index_cast %get3A_1722 : i32 to index
      %get3A_1724 = arith.constant 32 : index
      %get3A_1725 = tpu.vector_load %arg11[%get3A_1723, %get3A_1724] {strides = array<i32>} : memref<32x128xf32, #tpu.memory_space<vmem>>, vector<16xf32>,
      %mul3A_1726 = arith.mulf %get3A_1725, %broadcast_in_dim3A_1703 : vector<16xf32>
      %swap3A_1727 = arith.constant 21 : i32
      %swap3A_1728 = arith.index_cast %swap3A_1727 : i32 to index
      %swap3A_1729 = arith.constant 32 : index
      %swap3A_1730 = tpu.vector_load %arg11[%swap3A_1728, %swap3A_1729] {strides = array<i32>} : memref<32x128xf32, #tpu.memory_space<vmem>>, vector<16xf32>,
      tpu.vector_store %arg11[%swap3A_1728, %swap3A_1729], %mul3A_1726 {strides = array<i32>} : memref<32x128xf32, #tpu.memory_space<vmem>>, vector<16xf32>,
      %get3A_1731 = arith.constant 21 : i32
      %get3A_1732 = arith.index_cast %get3A_1731 : i32 to index
      %get3A_1733 = arith.constant 48 : index
      %get3A_1734 = tpu.vector_load %arg11[%get3A_1732, %get3A_1733] {strides = array<i32>} : memref<32x128xf32, #tpu.memory_space<vmem>>, vector<16xf32>,
      %mul3A_1735 = arith.mulf %get3A_1734, %broadcast_in_dim3A_1703 : vector<16xf32>
      %swap3A_1736 = arith.constant 21 : i32
      %swap3A_1737 = arith.index_cast %swap3A_1736 : i32 to index
      %swap3A_1738 = arith.constant 48 : index
      %swap3A_1739 = tpu.vector_load %arg11[%swap3A_1737, %swap3A_1738] {strides = array<i32>} : memref<32x128xf32, #tpu.memory_space<vmem>>, vector<16xf32>,
      tpu.vector_store %arg11[%swap3A_1737, %swap3A_1738], %mul3A_1735 {strides = array<i32>} : memref<32x128xf32, #tpu.memory_space<vmem>>, vector<16xf32>,
      %get3A_1740 = arith.constant 21 : i32
      %get3A_1741 = arith.index_cast %get3A_1740 : i32 to index
      %get3A_1742 = arith.constant 64 : index
      %get3A_1743 = tpu.vector_load %arg11[%get3A_1741, %get3A_1742] {strides = array<i32>} : memref<32x128xf32, #tpu.memory_space<vmem>>, vector<16xf32>,
      %mul3A_1744 = arith.mulf %get3A_1743, %broadcast_in_dim3A_1703 : vector<16xf32>
      %swap3A_1745 = arith.constant 21 : i32
      %swap3A_1746 = arith.index_cast %swap3A_1745 : i32 to index
      %swap3A_1747 = arith.constant 64 : index
      %swap3A_1748 = tpu.vector_load %arg11[%swap3A_1746, %swap3A_1747] {strides = array<i32>} : memref<32x128xf32, #tpu.memory_space<vmem>>, vector<16xf32>,
      tpu.vector_store %arg11[%swap3A_1746, %swap3A_1747], %mul3A_1744 {strides = array<i32>} : memref<32x128xf32, #tpu.memory_space<vmem>>, vector<16xf32>,
      %get3A_1749 = arith.constant 21 : i32
      %get3A_1750 = arith.index_cast %get3A_1749 : i32 to index
      %get3A_1751 = arith.constant 80 : index
      %get3A_1752 = tpu.vector_load %arg11[%get3A_1750, %get3A_1751] {strides = array<i32>} : memref<32x128xf32, #tpu.memory_space<vmem>>, vector<16xf32>,
      %mul3A_1753 = arith.mulf %get3A_1752, %broadcast_in_dim3A_1703 : vector<16xf32>
      %swap3A_1754 = arith.constant 21 : i32
      %swap3A_1755 = arith.index_cast %swap3A_1754 : i32 to index
      %swap3A_1756 = arith.constant 80 : index
      %swap3A_1757 = tpu.vector_load %arg11[%swap3A_1755, %swap3A_1756] {strides = array<i32>} : memref<32x128xf32, #tpu.memory_space<vmem>>, vector<16xf32>,
      tpu.vector_store %arg11[%swap3A_1755, %swap3A_1756], %mul3A_1753 {strides = array<i32>} : memref<32x128xf32, #tpu.memory_space<vmem>>, vector<16xf32>,
      %get3A_1758 = arith.constant 21 : i32
      %get3A_1759 = arith.index_cast %get3A_1758 : i32 to index
      %get3A_1760 = arith.constant 96 : index
      %get3A_1761 = tpu.vector_load %arg11[%get3A_1759, %get3A_1760] {strides = array<i32>} : memref<32x128xf32, #tpu.memory_space<vmem>>, vector<16xf32>,
      %mul3A_1762 = arith.mulf %get3A_1761, %broadcast_in_dim3A_1703 : vector<16xf32>
      %swap3A_1763 = arith.constant 21 : i32
      %swap3A_1764 = arith.index_cast %swap3A_1763 : i32 to index
      %swap3A_1765 = arith.constant 96 : index
      %swap3A_1766 = tpu.vector_load %arg11[%swap3A_1764, %swap3A_1765] {strides = array<i32>} : memref<32x128xf32, #tpu.memory_space<vmem>>, vector<16xf32>,
      tpu.vector_store %arg11[%swap3A_1764, %swap3A_1765], %mul3A_1762 {strides = array<i32>} : memref<32x128xf32, #tpu.memory_space<vmem>>, vector<16xf32>,
      %get3A_1767 = arith.constant 21 : i32
      %get3A_1768 = arith.index_cast %get3A_1767 : i32 to index
      %get3A_1769 = arith.constant 112 : index
      %get3A_1770 = tpu.vector_load %arg11[%get3A_1768, %get3A_1769] {strides = array<i32>} : memref<32x128xf32, #tpu.memory_space<vmem>>, vector<16xf32>,
      %mul3A_1771 = arith.mulf %get3A_1770, %broadcast_in_dim3A_1703 : vector<16xf32>
      %swap3A_1772 = arith.constant 21 : i32
      %swap3A_1773 = arith.index_cast %swap3A_1772 : i32 to index
      %swap3A_1774 = arith.constant 112 : index
      %swap3A_1775 = tpu.vector_load %arg11[%swap3A_1773, %swap3A_1774] {strides = array<i32>} : memref<32x128xf32, #tpu.memory_space<vmem>>, vector<16xf32>,
      tpu.vector_store %arg11[%swap3A_1773, %swap3A_1774], %mul3A_1771 {strides = array<i32>} : memref<32x128xf32, #tpu.memory_space<vmem>>, vector<16xf32>,
      %slice3A_1776 = vector.extract_strided_slice %neg3A_1325 {offsets = [6], sizes = [1], strides = [1]} : vector<16xf32> to vector<1xf32>
      %squeeze3A_1777 = vector.extract %slice3A_1776[0] : f32 from vector<1xf32>
      %broadcast_in_dim3A_1778 = vector.broadcast %squeeze3A_1777 : f32 to vector<16xf32>
      %get3A_1779 = arith.constant 22 : i32
      %get3A_1780 = arith.index_cast %get3A_1779 : i32 to index
      %get3A_1781 = arith.constant 0 : index
      %get3A_1782 = tpu.vector_load %arg11[%get3A_1780, %get3A_1781] {strides = array<i32>} : memref<32x128xf32, #tpu.memory_space<vmem>>, vector<16xf32>,
      %mul3A_1783 = arith.mulf %get3A_1782, %broadcast_in_dim3A_1778 : vector<16xf32>
      %swap3A_1784 = arith.constant 22 : i32
      %swap3A_1785 = arith.index_cast %swap3A_1784 : i32 to index
      %swap3A_1786 = arith.constant 0 : index
      %swap3A_1787 = tpu.vector_load %arg11[%swap3A_1785, %swap3A_1786] {strides = array<i32>} : memref<32x128xf32, #tpu.memory_space<vmem>>, vector<16xf32>,
      tpu.vector_store %arg11[%swap3A_1785, %swap3A_1786], %mul3A_1783 {strides = array<i32>} : memref<32x128xf32, #tpu.memory_space<vmem>>, vector<16xf32>,
      %get3A_1788 = arith.constant 22 : i32
      %get3A_1789 = arith.index_cast %get3A_1788 : i32 to index
      %get3A_1790 = arith.constant 16 : index
      %get3A_1791 = tpu.vector_load %arg11[%get3A_1789, %get3A_1790] {strides = array<i32>} : memref<32x128xf32, #tpu.memory_space<vmem>>, vector<16xf32>,
      %mul3A_1792 = arith.mulf %get3A_1791, %broadcast_in_dim3A_1778 : vector<16xf32>
      %swap3A_1793 = arith.constant 22 : i32
      %swap3A_1794 = arith.index_cast %swap3A_1793 : i32 to index
      %swap3A_1795 = arith.constant 16 : index
      %swap3A_1796 = tpu.vector_load %arg11[%swap3A_1794, %swap3A_1795] {strides = array<i32>} : memref<32x128xf32, #tpu.memory_space<vmem>>, vector<16xf32>,
      tpu.vector_store %arg11[%swap3A_1794, %swap3A_1795], %mul3A_1792 {strides = array<i32>} : memref<32x128xf32, #tpu.memory_space<vmem>>, vector<16xf32>,
      %get3A_1797 = arith.constant 22 : i32
      %get3A_1798 = arith.index_cast %get3A_1797 : i32 to index
      %get3A_1799 = arith.constant 32 : index
      %get3A_1800 = tpu.vector_load %arg11[%get3A_1798, %get3A_1799] {strides = array<i32>} : memref<32x128xf32, #tpu.memory_space<vmem>>, vector<16xf32>,
      %mul3A_1801 = arith.mulf %get3A_1800, %broadcast_in_dim3A_1778 : vector<16xf32>
      %swap3A_1802 = arith.constant 22 : i32
      %swap3A_1803 = arith.index_cast %swap3A_1802 : i32 to index
      %swap3A_1804 = arith.constant 32 : index
      %swap3A_1805 = tpu.vector_load %arg11[%swap3A_1803, %swap3A_1804] {strides = array<i32>} : memref<32x128xf32, #tpu.memory_space<vmem>>, vector<16xf32>,
      tpu.vector_store %arg11[%swap3A_1803, %swap3A_1804], %mul3A_1801 {strides = array<i32>} : memref<32x128xf32, #tpu.memory_space<vmem>>, vector<16xf32>,
      %get3A_1806 = arith.constant 22 : i32
      %get3A_1807 = arith.index_cast %get3A_1806 : i32 to index
      %get3A_1808 = arith.constant 48 : index
      %get3A_1809 = tpu.vector_load %arg11[%get3A_1807, %get3A_1808] {strides = array<i32>} : memref<32x128xf32, #tpu.memory_space<vmem>>, vector<16xf32>,
      %mul3A_1810 = arith.mulf %get3A_1809, %broadcast_in_dim3A_1778 : vector<16xf32>
      %swap3A_1811 = arith.constant 22 : i32
      %swap3A_1812 = arith.index_cast %swap3A_1811 : i32 to index
      %swap3A_1813 = arith.constant 48 : index
      %swap3A_1814 = tpu.vector_load %arg11[%swap3A_1812, %swap3A_1813] {strides = array<i32>} : memref<32x128xf32, #tpu.memory_space<vmem>>, vector<16xf32>,
      tpu.vector_store %arg11[%swap3A_1812, %swap3A_1813], %mul3A_1810 {strides = array<i32>} : memref<32x128xf32, #tpu.memory_space<vmem>>, vector<16xf32>,
      %get3A_1815 = arith.constant 22 : i32
      %get3A_1816 = arith.index_cast %get3A_1815 : i32 to index
      %get3A_1817 = arith.constant 64 : index
      %get3A_1818 = tpu.vector_load %arg11[%get3A_1816, %get3A_1817] {strides = array<i32>} : memref<32x128xf32, #tpu.memory_space<vmem>>, vector<16xf32>,
      %mul3A_1819 = arith.mulf %get3A_1818, %broadcast_in_dim3A_1778 : vector<16xf32>
      %swap3A_1820 = arith.constant 22 : i32
      %swap3A_1821 = arith.index_cast %swap3A_1820 : i32 to index
      %swap3A_1822 = arith.constant 64 : index
      %swap3A_1823 = tpu.vector_load %arg11[%swap3A_1821, %swap3A_1822] {strides = array<i32>} : memref<32x128xf32, #tpu.memory_space<vmem>>, vector<16xf32>,
      tpu.vector_store %arg11[%swap3A_1821, %swap3A_1822], %mul3A_1819 {strides = array<i32>} : memref<32x128xf32, #tpu.memory_space<vmem>>, vector<16xf32>,
      %get3A_1824 = arith.constant 22 : i32
      %get3A_1825 = arith.index_cast %get3A_1824 : i32 to index
      %get3A_1826 = arith.constant 80 : index
      %get3A_1827 = tpu.vector_load %arg11[%get3A_1825, %get3A_1826] {strides = array<i32>} : memref<32x128xf32, #tpu.memory_space<vmem>>, vector<16xf32>,
      %mul3A_1828 = arith.mulf %get3A_1827, %broadcast_in_dim3A_1778 : vector<16xf32>
      %swap3A_1829 = arith.constant 22 : i32
      %swap3A_1830 = arith.index_cast %swap3A_1829 : i32 to index
      %swap3A_1831 = arith.constant 80 : index
      %swap3A_1832 = tpu.vector_load %arg11[%swap3A_1830, %swap3A_1831] {strides = array<i32>} : memref<32x128xf32, #tpu.memory_space<vmem>>, vector<16xf32>,
      tpu.vector_store %arg11[%swap3A_1830, %swap3A_1831], %mul3A_1828 {strides = array<i32>} : memref<32x128xf32, #tpu.memory_space<vmem>>, vector<16xf32>,
      %get3A_1833 = arith.constant 22 : i32
      %get3A_1834 = arith.index_cast %get3A_1833 : i32 to index
      %get3A_1835 = arith.constant 96 : index
      %get3A_1836 = tpu.vector_load %arg11[%get3A_1834, %get3A_1835] {strides = array<i32>} : memref<32x128xf32, #tpu.memory_space<vmem>>, vector<16xf32>,
      %mul3A_1837 = arith.mulf %get3A_1836, %broadcast_in_dim3A_1778 : vector<16xf32>
      %swap3A_1838 = arith.constant 22 : i32
      %swap3A_1839 = arith.index_cast %swap3A_1838 : i32 to index
      %swap3A_1840 = arith.constant 96 : index
      %swap3A_1841 = tpu.vector_load %arg11[%swap3A_1839, %swap3A_1840] {strides = array<i32>} : memref<32x128xf32, #tpu.memory_space<vmem>>, vector<16xf32>,
      tpu.vector_store %arg11[%swap3A_1839, %swap3A_1840], %mul3A_1837 {strides = array<i32>} : memref<32x128xf32, #tpu.memory_space<vmem>>, vector<16xf32>,
      %get3A_1842 = arith.constant 22 : i32
      %get3A_1843 = arith.index_cast %get3A_1842 : i32 to index
      %get3A_1844 = arith.constant 112 : index
      %get3A_1845 = tpu.vector_load %arg11[%get3A_1843, %get3A_1844] {strides = array<i32>} : memref<32x128xf32, #tpu.memory_space<vmem>>, vector<16xf32>,
      %mul3A_1846 = arith.mulf %get3A_1845, %broadcast_in_dim3A_1778 : vector<16xf32>
      %swap3A_1847 = arith.constant 22 : i32
      %swap3A_1848 = arith.index_cast %swap3A_1847 : i32 to index
      %swap3A_1849 = arith.constant 112 : index
      %swap3A_1850 = tpu.vector_load %arg11[%swap3A_1848, %swap3A_1849] {strides = array<i32>} : memref<32x128xf32, #tpu.memory_space<vmem>>, vector<16xf32>,
      tpu.vector_store %arg11[%swap3A_1848, %swap3A_1849], %mul3A_1846 {strides = array<i32>} : memref<32x128xf32, #tpu.memory_space<vmem>>, vector<16xf32>,
      %slice3A_1851 = vector.extract_strided_slice %neg3A_1325 {offsets = [7], sizes = [1], strides = [1]} : vector<16xf32> to vector<1xf32>
      %squeeze3A_1852 = vector.extract %slice3A_1851[0] : f32 from vector<1xf32>
      %broadcast_in_dim3A_1853 = vector.broadcast %squeeze3A_1852 : f32 to vector<16xf32>
      %get3A_1854 = arith.constant 23 : i32
      %get3A_1855 = arith.index_cast %get3A_1854 : i32 to index
      %get3A_1856 = arith.constant 0 : index
      %get3A_1857 = tpu.vector_load %arg11[%get3A_1855, %get3A_1856] {strides = array<i32>} : memref<32x128xf32, #tpu.memory_space<vmem>>, vector<16xf32>,
      %mul3A_1858 = arith.mulf %get3A_1857, %broadcast_in_dim3A_1853 : vector<16xf32>
      %swap3A_1859 = arith.constant 23 : i32
      %swap3A_1860 = arith.index_cast %swap3A_1859 : i32 to index
      %swap3A_1861 = arith.constant 0 : index
      %swap3A_1862 = tpu.vector_load %arg11[%swap3A_1860, %swap3A_1861] {strides = array<i32>} : memref<32x128xf32, #tpu.memory_space<vmem>>, vector<16xf32>,
      tpu.vector_store %arg11[%swap3A_1860, %swap3A_1861], %mul3A_1858 {strides = array<i32>} : memref<32x128xf32, #tpu.memory_space<vmem>>, vector<16xf32>,
      %get3A_1863 = arith.constant 23 : i32
      %get3A_1864 = arith.index_cast %get3A_1863 : i32 to index
      %get3A_1865 = arith.constant 16 : index
      %get3A_1866 = tpu.vector_load %arg11[%get3A_1864, %get3A_1865] {strides = array<i32>} : memref<32x128xf32, #tpu.memory_space<vmem>>, vector<16xf32>,
      %mul3A_1867 = arith.mulf %get3A_1866, %broadcast_in_dim3A_1853 : vector<16xf32>
      %swap3A_1868 = arith.constant 23 : i32
      %swap3A_1869 = arith.index_cast %swap3A_1868 : i32 to index
      %swap3A_1870 = arith.constant 16 : index
      %swap3A_1871 = tpu.vector_load %arg11[%swap3A_1869, %swap3A_1870] {strides = array<i32>} : memref<32x128xf32, #tpu.memory_space<vmem>>, vector<16xf32>,
      tpu.vector_store %arg11[%swap3A_1869, %swap3A_1870], %mul3A_1867 {strides = array<i32>} : memref<32x128xf32, #tpu.memory_space<vmem>>, vector<16xf32>,
      %get3A_1872 = arith.constant 23 : i32
      %get3A_1873 = arith.index_cast %get3A_1872 : i32 to index
      %get3A_1874 = arith.constant 32 : index
      %get3A_1875 = tpu.vector_load %arg11[%get3A_1873, %get3A_1874] {strides = array<i32>} : memref<32x128xf32, #tpu.memory_space<vmem>>, vector<16xf32>,
      %mul3A_1876 = arith.mulf %get3A_1875, %broadcast_in_dim3A_1853 : vector<16xf32>
      %swap3A_1877 = arith.constant 23 : i32
      %swap3A_1878 = arith.index_cast %swap3A_1877 : i32 to index
      %swap3A_1879 = arith.constant 32 : index
      %swap3A_1880 = tpu.vector_load %arg11[%swap3A_1878, %swap3A_1879] {strides = array<i32>} : memref<32x128xf32, #tpu.memory_space<vmem>>, vector<16xf32>,
      tpu.vector_store %arg11[%swap3A_1878, %swap3A_1879], %mul3A_1876 {strides = array<i32>} : memref<32x128xf32, #tpu.memory_space<vmem>>, vector<16xf32>,
      %get3A_1881 = arith.constant 23 : i32
      %get3A_1882 = arith.index_cast %get3A_1881 : i32 to index
      %get3A_1883 = arith.constant 48 : index
      %get3A_1884 = tpu.vector_load %arg11[%get3A_1882, %get3A_1883] {strides = array<i32>} : memref<32x128xf32, #tpu.memory_space<vmem>>, vector<16xf32>,
      %mul3A_1885 = arith.mulf %get3A_1884, %broadcast_in_dim3A_1853 : vector<16xf32>
      %swap3A_1886 = arith.constant 23 : i32
      %swap3A_1887 = arith.index_cast %swap3A_1886 : i32 to index
      %swap3A_1888 = arith.constant 48 : index
      %swap3A_1889 = tpu.vector_load %arg11[%swap3A_1887, %swap3A_1888] {strides = array<i32>} : memref<32x128xf32, #tpu.memory_space<vmem>>, vector<16xf32>,
      tpu.vector_store %arg11[%swap3A_1887, %swap3A_1888], %mul3A_1885 {strides = array<i32>} : memref<32x128xf32, #tpu.memory_space<vmem>>, vector<16xf32>,
      %get3A_1890 = arith.constant 23 : i32
      %get3A_1891 = arith.index_cast %get3A_1890 : i32 to index
      %get3A_1892 = arith.constant 64 : index
      %get3A_1893 = tpu.vector_load %arg11[%get3A_1891, %get3A_1892] {strides = array<i32>} : memref<32x128xf32, #tpu.memory_space<vmem>>, vector<16xf32>,
      %mul3A_1894 = arith.mulf %get3A_1893, %broadcast_in_dim3A_1853 : vector<16xf32>
      %swap3A_1895 = arith.constant 23 : i32
      %swap3A_1896 = arith.index_cast %swap3A_1895 : i32 to index
      %swap3A_1897 = arith.constant 64 : index
      %swap3A_1898 = tpu.vector_load %arg11[%swap3A_1896, %swap3A_1897] {strides = array<i32>} : memref<32x128xf32, #tpu.memory_space<vmem>>, vector<16xf32>,
      tpu.vector_store %arg11[%swap3A_1896, %swap3A_1897], %mul3A_1894 {strides = array<i32>} : memref<32x128xf32, #tpu.memory_space<vmem>>, vector<16xf32>,
      %get3A_1899 = arith.constant 23 : i32
      %get3A_1900 = arith.index_cast %get3A_1899 : i32 to index
      %get3A_1901 = arith.constant 80 : index
      %get3A_1902 = tpu.vector_load %arg11[%get3A_1900, %get3A_1901] {strides = array<i32>} : memref<32x128xf32, #tpu.memory_space<vmem>>, vector<16xf32>,
      %mul3A_1903 = arith.mulf %get3A_1902, %broadcast_in_dim3A_1853 : vector<16xf32>
      %swap3A_1904 = arith.constant 23 : i32
      %swap3A_1905 = arith.index_cast %swap3A_1904 : i32 to index
      %swap3A_1906 = arith.constant 80 : index
      %swap3A_1907 = tpu.vector_load %arg11[%swap3A_1905, %swap3A_1906] {strides = array<i32>} : memref<32x128xf32, #tpu.memory_space<vmem>>, vector<16xf32>,
      tpu.vector_store %arg11[%swap3A_1905, %swap3A_1906], %mul3A_1903 {strides = array<i32>} : memref<32x128xf32, #tpu.memory_space<vmem>>, vector<16xf32>,
      %get3A_1908 = arith.constant 23 : i32
      %get3A_1909 = arith.index_cast %get3A_1908 : i32 to index
      %get3A_1910 = arith.constant 96 : index
      %get3A_1911 = tpu.vector_load %arg11[%get3A_1909, %get3A_1910] {strides = array<i32>} : memref<32x128xf32, #tpu.memory_space<vmem>>, vector<16xf32>,
      %mul3A_1912 = arith.mulf %get3A_1911, %broadcast_in_dim3A_1853 : vector<16xf32>
      %swap3A_1913 = arith.constant 23 : i32
      %swap3A_1914 = arith.index_cast %swap3A_1913 : i32 to index
      %swap3A_1915 = arith.constant 96 : index
      %swap3A_1916 = tpu.vector_load %arg11[%swap3A_1914, %swap3A_1915] {strides = array<i32>} : memref<32x128xf32, #tpu.memory_space<vmem>>, vector<16xf32>,
      tpu.vector_store %arg11[%swap3A_1914, %swap3A_1915], %mul3A_1912 {strides = array<i32>} : memref<32x128xf32, #tpu.memory_space<vmem>>, vector<16xf32>,
      %get3A_1917 = arith.constant 23 : i32
      %get3A_1918 = arith.index_cast %get3A_1917 : i32 to index
      %get3A_1919 = arith.constant 112 : index
      %get3A_1920 = tpu.vector_load %arg11[%get3A_1918, %get3A_1919] {strides = array<i32>} : memref<32x128xf32, #tpu.memory_space<vmem>>, vector<16xf32>,
      %mul3A_1921 = arith.mulf %get3A_1920, %broadcast_in_dim3A_1853 : vector<16xf32>
      %swap3A_1922 = arith.constant 23 : i32
      %swap3A_1923 = arith.index_cast %swap3A_1922 : i32 to index
      %swap3A_1924 = arith.constant 112 : index
      %swap3A_1925 = tpu.vector_load %arg11[%swap3A_1923, %swap3A_1924] {strides = array<i32>} : memref<32x128xf32, #tpu.memory_space<vmem>>, vector<16xf32>,
      tpu.vector_store %arg11[%swap3A_1923, %swap3A_1924], %mul3A_1921 {strides = array<i32>} : memref<32x128xf32, #tpu.memory_space<vmem>>, vector<16xf32>,
      %slice3A_1926 = vector.extract_strided_slice %neg3A_1325 {offsets = [8], sizes = [1], strides = [1]} : vector<16xf32> to vector<1xf32>
      %squeeze3A_1927 = vector.extract %slice3A_1926[0] : f32 from vector<1xf32>
      %broadcast_in_dim3A_1928 = vector.broadcast %squeeze3A_1927 : f32 to vector<16xf32>
      %get3A_1929 = arith.constant 24 : i32
      %get3A_1930 = arith.index_cast %get3A_1929 : i32 to index
      %get3A_1931 = arith.constant 0 : index
      %get3A_1932 = tpu.vector_load %arg11[%get3A_1930, %get3A_1931] {strides = array<i32>} : memref<32x128xf32, #tpu.memory_space<vmem>>, vector<16xf32>,
      %mul3A_1933 = arith.mulf %get3A_1932, %broadcast_in_dim3A_1928 : vector<16xf32>
      %swap3A_1934 = arith.constant 24 : i32
      %swap3A_1935 = arith.index_cast %swap3A_1934 : i32 to index
      %swap3A_1936 = arith.constant 0 : index
      %swap3A_1937 = tpu.vector_load %arg11[%swap3A_1935, %swap3A_1936] {strides = array<i32>} : memref<32x128xf32, #tpu.memory_space<vmem>>, vector<16xf32>,
      tpu.vector_store %arg11[%swap3A_1935, %swap3A_1936], %mul3A_1933 {strides = array<i32>} : memref<32x128xf32, #tpu.memory_space<vmem>>, vector<16xf32>,
      %get3A_1938 = arith.constant 24 : i32
      %get3A_1939 = arith.index_cast %get3A_1938 : i32 to index
      %get3A_1940 = arith.constant 16 : index
      %get3A_1941 = tpu.vector_load %arg11[%get3A_1939, %get3A_1940] {strides = array<i32>} : memref<32x128xf32, #tpu.memory_space<vmem>>, vector<16xf32>,
      %mul3A_1942 = arith.mulf %get3A_1941, %broadcast_in_dim3A_1928 : vector<16xf32>
      %swap3A_1943 = arith.constant 24 : i32
      %swap3A_1944 = arith.index_cast %swap3A_1943 : i32 to index
      %swap3A_1945 = arith.constant 16 : index
      %swap3A_1946 = tpu.vector_load %arg11[%swap3A_1944, %swap3A_1945] {strides = array<i32>} : memref<32x128xf32, #tpu.memory_space<vmem>>, vector<16xf32>,
      tpu.vector_store %arg11[%swap3A_1944, %swap3A_1945], %mul3A_1942 {strides = array<i32>} : memref<32x128xf32, #tpu.memory_space<vmem>>, vector<16xf32>,
      %get3A_1947 = arith.constant 24 : i32
      %get3A_1948 = arith.index_cast %get3A_1947 : i32 to index
      %get3A_1949 = arith.constant 32 : index
      %get3A_1950 = tpu.vector_load %arg11[%get3A_1948, %get3A_1949] {strides = array<i32>} : memref<32x128xf32, #tpu.memory_space<vmem>>, vector<16xf32>,
      %mul3A_1951 = arith.mulf %get3A_1950, %broadcast_in_dim3A_1928 : vector<16xf32>
      %swap3A_1952 = arith.constant 24 : i32
      %swap3A_1953 = arith.index_cast %swap3A_1952 : i32 to index
      %swap3A_1954 = arith.constant 32 : index
      %swap3A_1955 = tpu.vector_load %arg11[%swap3A_1953, %swap3A_1954] {strides = array<i32>} : memref<32x128xf32, #tpu.memory_space<vmem>>, vector<16xf32>,
      tpu.vector_store %arg11[%swap3A_1953, %swap3A_1954], %mul3A_1951 {strides = array<i32>} : memref<32x128xf32, #tpu.memory_space<vmem>>, vector<16xf32>,
      %get3A_1956 = arith.constant 24 : i32
      %get3A_1957 = arith.index_cast %get3A_1956 : i32 to index
      %get3A_1958 = arith.constant 48 : index
      %get3A_1959 = tpu.vector_load %arg11[%get3A_1957, %get3A_1958] {strides = array<i32>} : memref<32x128xf32, #tpu.memory_space<vmem>>, vector<16xf32>,
      %mul3A_1960 = arith.mulf %get3A_1959, %broadcast_in_dim3A_1928 : vector<16xf32>
      %swap3A_1961 = arith.constant 24 : i32
      %swap3A_1962 = arith.index_cast %swap3A_1961 : i32 to index
      %swap3A_1963 = arith.constant 48 : index
      %swap3A_1964 = tpu.vector_load %arg11[%swap3A_1962, %swap3A_1963] {strides = array<i32>} : memref<32x128xf32, #tpu.memory_space<vmem>>, vector<16xf32>,
      tpu.vector_store %arg11[%swap3A_1962, %swap3A_1963], %mul3A_1960 {strides = array<i32>} : memref<32x128xf32, #tpu.memory_space<vmem>>, vector<16xf32>,
      %get3A_1965 = arith.constant 24 : i32
      %get3A_1966 = arith.index_cast %get3A_1965 : i32 to index
      %get3A_1967 = arith.constant 64 : index
      %get3A_1968 = tpu.vector_load %arg11[%get3A_1966, %get3A_1967] {strides = array<i32>} : memref<32x128xf32, #tpu.memory_space<vmem>>, vector<16xf32>,
      %mul3A_1969 = arith.mulf %get3A_1968, %broadcast_in_dim3A_1928 : vector<16xf32>
      %swap3A_1970 = arith.constant 24 : i32
      %swap3A_1971 = arith.index_cast %swap3A_1970 : i32 to index
      %swap3A_1972 = arith.constant 64 : index
      %swap3A_1973 = tpu.vector_load %arg11[%swap3A_1971, %swap3A_1972] {strides = array<i32>} : memref<32x128xf32, #tpu.memory_space<vmem>>, vector<16xf32>,
      tpu.vector_store %arg11[%swap3A_1971, %swap3A_1972], %mul3A_1969 {strides = array<i32>} : memref<32x128xf32, #tpu.memory_space<vmem>>, vector<16xf32>,
      %get3A_1974 = arith.constant 24 : i32
      %get3A_1975 = arith.index_cast %get3A_1974 : i32 to index
      %get3A_1976 = arith.constant 80 : index
      %get3A_1977 = tpu.vector_load %arg11[%get3A_1975, %get3A_1976] {strides = array<i32>} : memref<32x128xf32, #tpu.memory_space<vmem>>, vector<16xf32>,
      %mul3A_1978 = arith.mulf %get3A_1977, %broadcast_in_dim3A_1928 : vector<16xf32>
      %swap3A_1979 = arith.constant 24 : i32
      %swap3A_1980 = arith.index_cast %swap3A_1979 : i32 to index
      %swap3A_1981 = arith.constant 80 : index
      %swap3A_1982 = tpu.vector_load %arg11[%swap3A_1980, %swap3A_1981] {strides = array<i32>} : memref<32x128xf32, #tpu.memory_space<vmem>>, vector<16xf32>,
      tpu.vector_store %arg11[%swap3A_1980, %swap3A_1981], %mul3A_1978 {strides = array<i32>} : memref<32x128xf32, #tpu.memory_space<vmem>>, vector<16xf32>,
      %get3A_1983 = arith.constant 24 : i32
      %get3A_1984 = arith.index_cast %get3A_1983 : i32 to index
      %get3A_1985 = arith.constant 96 : index
      %get3A_1986 = tpu.vector_load %arg11[%get3A_1984, %get3A_1985] {strides = array<i32>} : memref<32x128xf32, #tpu.memory_space<vmem>>, vector<16xf32>,
      %mul3A_1987 = arith.mulf %get3A_1986, %broadcast_in_dim3A_1928 : vector<16xf32>
      %swap3A_1988 = arith.constant 24 : i32
      %swap3A_1989 = arith.index_cast %swap3A_1988 : i32 to index
      %swap3A_1990 = arith.constant 96 : index
      %swap3A_1991 = tpu.vector_load %arg11[%swap3A_1989, %swap3A_1990] {strides = array<i32>} : memref<32x128xf32, #tpu.memory_space<vmem>>, vector<16xf32>,
      tpu.vector_store %arg11[%swap3A_1989, %swap3A_1990], %mul3A_1987 {strides = array<i32>} : memref<32x128xf32, #tpu.memory_space<vmem>>, vector<16xf32>,
      %get3A_1992 = arith.constant 24 : i32
      %get3A_1993 = arith.index_cast %get3A_1992 : i32 to index
      %get3A_1994 = arith.constant 112 : index
      %get3A_1995 = tpu.vector_load %arg11[%get3A_1993, %get3A_1994] {strides = array<i32>} : memref<32x128xf32, #tpu.memory_space<vmem>>, vector<16xf32>,
      %mul3A_1996 = arith.mulf %get3A_1995, %broadcast_in_dim3A_1928 : vector<16xf32>
      %swap3A_1997 = arith.constant 24 : i32
      %swap3A_1998 = arith.index_cast %swap3A_1997 : i32 to index
      %swap3A_1999 = arith.constant 112 : index
      %swap3A_2000 = tpu.vector_load %arg11[%swap3A_1998, %swap3A_1999] {strides = array<i32>} : memref<32x128xf32, #tpu.memory_space<vmem>>, vector<16xf32>,
      tpu.vector_store %arg11[%swap3A_1998, %swap3A_1999], %mul3A_1996 {strides = array<i32>} : memref<32x128xf32, #tpu.memory_space<vmem>>, vector<16xf32>,
      %slice3A_2001 = vector.extract_strided_slice %neg3A_1325 {offsets = [9], sizes = [1], strides = [1]} : vector<16xf32> to vector<1xf32>
      %squeeze3A_2002 = vector.extract %slice3A_2001[0] : f32 from vector<1xf32>
      %broadcast_in_dim3A_2003 = vector.broadcast %squeeze3A_2002 : f32 to vector<16xf32>
      %get3A_2004 = arith.constant 25 : i32
      %get3A_2005 = arith.index_cast %get3A_2004 : i32 to index
      %get3A_2006 = arith.constant 0 : index
      %get3A_2007 = tpu.vector_load %arg11[%get3A_2005, %get3A_2006] {strides = array<i32>} : memref<32x128xf32, #tpu.memory_space<vmem>>, vector<16xf32>,
      %mul3A_2008 = arith.mulf %get3A_2007, %broadcast_in_dim3A_2003 : vector<16xf32>
      %swap3A_2009 = arith.constant 25 : i32
      %swap3A_2010 = arith.index_cast %swap3A_2009 : i32 to index
      %swap3A_2011 = arith.constant 0 : index
      %swap3A_2012 = tpu.vector_load %arg11[%swap3A_2010, %swap3A_2011] {strides = array<i32>} : memref<32x128xf32, #tpu.memory_space<vmem>>, vector<16xf32>,
      tpu.vector_store %arg11[%swap3A_2010, %swap3A_2011], %mul3A_2008 {strides = array<i32>} : memref<32x128xf32, #tpu.memory_space<vmem>>, vector<16xf32>,
      %get3A_2013 = arith.constant 25 : i32
      %get3A_2014 = arith.index_cast %get3A_2013 : i32 to index
      %get3A_2015 = arith.constant 16 : index
      %get3A_2016 = tpu.vector_load %arg11[%get3A_2014, %get3A_2015] {strides = array<i32>} : memref<32x128xf32, #tpu.memory_space<vmem>>, vector<16xf32>,
      %mul3A_2017 = arith.mulf %get3A_2016, %broadcast_in_dim3A_2003 : vector<16xf32>
      %swap3A_2018 = arith.constant 25 : i32
      %swap3A_2019 = arith.index_cast %swap3A_2018 : i32 to index
      %swap3A_2020 = arith.constant 16 : index
      %swap3A_2021 = tpu.vector_load %arg11[%swap3A_2019, %swap3A_2020] {strides = array<i32>} : memref<32x128xf32, #tpu.memory_space<vmem>>, vector<16xf32>,
      tpu.vector_store %arg11[%swap3A_2019, %swap3A_2020], %mul3A_2017 {strides = array<i32>} : memref<32x128xf32, #tpu.memory_space<vmem>>, vector<16xf32>,
      %get3A_2022 = arith.constant 25 : i32
      %get3A_2023 = arith.index_cast %get3A_2022 : i32 to index
      %get3A_2024 = arith.constant 32 : index
      %get3A_2025 = tpu.vector_load %arg11[%get3A_2023, %get3A_2024] {strides = array<i32>} : memref<32x128xf32, #tpu.memory_space<vmem>>, vector<16xf32>,
      %mul3A_2026 = arith.mulf %get3A_2025, %broadcast_in_dim3A_2003 : vector<16xf32>
      %swap3A_2027 = arith.constant 25 : i32
      %swap3A_2028 = arith.index_cast %swap3A_2027 : i32 to index
      %swap3A_2029 = arith.constant 32 : index
      %swap3A_2030 = tpu.vector_load %arg11[%swap3A_2028, %swap3A_2029] {strides = array<i32>} : memref<32x128xf32, #tpu.memory_space<vmem>>, vector<16xf32>,
      tpu.vector_store %arg11[%swap3A_2028, %swap3A_2029], %mul3A_2026 {strides = array<i32>} : memref<32x128xf32, #tpu.memory_space<vmem>>, vector<16xf32>,
      %get3A_2031 = arith.constant 25 : i32
      %get3A_2032 = arith.index_cast %get3A_2031 : i32 to index
      %get3A_2033 = arith.constant 48 : index
      %get3A_2034 = tpu.vector_load %arg11[%get3A_2032, %get3A_2033] {strides = array<i32>} : memref<32x128xf32, #tpu.memory_space<vmem>>, vector<16xf32>,
      %mul3A_2035 = arith.mulf %get3A_2034, %broadcast_in_dim3A_2003 : vector<16xf32>
      %swap3A_2036 = arith.constant 25 : i32
      %swap3A_2037 = arith.index_cast %swap3A_2036 : i32 to index
      %swap3A_2038 = arith.constant 48 : index
      %swap3A_2039 = tpu.vector_load %arg11[%swap3A_2037, %swap3A_2038] {strides = array<i32>} : memref<32x128xf32, #tpu.memory_space<vmem>>, vector<16xf32>,
      tpu.vector_store %arg11[%swap3A_2037, %swap3A_2038], %mul3A_2035 {strides = array<i32>} : memref<32x128xf32, #tpu.memory_space<vmem>>, vector<16xf32>,
      %get3A_2040 = arith.constant 25 : i32
      %get3A_2041 = arith.index_cast %get3A_2040 : i32 to index
      %get3A_2042 = arith.constant 64 : index
      %get3A_2043 = tpu.vector_load %arg11[%get3A_2041, %get3A_2042] {strides = array<i32>} : memref<32x128xf32, #tpu.memory_space<vmem>>, vector<16xf32>,
      %mul3A_2044 = arith.mulf %get3A_2043, %broadcast_in_dim3A_2003 : vector<16xf32>
      %swap3A_2045 = arith.constant 25 : i32
      %swap3A_2046 = arith.index_cast %swap3A_2045 : i32 to index
      %swap3A_2047 = arith.constant 64 : index
      %swap3A_2048 = tpu.vector_load %arg11[%swap3A_2046, %swap3A_2047] {strides = array<i32>} : memref<32x128xf32, #tpu.memory_space<vmem>>, vector<16xf32>,
      tpu.vector_store %arg11[%swap3A_2046, %swap3A_2047], %mul3A_2044 {strides = array<i32>} : memref<32x128xf32, #tpu.memory_space<vmem>>, vector<16xf32>,
      %get3A_2049 = arith.constant 25 : i32
      %get3A_2050 = arith.index_cast %get3A_2049 : i32 to index
      %get3A_2051 = arith.constant 80 : index
      %get3A_2052 = tpu.vector_load %arg11[%get3A_2050, %get3A_2051] {strides = array<i32>} : memref<32x128xf32, #tpu.memory_space<vmem>>, vector<16xf32>,
      %mul3A_2053 = arith.mulf %get3A_2052, %broadcast_in_dim3A_2003 : vector<16xf32>
      %swap3A_2054 = arith.constant 25 : i32
      %swap3A_2055 = arith.index_cast %swap3A_2054 : i32 to index
      %swap3A_2056 = arith.constant 80 : index
      %swap3A_2057 = tpu.vector_load %arg11[%swap3A_2055, %swap3A_2056] {strides = array<i32>} : memref<32x128xf32, #tpu.memory_space<vmem>>, vector<16xf32>,
      tpu.vector_store %arg11[%swap3A_2055, %swap3A_2056], %mul3A_2053 {strides = array<i32>} : memref<32x128xf32, #tpu.memory_space<vmem>>, vector<16xf32>,
      %get3A_2058 = arith.constant 25 : i32
      %get3A_2059 = arith.index_cast %get3A_2058 : i32 to index
      %get3A_2060 = arith.constant 96 : index
      %get3A_2061 = tpu.vector_load %arg11[%get3A_2059, %get3A_2060] {strides = array<i32>} : memref<32x128xf32, #tpu.memory_space<vmem>>, vector<16xf32>,
      %mul3A_2062 = arith.mulf %get3A_2061, %broadcast_in_dim3A_2003 : vector<16xf32>
      %swap3A_2063 = arith.constant 25 : i32
      %swap3A_2064 = arith.index_cast %swap3A_2063 : i32 to index
      %swap3A_2065 = arith.constant 96 : index
      %swap3A_2066 = tpu.vector_load %arg11[%swap3A_2064, %swap3A_2065] {strides = array<i32>} : memref<32x128xf32, #tpu.memory_space<vmem>>, vector<16xf32>,
      tpu.vector_store %arg11[%swap3A_2064, %swap3A_2065], %mul3A_2062 {strides = array<i32>} : memref<32x128xf32, #tpu.memory_space<vmem>>, vector<16xf32>,
      %get3A_2067 = arith.constant 25 : i32
      %get3A_2068 = arith.index_cast %get3A_2067 : i32 to index
      %get3A_2069 = arith.constant 112 : index
      %get3A_2070 = tpu.vector_load %arg11[%get3A_2068, %get3A_2069] {strides = array<i32>} : memref<32x128xf32, #tpu.memory_space<vmem>>, vector<16xf32>,
      %mul3A_2071 = arith.mulf %get3A_2070, %broadcast_in_dim3A_2003 : vector<16xf32>
      %swap3A_2072 = arith.constant 25 : i32
      %swap3A_2073 = arith.index_cast %swap3A_2072 : i32 to index
      %swap3A_2074 = arith.constant 112 : index
      %swap3A_2075 = tpu.vector_load %arg11[%swap3A_2073, %swap3A_2074] {strides = array<i32>} : memref<32x128xf32, #tpu.memory_space<vmem>>, vector<16xf32>,
      tpu.vector_store %arg11[%swap3A_2073, %swap3A_2074], %mul3A_2071 {strides = array<i32>} : memref<32x128xf32, #tpu.memory_space<vmem>>, vector<16xf32>,
      %slice3A_2076 = vector.extract_strided_slice %neg3A_1325 {offsets = [10], sizes = [1], strides = [1]} : vector<16xf32> to vector<1xf32>
      %squeeze3A_2077 = vector.extract %slice3A_2076[0] : f32 from vector<1xf32>
      %broadcast_in_dim3A_2078 = vector.broadcast %squeeze3A_2077 : f32 to vector<16xf32>
      %get3A_2079 = arith.constant 26 : i32
      %get3A_2080 = arith.index_cast %get3A_2079 : i32 to index
      %get3A_2081 = arith.constant 0 : index
      %get3A_2082 = tpu.vector_load %arg11[%get3A_2080, %get3A_2081] {strides = array<i32>} : memref<32x128xf32, #tpu.memory_space<vmem>>, vector<16xf32>,
      %mul3A_2083 = arith.mulf %get3A_2082, %broadcast_in_dim3A_2078 : vector<16xf32>
      %swap3A_2084 = arith.constant 26 : i32
      %swap3A_2085 = arith.index_cast %swap3A_2084 : i32 to index
      %swap3A_2086 = arith.constant 0 : index
      %swap3A_2087 = tpu.vector_load %arg11[%swap3A_2085, %swap3A_2086] {strides = array<i32>} : memref<32x128xf32, #tpu.memory_space<vmem>>, vector<16xf32>,
      tpu.vector_store %arg11[%swap3A_2085, %swap3A_2086], %mul3A_2083 {strides = array<i32>} : memref<32x128xf32, #tpu.memory_space<vmem>>, vector<16xf32>,
      %get3A_2088 = arith.constant 26 : i32
      %get3A_2089 = arith.index_cast %get3A_2088 : i32 to index
      %get3A_2090 = arith.constant 16 : index
      %get3A_2091 = tpu.vector_load %arg11[%get3A_2089, %get3A_2090] {strides = array<i32>} : memref<32x128xf32, #tpu.memory_space<vmem>>, vector<16xf32>,
      %mul3A_2092 = arith.mulf %get3A_2091, %broadcast_in_dim3A_2078 : vector<16xf32>
      %swap3A_2093 = arith.constant 26 : i32
      %swap3A_2094 = arith.index_cast %swap3A_2093 : i32 to index
      %swap3A_2095 = arith.constant 16 : index
      %swap3A_2096 = tpu.vector_load %arg11[%swap3A_2094, %swap3A_2095] {strides = array<i32>} : memref<32x128xf32, #tpu.memory_space<vmem>>, vector<16xf32>,
      tpu.vector_store %arg11[%swap3A_2094, %swap3A_2095], %mul3A_2092 {strides = array<i32>} : memref<32x128xf32, #tpu.memory_space<vmem>>, vector<16xf32>,
      %get3A_2097 = arith.constant 26 : i32
      %get3A_2098 = arith.index_cast %get3A_2097 : i32 to index
      %get3A_2099 = arith.constant 32 : index
      %get3A_2100 = tpu.vector_load %arg11[%get3A_2098, %get3A_2099] {strides = array<i32>} : memref<32x128xf32, #tpu.memory_space<vmem>>, vector<16xf32>,
      %mul3A_2101 = arith.mulf %get3A_2100, %broadcast_in_dim3A_2078 : vector<16xf32>
      %swap3A_2102 = arith.constant 26 : i32
      %swap3A_2103 = arith.index_cast %swap3A_2102 : i32 to index
      %swap3A_2104 = arith.constant 32 : index
      %swap3A_2105 = tpu.vector_load %arg11[%swap3A_2103, %swap3A_2104] {strides = array<i32>} : memref<32x128xf32, #tpu.memory_space<vmem>>, vector<16xf32>,
      tpu.vector_store %arg11[%swap3A_2103, %swap3A_2104], %mul3A_2101 {strides = array<i32>} : memref<32x128xf32, #tpu.memory_space<vmem>>, vector<16xf32>,
      %get3A_2106 = arith.constant 26 : i32
      %get3A_2107 = arith.index_cast %get3A_2106 : i32 to index
      %get3A_2108 = arith.constant 48 : index
      %get3A_2109 = tpu.vector_load %arg11[%get3A_2107, %get3A_2108] {strides = array<i32>} : memref<32x128xf32, #tpu.memory_space<vmem>>, vector<16xf32>,
      %mul3A_2110 = arith.mulf %get3A_2109, %broadcast_in_dim3A_2078 : vector<16xf32>
      %swap3A_2111 = arith.constant 26 : i32
      %swap3A_2112 = arith.index_cast %swap3A_2111 : i32 to index
      %swap3A_2113 = arith.constant 48 : index
      %swap3A_2114 = tpu.vector_load %arg11[%swap3A_2112, %swap3A_2113] {strides = array<i32>} : memref<32x128xf32, #tpu.memory_space<vmem>>, vector<16xf32>,
      tpu.vector_store %arg11[%swap3A_2112, %swap3A_2113], %mul3A_2110 {strides = array<i32>} : memref<32x128xf32, #tpu.memory_space<vmem>>, vector<16xf32>,
      %get3A_2115 = arith.constant 26 : i32
      %get3A_2116 = arith.index_cast %get3A_2115 : i32 to index
      %get3A_2117 = arith.constant 64 : index
      %get3A_2118 = tpu.vector_load %arg11[%get3A_2116, %get3A_2117] {strides = array<i32>} : memref<32x128xf32, #tpu.memory_space<vmem>>, vector<16xf32>,
      %mul3A_2119 = arith.mulf %get3A_2118, %broadcast_in_dim3A_2078 : vector<16xf32>
      %swap3A_2120 = arith.constant 26 : i32
      %swap3A_2121 = arith.index_cast %swap3A_2120 : i32 to index
      %swap3A_2122 = arith.constant 64 : index
      %swap3A_2123 = tpu.vector_load %arg11[%swap3A_2121, %swap3A_2122] {strides = array<i32>} : memref<32x128xf32, #tpu.memory_space<vmem>>, vector<16xf32>,
      tpu.vector_store %arg11[%swap3A_2121, %swap3A_2122], %mul3A_2119 {strides = array<i32>} : memref<32x128xf32, #tpu.memory_space<vmem>>, vector<16xf32>,
      %get3A_2124 = arith.constant 26 : i32
      %get3A_2125 = arith.index_cast %get3A_2124 : i32 to index
      %get3A_2126 = arith.constant 80 : index
      %get3A_2127 = tpu.vector_load %arg11[%get3A_2125, %get3A_2126] {strides = array<i32>} : memref<32x128xf32, #tpu.memory_space<vmem>>, vector<16xf32>,
      %mul3A_2128 = arith.mulf %get3A_2127, %broadcast_in_dim3A_2078 : vector<16xf32>
      %swap3A_2129 = arith.constant 26 : i32
      %swap3A_2130 = arith.index_cast %swap3A_2129 : i32 to index
      %swap3A_2131 = arith.constant 80 : index
      %swap3A_2132 = tpu.vector_load %arg11[%swap3A_2130, %swap3A_2131] {strides = array<i32>} : memref<32x128xf32, #tpu.memory_space<vmem>>, vector<16xf32>,
      tpu.vector_store %arg11[%swap3A_2130, %swap3A_2131], %mul3A_2128 {strides = array<i32>} : memref<32x128xf32, #tpu.memory_space<vmem>>, vector<16xf32>,
      %get3A_2133 = arith.constant 26 : i32
      %get3A_2134 = arith.index_cast %get3A_2133 : i32 to index
      %get3A_2135 = arith.constant 96 : index
      %get3A_2136 = tpu.vector_load %arg11[%get3A_2134, %get3A_2135] {strides = array<i32>} : memref<32x128xf32, #tpu.memory_space<vmem>>, vector<16xf32>,
      %mul3A_2137 = arith.mulf %get3A_2136, %broadcast_in_dim3A_2078 : vector<16xf32>
      %swap3A_2138 = arith.constant 26 : i32
      %swap3A_2139 = arith.index_cast %swap3A_2138 : i32 to index
      %swap3A_2140 = arith.constant 96 : index
      %swap3A_2141 = tpu.vector_load %arg11[%swap3A_2139, %swap3A_2140] {strides = array<i32>} : memref<32x128xf32, #tpu.memory_space<vmem>>, vector<16xf32>,
      tpu.vector_store %arg11[%swap3A_2139, %swap3A_2140], %mul3A_2137 {strides = array<i32>} : memref<32x128xf32, #tpu.memory_space<vmem>>, vector<16xf32>,
      %get3A_2142 = arith.constant 26 : i32
      %get3A_2143 = arith.index_cast %get3A_2142 : i32 to index
      %get3A_2144 = arith.constant 112 : index
      %get3A_2145 = tpu.vector_load %arg11[%get3A_2143, %get3A_2144] {strides = array<i32>} : memref<32x128xf32, #tpu.memory_space<vmem>>, vector<16xf32>,
      %mul3A_2146 = arith.mulf %get3A_2145, %broadcast_in_dim3A_2078 : vector<16xf32>
      %swap3A_2147 = arith.constant 26 : i32
      %swap3A_2148 = arith.index_cast %swap3A_2147 : i32 to index
      %swap3A_2149 = arith.constant 112 : index
      %swap3A_2150 = tpu.vector_load %arg11[%swap3A_2148, %swap3A_2149] {strides = array<i32>} : memref<32x128xf32, #tpu.memory_space<vmem>>, vector<16xf32>,
      tpu.vector_store %arg11[%swap3A_2148, %swap3A_2149], %mul3A_2146 {strides = array<i32>} : memref<32x128xf32, #tpu.memory_space<vmem>>, vector<16xf32>,
      %slice3A_2151 = vector.extract_strided_slice %neg3A_1325 {offsets = [11], sizes = [1], strides = [1]} : vector<16xf32> to vector<1xf32>
      %squeeze3A_2152 = vector.extract %slice3A_2151[0] : f32 from vector<1xf32>
      %broadcast_in_dim3A_2153 = vector.broadcast %squeeze3A_2152 : f32 to vector<16xf32>
      %get3A_2154 = arith.constant 27 : i32
      %get3A_2155 = arith.index_cast %get3A_2154 : i32 to index
      %get3A_2156 = arith.constant 0 : index
      %get3A_2157 = tpu.vector_load %arg11[%get3A_2155, %get3A_2156] {strides = array<i32>} : memref<32x128xf32, #tpu.memory_space<vmem>>, vector<16xf32>,
      %mul3A_2158 = arith.mulf %get3A_2157, %broadcast_in_dim3A_2153 : vector<16xf32>
      %swap3A_2159 = arith.constant 27 : i32
      %swap3A_2160 = arith.index_cast %swap3A_2159 : i32 to index
      %swap3A_2161 = arith.constant 0 : index
      %swap3A_2162 = tpu.vector_load %arg11[%swap3A_2160, %swap3A_2161] {strides = array<i32>} : memref<32x128xf32, #tpu.memory_space<vmem>>, vector<16xf32>,
      tpu.vector_store %arg11[%swap3A_2160, %swap3A_2161], %mul3A_2158 {strides = array<i32>} : memref<32x128xf32, #tpu.memory_space<vmem>>, vector<16xf32>,
      %get3A_2163 = arith.constant 27 : i32
      %get3A_2164 = arith.index_cast %get3A_2163 : i32 to index
      %get3A_2165 = arith.constant 16 : index
      %get3A_2166 = tpu.vector_load %arg11[%get3A_2164, %get3A_2165] {strides = array<i32>} : memref<32x128xf32, #tpu.memory_space<vmem>>, vector<16xf32>,
      %mul3A_2167 = arith.mulf %get3A_2166, %broadcast_in_dim3A_2153 : vector<16xf32>
      %swap3A_2168 = arith.constant 27 : i32
      %swap3A_2169 = arith.index_cast %swap3A_2168 : i32 to index
      %swap3A_2170 = arith.constant 16 : index
      %swap3A_2171 = tpu.vector_load %arg11[%swap3A_2169, %swap3A_2170] {strides = array<i32>} : memref<32x128xf32, #tpu.memory_space<vmem>>, vector<16xf32>,
      tpu.vector_store %arg11[%swap3A_2169, %swap3A_2170], %mul3A_2167 {strides = array<i32>} : memref<32x128xf32, #tpu.memory_space<vmem>>, vector<16xf32>,
      %get3A_2172 = arith.constant 27 : i32
      %get3A_2173 = arith.index_cast %get3A_2172 : i32 to index
      %get3A_2174 = arith.constant 32 : index
      %get3A_2175 = tpu.vector_load %arg11[%get3A_2173, %get3A_2174] {strides = array<i32>} : memref<32x128xf32, #tpu.memory_space<vmem>>, vector<16xf32>,
      %mul3A_2176 = arith.mulf %get3A_2175, %broadcast_in_dim3A_2153 : vector<16xf32>
      %swap3A_2177 = arith.constant 27 : i32
      %swap3A_2178 = arith.index_cast %swap3A_2177 : i32 to index
      %swap3A_2179 = arith.constant 32 : index
      %swap3A_2180 = tpu.vector_load %arg11[%swap3A_2178, %swap3A_2179] {strides = array<i32>} : memref<32x128xf32, #tpu.memory_space<vmem>>, vector<16xf32>,
      tpu.vector_store %arg11[%swap3A_2178, %swap3A_2179], %mul3A_2176 {strides = array<i32>} : memref<32x128xf32, #tpu.memory_space<vmem>>, vector<16xf32>,
      %get3A_2181 = arith.constant 27 : i32
      %get3A_2182 = arith.index_cast %get3A_2181 : i32 to index
      %get3A_2183 = arith.constant 48 : index
      %get3A_2184 = tpu.vector_load %arg11[%get3A_2182, %get3A_2183] {strides = array<i32>} : memref<32x128xf32, #tpu.memory_space<vmem>>, vector<16xf32>,
      %mul3A_2185 = arith.mulf %get3A_2184, %broadcast_in_dim3A_2153 : vector<16xf32>
      %swap3A_2186 = arith.constant 27 : i32
      %swap3A_2187 = arith.index_cast %swap3A_2186 : i32 to index
      %swap3A_2188 = arith.constant 48 : index
      %swap3A_2189 = tpu.vector_load %arg11[%swap3A_2187, %swap3A_2188] {strides = array<i32>} : memref<32x128xf32, #tpu.memory_space<vmem>>, vector<16xf32>,
      tpu.vector_store %arg11[%swap3A_2187, %swap3A_2188], %mul3A_2185 {strides = array<i32>} : memref<32x128xf32, #tpu.memory_space<vmem>>, vector<16xf32>,
      %get3A_2190 = arith.constant 27 : i32
      %get3A_2191 = arith.index_cast %get3A_2190 : i32 to index
      %get3A_2192 = arith.constant 64 : index
      %get3A_2193 = tpu.vector_load %arg11[%get3A_2191, %get3A_2192] {strides = array<i32>} : memref<32x128xf32, #tpu.memory_space<vmem>>, vector<16xf32>,
      %mul3A_2194 = arith.mulf %get3A_2193, %broadcast_in_dim3A_2153 : vector<16xf32>
      %swap3A_2195 = arith.constant 27 : i32
      %swap3A_2196 = arith.index_cast %swap3A_2195 : i32 to index
      %swap3A_2197 = arith.constant 64 : index
      %swap3A_2198 = tpu.vector_load %arg11[%swap3A_2196, %swap3A_2197] {strides = array<i32>} : memref<32x128xf32, #tpu.memory_space<vmem>>, vector<16xf32>,
      tpu.vector_store %arg11[%swap3A_2196, %swap3A_2197], %mul3A_2194 {strides = array<i32>} : memref<32x128xf32, #tpu.memory_space<vmem>>, vector<16xf32>,
      %get3A_2199 = arith.constant 27 : i32
      %get3A_2200 = arith.index_cast %get3A_2199 : i32 to index
      %get3A_2201 = arith.constant 80 : index
      %get3A_2202 = tpu.vector_load %arg11[%get3A_2200, %get3A_2201] {strides = array<i32>} : memref<32x128xf32, #tpu.memory_space<vmem>>, vector<16xf32>,
      %mul3A_2203 = arith.mulf %get3A_2202, %broadcast_in_dim3A_2153 : vector<16xf32>
      %swap3A_2204 = arith.constant 27 : i32
      %swap3A_2205 = arith.index_cast %swap3A_2204 : i32 to index
      %swap3A_2206 = arith.constant 80 : index
      %swap3A_2207 = tpu.vector_load %arg11[%swap3A_2205, %swap3A_2206] {strides = array<i32>} : memref<32x128xf32, #tpu.memory_space<vmem>>, vector<16xf32>,
      tpu.vector_store %arg11[%swap3A_2205, %swap3A_2206], %mul3A_2203 {strides = array<i32>} : memref<32x128xf32, #tpu.memory_space<vmem>>, vector<16xf32>,
      %get3A_2208 = arith.constant 27 : i32
      %get3A_2209 = arith.index_cast %get3A_2208 : i32 to index
      %get3A_2210 = arith.constant 96 : index
      %get3A_2211 = tpu.vector_load %arg11[%get3A_2209, %get3A_2210] {strides = array<i32>} : memref<32x128xf32, #tpu.memory_space<vmem>>, vector<16xf32>,
      %mul3A_2212 = arith.mulf %get3A_2211, %broadcast_in_dim3A_2153 : vector<16xf32>
      %swap3A_2213 = arith.constant 27 : i32
      %swap3A_2214 = arith.index_cast %swap3A_2213 : i32 to index
      %swap3A_2215 = arith.constant 96 : index
      %swap3A_2216 = tpu.vector_load %arg11[%swap3A_2214, %swap3A_2215] {strides = array<i32>} : memref<32x128xf32, #tpu.memory_space<vmem>>, vector<16xf32>,
      tpu.vector_store %arg11[%swap3A_2214, %swap3A_2215], %mul3A_2212 {strides = array<i32>} : memref<32x128xf32, #tpu.memory_space<vmem>>, vector<16xf32>,
      %get3A_2217 = arith.constant 27 : i32
      %get3A_2218 = arith.index_cast %get3A_2217 : i32 to index
      %get3A_2219 = arith.constant 112 : index
      %get3A_2220 = tpu.vector_load %arg11[%get3A_2218, %get3A_2219] {strides = array<i32>} : memref<32x128xf32, #tpu.memory_space<vmem>>, vector<16xf32>,
      %mul3A_2221 = arith.mulf %get3A_2220, %broadcast_in_dim3A_2153 : vector<16xf32>
      %swap3A_2222 = arith.constant 27 : i32
      %swap3A_2223 = arith.index_cast %swap3A_2222 : i32 to index
      %swap3A_2224 = arith.constant 112 : index
      %swap3A_2225 = tpu.vector_load %arg11[%swap3A_2223, %swap3A_2224] {strides = array<i32>} : memref<32x128xf32, #tpu.memory_space<vmem>>, vector<16xf32>,
      tpu.vector_store %arg11[%swap3A_2223, %swap3A_2224], %mul3A_2221 {strides = array<i32>} : memref<32x128xf32, #tpu.memory_space<vmem>>, vector<16xf32>,
      %slice3A_2226 = vector.extract_strided_slice %neg3A_1325 {offsets = [12], sizes = [1], strides = [1]} : vector<16xf32> to vector<1xf32>
      %squeeze3A_2227 = vector.extract %slice3A_2226[0] : f32 from vector<1xf32>
      %broadcast_in_dim3A_2228 = vector.broadcast %squeeze3A_2227 : f32 to vector<16xf32>
      %get3A_2229 = arith.constant 28 : i32
      %get3A_2230 = arith.index_cast %get3A_2229 : i32 to index
      %get3A_2231 = arith.constant 0 : index
      %get3A_2232 = tpu.vector_load %arg11[%get3A_2230, %get3A_2231] {strides = array<i32>} : memref<32x128xf32, #tpu.memory_space<vmem>>, vector<16xf32>,
      %mul3A_2233 = arith.mulf %get3A_2232, %broadcast_in_dim3A_2228 : vector<16xf32>
      %swap3A_2234 = arith.constant 28 : i32
      %swap3A_2235 = arith.index_cast %swap3A_2234 : i32 to index
      %swap3A_2236 = arith.constant 0 : index
      %swap3A_2237 = tpu.vector_load %arg11[%swap3A_2235, %swap3A_2236] {strides = array<i32>} : memref<32x128xf32, #tpu.memory_space<vmem>>, vector<16xf32>,
      tpu.vector_store %arg11[%swap3A_2235, %swap3A_2236], %mul3A_2233 {strides = array<i32>} : memref<32x128xf32, #tpu.memory_space<vmem>>, vector<16xf32>,
      %get3A_2238 = arith.constant 28 : i32
      %get3A_2239 = arith.index_cast %get3A_2238 : i32 to index
      %get3A_2240 = arith.constant 16 : index
      %get3A_2241 = tpu.vector_load %arg11[%get3A_2239, %get3A_2240] {strides = array<i32>} : memref<32x128xf32, #tpu.memory_space<vmem>>, vector<16xf32>,
      %mul3A_2242 = arith.mulf %get3A_2241, %broadcast_in_dim3A_2228 : vector<16xf32>
      %swap3A_2243 = arith.constant 28 : i32
      %swap3A_2244 = arith.index_cast %swap3A_2243 : i32 to index
      %swap3A_2245 = arith.constant 16 : index
      %swap3A_2246 = tpu.vector_load %arg11[%swap3A_2244, %swap3A_2245] {strides = array<i32>} : memref<32x128xf32, #tpu.memory_space<vmem>>, vector<16xf32>,
      tpu.vector_store %arg11[%swap3A_2244, %swap3A_2245], %mul3A_2242 {strides = array<i32>} : memref<32x128xf32, #tpu.memory_space<vmem>>, vector<16xf32>,
      %get3A_2247 = arith.constant 28 : i32
      %get3A_2248 = arith.index_cast %get3A_2247 : i32 to index
      %get3A_2249 = arith.constant 32 : index
      %get3A_2250 = tpu.vector_load %arg11[%get3A_2248, %get3A_2249] {strides = array<i32>} : memref<32x128xf32, #tpu.memory_space<vmem>>, vector<16xf32>,
      %mul3A_2251 = arith.mulf %get3A_2250, %broadcast_in_dim3A_2228 : vector<16xf32>
      %swap3A_2252 = arith.constant 28 : i32
      %swap3A_2253 = arith.index_cast %swap3A_2252 : i32 to index
      %swap3A_2254 = arith.constant 32 : index
      %swap3A_2255 = tpu.vector_load %arg11[%swap3A_2253, %swap3A_2254] {strides = array<i32>} : memref<32x128xf32, #tpu.memory_space<vmem>>, vector<16xf32>,
      tpu.vector_store %arg11[%swap3A_2253, %swap3A_2254], %mul3A_2251 {strides = array<i32>} : memref<32x128xf32, #tpu.memory_space<vmem>>, vector<16xf32>,
      %get3A_2256 = arith.constant 28 : i32
      %get3A_2257 = arith.index_cast %get3A_2256 : i32 to index
      %get3A_2258 = arith.constant 48 : index
      %get3A_2259 = tpu.vector_load %arg11[%get3A_2257, %get3A_2258] {strides = array<i32>} : memref<32x128xf32, #tpu.memory_space<vmem>>, vector<16xf32>,
      %mul3A_2260 = arith.mulf %get3A_2259, %broadcast_in_dim3A_2228 : vector<16xf32>
      %swap3A_2261 = arith.constant 28 : i32
      %swap3A_2262 = arith.index_cast %swap3A_2261 : i32 to index
      %swap3A_2263 = arith.constant 48 : index
      %swap3A_2264 = tpu.vector_load %arg11[%swap3A_2262, %swap3A_2263] {strides = array<i32>} : memref<32x128xf32, #tpu.memory_space<vmem>>, vector<16xf32>,
      tpu.vector_store %arg11[%swap3A_2262, %swap3A_2263], %mul3A_2260 {strides = array<i32>} : memref<32x128xf32, #tpu.memory_space<vmem>>, vector<16xf32>,
      %get3A_2265 = arith.constant 28 : i32
      %get3A_2266 = arith.index_cast %get3A_2265 : i32 to index
      %get3A_2267 = arith.constant 64 : index
      %get3A_2268 = tpu.vector_load %arg11[%get3A_2266, %get3A_2267] {strides = array<i32>} : memref<32x128xf32, #tpu.memory_space<vmem>>, vector<16xf32>,
      %mul3A_2269 = arith.mulf %get3A_2268, %broadcast_in_dim3A_2228 : vector<16xf32>
      %swap3A_2270 = arith.constant 28 : i32
      %swap3A_2271 = arith.index_cast %swap3A_2270 : i32 to index
      %swap3A_2272 = arith.constant 64 : index
      %swap3A_2273 = tpu.vector_load %arg11[%swap3A_2271, %swap3A_2272] {strides = array<i32>} : memref<32x128xf32, #tpu.memory_space<vmem>>, vector<16xf32>,
      tpu.vector_store %arg11[%swap3A_2271, %swap3A_2272], %mul3A_2269 {strides = array<i32>} : memref<32x128xf32, #tpu.memory_space<vmem>>, vector<16xf32>,
      %get3A_2274 = arith.constant 28 : i32
      %get3A_2275 = arith.index_cast %get3A_2274 : i32 to index
      %get3A_2276 = arith.constant 80 : index
      %get3A_2277 = tpu.vector_load %arg11[%get3A_2275, %get3A_2276] {strides = array<i32>} : memref<32x128xf32, #tpu.memory_space<vmem>>, vector<16xf32>,
      %mul3A_2278 = arith.mulf %get3A_2277, %broadcast_in_dim3A_2228 : vector<16xf32>
      %swap3A_2279 = arith.constant 28 : i32
      %swap3A_2280 = arith.index_cast %swap3A_2279 : i32 to index
      %swap3A_2281 = arith.constant 80 : index
      %swap3A_2282 = tpu.vector_load %arg11[%swap3A_2280, %swap3A_2281] {strides = array<i32>} : memref<32x128xf32, #tpu.memory_space<vmem>>, vector<16xf32>,
      tpu.vector_store %arg11[%swap3A_2280, %swap3A_2281], %mul3A_2278 {strides = array<i32>} : memref<32x128xf32, #tpu.memory_space<vmem>>, vector<16xf32>,
      %get3A_2283 = arith.constant 28 : i32
      %get3A_2284 = arith.index_cast %get3A_2283 : i32 to index
      %get3A_2285 = arith.constant 96 : index
      %get3A_2286 = tpu.vector_load %arg11[%get3A_2284, %get3A_2285] {strides = array<i32>} : memref<32x128xf32, #tpu.memory_space<vmem>>, vector<16xf32>,
      %mul3A_2287 = arith.mulf %get3A_2286, %broadcast_in_dim3A_2228 : vector<16xf32>
      %swap3A_2288 = arith.constant 28 : i32
      %swap3A_2289 = arith.index_cast %swap3A_2288 : i32 to index
      %swap3A_2290 = arith.constant 96 : index
      %swap3A_2291 = tpu.vector_load %arg11[%swap3A_2289, %swap3A_2290] {strides = array<i32>} : memref<32x128xf32, #tpu.memory_space<vmem>>, vector<16xf32>,
      tpu.vector_store %arg11[%swap3A_2289, %swap3A_2290], %mul3A_2287 {strides = array<i32>} : memref<32x128xf32, #tpu.memory_space<vmem>>, vector<16xf32>,
      %get3A_2292 = arith.constant 28 : i32
      %get3A_2293 = arith.index_cast %get3A_2292 : i32 to index
      %get3A_2294 = arith.constant 112 : index
      %get3A_2295 = tpu.vector_load %arg11[%get3A_2293, %get3A_2294] {strides = array<i32>} : memref<32x128xf32, #tpu.memory_space<vmem>>, vector<16xf32>,
      %mul3A_2296 = arith.mulf %get3A_2295, %broadcast_in_dim3A_2228 : vector<16xf32>
      %swap3A_2297 = arith.constant 28 : i32
      %swap3A_2298 = arith.index_cast %swap3A_2297 : i32 to index
      %swap3A_2299 = arith.constant 112 : index
      %swap3A_2300 = tpu.vector_load %arg11[%swap3A_2298, %swap3A_2299] {strides = array<i32>} : memref<32x128xf32, #tpu.memory_space<vmem>>, vector<16xf32>,
      tpu.vector_store %arg11[%swap3A_2298, %swap3A_2299], %mul3A_2296 {strides = array<i32>} : memref<32x128xf32, #tpu.memory_space<vmem>>, vector<16xf32>,
      %slice3A_2301 = vector.extract_strided_slice %neg3A_1325 {offsets = [13], sizes = [1], strides = [1]} : vector<16xf32> to vector<1xf32>
      %squeeze3A_2302 = vector.extract %slice3A_2301[0] : f32 from vector<1xf32>
      %broadcast_in_dim3A_2303 = vector.broadcast %squeeze3A_2302 : f32 to vector<16xf32>
      %get3A_2304 = arith.constant 29 : i32
      %get3A_2305 = arith.index_cast %get3A_2304 : i32 to index
      %get3A_2306 = arith.constant 0 : index
      %get3A_2307 = tpu.vector_load %arg11[%get3A_2305, %get3A_2306] {strides = array<i32>} : memref<32x128xf32, #tpu.memory_space<vmem>>, vector<16xf32>,
      %mul3A_2308 = arith.mulf %get3A_2307, %broadcast_in_dim3A_2303 : vector<16xf32>
      %swap3A_2309 = arith.constant 29 : i32
      %swap3A_2310 = arith.index_cast %swap3A_2309 : i32 to index
      %swap3A_2311 = arith.constant 0 : index
      %swap3A_2312 = tpu.vector_load %arg11[%swap3A_2310, %swap3A_2311] {strides = array<i32>} : memref<32x128xf32, #tpu.memory_space<vmem>>, vector<16xf32>,
      tpu.vector_store %arg11[%swap3A_2310, %swap3A_2311], %mul3A_2308 {strides = array<i32>} : memref<32x128xf32, #tpu.memory_space<vmem>>, vector<16xf32>,
      %get3A_2313 = arith.constant 29 : i32
      %get3A_2314 = arith.index_cast %get3A_2313 : i32 to index
      %get3A_2315 = arith.constant 16 : index
      %get3A_2316 = tpu.vector_load %arg11[%get3A_2314, %get3A_2315] {strides = array<i32>} : memref<32x128xf32, #tpu.memory_space<vmem>>, vector<16xf32>,
      %mul3A_2317 = arith.mulf %get3A_2316, %broadcast_in_dim3A_2303 : vector<16xf32>
      %swap3A_2318 = arith.constant 29 : i32
      %swap3A_2319 = arith.index_cast %swap3A_2318 : i32 to index
      %swap3A_2320 = arith.constant 16 : index
      %swap3A_2321 = tpu.vector_load %arg11[%swap3A_2319, %swap3A_2320] {strides = array<i32>} : memref<32x128xf32, #tpu.memory_space<vmem>>, vector<16xf32>,
      tpu.vector_store %arg11[%swap3A_2319, %swap3A_2320], %mul3A_2317 {strides = array<i32>} : memref<32x128xf32, #tpu.memory_space<vmem>>, vector<16xf32>,
      %get3A_2322 = arith.constant 29 : i32
      %get3A_2323 = arith.index_cast %get3A_2322 : i32 to index
      %get3A_2324 = arith.constant 32 : index
      %get3A_2325 = tpu.vector_load %arg11[%get3A_2323, %get3A_2324] {strides = array<i32>} : memref<32x128xf32, #tpu.memory_space<vmem>>, vector<16xf32>,
      %mul3A_2326 = arith.mulf %get3A_2325, %broadcast_in_dim3A_2303 : vector<16xf32>
      %swap3A_2327 = arith.constant 29 : i32
      %swap3A_2328 = arith.index_cast %swap3A_2327 : i32 to index
      %swap3A_2329 = arith.constant 32 : index
      %swap3A_2330 = tpu.vector_load %arg11[%swap3A_2328, %swap3A_2329] {strides = array<i32>} : memref<32x128xf32, #tpu.memory_space<vmem>>, vector<16xf32>,
      tpu.vector_store %arg11[%swap3A_2328, %swap3A_2329], %mul3A_2326 {strides = array<i32>} : memref<32x128xf32, #tpu.memory_space<vmem>>, vector<16xf32>,
      %get3A_2331 = arith.constant 29 : i32
      %get3A_2332 = arith.index_cast %get3A_2331 : i32 to index
      %get3A_2333 = arith.constant 48 : index
      %get3A_2334 = tpu.vector_load %arg11[%get3A_2332, %get3A_2333] {strides = array<i32>} : memref<32x128xf32, #tpu.memory_space<vmem>>, vector<16xf32>,
      %mul3A_2335 = arith.mulf %get3A_2334, %broadcast_in_dim3A_2303 : vector<16xf32>
      %swap3A_2336 = arith.constant 29 : i32
      %swap3A_2337 = arith.index_cast %swap3A_2336 : i32 to index
      %swap3A_2338 = arith.constant 48 : index
      %swap3A_2339 = tpu.vector_load %arg11[%swap3A_2337, %swap3A_2338] {strides = array<i32>} : memref<32x128xf32, #tpu.memory_space<vmem>>, vector<16xf32>,
      tpu.vector_store %arg11[%swap3A_2337, %swap3A_2338], %mul3A_2335 {strides = array<i32>} : memref<32x128xf32, #tpu.memory_space<vmem>>, vector<16xf32>,
      %get3A_2340 = arith.constant 29 : i32
      %get3A_2341 = arith.index_cast %get3A_2340 : i32 to index
      %get3A_2342 = arith.constant 64 : index
      %get3A_2343 = tpu.vector_load %arg11[%get3A_2341, %get3A_2342] {strides = array<i32>} : memref<32x128xf32, #tpu.memory_space<vmem>>, vector<16xf32>,
      %mul3A_2344 = arith.mulf %get3A_2343, %broadcast_in_dim3A_2303 : vector<16xf32>
      %swap3A_2345 = arith.constant 29 : i32
      %swap3A_2346 = arith.index_cast %swap3A_2345 : i32 to index
      %swap3A_2347 = arith.constant 64 : index
      %swap3A_2348 = tpu.vector_load %arg11[%swap3A_2346, %swap3A_2347] {strides = array<i32>} : memref<32x128xf32, #tpu.memory_space<vmem>>, vector<16xf32>,
      tpu.vector_store %arg11[%swap3A_2346, %swap3A_2347], %mul3A_2344 {strides = array<i32>} : memref<32x128xf32, #tpu.memory_space<vmem>>, vector<16xf32>,
      %get3A_2349 = arith.constant 29 : i32
      %get3A_2350 = arith.index_cast %get3A_2349 : i32 to index
      %get3A_2351 = arith.constant 80 : index
      %get3A_2352 = tpu.vector_load %arg11[%get3A_2350, %get3A_2351] {strides = array<i32>} : memref<32x128xf32, #tpu.memory_space<vmem>>, vector<16xf32>,
      %mul3A_2353 = arith.mulf %get3A_2352, %broadcast_in_dim3A_2303 : vector<16xf32>
      %swap3A_2354 = arith.constant 29 : i32
      %swap3A_2355 = arith.index_cast %swap3A_2354 : i32 to index
      %swap3A_2356 = arith.constant 80 : index
      %swap3A_2357 = tpu.vector_load %arg11[%swap3A_2355, %swap3A_2356] {strides = array<i32>} : memref<32x128xf32, #tpu.memory_space<vmem>>, vector<16xf32>,
      tpu.vector_store %arg11[%swap3A_2355, %swap3A_2356], %mul3A_2353 {strides = array<i32>} : memref<32x128xf32, #tpu.memory_space<vmem>>, vector<16xf32>,
      %get3A_2358 = arith.constant 29 : i32
      %get3A_2359 = arith.index_cast %get3A_2358 : i32 to index
      %get3A_2360 = arith.constant 96 : index
      %get3A_2361 = tpu.vector_load %arg11[%get3A_2359, %get3A_2360] {strides = array<i32>} : memref<32x128xf32, #tpu.memory_space<vmem>>, vector<16xf32>,
      %mul3A_2362 = arith.mulf %get3A_2361, %broadcast_in_dim3A_2303 : vector<16xf32>
      %swap3A_2363 = arith.constant 29 : i32
      %swap3A_2364 = arith.index_cast %swap3A_2363 : i32 to index
      %swap3A_2365 = arith.constant 96 : index
      %swap3A_2366 = tpu.vector_load %arg11[%swap3A_2364, %swap3A_2365] {strides = array<i32>} : memref<32x128xf32, #tpu.memory_space<vmem>>, vector<16xf32>,
      tpu.vector_store %arg11[%swap3A_2364, %swap3A_2365], %mul3A_2362 {strides = array<i32>} : memref<32x128xf32, #tpu.memory_space<vmem>>, vector<16xf32>,
      %get3A_2367 = arith.constant 29 : i32
      %get3A_2368 = arith.index_cast %get3A_2367 : i32 to index
      %get3A_2369 = arith.constant 112 : index
      %get3A_2370 = tpu.vector_load %arg11[%get3A_2368, %get3A_2369] {strides = array<i32>} : memref<32x128xf32, #tpu.memory_space<vmem>>, vector<16xf32>,
      %mul3A_2371 = arith.mulf %get3A_2370, %broadcast_in_dim3A_2303 : vector<16xf32>
      %swap3A_2372 = arith.constant 29 : i32
      %swap3A_2373 = arith.index_cast %swap3A_2372 : i32 to index
      %swap3A_2374 = arith.constant 112 : index
      %swap3A_2375 = tpu.vector_load %arg11[%swap3A_2373, %swap3A_2374] {strides = array<i32>} : memref<32x128xf32, #tpu.memory_space<vmem>>, vector<16xf32>,
      tpu.vector_store %arg11[%swap3A_2373, %swap3A_2374], %mul3A_2371 {strides = array<i32>} : memref<32x128xf32, #tpu.memory_space<vmem>>, vector<16xf32>,
      %slice3A_2376 = vector.extract_strided_slice %neg3A_1325 {offsets = [14], sizes = [1], strides = [1]} : vector<16xf32> to vector<1xf32>
      %squeeze3A_2377 = vector.extract %slice3A_2376[0] : f32 from vector<1xf32>
      %broadcast_in_dim3A_2378 = vector.broadcast %squeeze3A_2377 : f32 to vector<16xf32>
      %get3A_2379 = arith.constant 30 : i32
      %get3A_2380 = arith.index_cast %get3A_2379 : i32 to index
      %get3A_2381 = arith.constant 0 : index
      %get3A_2382 = tpu.vector_load %arg11[%get3A_2380, %get3A_2381] {strides = array<i32>} : memref<32x128xf32, #tpu.memory_space<vmem>>, vector<16xf32>,
      %mul3A_2383 = arith.mulf %get3A_2382, %broadcast_in_dim3A_2378 : vector<16xf32>
      %swap3A_2384 = arith.constant 30 : i32
      %swap3A_2385 = arith.index_cast %swap3A_2384 : i32 to index
      %swap3A_2386 = arith.constant 0 : index
      %swap3A_2387 = tpu.vector_load %arg11[%swap3A_2385, %swap3A_2386] {strides = array<i32>} : memref<32x128xf32, #tpu.memory_space<vmem>>, vector<16xf32>,
      tpu.vector_store %arg11[%swap3A_2385, %swap3A_2386], %mul3A_2383 {strides = array<i32>} : memref<32x128xf32, #tpu.memory_space<vmem>>, vector<16xf32>,
      %get3A_2388 = arith.constant 30 : i32
      %get3A_2389 = arith.index_cast %get3A_2388 : i32 to index
      %get3A_2390 = arith.constant 16 : index
      %get3A_2391 = tpu.vector_load %arg11[%get3A_2389, %get3A_2390] {strides = array<i32>} : memref<32x128xf32, #tpu.memory_space<vmem>>, vector<16xf32>,
      %mul3A_2392 = arith.mulf %get3A_2391, %broadcast_in_dim3A_2378 : vector<16xf32>
      %swap3A_2393 = arith.constant 30 : i32
      %swap3A_2394 = arith.index_cast %swap3A_2393 : i32 to index
      %swap3A_2395 = arith.constant 16 : index
      %swap3A_2396 = tpu.vector_load %arg11[%swap3A_2394, %swap3A_2395] {strides = array<i32>} : memref<32x128xf32, #tpu.memory_space<vmem>>, vector<16xf32>,
      tpu.vector_store %arg11[%swap3A_2394, %swap3A_2395], %mul3A_2392 {strides = array<i32>} : memref<32x128xf32, #tpu.memory_space<vmem>>, vector<16xf32>,
      %get3A_2397 = arith.constant 30 : i32
      %get3A_2398 = arith.index_cast %get3A_2397 : i32 to index
      %get3A_2399 = arith.constant 32 : index
      %get3A_2400 = tpu.vector_load %arg11[%get3A_2398, %get3A_2399] {strides = array<i32>} : memref<32x128xf32, #tpu.memory_space<vmem>>, vector<16xf32>,
      %mul3A_2401 = arith.mulf %get3A_2400, %broadcast_in_dim3A_2378 : vector<16xf32>
      %swap3A_2402 = arith.constant 30 : i32
      %swap3A_2403 = arith.index_cast %swap3A_2402 : i32 to index
      %swap3A_2404 = arith.constant 32 : index
      %swap3A_2405 = tpu.vector_load %arg11[%swap3A_2403, %swap3A_2404] {strides = array<i32>} : memref<32x128xf32, #tpu.memory_space<vmem>>, vector<16xf32>,
      tpu.vector_store %arg11[%swap3A_2403, %swap3A_2404], %mul3A_2401 {strides = array<i32>} : memref<32x128xf32, #tpu.memory_space<vmem>>, vector<16xf32>,
      %get3A_2406 = arith.constant 30 : i32
      %get3A_2407 = arith.index_cast %get3A_2406 : i32 to index
      %get3A_2408 = arith.constant 48 : index
      %get3A_2409 = tpu.vector_load %arg11[%get3A_2407, %get3A_2408] {strides = array<i32>} : memref<32x128xf32, #tpu.memory_space<vmem>>, vector<16xf32>,
      %mul3A_2410 = arith.mulf %get3A_2409, %broadcast_in_dim3A_2378 : vector<16xf32>
      %swap3A_2411 = arith.constant 30 : i32
      %swap3A_2412 = arith.index_cast %swap3A_2411 : i32 to index
      %swap3A_2413 = arith.constant 48 : index
      %swap3A_2414 = tpu.vector_load %arg11[%swap3A_2412, %swap3A_2413] {strides = array<i32>} : memref<32x128xf32, #tpu.memory_space<vmem>>, vector<16xf32>,
      tpu.vector_store %arg11[%swap3A_2412, %swap3A_2413], %mul3A_2410 {strides = array<i32>} : memref<32x128xf32, #tpu.memory_space<vmem>>, vector<16xf32>,
      %get3A_2415 = arith.constant 30 : i32
      %get3A_2416 = arith.index_cast %get3A_2415 : i32 to index
      %get3A_2417 = arith.constant 64 : index
      %get3A_2418 = tpu.vector_load %arg11[%get3A_2416, %get3A_2417] {strides = array<i32>} : memref<32x128xf32, #tpu.memory_space<vmem>>, vector<16xf32>,
      %mul3A_2419 = arith.mulf %get3A_2418, %broadcast_in_dim3A_2378 : vector<16xf32>
      %swap3A_2420 = arith.constant 30 : i32
      %swap3A_2421 = arith.index_cast %swap3A_2420 : i32 to index
      %swap3A_2422 = arith.constant 64 : index
      %swap3A_2423 = tpu.vector_load %arg11[%swap3A_2421, %swap3A_2422] {strides = array<i32>} : memref<32x128xf32, #tpu.memory_space<vmem>>, vector<16xf32>,
      tpu.vector_store %arg11[%swap3A_2421, %swap3A_2422], %mul3A_2419 {strides = array<i32>} : memref<32x128xf32, #tpu.memory_space<vmem>>, vector<16xf32>,
      %get3A_2424 = arith.constant 30 : i32
      %get3A_2425 = arith.index_cast %get3A_2424 : i32 to index
      %get3A_2426 = arith.constant 80 : index
      %get3A_2427 = tpu.vector_load %arg11[%get3A_2425, %get3A_2426] {strides = array<i32>} : memref<32x128xf32, #tpu.memory_space<vmem>>, vector<16xf32>,
      %mul3A_2428 = arith.mulf %get3A_2427, %broadcast_in_dim3A_2378 : vector<16xf32>
      %swap3A_2429 = arith.constant 30 : i32
      %swap3A_2430 = arith.index_cast %swap3A_2429 : i32 to index
      %swap3A_2431 = arith.constant 80 : index
      %swap3A_2432 = tpu.vector_load %arg11[%swap3A_2430, %swap3A_2431] {strides = array<i32>} : memref<32x128xf32, #tpu.memory_space<vmem>>, vector<16xf32>,
      tpu.vector_store %arg11[%swap3A_2430, %swap3A_2431], %mul3A_2428 {strides = array<i32>} : memref<32x128xf32, #tpu.memory_space<vmem>>, vector<16xf32>,
      %get3A_2433 = arith.constant 30 : i32
      %get3A_2434 = arith.index_cast %get3A_2433 : i32 to index
      %get3A_2435 = arith.constant 96 : index
      %get3A_2436 = tpu.vector_load %arg11[%get3A_2434, %get3A_2435] {strides = array<i32>} : memref<32x128xf32, #tpu.memory_space<vmem>>, vector<16xf32>,
      %mul3A_2437 = arith.mulf %get3A_2436, %broadcast_in_dim3A_2378 : vector<16xf32>
      %swap3A_2438 = arith.constant 30 : i32
      %swap3A_2439 = arith.index_cast %swap3A_2438 : i32 to index
      %swap3A_2440 = arith.constant 96 : index
      %swap3A_2441 = tpu.vector_load %arg11[%swap3A_2439, %swap3A_2440] {strides = array<i32>} : memref<32x128xf32, #tpu.memory_space<vmem>>, vector<16xf32>,
      tpu.vector_store %arg11[%swap3A_2439, %swap3A_2440], %mul3A_2437 {strides = array<i32>} : memref<32x128xf32, #tpu.memory_space<vmem>>, vector<16xf32>,
      %get3A_2442 = arith.constant 30 : i32
      %get3A_2443 = arith.index_cast %get3A_2442 : i32 to index
      %get3A_2444 = arith.constant 112 : index
      %get3A_2445 = tpu.vector_load %arg11[%get3A_2443, %get3A_2444] {strides = array<i32>} : memref<32x128xf32, #tpu.memory_space<vmem>>, vector<16xf32>,
      %mul3A_2446 = arith.mulf %get3A_2445, %broadcast_in_dim3A_2378 : vector<16xf32>
      %swap3A_2447 = arith.constant 30 : i32
      %swap3A_2448 = arith.index_cast %swap3A_2447 : i32 to index
      %swap3A_2449 = arith.constant 112 : index
      %swap3A_2450 = tpu.vector_load %arg11[%swap3A_2448, %swap3A_2449] {strides = array<i32>} : memref<32x128xf32, #tpu.memory_space<vmem>>, vector<16xf32>,
      tpu.vector_store %arg11[%swap3A_2448, %swap3A_2449], %mul3A_2446 {strides = array<i32>} : memref<32x128xf32, #tpu.memory_space<vmem>>, vector<16xf32>,
      %slice3A_2451 = vector.extract_strided_slice %neg3A_1325 {offsets = [15], sizes = [1], strides = [1]} : vector<16xf32> to vector<1xf32>
      %squeeze3A_2452 = vector.extract %slice3A_2451[0] : f32 from vector<1xf32>
      %broadcast_in_dim3A_2453 = vector.broadcast %squeeze3A_2452 : f32 to vector<16xf32>
      %get3A_2454 = arith.constant 31 : i32
      %get3A_2455 = arith.index_cast %get3A_2454 : i32 to index
      %get3A_2456 = arith.constant 0 : index
      %get3A_2457 = tpu.vector_load %arg11[%get3A_2455, %get3A_2456] {strides = array<i32>} : memref<32x128xf32, #tpu.memory_space<vmem>>, vector<16xf32>,
      %mul3A_2458 = arith.mulf %get3A_2457, %broadcast_in_dim3A_2453 : vector<16xf32>
      %swap3A_2459 = arith.constant 31 : i32
      %swap3A_2460 = arith.index_cast %swap3A_2459 : i32 to index
      %swap3A_2461 = arith.constant 0 : index
      %swap3A_2462 = tpu.vector_load %arg11[%swap3A_2460, %swap3A_2461] {strides = array<i32>} : memref<32x128xf32, #tpu.memory_space<vmem>>, vector<16xf32>,
      tpu.vector_store %arg11[%swap3A_2460, %swap3A_2461], %mul3A_2458 {strides = array<i32>} : memref<32x128xf32, #tpu.memory_space<vmem>>, vector<16xf32>,
      %get3A_2463 = arith.constant 31 : i32
      %get3A_2464 = arith.index_cast %get3A_2463 : i32 to index
      %get3A_2465 = arith.constant 16 : index
      %get3A_2466 = tpu.vector_load %arg11[%get3A_2464, %get3A_2465] {strides = array<i32>} : memref<32x128xf32, #tpu.memory_space<vmem>>, vector<16xf32>,
      %mul3A_2467 = arith.mulf %get3A_2466, %broadcast_in_dim3A_2453 : vector<16xf32>
      %swap3A_2468 = arith.constant 31 : i32
      %swap3A_2469 = arith.index_cast %swap3A_2468 : i32 to index
      %swap3A_2470 = arith.constant 16 : index
      %swap3A_2471 = tpu.vector_load %arg11[%swap3A_2469, %swap3A_2470] {strides = array<i32>} : memref<32x128xf32, #tpu.memory_space<vmem>>, vector<16xf32>,
      tpu.vector_store %arg11[%swap3A_2469, %swap3A_2470], %mul3A_2467 {strides = array<i32>} : memref<32x128xf32, #tpu.memory_space<vmem>>, vector<16xf32>,
      %get3A_2472 = arith.constant 31 : i32
      %get3A_2473 = arith.index_cast %get3A_2472 : i32 to index
      %get3A_2474 = arith.constant 32 : index
      %get3A_2475 = tpu.vector_load %arg11[%get3A_2473, %get3A_2474] {strides = array<i32>} : memref<32x128xf32, #tpu.memory_space<vmem>>, vector<16xf32>,
      %mul3A_2476 = arith.mulf %get3A_2475, %broadcast_in_dim3A_2453 : vector<16xf32>
      %swap3A_2477 = arith.constant 31 : i32
      %swap3A_2478 = arith.index_cast %swap3A_2477 : i32 to index
      %swap3A_2479 = arith.constant 32 : index
      %swap3A_2480 = tpu.vector_load %arg11[%swap3A_2478, %swap3A_2479] {strides = array<i32>} : memref<32x128xf32, #tpu.memory_space<vmem>>, vector<16xf32>,
      tpu.vector_store %arg11[%swap3A_2478, %swap3A_2479], %mul3A_2476 {strides = array<i32>} : memref<32x128xf32, #tpu.memory_space<vmem>>, vector<16xf32>,
      %get3A_2481 = arith.constant 31 : i32
      %get3A_2482 = arith.index_cast %get3A_2481 : i32 to index
      %get3A_2483 = arith.constant 48 : index
      %get3A_2484 = tpu.vector_load %arg11[%get3A_2482, %get3A_2483] {strides = array<i32>} : memref<32x128xf32, #tpu.memory_space<vmem>>, vector<16xf32>,
      %mul3A_2485 = arith.mulf %get3A_2484, %broadcast_in_dim3A_2453 : vector<16xf32>
      %swap3A_2486 = arith.constant 31 : i32
      %swap3A_2487 = arith.index_cast %swap3A_2486 : i32 to index
      %swap3A_2488 = arith.constant 48 : index
      %swap3A_2489 = tpu.vector_load %arg11[%swap3A_2487, %swap3A_2488] {strides = array<i32>} : memref<32x128xf32, #tpu.memory_space<vmem>>, vector<16xf32>,
      tpu.vector_store %arg11[%swap3A_2487, %swap3A_2488], %mul3A_2485 {strides = array<i32>} : memref<32x128xf32, #tpu.memory_space<vmem>>, vector<16xf32>,
      %get3A_2490 = arith.constant 31 : i32
      %get3A_2491 = arith.index_cast %get3A_2490 : i32 to index
      %get3A_2492 = arith.constant 64 : index
      %get3A_2493 = tpu.vector_load %arg11[%get3A_2491, %get3A_2492] {strides = array<i32>} : memref<32x128xf32, #tpu.memory_space<vmem>>, vector<16xf32>,
      %mul3A_2494 = arith.mulf %get3A_2493, %broadcast_in_dim3A_2453 : vector<16xf32>
      %swap3A_2495 = arith.constant 31 : i32
      %swap3A_2496 = arith.index_cast %swap3A_2495 : i32 to index
      %swap3A_2497 = arith.constant 64 : index
      %swap3A_2498 = tpu.vector_load %arg11[%swap3A_2496, %swap3A_2497] {strides = array<i32>} : memref<32x128xf32, #tpu.memory_space<vmem>>, vector<16xf32>,
      tpu.vector_store %arg11[%swap3A_2496, %swap3A_2497], %mul3A_2494 {strides = array<i32>} : memref<32x128xf32, #tpu.memory_space<vmem>>, vector<16xf32>,
      %get3A_2499 = arith.constant 31 : i32
      %get3A_2500 = arith.index_cast %get3A_2499 : i32 to index
      %get3A_2501 = arith.constant 80 : index
      %get3A_2502 = tpu.vector_load %arg11[%get3A_2500, %get3A_2501] {strides = array<i32>} : memref<32x128xf32, #tpu.memory_space<vmem>>, vector<16xf32>,
      %mul3A_2503 = arith.mulf %get3A_2502, %broadcast_in_dim3A_2453 : vector<16xf32>
      %swap3A_2504 = arith.constant 31 : i32
      %swap3A_2505 = arith.index_cast %swap3A_2504 : i32 to index
      %swap3A_2506 = arith.constant 80 : index
      %swap3A_2507 = tpu.vector_load %arg11[%swap3A_2505, %swap3A_2506] {strides = array<i32>} : memref<32x128xf32, #tpu.memory_space<vmem>>, vector<16xf32>,
      tpu.vector_store %arg11[%swap3A_2505, %swap3A_2506], %mul3A_2503 {strides = array<i32>} : memref<32x128xf32, #tpu.memory_space<vmem>>, vector<16xf32>,
      %get3A_2508 = arith.constant 31 : i32
      %get3A_2509 = arith.index_cast %get3A_2508 : i32 to index
      %get3A_2510 = arith.constant 96 : index
      %get3A_2511 = tpu.vector_load %arg11[%get3A_2509, %get3A_2510] {strides = array<i32>} : memref<32x128xf32, #tpu.memory_space<vmem>>, vector<16xf32>,
      %mul3A_2512 = arith.mulf %get3A_2511, %broadcast_in_dim3A_2453 : vector<16xf32>
      %swap3A_2513 = arith.constant 31 : i32
      %swap3A_2514 = arith.index_cast %swap3A_2513 : i32 to index
      %swap3A_2515 = arith.constant 96 : index
      %swap3A_2516 = tpu.vector_load %arg11[%swap3A_2514, %swap3A_2515] {strides = array<i32>} : memref<32x128xf32, #tpu.memory_space<vmem>>, vector<16xf32>,
      tpu.vector_store %arg11[%swap3A_2514, %swap3A_2515], %mul3A_2512 {strides = array<i32>} : memref<32x128xf32, #tpu.memory_space<vmem>>, vector<16xf32>,
      %get3A_2517 = arith.constant 31 : i32
      %get3A_2518 = arith.index_cast %get3A_2517 : i32 to index
      %get3A_2519 = arith.constant 112 : index
      %get3A_2520 = tpu.vector_load %arg11[%get3A_2518, %get3A_2519] {strides = array<i32>} : memref<32x128xf32, #tpu.memory_space<vmem>>, vector<16xf32>,
      %mul3A_2521 = arith.mulf %get3A_2520, %broadcast_in_dim3A_2453 : vector<16xf32>
      %swap3A_2522 = arith.constant 31 : i32
      %swap3A_2523 = arith.index_cast %swap3A_2522 : i32 to index
      %swap3A_2524 = arith.constant 112 : index
      %swap3A_2525 = tpu.vector_load %arg11[%swap3A_2523, %swap3A_2524] {strides = array<i32>} : memref<32x128xf32, #tpu.memory_space<vmem>>, vector<16xf32>,
      tpu.vector_store %arg11[%swap3A_2523, %swap3A_2524], %mul3A_2521 {strides = array<i32>} : memref<32x128xf32, #tpu.memory_space<vmem>>, vector<16xf32>,
      %add3A_2526 = arith.addi %mul3A_0, %mul3A_4 : i32
      %add3A_2527 = arith.addi %add3A_2526, %mul3A_113 : i32
      "tpu.region"() ({
        %run_scoped3A_2528 = tpu.sem_alloc : memref<!tpu.dma_semaphore, #tpu.memory_space<semaphore_mem>>
        %dma_start3A = arith.constant 0 : i32
        %dma_start3A_2529 = tpu.memref_slice %arg6[%add3A_2527, %dma_start3A] : memref<20480x128xf32, #tpu.memory_space<hbm>> -> memref<32x128xf32, #tpu.memory_space<hbm>>
        %dma_start3A_2530 = arith.constant 0 : i32
        %dma_start3A_2531 = tpu.memref_slice %arg6[%add3A_2527, %dma_start3A_2530] : memref<20480x128xf32, #tpu.memory_space<hbm>> -> memref<32x128xf32, #tpu.memory_space<hbm>>
        tpu.enqueue_dma source(%arg11 : memref<32x128xf32, #tpu.memory_space<vmem>>) target(%dma_start3A_2531 : memref<32x128xf32, #tpu.memory_space<hbm>>) target_semaphore(%run_scoped3A_2528 : memref<!tpu.dma_semaphore, #tpu.memory_space<semaphore_mem>>)
        %dma_wait3A = arith.constant 0 : i32
        %dma_wait3A_2532 = tpu.memref_slice %arg6[%add3A_2527, %dma_wait3A] : memref<20480x128xf32, #tpu.memory_space<hbm>> -> memref<32x128xf32, #tpu.memory_space<hbm>>
        %dma_wait3A_2533 = arith.constant 0 : i32
        %dma_wait3A_2534 = tpu.memref_slice %arg6[%add3A_2527, %dma_wait3A_2533] : memref<20480x128xf32, #tpu.memory_space<hbm>> -> memref<32x128xf32, #tpu.memory_space<hbm>>
        tpu.wait_dma2 semaphore(%run_scoped3A_2528 : memref<!tpu.dma_semaphore, #tpu.memory_space<semaphore_mem>>) src(%arg11 : memref<32x128xf32, #tpu.memory_space<vmem>>) dst(%dma_wait3A_2534 : memref<32x128xf32, #tpu.memory_space<hbm>>)
        tpu.yield
      }) : () -> ()
    }
    %scan3A_90 = arith.constant 20 : i32
    %scan3A_91 = arith.constant 0 : i32
    %scan3A_92 = arith.constant 0 : i32
    %scan3A_93 = arith.constant 80 : i32
    %scan3A_94 = arith.addi %scan3A_92, %scan3A_93 : i32
    %scan3A_95 = arith.constant 1 : i32
    scf.for %scan3A_111 = %scan3A_92 to %scan3A_94 step %scan3A_95  : i32 {
      %mul3A_112 = arith.constant 8 : i32
      %mul3A_113 = arith.muli %scan3A_111, %mul3A_112 : i32
      %add3A_114 = arith.addi %mul3A_4, %mul3A_113 : i32
      "tpu.region"() ({
        %run_scoped3A_115 = tpu.sem_alloc : memref<!tpu.dma_semaphore, #tpu.memory_space<semaphore_mem>>
        %dma_start3A = arith.constant 0 : i32
        %dma_start3A_116 = tpu.memref_slice %arg18[%add3A_114, %dma_start3A] : memref<10240x128xf32, #tpu.memory_space<vmem_shared>> -> memref<8x128xf32, #tpu.memory_space<vmem_shared>>
        %dma_start3A_117 = arith.constant 0 : i32
        %dma_start3A_118 = tpu.memref_slice %arg18[%add3A_114, %dma_start3A_117] : memref<10240x128xf32, #tpu.memory_space<vmem_shared>> -> memref<8x128xf32, #tpu.memory_space<vmem_shared>>
        tpu.enqueue_dma source(%arg12 : memref<8x128xf32, #tpu.memory_space<vmem>>) target(%dma_start3A_118 : memref<8x128xf32, #tpu.memory_space<vmem_shared>>) target_semaphore(%run_scoped3A_115 : memref<!tpu.dma_semaphore, #tpu.memory_space<semaphore_mem>>)
        %dma_wait3A = arith.constant 0 : i32
        %dma_wait3A_119 = tpu.memref_slice %arg18[%add3A_114, %dma_wait3A] : memref<10240x128xf32, #tpu.memory_space<vmem_shared>> -> memref<8x128xf32, #tpu.memory_space<vmem_shared>>
        %dma_wait3A_120 = arith.constant 0 : i32
        %dma_wait3A_121 = tpu.memref_slice %arg18[%add3A_114, %dma_wait3A_120] : memref<10240x128xf32, #tpu.memory_space<vmem_shared>> -> memref<8x128xf32, #tpu.memory_space<vmem_shared>>
        tpu.wait_dma2 semaphore(%run_scoped3A_115 : memref<!tpu.dma_semaphore, #tpu.memory_space<semaphore_mem>>) src(%arg12 : memref<8x128xf32, #tpu.memory_space<vmem>>) dst(%dma_wait3A_121 : memref<8x128xf32, #tpu.memory_space<vmem_shared>>)
        tpu.yield
      }) : () -> ()
    }
    %scan3A_96 = arith.constant 80 : i32
    %barrier3A_97 = arith.constant 0 : index
    tpu.barrier barrier_id(%barrier3A_97)
    %scan3A_98 = arith.constant 0 : i32
    %scan3A_99 = arith.constant 0 : i32
    %scan3A_100 = arith.constant 5 : i32
    %scan3A_101 = arith.addi %scan3A_99, %scan3A_100 : i32
    %scan3A_102 = arith.constant 1 : i32
    scf.for %scan3A_111 = %scan3A_99 to %scan3A_101 step %scan3A_102  : i32 {
      %mul3A_112 = arith.constant 4000 : i32
      %mul3A_113 = arith.muli %scan3A_111, %mul3A_112 : i32
      %add3A_114 = arith.addi %mul3A_2, %mul3A_113 : i32
      "tpu.region"() ({
        %run_scoped3A_234 = tpu.sem_alloc : memref<!tpu.dma_semaphore, #tpu.memory_space<semaphore_mem>>
        %dma_start3A_235 = tpu.memref_slice %arg2[%add3A_114] : memref<320000xi32, #tpu.memory_space<hbm>> -> memref<4000xi32, #tpu.memory_space<hbm>>
        %dma_start3A_236 = tpu.memref_slice %arg2[%add3A_114] : memref<320000xi32, #tpu.memory_space<hbm>> -> memref<4000xi32, #tpu.memory_space<hbm>>
        tpu.enqueue_dma source(%dma_start3A_236 : memref<4000xi32, #tpu.memory_space<hbm>>) target(%arg7 : memref<4000xi32, #tpu.memory_space<vmem>>) target_semaphore(%run_scoped3A_234 : memref<!tpu.dma_semaphore, #tpu.memory_space<semaphore_mem>>)
        %dma_wait3A_237 = tpu.memref_slice %arg2[%add3A_114] : memref<320000xi32, #tpu.memory_space<hbm>> -> memref<4000xi32, #tpu.memory_space<hbm>>
        %dma_wait3A_238 = tpu.memref_slice %arg2[%add3A_114] : memref<320000xi32, #tpu.memory_space<hbm>> -> memref<4000xi32, #tpu.memory_space<hbm>>
        tpu.wait_dma2 semaphore(%run_scoped3A_234 : memref<!tpu.dma_semaphore, #tpu.memory_space<semaphore_mem>>) src(%dma_wait3A_238 : memref<4000xi32, #tpu.memory_space<hbm>>) dst(%arg7 : memref<4000xi32, #tpu.memory_space<vmem>>)
        tpu.yield
      }) : () -> ()
      "tpu.region"() ({
        %run_scoped3A_234 = tpu.sem_alloc : memref<!tpu.dma_semaphore, #tpu.memory_space<semaphore_mem>>
        %dma_start3A_235 = tpu.memref_slice %arg3[%add3A_114] : memref<320000xi32, #tpu.memory_space<hbm>> -> memref<4000xi32, #tpu.memory_space<hbm>>
        %dma_start3A_236 = tpu.memref_slice %arg3[%add3A_114] : memref<320000xi32, #tpu.memory_space<hbm>> -> memref<4000xi32, #tpu.memory_space<hbm>>
        tpu.enqueue_dma source(%dma_start3A_236 : memref<4000xi32, #tpu.memory_space<hbm>>) target(%arg8 : memref<4000xi32, #tpu.memory_space<vmem>>) target_semaphore(%run_scoped3A_234 : memref<!tpu.dma_semaphore, #tpu.memory_space<semaphore_mem>>)
        %dma_wait3A_237 = tpu.memref_slice %arg3[%add3A_114] : memref<320000xi32, #tpu.memory_space<hbm>> -> memref<4000xi32, #tpu.memory_space<hbm>>
        %dma_wait3A_238 = tpu.memref_slice %arg3[%add3A_114] : memref<320000xi32, #tpu.memory_space<hbm>> -> memref<4000xi32, #tpu.memory_space<hbm>>
        tpu.wait_dma2 semaphore(%run_scoped3A_234 : memref<!tpu.dma_semaphore, #tpu.memory_space<semaphore_mem>>) src(%dma_wait3A_238 : memref<4000xi32, #tpu.memory_space<hbm>>) dst(%arg8 : memref<4000xi32, #tpu.memory_space<vmem>>)
        tpu.yield
      }) : () -> ()
      %get3A = arith.constant 0 : index
      %get3A_115 = tpu.vector_load %arg7[%get3A] {strides = array<i32>} : memref<4000xi32, #tpu.memory_space<vmem>>, vector<16xi32>,
      %get3A_116 = arith.constant 0 : index
      %get3A_117 = tpu.vector_load %arg8[%get3A_116] {strides = array<i32>} : memref<4000xi32, #tpu.memory_space<vmem>>, vector<16xi32>,
      %add3A_118 = vector.broadcast %mul3A_0 : i32 to vector<16xi32>
      %add3A_119 = arith.addi %get3A_115, %add3A_118 : vector<16xi32>
      %swap3A_120 = arith.constant 0 : i32
      %swap3A_121 = arith.index_cast %swap3A_120 : i32 to index
      %swap3A_122 = arith.constant 0 : index
      %swap3A_123 = tpu.vector_load %arg15[%swap3A_121, %swap3A_122] {strides = array<i32>} : memref<2x80xi32, #tpu.memory_space<vmem>>, vector<16xi32>,
      tpu.vector_store %arg15[%swap3A_121, %swap3A_122], %add3A_119 {strides = array<i32>} : memref<2x80xi32, #tpu.memory_space<vmem>>, vector<16xi32>,
      %eq3A_124 = arith.cmpi eq, %get3A_115, %get3A_117 : vector<16xi32>
      %select_n3A_125 = arith.select %eq3A_124, %broadcast_in_dim3A_9, %get3A_117 : vector<16xi1>, vector<16xi32>
      %swap3A_126 = arith.constant 0 : i32
      %swap3A_127 = arith.index_cast %swap3A_126 : i32 to index
      %swap3A_128 = arith.constant 0 : index
      %swap3A_129 = tpu.vector_load %arg16[%swap3A_127, %swap3A_128] {strides = array<i32>} : memref<2x80xi32, #tpu.memory_space<vmem>>, vector<16xi32>,
      tpu.vector_store %arg16[%swap3A_127, %swap3A_128], %select_n3A_125 {strides = array<i32>} : memref<2x80xi32, #tpu.memory_space<vmem>>, vector<16xi32>,
      %get3A_130 = arith.constant 16 : index
      %get3A_131 = tpu.vector_load %arg7[%get3A_130] {strides = array<i32>} : memref<4000xi32, #tpu.memory_space<vmem>>, vector<16xi32>,
      %get3A_132 = arith.constant 16 : index
      %get3A_133 = tpu.vector_load %arg8[%get3A_132] {strides = array<i32>} : memref<4000xi32, #tpu.memory_space<vmem>>, vector<16xi32>,
      %add3A_134 = vector.broadcast %mul3A_0 : i32 to vector<16xi32>
      %add3A_135 = arith.addi %get3A_131, %add3A_134 : vector<16xi32>
      %swap3A_136 = arith.constant 0 : i32
      %swap3A_137 = arith.index_cast %swap3A_136 : i32 to index
      %swap3A_138 = arith.constant 16 : index
      %swap3A_139 = tpu.vector_load %arg15[%swap3A_137, %swap3A_138] {strides = array<i32>} : memref<2x80xi32, #tpu.memory_space<vmem>>, vector<16xi32>,
      tpu.vector_store %arg15[%swap3A_137, %swap3A_138], %add3A_135 {strides = array<i32>} : memref<2x80xi32, #tpu.memory_space<vmem>>, vector<16xi32>,
      %eq3A_140 = arith.cmpi eq, %get3A_131, %get3A_133 : vector<16xi32>
      %select_n3A_141 = arith.select %eq3A_140, %broadcast_in_dim3A_9, %get3A_133 : vector<16xi1>, vector<16xi32>
      %swap3A_142 = arith.constant 0 : i32
      %swap3A_143 = arith.index_cast %swap3A_142 : i32 to index
      %swap3A_144 = arith.constant 16 : index
      %swap3A_145 = tpu.vector_load %arg16[%swap3A_143, %swap3A_144] {strides = array<i32>} : memref<2x80xi32, #tpu.memory_space<vmem>>, vector<16xi32>,
      tpu.vector_store %arg16[%swap3A_143, %swap3A_144], %select_n3A_141 {strides = array<i32>} : memref<2x80xi32, #tpu.memory_space<vmem>>, vector<16xi32>,
      %get3A_146 = arith.constant 32 : index
      %get3A_147 = tpu.vector_load %arg7[%get3A_146] {strides = array<i32>} : memref<4000xi32, #tpu.memory_space<vmem>>, vector<16xi32>,
      %get3A_148 = arith.constant 32 : index
      %get3A_149 = tpu.vector_load %arg8[%get3A_148] {strides = array<i32>} : memref<4000xi32, #tpu.memory_space<vmem>>, vector<16xi32>,
      %add3A_150 = vector.broadcast %mul3A_0 : i32 to vector<16xi32>
      %add3A_151 = arith.addi %get3A_147, %add3A_150 : vector<16xi32>
      %swap3A_152 = arith.constant 0 : i32
      %swap3A_153 = arith.index_cast %swap3A_152 : i32 to index
      %swap3A_154 = arith.constant 32 : index
      %swap3A_155 = tpu.vector_load %arg15[%swap3A_153, %swap3A_154] {strides = array<i32>} : memref<2x80xi32, #tpu.memory_space<vmem>>, vector<16xi32>,
      tpu.vector_store %arg15[%swap3A_153, %swap3A_154], %add3A_151 {strides = array<i32>} : memref<2x80xi32, #tpu.memory_space<vmem>>, vector<16xi32>,
      %eq3A_156 = arith.cmpi eq, %get3A_147, %get3A_149 : vector<16xi32>
      %select_n3A_157 = arith.select %eq3A_156, %broadcast_in_dim3A_9, %get3A_149 : vector<16xi1>, vector<16xi32>
      %swap3A_158 = arith.constant 0 : i32
      %swap3A_159 = arith.index_cast %swap3A_158 : i32 to index
      %swap3A_160 = arith.constant 32 : index
      %swap3A_161 = tpu.vector_load %arg16[%swap3A_159, %swap3A_160] {strides = array<i32>} : memref<2x80xi32, #tpu.memory_space<vmem>>, vector<16xi32>,
      tpu.vector_store %arg16[%swap3A_159, %swap3A_160], %select_n3A_157 {strides = array<i32>} : memref<2x80xi32, #tpu.memory_space<vmem>>, vector<16xi32>,
      %get3A_162 = arith.constant 48 : index
      %get3A_163 = tpu.vector_load %arg7[%get3A_162] {strides = array<i32>} : memref<4000xi32, #tpu.memory_space<vmem>>, vector<16xi32>,
      %get3A_164 = arith.constant 48 : index
      %get3A_165 = tpu.vector_load %arg8[%get3A_164] {strides = array<i32>} : memref<4000xi32, #tpu.memory_space<vmem>>, vector<16xi32>,
      %add3A_166 = vector.broadcast %mul3A_0 : i32 to vector<16xi32>
      %add3A_167 = arith.addi %get3A_163, %add3A_166 : vector<16xi32>
      %swap3A_168 = arith.constant 0 : i32
      %swap3A_169 = arith.index_cast %swap3A_168 : i32 to index
      %swap3A_170 = arith.constant 48 : index
      %swap3A_171 = tpu.vector_load %arg15[%swap3A_169, %swap3A_170] {strides = array<i32>} : memref<2x80xi32, #tpu.memory_space<vmem>>, vector<16xi32>,
      tpu.vector_store %arg15[%swap3A_169, %swap3A_170], %add3A_167 {strides = array<i32>} : memref<2x80xi32, #tpu.memory_space<vmem>>, vector<16xi32>,
      %eq3A_172 = arith.cmpi eq, %get3A_163, %get3A_165 : vector<16xi32>
      %select_n3A_173 = arith.select %eq3A_172, %broadcast_in_dim3A_9, %get3A_165 : vector<16xi1>, vector<16xi32>
      %swap3A_174 = arith.constant 0 : i32
      %swap3A_175 = arith.index_cast %swap3A_174 : i32 to index
      %swap3A_176 = arith.constant 48 : index
      %swap3A_177 = tpu.vector_load %arg16[%swap3A_175, %swap3A_176] {strides = array<i32>} : memref<2x80xi32, #tpu.memory_space<vmem>>, vector<16xi32>,
      tpu.vector_store %arg16[%swap3A_175, %swap3A_176], %select_n3A_173 {strides = array<i32>} : memref<2x80xi32, #tpu.memory_space<vmem>>, vector<16xi32>,
      %get3A_178 = arith.constant 64 : index
      %get3A_179 = tpu.vector_load %arg7[%get3A_178] {strides = array<i32>} : memref<4000xi32, #tpu.memory_space<vmem>>, vector<16xi32>,
      %get3A_180 = arith.constant 64 : index
      %get3A_181 = tpu.vector_load %arg8[%get3A_180] {strides = array<i32>} : memref<4000xi32, #tpu.memory_space<vmem>>, vector<16xi32>,
      %add3A_182 = vector.broadcast %mul3A_0 : i32 to vector<16xi32>
      %add3A_183 = arith.addi %get3A_179, %add3A_182 : vector<16xi32>
      %swap3A_184 = arith.constant 0 : i32
      %swap3A_185 = arith.index_cast %swap3A_184 : i32 to index
      %swap3A_186 = arith.constant 64 : index
      %swap3A_187 = tpu.vector_load %arg15[%swap3A_185, %swap3A_186] {strides = array<i32>} : memref<2x80xi32, #tpu.memory_space<vmem>>, vector<16xi32>,
      tpu.vector_store %arg15[%swap3A_185, %swap3A_186], %add3A_183 {strides = array<i32>} : memref<2x80xi32, #tpu.memory_space<vmem>>, vector<16xi32>,
      %eq3A_188 = arith.cmpi eq, %get3A_179, %get3A_181 : vector<16xi32>
      %select_n3A_189 = arith.select %eq3A_188, %broadcast_in_dim3A_9, %get3A_181 : vector<16xi1>, vector<16xi32>
      %swap3A_190 = arith.constant 0 : i32
      %swap3A_191 = arith.index_cast %swap3A_190 : i32 to index
      %swap3A_192 = arith.constant 64 : index
      %swap3A_193 = tpu.vector_load %arg16[%swap3A_191, %swap3A_192] {strides = array<i32>} : memref<2x80xi32, #tpu.memory_space<vmem>>, vector<16xi32>,
      tpu.vector_store %arg16[%swap3A_191, %swap3A_192], %select_n3A_189 {strides = array<i32>} : memref<2x80xi32, #tpu.memory_space<vmem>>, vector<16xi32>,
      %dma_start3A = arith.constant 0 : i32
      %dma_start3A_194 = arith.constant 0 : i32
      %dma_start3A_195 = arith.constant 0 : i32
      %dma_start3A_196 = arith.constant 0 : i32
      %dma_start3A_197 = tpu.memref_slice %arg14[%dma_start3A_194, %dma_start3A_195, %dma_start3A_196] : memref<2x80x128xf32, #tpu.memory_space<vmem>> -> memref<1x80x128xf32, #tpu.memory_space<vmem>>
      %dma_start3A_198 = tpu.memref_squeeze %dma_start3A_197 : memref<1x80x128xf32, #tpu.memory_space<vmem>> -> memref<80x128xf32, #tpu.memory_space<vmem>>
      %dma_start3A_199 = arith.constant 0 : i32
      %dma_start3A_200 = tpu.memref_slice %arg15[%dma_start3A, %dma_start3A_199] : memref<2x80xi32, #tpu.memory_space<vmem>> -> memref<1x80xi32, #tpu.memory_space<vmem>>
      %dma_start3A_201 = tpu.memref_squeeze %dma_start3A_200 : memref<1x80xi32, #tpu.memory_space<vmem>> -> memref<80xi32, #tpu.memory_space<vmem>>
      %dma_start3A_202 = arith.constant 0 : i32
      %dma_start3A_203 = arith.constant 0 : i32
      %dma_start3A_204 = tpu.memref_slice %arg6[%dma_start3A_202, %dma_start3A_203] : memref<20480x128xf32, #tpu.memory_space<hbm>> -> memref<20480x128xf32, #tpu.memory_space<hbm>>
      tpu.enqueue_indirect_dma source(%dma_start3A_204 : memref<20480x128xf32, #tpu.memory_space<hbm>>) target(%dma_start3A_198 : memref<80x128xf32, #tpu.memory_space<vmem>>) offsets(%dma_start3A_201 : memref<80xi32, #tpu.memory_space<vmem>>) semaphore(%arg19 : memref<!tpu.dma_semaphore, #tpu.memory_space<semaphore_mem>>)
      %scan3A_205 = arith.constant 0 : i32
      %scan3A_206 = arith.constant 0 : i32
      %scan3A_207 = arith.constant 25 : i32
      %scan3A_208 = arith.addi %scan3A_206, %scan3A_207 : i32
      %scan3A_209 = arith.constant 1 : i32
      scf.for %scan3A_234 = %scan3A_206 to %scan3A_208 step %scan3A_209  : i32 {
        %mul3A_235 = arith.constant 2 : i32
        %mul3A_236 = arith.muli %scan3A_234, %mul3A_235 : i32
        %add3A_237 = arith.constant 0 : i32
        %add3A_238 = arith.addi %mul3A_236, %add3A_237 : i32
        %add3A_239 = arith.constant 1 : i32
        %add3A_240 = arith.addi %add3A_238, %add3A_239 : i32
        %lt3A = arith.constant 50 : i32
        %lt3A_241 = arith.cmpi slt, %add3A_240, %lt3A : i32
        %convert_element_type3A_242 = arith.extui %lt3A_241 : i1 to i32
        %cond3A_243 = arith.constant 0 : i32
        %cond3A_244 = arith.cmpi ne, %convert_element_type3A_242, %cond3A_243 : i32
        scf.if %cond3A_244 {
          %ge3A = arith.constant 1 : i32
          %ge3A_304 = arith.cmpi sge, %add3A_238, %ge3A : i32
          %convert_element_type3A_305 = arith.extui %ge3A_304 : i1 to i32
          %cond3A_306 = arith.constant 0 : i32
          %cond3A_307 = arith.cmpi ne, %convert_element_type3A_305, %cond3A_306 : i32
          scf.if %cond3A_307 {
            %dma_wait3A_424 = arith.constant 1 : i32
            %dma_wait3A_425 = arith.constant 1 : i32
            %dma_wait3A_426 = arith.constant 0 : i32
            %dma_wait3A_427 = arith.constant 0 : i32
            %dma_wait3A_428 = tpu.memref_slice %arg14[%dma_wait3A_424, %dma_wait3A_426, %dma_wait3A_427] : memref<2x80x128xf32, #tpu.memory_space<vmem>> -> memref<1x80x128xf32, #tpu.memory_space<vmem>>
            %dma_wait3A_429 = tpu.memref_squeeze %dma_wait3A_428 : memref<1x80x128xf32, #tpu.memory_space<vmem>> -> memref<80x128xf32, #tpu.memory_space<vmem>>
            %dma_wait3A_430 = arith.constant 0 : i32
            %dma_wait3A_431 = tpu.memref_slice %arg16[%dma_wait3A_425, %dma_wait3A_430] : memref<2x80xi32, #tpu.memory_space<vmem>> -> memref<1x80xi32, #tpu.memory_space<vmem>>
            %dma_wait3A_432 = tpu.memref_squeeze %dma_wait3A_431 : memref<1x80xi32, #tpu.memory_space<vmem>> -> memref<80xi32, #tpu.memory_space<vmem>>
            %dma_wait3A_433 = arith.constant 0 : i32
            %dma_wait3A_434 = arith.constant 0 : i32
            %dma_wait3A_435 = tpu.memref_slice %arg18[%dma_wait3A_433, %dma_wait3A_434] : memref<10240x128xf32, #tpu.memory_space<vmem_shared>> -> memref<10240x128xf32, #tpu.memory_space<vmem_shared>>
            tpu.wait_indirect_dma semaphore(%arg22 : memref<!tpu.dma_semaphore, #tpu.memory_space<semaphore_mem>>) src(%dma_wait3A_429 : memref<80x128xf32, #tpu.memory_space<vmem>>) dst(%dma_wait3A_435 : memref<10240x128xf32, #tpu.memory_space<vmem_shared>>)
          } else {
          }
          %add3A_308 = arith.constant 1 : i32
          %add3A_309 = arith.addi %add3A_238, %add3A_308 : i32
          %mul3A_310 = arith.constant 80 : i32
          %mul3A_311 = arith.muli %add3A_309, %mul3A_310 : i32
          %add3A_312 = arith.constant 0 : i32
          %add3A_313 = arith.addi %mul3A_311, %add3A_312 : i32
          %get3A_314 = arith.index_cast %add3A_313 : i32 to index
          %get3A_315 = tpu.vector_load %arg7[%get3A_314] {strides = array<i32>} : memref<4000xi32, #tpu.memory_space<vmem>>, vector<16xi32>,
          %add3A_316 = arith.constant 0 : i32
          %add3A_317 = arith.addi %mul3A_311, %add3A_316 : i32
          %get3A_318 = arith.index_cast %add3A_317 : i32 to index
          %get3A_319 = tpu.vector_load %arg8[%get3A_318] {strides = array<i32>} : memref<4000xi32, #tpu.memory_space<vmem>>, vector<16xi32>,
          %add3A_320 = vector.broadcast %mul3A_0 : i32 to vector<16xi32>
          %add3A_321 = arith.addi %get3A_315, %add3A_320 : vector<16xi32>
          %swap3A_322 = arith.constant 1 : i32
          %swap3A_323 = arith.index_cast %swap3A_322 : i32 to index
          %swap3A_324 = arith.constant 0 : index
          %swap3A_325 = tpu.vector_load %arg15[%swap3A_323, %swap3A_324] {strides = array<i32>} : memref<2x80xi32, #tpu.memory_space<vmem>>, vector<16xi32>,
          tpu.vector_store %arg15[%swap3A_323, %swap3A_324], %add3A_321 {strides = array<i32>} : memref<2x80xi32, #tpu.memory_space<vmem>>, vector<16xi32>,
          %eq3A_326 = arith.cmpi eq, %get3A_315, %get3A_319 : vector<16xi32>
          %select_n3A_327 = arith.select %eq3A_326, %broadcast_in_dim3A_9, %get3A_319 : vector<16xi1>, vector<16xi32>
          %swap3A_328 = arith.constant 1 : i32
          %swap3A_329 = arith.index_cast %swap3A_328 : i32 to index
          %swap3A_330 = arith.constant 0 : index
          %swap3A_331 = tpu.vector_load %arg16[%swap3A_329, %swap3A_330] {strides = array<i32>} : memref<2x80xi32, #tpu.memory_space<vmem>>, vector<16xi32>,
          tpu.vector_store %arg16[%swap3A_329, %swap3A_330], %select_n3A_327 {strides = array<i32>} : memref<2x80xi32, #tpu.memory_space<vmem>>, vector<16xi32>,
          %add3A_332 = arith.constant 16 : i32
          %add3A_333 = arith.addi %mul3A_311, %add3A_332 : i32
          %get3A_334 = arith.index_cast %add3A_333 : i32 to index
          %get3A_335 = tpu.vector_load %arg7[%get3A_334] {strides = array<i32>} : memref<4000xi32, #tpu.memory_space<vmem>>, vector<16xi32>,
          %add3A_336 = arith.constant 16 : i32
          %add3A_337 = arith.addi %mul3A_311, %add3A_336 : i32
          %get3A_338 = arith.index_cast %add3A_337 : i32 to index
          %get3A_339 = tpu.vector_load %arg8[%get3A_338] {strides = array<i32>} : memref<4000xi32, #tpu.memory_space<vmem>>, vector<16xi32>,
          %add3A_340 = vector.broadcast %mul3A_0 : i32 to vector<16xi32>
          %add3A_341 = arith.addi %get3A_335, %add3A_340 : vector<16xi32>
          %swap3A_342 = arith.constant 1 : i32
          %swap3A_343 = arith.index_cast %swap3A_342 : i32 to index
          %swap3A_344 = arith.constant 16 : index
          %swap3A_345 = tpu.vector_load %arg15[%swap3A_343, %swap3A_344] {strides = array<i32>} : memref<2x80xi32, #tpu.memory_space<vmem>>, vector<16xi32>,
          tpu.vector_store %arg15[%swap3A_343, %swap3A_344], %add3A_341 {strides = array<i32>} : memref<2x80xi32, #tpu.memory_space<vmem>>, vector<16xi32>,
          %eq3A_346 = arith.cmpi eq, %get3A_335, %get3A_339 : vector<16xi32>
          %select_n3A_347 = arith.select %eq3A_346, %broadcast_in_dim3A_9, %get3A_339 : vector<16xi1>, vector<16xi32>
          %swap3A_348 = arith.constant 1 : i32
          %swap3A_349 = arith.index_cast %swap3A_348 : i32 to index
          %swap3A_350 = arith.constant 16 : index
          %swap3A_351 = tpu.vector_load %arg16[%swap3A_349, %swap3A_350] {strides = array<i32>} : memref<2x80xi32, #tpu.memory_space<vmem>>, vector<16xi32>,
          tpu.vector_store %arg16[%swap3A_349, %swap3A_350], %select_n3A_347 {strides = array<i32>} : memref<2x80xi32, #tpu.memory_space<vmem>>, vector<16xi32>,
          %add3A_352 = arith.constant 32 : i32
          %add3A_353 = arith.addi %mul3A_311, %add3A_352 : i32
          %get3A_354 = arith.index_cast %add3A_353 : i32 to index
          %get3A_355 = tpu.vector_load %arg7[%get3A_354] {strides = array<i32>} : memref<4000xi32, #tpu.memory_space<vmem>>, vector<16xi32>,
          %add3A_356 = arith.constant 32 : i32
          %add3A_357 = arith.addi %mul3A_311, %add3A_356 : i32
          %get3A_358 = arith.index_cast %add3A_357 : i32 to index
          %get3A_359 = tpu.vector_load %arg8[%get3A_358] {strides = array<i32>} : memref<4000xi32, #tpu.memory_space<vmem>>, vector<16xi32>,
          %add3A_360 = vector.broadcast %mul3A_0 : i32 to vector<16xi32>
          %add3A_361 = arith.addi %get3A_355, %add3A_360 : vector<16xi32>
          %swap3A_362 = arith.constant 1 : i32
          %swap3A_363 = arith.index_cast %swap3A_362 : i32 to index
          %swap3A_364 = arith.constant 32 : index
          %swap3A_365 = tpu.vector_load %arg15[%swap3A_363, %swap3A_364] {strides = array<i32>} : memref<2x80xi32, #tpu.memory_space<vmem>>, vector<16xi32>,
          tpu.vector_store %arg15[%swap3A_363, %swap3A_364], %add3A_361 {strides = array<i32>} : memref<2x80xi32, #tpu.memory_space<vmem>>, vector<16xi32>,
          %eq3A_366 = arith.cmpi eq, %get3A_355, %get3A_359 : vector<16xi32>
          %select_n3A_367 = arith.select %eq3A_366, %broadcast_in_dim3A_9, %get3A_359 : vector<16xi1>, vector<16xi32>
          %swap3A_368 = arith.constant 1 : i32
          %swap3A_369 = arith.index_cast %swap3A_368 : i32 to index
          %swap3A_370 = arith.constant 32 : index
          %swap3A_371 = tpu.vector_load %arg16[%swap3A_369, %swap3A_370] {strides = array<i32>} : memref<2x80xi32, #tpu.memory_space<vmem>>, vector<16xi32>,
          tpu.vector_store %arg16[%swap3A_369, %swap3A_370], %select_n3A_367 {strides = array<i32>} : memref<2x80xi32, #tpu.memory_space<vmem>>, vector<16xi32>,
          %add3A_372 = arith.constant 48 : i32
          %add3A_373 = arith.addi %mul3A_311, %add3A_372 : i32
          %get3A_374 = arith.index_cast %add3A_373 : i32 to index
          %get3A_375 = tpu.vector_load %arg7[%get3A_374] {strides = array<i32>} : memref<4000xi32, #tpu.memory_space<vmem>>, vector<16xi32>,
          %add3A_376 = arith.constant 48 : i32
          %add3A_377 = arith.addi %mul3A_311, %add3A_376 : i32
          %get3A_378 = arith.index_cast %add3A_377 : i32 to index
          %get3A_379 = tpu.vector_load %arg8[%get3A_378] {strides = array<i32>} : memref<4000xi32, #tpu.memory_space<vmem>>, vector<16xi32>,
          %add3A_380 = vector.broadcast %mul3A_0 : i32 to vector<16xi32>
          %add3A_381 = arith.addi %get3A_375, %add3A_380 : vector<16xi32>
          %swap3A_382 = arith.constant 1 : i32
          %swap3A_383 = arith.index_cast %swap3A_382 : i32 to index
          %swap3A_384 = arith.constant 48 : index
          %swap3A_385 = tpu.vector_load %arg15[%swap3A_383, %swap3A_384] {strides = array<i32>} : memref<2x80xi32, #tpu.memory_space<vmem>>, vector<16xi32>,
          tpu.vector_store %arg15[%swap3A_383, %swap3A_384], %add3A_381 {strides = array<i32>} : memref<2x80xi32, #tpu.memory_space<vmem>>, vector<16xi32>,
          %eq3A_386 = arith.cmpi eq, %get3A_375, %get3A_379 : vector<16xi32>
          %select_n3A_387 = arith.select %eq3A_386, %broadcast_in_dim3A_9, %get3A_379 : vector<16xi1>, vector<16xi32>
          %swap3A_388 = arith.constant 1 : i32
          %swap3A_389 = arith.index_cast %swap3A_388 : i32 to index
          %swap3A_390 = arith.constant 48 : index
          %swap3A_391 = tpu.vector_load %arg16[%swap3A_389, %swap3A_390] {strides = array<i32>} : memref<2x80xi32, #tpu.memory_space<vmem>>, vector<16xi32>,
          tpu.vector_store %arg16[%swap3A_389, %swap3A_390], %select_n3A_387 {strides = array<i32>} : memref<2x80xi32, #tpu.memory_space<vmem>>, vector<16xi32>,
          %add3A_392 = arith.constant 64 : i32
          %add3A_393 = arith.addi %mul3A_311, %add3A_392 : i32
          %get3A_394 = arith.index_cast %add3A_393 : i32 to index
          %get3A_395 = tpu.vector_load %arg7[%get3A_394] {strides = array<i32>} : memref<4000xi32, #tpu.memory_space<vmem>>, vector<16xi32>,
          %add3A_396 = arith.constant 64 : i32
          %add3A_397 = arith.addi %mul3A_311, %add3A_396 : i32
          %get3A_398 = arith.index_cast %add3A_397 : i32 to index
          %get3A_399 = tpu.vector_load %arg8[%get3A_398] {strides = array<i32>} : memref<4000xi32, #tpu.memory_space<vmem>>, vector<16xi32>,
          %add3A_400 = vector.broadcast %mul3A_0 : i32 to vector<16xi32>
          %add3A_401 = arith.addi %get3A_395, %add3A_400 : vector<16xi32>
          %swap3A_402 = arith.constant 1 : i32
          %swap3A_403 = arith.index_cast %swap3A_402 : i32 to index
          %swap3A_404 = arith.constant 64 : index
          %swap3A_405 = tpu.vector_load %arg15[%swap3A_403, %swap3A_404] {strides = array<i32>} : memref<2x80xi32, #tpu.memory_space<vmem>>, vector<16xi32>,
          tpu.vector_store %arg15[%swap3A_403, %swap3A_404], %add3A_401 {strides = array<i32>} : memref<2x80xi32, #tpu.memory_space<vmem>>, vector<16xi32>,
          %eq3A_406 = arith.cmpi eq, %get3A_395, %get3A_399 : vector<16xi32>
          %select_n3A_407 = arith.select %eq3A_406, %broadcast_in_dim3A_9, %get3A_399 : vector<16xi1>, vector<16xi32>
          %swap3A_408 = arith.constant 1 : i32
          %swap3A_409 = arith.index_cast %swap3A_408 : i32 to index
          %swap3A_410 = arith.constant 64 : index
          %swap3A_411 = tpu.vector_load %arg16[%swap3A_409, %swap3A_410] {strides = array<i32>} : memref<2x80xi32, #tpu.memory_space<vmem>>, vector<16xi32>,
          tpu.vector_store %arg16[%swap3A_409, %swap3A_410], %select_n3A_407 {strides = array<i32>} : memref<2x80xi32, #tpu.memory_space<vmem>>, vector<16xi32>,
          %dma_start3A_412 = arith.constant 1 : i32
          %dma_start3A_413 = arith.constant 1 : i32
          %dma_start3A_414 = arith.constant 0 : i32
          %dma_start3A_415 = arith.constant 0 : i32
          %dma_start3A_416 = tpu.memref_slice %arg14[%dma_start3A_413, %dma_start3A_414, %dma_start3A_415] : memref<2x80x128xf32, #tpu.memory_space<vmem>> -> memref<1x80x128xf32, #tpu.memory_space<vmem>>
          %dma_start3A_417 = tpu.memref_squeeze %dma_start3A_416 : memref<1x80x128xf32, #tpu.memory_space<vmem>> -> memref<80x128xf32, #tpu.memory_space<vmem>>
          %dma_start3A_418 = arith.constant 0 : i32
          %dma_start3A_419 = tpu.memref_slice %arg15[%dma_start3A_412, %dma_start3A_418] : memref<2x80xi32, #tpu.memory_space<vmem>> -> memref<1x80xi32, #tpu.memory_space<vmem>>
          %dma_start3A_420 = tpu.memref_squeeze %dma_start3A_419 : memref<1x80xi32, #tpu.memory_space<vmem>> -> memref<80xi32, #tpu.memory_space<vmem>>
          %dma_start3A_421 = arith.constant 0 : i32
          %dma_start3A_422 = arith.constant 0 : i32
          %dma_start3A_423 = tpu.memref_slice %arg6[%dma_start3A_421, %dma_start3A_422] : memref<20480x128xf32, #tpu.memory_space<hbm>> -> memref<20480x128xf32, #tpu.memory_space<hbm>>
          tpu.enqueue_indirect_dma source(%dma_start3A_423 : memref<20480x128xf32, #tpu.memory_space<hbm>>) target(%dma_start3A_417 : memref<80x128xf32, #tpu.memory_space<vmem>>) offsets(%dma_start3A_420 : memref<80xi32, #tpu.memory_space<vmem>>) semaphore(%arg20 : memref<!tpu.dma_semaphore, #tpu.memory_space<semaphore_mem>>)
        } else {
        }
        %dma_wait3A_245 = arith.constant 0 : i32
        %dma_wait3A_246 = arith.constant 0 : i32
        %dma_wait3A_247 = arith.constant 0 : i32
        %dma_wait3A_248 = arith.constant 0 : i32
        %dma_wait3A_249 = tpu.memref_slice %arg14[%dma_wait3A_246, %dma_wait3A_247, %dma_wait3A_248] : memref<2x80x128xf32, #tpu.memory_space<vmem>> -> memref<1x80x128xf32, #tpu.memory_space<vmem>>
        %dma_wait3A_250 = tpu.memref_squeeze %dma_wait3A_249 : memref<1x80x128xf32, #tpu.memory_space<vmem>> -> memref<80x128xf32, #tpu.memory_space<vmem>>
        %dma_wait3A_251 = arith.constant 0 : i32
        %dma_wait3A_252 = tpu.memref_slice %arg15[%dma_wait3A_245, %dma_wait3A_251] : memref<2x80xi32, #tpu.memory_space<vmem>> -> memref<1x80xi32, #tpu.memory_space<vmem>>
        %dma_wait3A_253 = tpu.memref_squeeze %dma_wait3A_252 : memref<1x80xi32, #tpu.memory_space<vmem>> -> memref<80xi32, #tpu.memory_space<vmem>>
        %dma_wait3A_254 = arith.constant 0 : i32
        %dma_wait3A_255 = arith.constant 0 : i32
        %dma_wait3A_256 = tpu.memref_slice %arg6[%dma_wait3A_254, %dma_wait3A_255] : memref<20480x128xf32, #tpu.memory_space<hbm>> -> memref<20480x128xf32, #tpu.memory_space<hbm>>
        tpu.wait_indirect_dma semaphore(%arg19 : memref<!tpu.dma_semaphore, #tpu.memory_space<semaphore_mem>>) src(%dma_wait3A_256 : memref<20480x128xf32, #tpu.memory_space<hbm>>) dst(%dma_wait3A_250 : memref<80x128xf32, #tpu.memory_space<vmem>>)
        %dma_start3A_257 = arith.constant 0 : i32
        %dma_start3A_258 = arith.constant 0 : i32
        %dma_start3A_259 = arith.constant 0 : i32
        %dma_start3A_260 = arith.constant 0 : i32
        %dma_start3A_261 = tpu.memref_slice %arg14[%dma_start3A_257, %dma_start3A_259, %dma_start3A_260] : memref<2x80x128xf32, #tpu.memory_space<vmem>> -> memref<1x80x128xf32, #tpu.memory_space<vmem>>
        %dma_start3A_262 = tpu.memref_squeeze %dma_start3A_261 : memref<1x80x128xf32, #tpu.memory_space<vmem>> -> memref<80x128xf32, #tpu.memory_space<vmem>>
        %dma_start3A_263 = arith.constant 0 : i32
        %dma_start3A_264 = tpu.memref_slice %arg16[%dma_start3A_258, %dma_start3A_263] : memref<2x80xi32, #tpu.memory_space<vmem>> -> memref<1x80xi32, #tpu.memory_space<vmem>>
        %dma_start3A_265 = tpu.memref_squeeze %dma_start3A_264 : memref<1x80xi32, #tpu.memory_space<vmem>> -> memref<80xi32, #tpu.memory_space<vmem>>
        %dma_start3A_266 = arith.constant 0 : i32
        %dma_start3A_267 = arith.constant 0 : i32
        %dma_start3A_268 = tpu.memref_slice %arg18[%dma_start3A_266, %dma_start3A_267] : memref<10240x128xf32, #tpu.memory_space<vmem_shared>> -> memref<10240x128xf32, #tpu.memory_space<vmem_shared>>
        tpu.enqueue_indirect_dma source(%dma_start3A_262 : memref<80x128xf32, #tpu.memory_space<vmem>>) target(%dma_start3A_268 : memref<10240x128xf32, #tpu.memory_space<vmem_shared>>) offsets(%dma_start3A_265 : memref<80xi32, #tpu.memory_space<vmem>>) semaphore(%arg21 : memref<!tpu.dma_semaphore, #tpu.memory_space<semaphore_mem>>) {add = true}
        %mul3A_269 = arith.constant 2 : i32
        %mul3A_270 = arith.muli %scan3A_234, %mul3A_269 : i32
        %add3A_271 = arith.constant 1 : i32
        %add3A_272 = arith.addi %mul3A_270, %add3A_271 : i32
        %add3A_273 = arith.constant 1 : i32
        %add3A_274 = arith.addi %add3A_272, %add3A_273 : i32
        %lt3A_275 = arith.constant 50 : i32
        %lt3A_276 = arith.cmpi slt, %add3A_274, %lt3A_275 : i32
        %convert_element_type3A_277 = arith.extui %lt3A_276 : i1 to i32
        %cond3A_278 = arith.constant 0 : i32
        %cond3A_279 = arith.cmpi ne, %convert_element_type3A_277, %cond3A_278 : i32
        scf.if %cond3A_279 {
          %ge3A = arith.constant 1 : i32
          %ge3A_304 = arith.cmpi sge, %add3A_272, %ge3A : i32
          %convert_element_type3A_305 = arith.extui %ge3A_304 : i1 to i32
          %cond3A_306 = arith.constant 0 : i32
          %cond3A_307 = arith.cmpi ne, %convert_element_type3A_305, %cond3A_306 : i32
          scf.if %cond3A_307 {
            %dma_wait3A_424 = arith.constant 0 : i32
            %dma_wait3A_425 = arith.constant 0 : i32
            %dma_wait3A_426 = arith.constant 0 : i32
            %dma_wait3A_427 = arith.constant 0 : i32
            %dma_wait3A_428 = tpu.memref_slice %arg14[%dma_wait3A_424, %dma_wait3A_426, %dma_wait3A_427] : memref<2x80x128xf32, #tpu.memory_space<vmem>> -> memref<1x80x128xf32, #tpu.memory_space<vmem>>
            %dma_wait3A_429 = tpu.memref_squeeze %dma_wait3A_428 : memref<1x80x128xf32, #tpu.memory_space<vmem>> -> memref<80x128xf32, #tpu.memory_space<vmem>>
            %dma_wait3A_430 = arith.constant 0 : i32
            %dma_wait3A_431 = tpu.memref_slice %arg16[%dma_wait3A_425, %dma_wait3A_430] : memref<2x80xi32, #tpu.memory_space<vmem>> -> memref<1x80xi32, #tpu.memory_space<vmem>>
            %dma_wait3A_432 = tpu.memref_squeeze %dma_wait3A_431 : memref<1x80xi32, #tpu.memory_space<vmem>> -> memref<80xi32, #tpu.memory_space<vmem>>
            %dma_wait3A_433 = arith.constant 0 : i32
            %dma_wait3A_434 = arith.constant 0 : i32
            %dma_wait3A_435 = tpu.memref_slice %arg18[%dma_wait3A_433, %dma_wait3A_434] : memref<10240x128xf32, #tpu.memory_space<vmem_shared>> -> memref<10240x128xf32, #tpu.memory_space<vmem_shared>>
            tpu.wait_indirect_dma semaphore(%arg21 : memref<!tpu.dma_semaphore, #tpu.memory_space<semaphore_mem>>) src(%dma_wait3A_429 : memref<80x128xf32, #tpu.memory_space<vmem>>) dst(%dma_wait3A_435 : memref<10240x128xf32, #tpu.memory_space<vmem_shared>>)
          } else {
          }
          %add3A_308 = arith.constant 1 : i32
          %add3A_309 = arith.addi %add3A_272, %add3A_308 : i32
          %mul3A_310 = arith.constant 80 : i32
          %mul3A_311 = arith.muli %add3A_309, %mul3A_310 : i32
          %add3A_312 = arith.constant 0 : i32
          %add3A_313 = arith.addi %mul3A_311, %add3A_312 : i32
          %get3A_314 = arith.index_cast %add3A_313 : i32 to index
          %get3A_315 = tpu.vector_load %arg7[%get3A_314] {strides = array<i32>} : memref<4000xi32, #tpu.memory_space<vmem>>, vector<16xi32>,
          %add3A_316 = arith.constant 0 : i32
          %add3A_317 = arith.addi %mul3A_311, %add3A_316 : i32
          %get3A_318 = arith.index_cast %add3A_317 : i32 to index
          %get3A_319 = tpu.vector_load %arg8[%get3A_318] {strides = array<i32>} : memref<4000xi32, #tpu.memory_space<vmem>>, vector<16xi32>,
          %add3A_320 = vector.broadcast %mul3A_0 : i32 to vector<16xi32>
          %add3A_321 = arith.addi %get3A_315, %add3A_320 : vector<16xi32>
          %swap3A_322 = arith.constant 0 : i32
          %swap3A_323 = arith.index_cast %swap3A_322 : i32 to index
          %swap3A_324 = arith.constant 0 : index
          %swap3A_325 = tpu.vector_load %arg15[%swap3A_323, %swap3A_324] {strides = array<i32>} : memref<2x80xi32, #tpu.memory_space<vmem>>, vector<16xi32>,
          tpu.vector_store %arg15[%swap3A_323, %swap3A_324], %add3A_321 {strides = array<i32>} : memref<2x80xi32, #tpu.memory_space<vmem>>, vector<16xi32>,
          %eq3A_326 = arith.cmpi eq, %get3A_315, %get3A_319 : vector<16xi32>
          %select_n3A_327 = arith.select %eq3A_326, %broadcast_in_dim3A_9, %get3A_319 : vector<16xi1>, vector<16xi32>
          %swap3A_328 = arith.constant 0 : i32
          %swap3A_329 = arith.index_cast %swap3A_328 : i32 to index
          %swap3A_330 = arith.constant 0 : index
          %swap3A_331 = tpu.vector_load %arg16[%swap3A_329, %swap3A_330] {strides = array<i32>} : memref<2x80xi32, #tpu.memory_space<vmem>>, vector<16xi32>,
          tpu.vector_store %arg16[%swap3A_329, %swap3A_330], %select_n3A_327 {strides = array<i32>} : memref<2x80xi32, #tpu.memory_space<vmem>>, vector<16xi32>,
          %add3A_332 = arith.constant 16 : i32
          %add3A_333 = arith.addi %mul3A_311, %add3A_332 : i32
          %get3A_334 = arith.index_cast %add3A_333 : i32 to index
          %get3A_335 = tpu.vector_load %arg7[%get3A_334] {strides = array<i32>} : memref<4000xi32, #tpu.memory_space<vmem>>, vector<16xi32>,
          %add3A_336 = arith.constant 16 : i32
          %add3A_337 = arith.addi %mul3A_311, %add3A_336 : i32
          %get3A_338 = arith.index_cast %add3A_337 : i32 to index
          %get3A_339 = tpu.vector_load %arg8[%get3A_338] {strides = array<i32>} : memref<4000xi32, #tpu.memory_space<vmem>>, vector<16xi32>,
          %add3A_340 = vector.broadcast %mul3A_0 : i32 to vector<16xi32>
          %add3A_341 = arith.addi %get3A_335, %add3A_340 : vector<16xi32>
          %swap3A_342 = arith.constant 0 : i32
          %swap3A_343 = arith.index_cast %swap3A_342 : i32 to index
          %swap3A_344 = arith.constant 16 : index
          %swap3A_345 = tpu.vector_load %arg15[%swap3A_343, %swap3A_344] {strides = array<i32>} : memref<2x80xi32, #tpu.memory_space<vmem>>, vector<16xi32>,
          tpu.vector_store %arg15[%swap3A_343, %swap3A_344], %add3A_341 {strides = array<i32>} : memref<2x80xi32, #tpu.memory_space<vmem>>, vector<16xi32>,
          %eq3A_346 = arith.cmpi eq, %get3A_335, %get3A_339 : vector<16xi32>
          %select_n3A_347 = arith.select %eq3A_346, %broadcast_in_dim3A_9, %get3A_339 : vector<16xi1>, vector<16xi32>
          %swap3A_348 = arith.constant 0 : i32
          %swap3A_349 = arith.index_cast %swap3A_348 : i32 to index
          %swap3A_350 = arith.constant 16 : index
          %swap3A_351 = tpu.vector_load %arg16[%swap3A_349, %swap3A_350] {strides = array<i32>} : memref<2x80xi32, #tpu.memory_space<vmem>>, vector<16xi32>,
          tpu.vector_store %arg16[%swap3A_349, %swap3A_350], %select_n3A_347 {strides = array<i32>} : memref<2x80xi32, #tpu.memory_space<vmem>>, vector<16xi32>,
          %add3A_352 = arith.constant 32 : i32
          %add3A_353 = arith.addi %mul3A_311, %add3A_352 : i32
          %get3A_354 = arith.index_cast %add3A_353 : i32 to index
          %get3A_355 = tpu.vector_load %arg7[%get3A_354] {strides = array<i32>} : memref<4000xi32, #tpu.memory_space<vmem>>, vector<16xi32>,
          %add3A_356 = arith.constant 32 : i32
          %add3A_357 = arith.addi %mul3A_311, %add3A_356 : i32
          %get3A_358 = arith.index_cast %add3A_357 : i32 to index
          %get3A_359 = tpu.vector_load %arg8[%get3A_358] {strides = array<i32>} : memref<4000xi32, #tpu.memory_space<vmem>>, vector<16xi32>,
          %add3A_360 = vector.broadcast %mul3A_0 : i32 to vector<16xi32>
          %add3A_361 = arith.addi %get3A_355, %add3A_360 : vector<16xi32>
          %swap3A_362 = arith.constant 0 : i32
          %swap3A_363 = arith.index_cast %swap3A_362 : i32 to index
          %swap3A_364 = arith.constant 32 : index
          %swap3A_365 = tpu.vector_load %arg15[%swap3A_363, %swap3A_364] {strides = array<i32>} : memref<2x80xi32, #tpu.memory_space<vmem>>, vector<16xi32>,
          tpu.vector_store %arg15[%swap3A_363, %swap3A_364], %add3A_361 {strides = array<i32>} : memref<2x80xi32, #tpu.memory_space<vmem>>, vector<16xi32>,
          %eq3A_366 = arith.cmpi eq, %get3A_355, %get3A_359 : vector<16xi32>
          %select_n3A_367 = arith.select %eq3A_366, %broadcast_in_dim3A_9, %get3A_359 : vector<16xi1>, vector<16xi32>
          %swap3A_368 = arith.constant 0 : i32
          %swap3A_369 = arith.index_cast %swap3A_368 : i32 to index
          %swap3A_370 = arith.constant 32 : index
          %swap3A_371 = tpu.vector_load %arg16[%swap3A_369, %swap3A_370] {strides = array<i32>} : memref<2x80xi32, #tpu.memory_space<vmem>>, vector<16xi32>,
          tpu.vector_store %arg16[%swap3A_369, %swap3A_370], %select_n3A_367 {strides = array<i32>} : memref<2x80xi32, #tpu.memory_space<vmem>>, vector<16xi32>,
          %add3A_372 = arith.constant 48 : i32
          %add3A_373 = arith.addi %mul3A_311, %add3A_372 : i32
          %get3A_374 = arith.index_cast %add3A_373 : i32 to index
          %get3A_375 = tpu.vector_load %arg7[%get3A_374] {strides = array<i32>} : memref<4000xi32, #tpu.memory_space<vmem>>, vector<16xi32>,
          %add3A_376 = arith.constant 48 : i32
          %add3A_377 = arith.addi %mul3A_311, %add3A_376 : i32
          %get3A_378 = arith.index_cast %add3A_377 : i32 to index
          %get3A_379 = tpu.vector_load %arg8[%get3A_378] {strides = array<i32>} : memref<4000xi32, #tpu.memory_space<vmem>>, vector<16xi32>,
          %add3A_380 = vector.broadcast %mul3A_0 : i32 to vector<16xi32>
          %add3A_381 = arith.addi %get3A_375, %add3A_380 : vector<16xi32>
          %swap3A_382 = arith.constant 0 : i32
          %swap3A_383 = arith.index_cast %swap3A_382 : i32 to index
          %swap3A_384 = arith.constant 48 : index
          %swap3A_385 = tpu.vector_load %arg15[%swap3A_383, %swap3A_384] {strides = array<i32>} : memref<2x80xi32, #tpu.memory_space<vmem>>, vector<16xi32>,
          tpu.vector_store %arg15[%swap3A_383, %swap3A_384], %add3A_381 {strides = array<i32>} : memref<2x80xi32, #tpu.memory_space<vmem>>, vector<16xi32>,
          %eq3A_386 = arith.cmpi eq, %get3A_375, %get3A_379 : vector<16xi32>
          %select_n3A_387 = arith.select %eq3A_386, %broadcast_in_dim3A_9, %get3A_379 : vector<16xi1>, vector<16xi32>
          %swap3A_388 = arith.constant 0 : i32
          %swap3A_389 = arith.index_cast %swap3A_388 : i32 to index
          %swap3A_390 = arith.constant 48 : index
          %swap3A_391 = tpu.vector_load %arg16[%swap3A_389, %swap3A_390] {strides = array<i32>} : memref<2x80xi32, #tpu.memory_space<vmem>>, vector<16xi32>,
          tpu.vector_store %arg16[%swap3A_389, %swap3A_390], %select_n3A_387 {strides = array<i32>} : memref<2x80xi32, #tpu.memory_space<vmem>>, vector<16xi32>,
          %add3A_392 = arith.constant 64 : i32
          %add3A_393 = arith.addi %mul3A_311, %add3A_392 : i32
          %get3A_394 = arith.index_cast %add3A_393 : i32 to index
          %get3A_395 = tpu.vector_load %arg7[%get3A_394] {strides = array<i32>} : memref<4000xi32, #tpu.memory_space<vmem>>, vector<16xi32>,
          %add3A_396 = arith.constant 64 : i32
          %add3A_397 = arith.addi %mul3A_311, %add3A_396 : i32
          %get3A_398 = arith.index_cast %add3A_397 : i32 to index
          %get3A_399 = tpu.vector_load %arg8[%get3A_398] {strides = array<i32>} : memref<4000xi32, #tpu.memory_space<vmem>>, vector<16xi32>,
          %add3A_400 = vector.broadcast %mul3A_0 : i32 to vector<16xi32>
          %add3A_401 = arith.addi %get3A_395, %add3A_400 : vector<16xi32>
          %swap3A_402 = arith.constant 0 : i32
          %swap3A_403 = arith.index_cast %swap3A_402 : i32 to index
          %swap3A_404 = arith.constant 64 : index
          %swap3A_405 = tpu.vector_load %arg15[%swap3A_403, %swap3A_404] {strides = array<i32>} : memref<2x80xi32, #tpu.memory_space<vmem>>, vector<16xi32>,
          tpu.vector_store %arg15[%swap3A_403, %swap3A_404], %add3A_401 {strides = array<i32>} : memref<2x80xi32, #tpu.memory_space<vmem>>, vector<16xi32>,
          %eq3A_406 = arith.cmpi eq, %get3A_395, %get3A_399 : vector<16xi32>
          %select_n3A_407 = arith.select %eq3A_406, %broadcast_in_dim3A_9, %get3A_399 : vector<16xi1>, vector<16xi32>
          %swap3A_408 = arith.constant 0 : i32
          %swap3A_409 = arith.index_cast %swap3A_408 : i32 to index
          %swap3A_410 = arith.constant 64 : index
          %swap3A_411 = tpu.vector_load %arg16[%swap3A_409, %swap3A_410] {strides = array<i32>} : memref<2x80xi32, #tpu.memory_space<vmem>>, vector<16xi32>,
          tpu.vector_store %arg16[%swap3A_409, %swap3A_410], %select_n3A_407 {strides = array<i32>} : memref<2x80xi32, #tpu.memory_space<vmem>>, vector<16xi32>,
          %dma_start3A_412 = arith.constant 0 : i32
          %dma_start3A_413 = arith.constant 0 : i32
          %dma_start3A_414 = arith.constant 0 : i32
          %dma_start3A_415 = arith.constant 0 : i32
          %dma_start3A_416 = tpu.memref_slice %arg14[%dma_start3A_413, %dma_start3A_414, %dma_start3A_415] : memref<2x80x128xf32, #tpu.memory_space<vmem>> -> memref<1x80x128xf32, #tpu.memory_space<vmem>>
          %dma_start3A_417 = tpu.memref_squeeze %dma_start3A_416 : memref<1x80x128xf32, #tpu.memory_space<vmem>> -> memref<80x128xf32, #tpu.memory_space<vmem>>
          %dma_start3A_418 = arith.constant 0 : i32
          %dma_start3A_419 = tpu.memref_slice %arg15[%dma_start3A_412, %dma_start3A_418] : memref<2x80xi32, #tpu.memory_space<vmem>> -> memref<1x80xi32, #tpu.memory_space<vmem>>
          %dma_start3A_420 = tpu.memref_squeeze %dma_start3A_419 : memref<1x80xi32, #tpu.memory_space<vmem>> -> memref<80xi32, #tpu.memory_space<vmem>>
          %dma_start3A_421 = arith.constant 0 : i32
          %dma_start3A_422 = arith.constant 0 : i32
          %dma_start3A_423 = tpu.memref_slice %arg6[%dma_start3A_421, %dma_start3A_422] : memref<20480x128xf32, #tpu.memory_space<hbm>> -> memref<20480x128xf32, #tpu.memory_space<hbm>>
          tpu.enqueue_indirect_dma source(%dma_start3A_423 : memref<20480x128xf32, #tpu.memory_space<hbm>>) target(%dma_start3A_417 : memref<80x128xf32, #tpu.memory_space<vmem>>) offsets(%dma_start3A_420 : memref<80xi32, #tpu.memory_space<vmem>>) semaphore(%arg19 : memref<!tpu.dma_semaphore, #tpu.memory_space<semaphore_mem>>)
        } else {
        }
        %dma_wait3A_280 = arith.constant 1 : i32
        %dma_wait3A_281 = arith.constant 1 : i32
        %dma_wait3A_282 = arith.constant 0 : i32
        %dma_wait3A_283 = arith.constant 0 : i32
        %dma_wait3A_284 = tpu.memref_slice %arg14[%dma_wait3A_281, %dma_wait3A_282, %dma_wait3A_283] : memref<2x80x128xf32, #tpu.memory_space<vmem>> -> memref<1x80x128xf32, #tpu.memory_space<vmem>>
        %dma_wait3A_285 = tpu.memref_squeeze %dma_wait3A_284 : memref<1x80x128xf32, #tpu.memory_space<vmem>> -> memref<80x128xf32, #tpu.memory_space<vmem>>
        %dma_wait3A_286 = arith.constant 0 : i32
        %dma_wait3A_287 = tpu.memref_slice %arg15[%dma_wait3A_280, %dma_wait3A_286] : memref<2x80xi32, #tpu.memory_space<vmem>> -> memref<1x80xi32, #tpu.memory_space<vmem>>
        %dma_wait3A_288 = tpu.memref_squeeze %dma_wait3A_287 : memref<1x80xi32, #tpu.memory_space<vmem>> -> memref<80xi32, #tpu.memory_space<vmem>>
        %dma_wait3A_289 = arith.constant 0 : i32
        %dma_wait3A_290 = arith.constant 0 : i32
        %dma_wait3A_291 = tpu.memref_slice %arg6[%dma_wait3A_289, %dma_wait3A_290] : memref<20480x128xf32, #tpu.memory_space<hbm>> -> memref<20480x128xf32, #tpu.memory_space<hbm>>
        tpu.wait_indirect_dma semaphore(%arg20 : memref<!tpu.dma_semaphore, #tpu.memory_space<semaphore_mem>>) src(%dma_wait3A_291 : memref<20480x128xf32, #tpu.memory_space<hbm>>) dst(%dma_wait3A_285 : memref<80x128xf32, #tpu.memory_space<vmem>>)
        %dma_start3A_292 = arith.constant 1 : i32
        %dma_start3A_293 = arith.constant 1 : i32
        %dma_start3A_294 = arith.constant 0 : i32
        %dma_start3A_295 = arith.constant 0 : i32
        %dma_start3A_296 = tpu.memref_slice %arg14[%dma_start3A_292, %dma_start3A_294, %dma_start3A_295] : memref<2x80x128xf32, #tpu.memory_space<vmem>> -> memref<1x80x128xf32, #tpu.memory_space<vmem>>
        %dma_start3A_297 = tpu.memref_squeeze %dma_start3A_296 : memref<1x80x128xf32, #tpu.memory_space<vmem>> -> memref<80x128xf32, #tpu.memory_space<vmem>>
        %dma_start3A_298 = arith.constant 0 : i32
        %dma_start3A_299 = tpu.memref_slice %arg16[%dma_start3A_293, %dma_start3A_298] : memref<2x80xi32, #tpu.memory_space<vmem>> -> memref<1x80xi32, #tpu.memory_space<vmem>>
        %dma_start3A_300 = tpu.memref_squeeze %dma_start3A_299 : memref<1x80xi32, #tpu.memory_space<vmem>> -> memref<80xi32, #tpu.memory_space<vmem>>
        %dma_start3A_301 = arith.constant 0 : i32
        %dma_start3A_302 = arith.constant 0 : i32
        %dma_start3A_303 = tpu.memref_slice %arg18[%dma_start3A_301, %dma_start3A_302] : memref<10240x128xf32, #tpu.memory_space<vmem_shared>> -> memref<10240x128xf32, #tpu.memory_space<vmem_shared>>
        tpu.enqueue_indirect_dma source(%dma_start3A_297 : memref<80x128xf32, #tpu.memory_space<vmem>>) target(%dma_start3A_303 : memref<10240x128xf32, #tpu.memory_space<vmem_shared>>) offsets(%dma_start3A_300 : memref<80xi32, #tpu.memory_space<vmem>>) semaphore(%arg22 : memref<!tpu.dma_semaphore, #tpu.memory_space<semaphore_mem>>) {add = true}
      }
      %scan3A_210 = arith.constant 25 : i32
      %dma_wait3A = arith.constant 0 : i32
      %dma_wait3A_211 = arith.constant 0 : i32
      %dma_wait3A_212 = arith.constant 0 : i32
      %dma_wait3A_213 = arith.constant 0 : i32
      %dma_wait3A_214 = tpu.memref_slice %arg14[%dma_wait3A, %dma_wait3A_212, %dma_wait3A_213] : memref<2x80x128xf32, #tpu.memory_space<vmem>> -> memref<1x80x128xf32, #tpu.memory_space<vmem>>
      %dma_wait3A_215 = tpu.memref_squeeze %dma_wait3A_214 : memref<1x80x128xf32, #tpu.memory_space<vmem>> -> memref<80x128xf32, #tpu.memory_space<vmem>>
      %dma_wait3A_216 = arith.constant 0 : i32
      %dma_wait3A_217 = tpu.memref_slice %arg16[%dma_wait3A_211, %dma_wait3A_216] : memref<2x80xi32, #tpu.memory_space<vmem>> -> memref<1x80xi32, #tpu.memory_space<vmem>>
      %dma_wait3A_218 = tpu.memref_squeeze %dma_wait3A_217 : memref<1x80xi32, #tpu.memory_space<vmem>> -> memref<80xi32, #tpu.memory_space<vmem>>
      %dma_wait3A_219 = arith.constant 0 : i32
      %dma_wait3A_220 = arith.constant 0 : i32
      %dma_wait3A_221 = tpu.memref_slice %arg18[%dma_wait3A_219, %dma_wait3A_220] : memref<10240x128xf32, #tpu.memory_space<vmem_shared>> -> memref<10240x128xf32, #tpu.memory_space<vmem_shared>>
      tpu.wait_indirect_dma semaphore(%arg21 : memref<!tpu.dma_semaphore, #tpu.memory_space<semaphore_mem>>) src(%dma_wait3A_215 : memref<80x128xf32, #tpu.memory_space<vmem>>) dst(%dma_wait3A_221 : memref<10240x128xf32, #tpu.memory_space<vmem_shared>>)
      %dma_wait3A_222 = arith.constant 1 : i32
      %dma_wait3A_223 = arith.constant 1 : i32
      %dma_wait3A_224 = arith.constant 0 : i32
      %dma_wait3A_225 = arith.constant 0 : i32
      %dma_wait3A_226 = tpu.memref_slice %arg14[%dma_wait3A_222, %dma_wait3A_224, %dma_wait3A_225] : memref<2x80x128xf32, #tpu.memory_space<vmem>> -> memref<1x80x128xf32, #tpu.memory_space<vmem>>
      %dma_wait3A_227 = tpu.memref_squeeze %dma_wait3A_226 : memref<1x80x128xf32, #tpu.memory_space<vmem>> -> memref<80x128xf32, #tpu.memory_space<vmem>>
      %dma_wait3A_228 = arith.constant 0 : i32
      %dma_wait3A_229 = tpu.memref_slice %arg16[%dma_wait3A_223, %dma_wait3A_228] : memref<2x80xi32, #tpu.memory_space<vmem>> -> memref<1x80xi32, #tpu.memory_space<vmem>>
      %dma_wait3A_230 = tpu.memref_squeeze %dma_wait3A_229 : memref<1x80xi32, #tpu.memory_space<vmem>> -> memref<80xi32, #tpu.memory_space<vmem>>
      %dma_wait3A_231 = arith.constant 0 : i32
      %dma_wait3A_232 = arith.constant 0 : i32
      %dma_wait3A_233 = tpu.memref_slice %arg18[%dma_wait3A_231, %dma_wait3A_232] : memref<10240x128xf32, #tpu.memory_space<vmem_shared>> -> memref<10240x128xf32, #tpu.memory_space<vmem_shared>>
      tpu.wait_indirect_dma semaphore(%arg22 : memref<!tpu.dma_semaphore, #tpu.memory_space<semaphore_mem>>) src(%dma_wait3A_227 : memref<80x128xf32, #tpu.memory_space<vmem>>) dst(%dma_wait3A_233 : memref<10240x128xf32, #tpu.memory_space<vmem_shared>>)
    }
    %scan3A_103 = arith.constant 5 : i32
    %barrier3A_104 = arith.constant 0 : index
    tpu.barrier barrier_id(%barrier3A_104)
    %scan3A_105 = arith.constant 0 : i32
    %scan3A_106 = arith.constant 0 : i32
    %scan3A_107 = arith.constant 40 : i32
    %scan3A_108 = arith.addi %scan3A_106, %scan3A_107 : i32
    %scan3A_109 = arith.constant 1 : i32
    scf.for %scan3A_111 = %scan3A_106 to %scan3A_108 step %scan3A_109  : i32 {
      %mul3A_112 = arith.constant 16 : i32
      %mul3A_113 = arith.muli %scan3A_111, %mul3A_112 : i32
      %add3A_114 = arith.addi %mul3A_4, %mul3A_113 : i32
      %lt3A = arith.constant 10000 : i32
      %lt3A_115 = arith.cmpi slt, %add3A_114, %lt3A : i32
      %convert_element_type3A_116 = arith.extui %lt3A_115 : i1 to i32
      %cond3A_117 = arith.constant 0 : i32
      %cond3A_118 = arith.cmpi ne, %convert_element_type3A_116, %cond3A_117 : i32
      scf.if %cond3A_118 {
        %add3A_119 = arith.addi %mul3A_4, %mul3A_113 : i32
        "tpu.region"() ({
          %run_scoped3A_1323 = tpu.sem_alloc : memref<!tpu.dma_semaphore, #tpu.memory_space<semaphore_mem>>
          %dma_start3A = arith.constant 0 : i32
          %dma_start3A_1324 = tpu.memref_slice %arg18[%add3A_119, %dma_start3A] : memref<10240x128xf32, #tpu.memory_space<vmem_shared>> -> memref<16x128xf32, #tpu.memory_space<vmem_shared>>
          %dma_start3A_1325 = arith.constant 0 : i32
          %dma_start3A_1326 = tpu.memref_slice %arg18[%add3A_119, %dma_start3A_1325] : memref<10240x128xf32, #tpu.memory_space<vmem_shared>> -> memref<16x128xf32, #tpu.memory_space<vmem_shared>>
          tpu.enqueue_dma source(%dma_start3A_1326 : memref<16x128xf32, #tpu.memory_space<vmem_shared>>) target(%arg13 : memref<16x128xf32, #tpu.memory_space<vmem>>) target_semaphore(%run_scoped3A_1323 : memref<!tpu.dma_semaphore, #tpu.memory_space<semaphore_mem>>)
          %dma_wait3A = arith.constant 0 : i32
          %dma_wait3A_1327 = tpu.memref_slice %arg18[%add3A_119, %dma_wait3A] : memref<10240x128xf32, #tpu.memory_space<vmem_shared>> -> memref<16x128xf32, #tpu.memory_space<vmem_shared>>
          %dma_wait3A_1328 = arith.constant 0 : i32
          %dma_wait3A_1329 = tpu.memref_slice %arg18[%add3A_119, %dma_wait3A_1328] : memref<10240x128xf32, #tpu.memory_space<vmem_shared>> -> memref<16x128xf32, #tpu.memory_space<vmem_shared>>
          tpu.wait_dma2 semaphore(%run_scoped3A_1323 : memref<!tpu.dma_semaphore, #tpu.memory_space<semaphore_mem>>) src(%dma_wait3A_1329 : memref<16x128xf32, #tpu.memory_space<vmem_shared>>) dst(%arg13 : memref<16x128xf32, #tpu.memory_space<vmem>>)
          tpu.yield
        }) : () -> ()
        %get3A = arith.index_cast %mul3A_113 : i32 to index
        %get3A_120 = tpu.vector_load %arg10[%get3A] {strides = array<i32>} : memref<640xf32, #tpu.memory_space<vmem>>, vector<16xf32>,
        %slice3A = vector.extract_strided_slice %get3A_120 {offsets = [0], sizes = [1], strides = [1]} : vector<16xf32> to vector<1xf32>
        %squeeze3A = vector.extract %slice3A[0] : f32 from vector<1xf32>
        %broadcast_in_dim3A_121 = vector.broadcast %squeeze3A : f32 to vector<16xf32>
        %get3A_122 = arith.constant 0 : i32
        %get3A_123 = arith.index_cast %get3A_122 : i32 to index
        %get3A_124 = arith.constant 0 : index
        %get3A_125 = tpu.vector_load %arg13[%get3A_123, %get3A_124] {strides = array<i32>} : memref<16x128xf32, #tpu.memory_space<vmem>>, vector<16xf32>,
        %mul3A_126 = arith.mulf %get3A_125, %broadcast_in_dim3A_121 : vector<16xf32>
        %swap3A_127 = arith.constant 0 : i32
        %swap3A_128 = arith.index_cast %swap3A_127 : i32 to index
        %swap3A_129 = arith.constant 0 : index
        %swap3A_130 = tpu.vector_load %arg13[%swap3A_128, %swap3A_129] {strides = array<i32>} : memref<16x128xf32, #tpu.memory_space<vmem>>, vector<16xf32>,
        tpu.vector_store %arg13[%swap3A_128, %swap3A_129], %mul3A_126 {strides = array<i32>} : memref<16x128xf32, #tpu.memory_space<vmem>>, vector<16xf32>,
        %get3A_131 = arith.constant 0 : i32
        %get3A_132 = arith.index_cast %get3A_131 : i32 to index
        %get3A_133 = arith.constant 16 : index
        %get3A_134 = tpu.vector_load %arg13[%get3A_132, %get3A_133] {strides = array<i32>} : memref<16x128xf32, #tpu.memory_space<vmem>>, vector<16xf32>,
        %mul3A_135 = arith.mulf %get3A_134, %broadcast_in_dim3A_121 : vector<16xf32>
        %swap3A_136 = arith.constant 0 : i32
        %swap3A_137 = arith.index_cast %swap3A_136 : i32 to index
        %swap3A_138 = arith.constant 16 : index
        %swap3A_139 = tpu.vector_load %arg13[%swap3A_137, %swap3A_138] {strides = array<i32>} : memref<16x128xf32, #tpu.memory_space<vmem>>, vector<16xf32>,
        tpu.vector_store %arg13[%swap3A_137, %swap3A_138], %mul3A_135 {strides = array<i32>} : memref<16x128xf32, #tpu.memory_space<vmem>>, vector<16xf32>,
        %get3A_140 = arith.constant 0 : i32
        %get3A_141 = arith.index_cast %get3A_140 : i32 to index
        %get3A_142 = arith.constant 32 : index
        %get3A_143 = tpu.vector_load %arg13[%get3A_141, %get3A_142] {strides = array<i32>} : memref<16x128xf32, #tpu.memory_space<vmem>>, vector<16xf32>,
        %mul3A_144 = arith.mulf %get3A_143, %broadcast_in_dim3A_121 : vector<16xf32>
        %swap3A_145 = arith.constant 0 : i32
        %swap3A_146 = arith.index_cast %swap3A_145 : i32 to index
        %swap3A_147 = arith.constant 32 : index
        %swap3A_148 = tpu.vector_load %arg13[%swap3A_146, %swap3A_147] {strides = array<i32>} : memref<16x128xf32, #tpu.memory_space<vmem>>, vector<16xf32>,
        tpu.vector_store %arg13[%swap3A_146, %swap3A_147], %mul3A_144 {strides = array<i32>} : memref<16x128xf32, #tpu.memory_space<vmem>>, vector<16xf32>,
        %get3A_149 = arith.constant 0 : i32
        %get3A_150 = arith.index_cast %get3A_149 : i32 to index
        %get3A_151 = arith.constant 48 : index
        %get3A_152 = tpu.vector_load %arg13[%get3A_150, %get3A_151] {strides = array<i32>} : memref<16x128xf32, #tpu.memory_space<vmem>>, vector<16xf32>,
        %mul3A_153 = arith.mulf %get3A_152, %broadcast_in_dim3A_121 : vector<16xf32>
        %swap3A_154 = arith.constant 0 : i32
        %swap3A_155 = arith.index_cast %swap3A_154 : i32 to index
        %swap3A_156 = arith.constant 48 : index
        %swap3A_157 = tpu.vector_load %arg13[%swap3A_155, %swap3A_156] {strides = array<i32>} : memref<16x128xf32, #tpu.memory_space<vmem>>, vector<16xf32>,
        tpu.vector_store %arg13[%swap3A_155, %swap3A_156], %mul3A_153 {strides = array<i32>} : memref<16x128xf32, #tpu.memory_space<vmem>>, vector<16xf32>,
        %get3A_158 = arith.constant 0 : i32
        %get3A_159 = arith.index_cast %get3A_158 : i32 to index
        %get3A_160 = arith.constant 64 : index
        %get3A_161 = tpu.vector_load %arg13[%get3A_159, %get3A_160] {strides = array<i32>} : memref<16x128xf32, #tpu.memory_space<vmem>>, vector<16xf32>,
        %mul3A_162 = arith.mulf %get3A_161, %broadcast_in_dim3A_121 : vector<16xf32>
        %swap3A_163 = arith.constant 0 : i32
        %swap3A_164 = arith.index_cast %swap3A_163 : i32 to index
        %swap3A_165 = arith.constant 64 : index
        %swap3A_166 = tpu.vector_load %arg13[%swap3A_164, %swap3A_165] {strides = array<i32>} : memref<16x128xf32, #tpu.memory_space<vmem>>, vector<16xf32>,
        tpu.vector_store %arg13[%swap3A_164, %swap3A_165], %mul3A_162 {strides = array<i32>} : memref<16x128xf32, #tpu.memory_space<vmem>>, vector<16xf32>,
        %get3A_167 = arith.constant 0 : i32
        %get3A_168 = arith.index_cast %get3A_167 : i32 to index
        %get3A_169 = arith.constant 80 : index
        %get3A_170 = tpu.vector_load %arg13[%get3A_168, %get3A_169] {strides = array<i32>} : memref<16x128xf32, #tpu.memory_space<vmem>>, vector<16xf32>,
        %mul3A_171 = arith.mulf %get3A_170, %broadcast_in_dim3A_121 : vector<16xf32>
        %swap3A_172 = arith.constant 0 : i32
        %swap3A_173 = arith.index_cast %swap3A_172 : i32 to index
        %swap3A_174 = arith.constant 80 : index
        %swap3A_175 = tpu.vector_load %arg13[%swap3A_173, %swap3A_174] {strides = array<i32>} : memref<16x128xf32, #tpu.memory_space<vmem>>, vector<16xf32>,
        tpu.vector_store %arg13[%swap3A_173, %swap3A_174], %mul3A_171 {strides = array<i32>} : memref<16x128xf32, #tpu.memory_space<vmem>>, vector<16xf32>,
        %get3A_176 = arith.constant 0 : i32
        %get3A_177 = arith.index_cast %get3A_176 : i32 to index
        %get3A_178 = arith.constant 96 : index
        %get3A_179 = tpu.vector_load %arg13[%get3A_177, %get3A_178] {strides = array<i32>} : memref<16x128xf32, #tpu.memory_space<vmem>>, vector<16xf32>,
        %mul3A_180 = arith.mulf %get3A_179, %broadcast_in_dim3A_121 : vector<16xf32>
        %swap3A_181 = arith.constant 0 : i32
        %swap3A_182 = arith.index_cast %swap3A_181 : i32 to index
        %swap3A_183 = arith.constant 96 : index
        %swap3A_184 = tpu.vector_load %arg13[%swap3A_182, %swap3A_183] {strides = array<i32>} : memref<16x128xf32, #tpu.memory_space<vmem>>, vector<16xf32>,
        tpu.vector_store %arg13[%swap3A_182, %swap3A_183], %mul3A_180 {strides = array<i32>} : memref<16x128xf32, #tpu.memory_space<vmem>>, vector<16xf32>,
        %get3A_185 = arith.constant 0 : i32
        %get3A_186 = arith.index_cast %get3A_185 : i32 to index
        %get3A_187 = arith.constant 112 : index
        %get3A_188 = tpu.vector_load %arg13[%get3A_186, %get3A_187] {strides = array<i32>} : memref<16x128xf32, #tpu.memory_space<vmem>>, vector<16xf32>,
        %mul3A_189 = arith.mulf %get3A_188, %broadcast_in_dim3A_121 : vector<16xf32>
        %swap3A_190 = arith.constant 0 : i32
        %swap3A_191 = arith.index_cast %swap3A_190 : i32 to index
        %swap3A_192 = arith.constant 112 : index
        %swap3A_193 = tpu.vector_load %arg13[%swap3A_191, %swap3A_192] {strides = array<i32>} : memref<16x128xf32, #tpu.memory_space<vmem>>, vector<16xf32>,
        tpu.vector_store %arg13[%swap3A_191, %swap3A_192], %mul3A_189 {strides = array<i32>} : memref<16x128xf32, #tpu.memory_space<vmem>>, vector<16xf32>,
        %slice3A_194 = vector.extract_strided_slice %get3A_120 {offsets = [1], sizes = [1], strides = [1]} : vector<16xf32> to vector<1xf32>
        %squeeze3A_195 = vector.extract %slice3A_194[0] : f32 from vector<1xf32>
        %broadcast_in_dim3A_196 = vector.broadcast %squeeze3A_195 : f32 to vector<16xf32>
        %get3A_197 = arith.constant 1 : i32
        %get3A_198 = arith.index_cast %get3A_197 : i32 to index
        %get3A_199 = arith.constant 0 : index
        %get3A_200 = tpu.vector_load %arg13[%get3A_198, %get3A_199] {strides = array<i32>} : memref<16x128xf32, #tpu.memory_space<vmem>>, vector<16xf32>,
        %mul3A_201 = arith.mulf %get3A_200, %broadcast_in_dim3A_196 : vector<16xf32>
        %swap3A_202 = arith.constant 1 : i32
        %swap3A_203 = arith.index_cast %swap3A_202 : i32 to index
        %swap3A_204 = arith.constant 0 : index
        %swap3A_205 = tpu.vector_load %arg13[%swap3A_203, %swap3A_204] {strides = array<i32>} : memref<16x128xf32, #tpu.memory_space<vmem>>, vector<16xf32>,
        tpu.vector_store %arg13[%swap3A_203, %swap3A_204], %mul3A_201 {strides = array<i32>} : memref<16x128xf32, #tpu.memory_space<vmem>>, vector<16xf32>,
        %get3A_206 = arith.constant 1 : i32
        %get3A_207 = arith.index_cast %get3A_206 : i32 to index
        %get3A_208 = arith.constant 16 : index
        %get3A_209 = tpu.vector_load %arg13[%get3A_207, %get3A_208] {strides = array<i32>} : memref<16x128xf32, #tpu.memory_space<vmem>>, vector<16xf32>,
        %mul3A_210 = arith.mulf %get3A_209, %broadcast_in_dim3A_196 : vector<16xf32>
        %swap3A_211 = arith.constant 1 : i32
        %swap3A_212 = arith.index_cast %swap3A_211 : i32 to index
        %swap3A_213 = arith.constant 16 : index
        %swap3A_214 = tpu.vector_load %arg13[%swap3A_212, %swap3A_213] {strides = array<i32>} : memref<16x128xf32, #tpu.memory_space<vmem>>, vector<16xf32>,
        tpu.vector_store %arg13[%swap3A_212, %swap3A_213], %mul3A_210 {strides = array<i32>} : memref<16x128xf32, #tpu.memory_space<vmem>>, vector<16xf32>,
        %get3A_215 = arith.constant 1 : i32
        %get3A_216 = arith.index_cast %get3A_215 : i32 to index
        %get3A_217 = arith.constant 32 : index
        %get3A_218 = tpu.vector_load %arg13[%get3A_216, %get3A_217] {strides = array<i32>} : memref<16x128xf32, #tpu.memory_space<vmem>>, vector<16xf32>,
        %mul3A_219 = arith.mulf %get3A_218, %broadcast_in_dim3A_196 : vector<16xf32>
        %swap3A_220 = arith.constant 1 : i32
        %swap3A_221 = arith.index_cast %swap3A_220 : i32 to index
        %swap3A_222 = arith.constant 32 : index
        %swap3A_223 = tpu.vector_load %arg13[%swap3A_221, %swap3A_222] {strides = array<i32>} : memref<16x128xf32, #tpu.memory_space<vmem>>, vector<16xf32>,
        tpu.vector_store %arg13[%swap3A_221, %swap3A_222], %mul3A_219 {strides = array<i32>} : memref<16x128xf32, #tpu.memory_space<vmem>>, vector<16xf32>,
        %get3A_224 = arith.constant 1 : i32
        %get3A_225 = arith.index_cast %get3A_224 : i32 to index
        %get3A_226 = arith.constant 48 : index
        %get3A_227 = tpu.vector_load %arg13[%get3A_225, %get3A_226] {strides = array<i32>} : memref<16x128xf32, #tpu.memory_space<vmem>>, vector<16xf32>,
        %mul3A_228 = arith.mulf %get3A_227, %broadcast_in_dim3A_196 : vector<16xf32>
        %swap3A_229 = arith.constant 1 : i32
        %swap3A_230 = arith.index_cast %swap3A_229 : i32 to index
        %swap3A_231 = arith.constant 48 : index
        %swap3A_232 = tpu.vector_load %arg13[%swap3A_230, %swap3A_231] {strides = array<i32>} : memref<16x128xf32, #tpu.memory_space<vmem>>, vector<16xf32>,
        tpu.vector_store %arg13[%swap3A_230, %swap3A_231], %mul3A_228 {strides = array<i32>} : memref<16x128xf32, #tpu.memory_space<vmem>>, vector<16xf32>,
        %get3A_233 = arith.constant 1 : i32
        %get3A_234 = arith.index_cast %get3A_233 : i32 to index
        %get3A_235 = arith.constant 64 : index
        %get3A_236 = tpu.vector_load %arg13[%get3A_234, %get3A_235] {strides = array<i32>} : memref<16x128xf32, #tpu.memory_space<vmem>>, vector<16xf32>,
        %mul3A_237 = arith.mulf %get3A_236, %broadcast_in_dim3A_196 : vector<16xf32>
        %swap3A_238 = arith.constant 1 : i32
        %swap3A_239 = arith.index_cast %swap3A_238 : i32 to index
        %swap3A_240 = arith.constant 64 : index
        %swap3A_241 = tpu.vector_load %arg13[%swap3A_239, %swap3A_240] {strides = array<i32>} : memref<16x128xf32, #tpu.memory_space<vmem>>, vector<16xf32>,
        tpu.vector_store %arg13[%swap3A_239, %swap3A_240], %mul3A_237 {strides = array<i32>} : memref<16x128xf32, #tpu.memory_space<vmem>>, vector<16xf32>,
        %get3A_242 = arith.constant 1 : i32
        %get3A_243 = arith.index_cast %get3A_242 : i32 to index
        %get3A_244 = arith.constant 80 : index
        %get3A_245 = tpu.vector_load %arg13[%get3A_243, %get3A_244] {strides = array<i32>} : memref<16x128xf32, #tpu.memory_space<vmem>>, vector<16xf32>,
        %mul3A_246 = arith.mulf %get3A_245, %broadcast_in_dim3A_196 : vector<16xf32>
        %swap3A_247 = arith.constant 1 : i32
        %swap3A_248 = arith.index_cast %swap3A_247 : i32 to index
        %swap3A_249 = arith.constant 80 : index
        %swap3A_250 = tpu.vector_load %arg13[%swap3A_248, %swap3A_249] {strides = array<i32>} : memref<16x128xf32, #tpu.memory_space<vmem>>, vector<16xf32>,
        tpu.vector_store %arg13[%swap3A_248, %swap3A_249], %mul3A_246 {strides = array<i32>} : memref<16x128xf32, #tpu.memory_space<vmem>>, vector<16xf32>,
        %get3A_251 = arith.constant 1 : i32
        %get3A_252 = arith.index_cast %get3A_251 : i32 to index
        %get3A_253 = arith.constant 96 : index
        %get3A_254 = tpu.vector_load %arg13[%get3A_252, %get3A_253] {strides = array<i32>} : memref<16x128xf32, #tpu.memory_space<vmem>>, vector<16xf32>,
        %mul3A_255 = arith.mulf %get3A_254, %broadcast_in_dim3A_196 : vector<16xf32>
        %swap3A_256 = arith.constant 1 : i32
        %swap3A_257 = arith.index_cast %swap3A_256 : i32 to index
        %swap3A_258 = arith.constant 96 : index
        %swap3A_259 = tpu.vector_load %arg13[%swap3A_257, %swap3A_258] {strides = array<i32>} : memref<16x128xf32, #tpu.memory_space<vmem>>, vector<16xf32>,
        tpu.vector_store %arg13[%swap3A_257, %swap3A_258], %mul3A_255 {strides = array<i32>} : memref<16x128xf32, #tpu.memory_space<vmem>>, vector<16xf32>,
        %get3A_260 = arith.constant 1 : i32
        %get3A_261 = arith.index_cast %get3A_260 : i32 to index
        %get3A_262 = arith.constant 112 : index
        %get3A_263 = tpu.vector_load %arg13[%get3A_261, %get3A_262] {strides = array<i32>} : memref<16x128xf32, #tpu.memory_space<vmem>>, vector<16xf32>,
        %mul3A_264 = arith.mulf %get3A_263, %broadcast_in_dim3A_196 : vector<16xf32>
        %swap3A_265 = arith.constant 1 : i32
        %swap3A_266 = arith.index_cast %swap3A_265 : i32 to index
        %swap3A_267 = arith.constant 112 : index
        %swap3A_268 = tpu.vector_load %arg13[%swap3A_266, %swap3A_267] {strides = array<i32>} : memref<16x128xf32, #tpu.memory_space<vmem>>, vector<16xf32>,
        tpu.vector_store %arg13[%swap3A_266, %swap3A_267], %mul3A_264 {strides = array<i32>} : memref<16x128xf32, #tpu.memory_space<vmem>>, vector<16xf32>,
        %slice3A_269 = vector.extract_strided_slice %get3A_120 {offsets = [2], sizes = [1], strides = [1]} : vector<16xf32> to vector<1xf32>
        %squeeze3A_270 = vector.extract %slice3A_269[0] : f32 from vector<1xf32>
        %broadcast_in_dim3A_271 = vector.broadcast %squeeze3A_270 : f32 to vector<16xf32>
        %get3A_272 = arith.constant 2 : i32
        %get3A_273 = arith.index_cast %get3A_272 : i32 to index
        %get3A_274 = arith.constant 0 : index
        %get3A_275 = tpu.vector_load %arg13[%get3A_273, %get3A_274] {strides = array<i32>} : memref<16x128xf32, #tpu.memory_space<vmem>>, vector<16xf32>,
        %mul3A_276 = arith.mulf %get3A_275, %broadcast_in_dim3A_271 : vector<16xf32>
        %swap3A_277 = arith.constant 2 : i32
        %swap3A_278 = arith.index_cast %swap3A_277 : i32 to index
        %swap3A_279 = arith.constant 0 : index
        %swap3A_280 = tpu.vector_load %arg13[%swap3A_278, %swap3A_279] {strides = array<i32>} : memref<16x128xf32, #tpu.memory_space<vmem>>, vector<16xf32>,
        tpu.vector_store %arg13[%swap3A_278, %swap3A_279], %mul3A_276 {strides = array<i32>} : memref<16x128xf32, #tpu.memory_space<vmem>>, vector<16xf32>,
        %get3A_281 = arith.constant 2 : i32
        %get3A_282 = arith.index_cast %get3A_281 : i32 to index
        %get3A_283 = arith.constant 16 : index
        %get3A_284 = tpu.vector_load %arg13[%get3A_282, %get3A_283] {strides = array<i32>} : memref<16x128xf32, #tpu.memory_space<vmem>>, vector<16xf32>,
        %mul3A_285 = arith.mulf %get3A_284, %broadcast_in_dim3A_271 : vector<16xf32>
        %swap3A_286 = arith.constant 2 : i32
        %swap3A_287 = arith.index_cast %swap3A_286 : i32 to index
        %swap3A_288 = arith.constant 16 : index
        %swap3A_289 = tpu.vector_load %arg13[%swap3A_287, %swap3A_288] {strides = array<i32>} : memref<16x128xf32, #tpu.memory_space<vmem>>, vector<16xf32>,
        tpu.vector_store %arg13[%swap3A_287, %swap3A_288], %mul3A_285 {strides = array<i32>} : memref<16x128xf32, #tpu.memory_space<vmem>>, vector<16xf32>,
        %get3A_290 = arith.constant 2 : i32
        %get3A_291 = arith.index_cast %get3A_290 : i32 to index
        %get3A_292 = arith.constant 32 : index
        %get3A_293 = tpu.vector_load %arg13[%get3A_291, %get3A_292] {strides = array<i32>} : memref<16x128xf32, #tpu.memory_space<vmem>>, vector<16xf32>,
        %mul3A_294 = arith.mulf %get3A_293, %broadcast_in_dim3A_271 : vector<16xf32>
        %swap3A_295 = arith.constant 2 : i32
        %swap3A_296 = arith.index_cast %swap3A_295 : i32 to index
        %swap3A_297 = arith.constant 32 : index
        %swap3A_298 = tpu.vector_load %arg13[%swap3A_296, %swap3A_297] {strides = array<i32>} : memref<16x128xf32, #tpu.memory_space<vmem>>, vector<16xf32>,
        tpu.vector_store %arg13[%swap3A_296, %swap3A_297], %mul3A_294 {strides = array<i32>} : memref<16x128xf32, #tpu.memory_space<vmem>>, vector<16xf32>,
        %get3A_299 = arith.constant 2 : i32
        %get3A_300 = arith.index_cast %get3A_299 : i32 to index
        %get3A_301 = arith.constant 48 : index
        %get3A_302 = tpu.vector_load %arg13[%get3A_300, %get3A_301] {strides = array<i32>} : memref<16x128xf32, #tpu.memory_space<vmem>>, vector<16xf32>,
        %mul3A_303 = arith.mulf %get3A_302, %broadcast_in_dim3A_271 : vector<16xf32>
        %swap3A_304 = arith.constant 2 : i32
        %swap3A_305 = arith.index_cast %swap3A_304 : i32 to index
        %swap3A_306 = arith.constant 48 : index
        %swap3A_307 = tpu.vector_load %arg13[%swap3A_305, %swap3A_306] {strides = array<i32>} : memref<16x128xf32, #tpu.memory_space<vmem>>, vector<16xf32>,
        tpu.vector_store %arg13[%swap3A_305, %swap3A_306], %mul3A_303 {strides = array<i32>} : memref<16x128xf32, #tpu.memory_space<vmem>>, vector<16xf32>,
        %get3A_308 = arith.constant 2 : i32
        %get3A_309 = arith.index_cast %get3A_308 : i32 to index
        %get3A_310 = arith.constant 64 : index
        %get3A_311 = tpu.vector_load %arg13[%get3A_309, %get3A_310] {strides = array<i32>} : memref<16x128xf32, #tpu.memory_space<vmem>>, vector<16xf32>,
        %mul3A_312 = arith.mulf %get3A_311, %broadcast_in_dim3A_271 : vector<16xf32>
        %swap3A_313 = arith.constant 2 : i32
        %swap3A_314 = arith.index_cast %swap3A_313 : i32 to index
        %swap3A_315 = arith.constant 64 : index
        %swap3A_316 = tpu.vector_load %arg13[%swap3A_314, %swap3A_315] {strides = array<i32>} : memref<16x128xf32, #tpu.memory_space<vmem>>, vector<16xf32>,
        tpu.vector_store %arg13[%swap3A_314, %swap3A_315], %mul3A_312 {strides = array<i32>} : memref<16x128xf32, #tpu.memory_space<vmem>>, vector<16xf32>,
        %get3A_317 = arith.constant 2 : i32
        %get3A_318 = arith.index_cast %get3A_317 : i32 to index
        %get3A_319 = arith.constant 80 : index
        %get3A_320 = tpu.vector_load %arg13[%get3A_318, %get3A_319] {strides = array<i32>} : memref<16x128xf32, #tpu.memory_space<vmem>>, vector<16xf32>,
        %mul3A_321 = arith.mulf %get3A_320, %broadcast_in_dim3A_271 : vector<16xf32>
        %swap3A_322 = arith.constant 2 : i32
        %swap3A_323 = arith.index_cast %swap3A_322 : i32 to index
        %swap3A_324 = arith.constant 80 : index
        %swap3A_325 = tpu.vector_load %arg13[%swap3A_323, %swap3A_324] {strides = array<i32>} : memref<16x128xf32, #tpu.memory_space<vmem>>, vector<16xf32>,
        tpu.vector_store %arg13[%swap3A_323, %swap3A_324], %mul3A_321 {strides = array<i32>} : memref<16x128xf32, #tpu.memory_space<vmem>>, vector<16xf32>,
        %get3A_326 = arith.constant 2 : i32
        %get3A_327 = arith.index_cast %get3A_326 : i32 to index
        %get3A_328 = arith.constant 96 : index
        %get3A_329 = tpu.vector_load %arg13[%get3A_327, %get3A_328] {strides = array<i32>} : memref<16x128xf32, #tpu.memory_space<vmem>>, vector<16xf32>,
        %mul3A_330 = arith.mulf %get3A_329, %broadcast_in_dim3A_271 : vector<16xf32>
        %swap3A_331 = arith.constant 2 : i32
        %swap3A_332 = arith.index_cast %swap3A_331 : i32 to index
        %swap3A_333 = arith.constant 96 : index
        %swap3A_334 = tpu.vector_load %arg13[%swap3A_332, %swap3A_333] {strides = array<i32>} : memref<16x128xf32, #tpu.memory_space<vmem>>, vector<16xf32>,
        tpu.vector_store %arg13[%swap3A_332, %swap3A_333], %mul3A_330 {strides = array<i32>} : memref<16x128xf32, #tpu.memory_space<vmem>>, vector<16xf32>,
        %get3A_335 = arith.constant 2 : i32
        %get3A_336 = arith.index_cast %get3A_335 : i32 to index
        %get3A_337 = arith.constant 112 : index
        %get3A_338 = tpu.vector_load %arg13[%get3A_336, %get3A_337] {strides = array<i32>} : memref<16x128xf32, #tpu.memory_space<vmem>>, vector<16xf32>,
        %mul3A_339 = arith.mulf %get3A_338, %broadcast_in_dim3A_271 : vector<16xf32>
        %swap3A_340 = arith.constant 2 : i32
        %swap3A_341 = arith.index_cast %swap3A_340 : i32 to index
        %swap3A_342 = arith.constant 112 : index
        %swap3A_343 = tpu.vector_load %arg13[%swap3A_341, %swap3A_342] {strides = array<i32>} : memref<16x128xf32, #tpu.memory_space<vmem>>, vector<16xf32>,
        tpu.vector_store %arg13[%swap3A_341, %swap3A_342], %mul3A_339 {strides = array<i32>} : memref<16x128xf32, #tpu.memory_space<vmem>>, vector<16xf32>,
        %slice3A_344 = vector.extract_strided_slice %get3A_120 {offsets = [3], sizes = [1], strides = [1]} : vector<16xf32> to vector<1xf32>
        %squeeze3A_345 = vector.extract %slice3A_344[0] : f32 from vector<1xf32>
        %broadcast_in_dim3A_346 = vector.broadcast %squeeze3A_345 : f32 to vector<16xf32>
        %get3A_347 = arith.constant 3 : i32
        %get3A_348 = arith.index_cast %get3A_347 : i32 to index
        %get3A_349 = arith.constant 0 : index
        %get3A_350 = tpu.vector_load %arg13[%get3A_348, %get3A_349] {strides = array<i32>} : memref<16x128xf32, #tpu.memory_space<vmem>>, vector<16xf32>,
        %mul3A_351 = arith.mulf %get3A_350, %broadcast_in_dim3A_346 : vector<16xf32>
        %swap3A_352 = arith.constant 3 : i32
        %swap3A_353 = arith.index_cast %swap3A_352 : i32 to index
        %swap3A_354 = arith.constant 0 : index
        %swap3A_355 = tpu.vector_load %arg13[%swap3A_353, %swap3A_354] {strides = array<i32>} : memref<16x128xf32, #tpu.memory_space<vmem>>, vector<16xf32>,
        tpu.vector_store %arg13[%swap3A_353, %swap3A_354], %mul3A_351 {strides = array<i32>} : memref<16x128xf32, #tpu.memory_space<vmem>>, vector<16xf32>,
        %get3A_356 = arith.constant 3 : i32
        %get3A_357 = arith.index_cast %get3A_356 : i32 to index
        %get3A_358 = arith.constant 16 : index
        %get3A_359 = tpu.vector_load %arg13[%get3A_357, %get3A_358] {strides = array<i32>} : memref<16x128xf32, #tpu.memory_space<vmem>>, vector<16xf32>,
        %mul3A_360 = arith.mulf %get3A_359, %broadcast_in_dim3A_346 : vector<16xf32>
        %swap3A_361 = arith.constant 3 : i32
        %swap3A_362 = arith.index_cast %swap3A_361 : i32 to index
        %swap3A_363 = arith.constant 16 : index
        %swap3A_364 = tpu.vector_load %arg13[%swap3A_362, %swap3A_363] {strides = array<i32>} : memref<16x128xf32, #tpu.memory_space<vmem>>, vector<16xf32>,
        tpu.vector_store %arg13[%swap3A_362, %swap3A_363], %mul3A_360 {strides = array<i32>} : memref<16x128xf32, #tpu.memory_space<vmem>>, vector<16xf32>,
        %get3A_365 = arith.constant 3 : i32
        %get3A_366 = arith.index_cast %get3A_365 : i32 to index
        %get3A_367 = arith.constant 32 : index
        %get3A_368 = tpu.vector_load %arg13[%get3A_366, %get3A_367] {strides = array<i32>} : memref<16x128xf32, #tpu.memory_space<vmem>>, vector<16xf32>,
        %mul3A_369 = arith.mulf %get3A_368, %broadcast_in_dim3A_346 : vector<16xf32>
        %swap3A_370 = arith.constant 3 : i32
        %swap3A_371 = arith.index_cast %swap3A_370 : i32 to index
        %swap3A_372 = arith.constant 32 : index
        %swap3A_373 = tpu.vector_load %arg13[%swap3A_371, %swap3A_372] {strides = array<i32>} : memref<16x128xf32, #tpu.memory_space<vmem>>, vector<16xf32>,
        tpu.vector_store %arg13[%swap3A_371, %swap3A_372], %mul3A_369 {strides = array<i32>} : memref<16x128xf32, #tpu.memory_space<vmem>>, vector<16xf32>,
        %get3A_374 = arith.constant 3 : i32
        %get3A_375 = arith.index_cast %get3A_374 : i32 to index
        %get3A_376 = arith.constant 48 : index
        %get3A_377 = tpu.vector_load %arg13[%get3A_375, %get3A_376] {strides = array<i32>} : memref<16x128xf32, #tpu.memory_space<vmem>>, vector<16xf32>,
        %mul3A_378 = arith.mulf %get3A_377, %broadcast_in_dim3A_346 : vector<16xf32>
        %swap3A_379 = arith.constant 3 : i32
        %swap3A_380 = arith.index_cast %swap3A_379 : i32 to index
        %swap3A_381 = arith.constant 48 : index
        %swap3A_382 = tpu.vector_load %arg13[%swap3A_380, %swap3A_381] {strides = array<i32>} : memref<16x128xf32, #tpu.memory_space<vmem>>, vector<16xf32>,
        tpu.vector_store %arg13[%swap3A_380, %swap3A_381], %mul3A_378 {strides = array<i32>} : memref<16x128xf32, #tpu.memory_space<vmem>>, vector<16xf32>,
        %get3A_383 = arith.constant 3 : i32
        %get3A_384 = arith.index_cast %get3A_383 : i32 to index
        %get3A_385 = arith.constant 64 : index
        %get3A_386 = tpu.vector_load %arg13[%get3A_384, %get3A_385] {strides = array<i32>} : memref<16x128xf32, #tpu.memory_space<vmem>>, vector<16xf32>,
        %mul3A_387 = arith.mulf %get3A_386, %broadcast_in_dim3A_346 : vector<16xf32>
        %swap3A_388 = arith.constant 3 : i32
        %swap3A_389 = arith.index_cast %swap3A_388 : i32 to index
        %swap3A_390 = arith.constant 64 : index
        %swap3A_391 = tpu.vector_load %arg13[%swap3A_389, %swap3A_390] {strides = array<i32>} : memref<16x128xf32, #tpu.memory_space<vmem>>, vector<16xf32>,
        tpu.vector_store %arg13[%swap3A_389, %swap3A_390], %mul3A_387 {strides = array<i32>} : memref<16x128xf32, #tpu.memory_space<vmem>>, vector<16xf32>,
        %get3A_392 = arith.constant 3 : i32
        %get3A_393 = arith.index_cast %get3A_392 : i32 to index
        %get3A_394 = arith.constant 80 : index
        %get3A_395 = tpu.vector_load %arg13[%get3A_393, %get3A_394] {strides = array<i32>} : memref<16x128xf32, #tpu.memory_space<vmem>>, vector<16xf32>,
        %mul3A_396 = arith.mulf %get3A_395, %broadcast_in_dim3A_346 : vector<16xf32>
        %swap3A_397 = arith.constant 3 : i32
        %swap3A_398 = arith.index_cast %swap3A_397 : i32 to index
        %swap3A_399 = arith.constant 80 : index
        %swap3A_400 = tpu.vector_load %arg13[%swap3A_398, %swap3A_399] {strides = array<i32>} : memref<16x128xf32, #tpu.memory_space<vmem>>, vector<16xf32>,
        tpu.vector_store %arg13[%swap3A_398, %swap3A_399], %mul3A_396 {strides = array<i32>} : memref<16x128xf32, #tpu.memory_space<vmem>>, vector<16xf32>,
        %get3A_401 = arith.constant 3 : i32
        %get3A_402 = arith.index_cast %get3A_401 : i32 to index
        %get3A_403 = arith.constant 96 : index
        %get3A_404 = tpu.vector_load %arg13[%get3A_402, %get3A_403] {strides = array<i32>} : memref<16x128xf32, #tpu.memory_space<vmem>>, vector<16xf32>,
        %mul3A_405 = arith.mulf %get3A_404, %broadcast_in_dim3A_346 : vector<16xf32>
        %swap3A_406 = arith.constant 3 : i32
        %swap3A_407 = arith.index_cast %swap3A_406 : i32 to index
        %swap3A_408 = arith.constant 96 : index
        %swap3A_409 = tpu.vector_load %arg13[%swap3A_407, %swap3A_408] {strides = array<i32>} : memref<16x128xf32, #tpu.memory_space<vmem>>, vector<16xf32>,
        tpu.vector_store %arg13[%swap3A_407, %swap3A_408], %mul3A_405 {strides = array<i32>} : memref<16x128xf32, #tpu.memory_space<vmem>>, vector<16xf32>,
        %get3A_410 = arith.constant 3 : i32
        %get3A_411 = arith.index_cast %get3A_410 : i32 to index
        %get3A_412 = arith.constant 112 : index
        %get3A_413 = tpu.vector_load %arg13[%get3A_411, %get3A_412] {strides = array<i32>} : memref<16x128xf32, #tpu.memory_space<vmem>>, vector<16xf32>,
        %mul3A_414 = arith.mulf %get3A_413, %broadcast_in_dim3A_346 : vector<16xf32>
        %swap3A_415 = arith.constant 3 : i32
        %swap3A_416 = arith.index_cast %swap3A_415 : i32 to index
        %swap3A_417 = arith.constant 112 : index
        %swap3A_418 = tpu.vector_load %arg13[%swap3A_416, %swap3A_417] {strides = array<i32>} : memref<16x128xf32, #tpu.memory_space<vmem>>, vector<16xf32>,
        tpu.vector_store %arg13[%swap3A_416, %swap3A_417], %mul3A_414 {strides = array<i32>} : memref<16x128xf32, #tpu.memory_space<vmem>>, vector<16xf32>,
        %slice3A_419 = vector.extract_strided_slice %get3A_120 {offsets = [4], sizes = [1], strides = [1]} : vector<16xf32> to vector<1xf32>
        %squeeze3A_420 = vector.extract %slice3A_419[0] : f32 from vector<1xf32>
        %broadcast_in_dim3A_421 = vector.broadcast %squeeze3A_420 : f32 to vector<16xf32>
        %get3A_422 = arith.constant 4 : i32
        %get3A_423 = arith.index_cast %get3A_422 : i32 to index
        %get3A_424 = arith.constant 0 : index
        %get3A_425 = tpu.vector_load %arg13[%get3A_423, %get3A_424] {strides = array<i32>} : memref<16x128xf32, #tpu.memory_space<vmem>>, vector<16xf32>,
        %mul3A_426 = arith.mulf %get3A_425, %broadcast_in_dim3A_421 : vector<16xf32>
        %swap3A_427 = arith.constant 4 : i32
        %swap3A_428 = arith.index_cast %swap3A_427 : i32 to index
        %swap3A_429 = arith.constant 0 : index
        %swap3A_430 = tpu.vector_load %arg13[%swap3A_428, %swap3A_429] {strides = array<i32>} : memref<16x128xf32, #tpu.memory_space<vmem>>, vector<16xf32>,
        tpu.vector_store %arg13[%swap3A_428, %swap3A_429], %mul3A_426 {strides = array<i32>} : memref<16x128xf32, #tpu.memory_space<vmem>>, vector<16xf32>,
        %get3A_431 = arith.constant 4 : i32
        %get3A_432 = arith.index_cast %get3A_431 : i32 to index
        %get3A_433 = arith.constant 16 : index
        %get3A_434 = tpu.vector_load %arg13[%get3A_432, %get3A_433] {strides = array<i32>} : memref<16x128xf32, #tpu.memory_space<vmem>>, vector<16xf32>,
        %mul3A_435 = arith.mulf %get3A_434, %broadcast_in_dim3A_421 : vector<16xf32>
        %swap3A_436 = arith.constant 4 : i32
        %swap3A_437 = arith.index_cast %swap3A_436 : i32 to index
        %swap3A_438 = arith.constant 16 : index
        %swap3A_439 = tpu.vector_load %arg13[%swap3A_437, %swap3A_438] {strides = array<i32>} : memref<16x128xf32, #tpu.memory_space<vmem>>, vector<16xf32>,
        tpu.vector_store %arg13[%swap3A_437, %swap3A_438], %mul3A_435 {strides = array<i32>} : memref<16x128xf32, #tpu.memory_space<vmem>>, vector<16xf32>,
        %get3A_440 = arith.constant 4 : i32
        %get3A_441 = arith.index_cast %get3A_440 : i32 to index
        %get3A_442 = arith.constant 32 : index
        %get3A_443 = tpu.vector_load %arg13[%get3A_441, %get3A_442] {strides = array<i32>} : memref<16x128xf32, #tpu.memory_space<vmem>>, vector<16xf32>,
        %mul3A_444 = arith.mulf %get3A_443, %broadcast_in_dim3A_421 : vector<16xf32>
        %swap3A_445 = arith.constant 4 : i32
        %swap3A_446 = arith.index_cast %swap3A_445 : i32 to index
        %swap3A_447 = arith.constant 32 : index
        %swap3A_448 = tpu.vector_load %arg13[%swap3A_446, %swap3A_447] {strides = array<i32>} : memref<16x128xf32, #tpu.memory_space<vmem>>, vector<16xf32>,
        tpu.vector_store %arg13[%swap3A_446, %swap3A_447], %mul3A_444 {strides = array<i32>} : memref<16x128xf32, #tpu.memory_space<vmem>>, vector<16xf32>,
        %get3A_449 = arith.constant 4 : i32
        %get3A_450 = arith.index_cast %get3A_449 : i32 to index
        %get3A_451 = arith.constant 48 : index
        %get3A_452 = tpu.vector_load %arg13[%get3A_450, %get3A_451] {strides = array<i32>} : memref<16x128xf32, #tpu.memory_space<vmem>>, vector<16xf32>,
        %mul3A_453 = arith.mulf %get3A_452, %broadcast_in_dim3A_421 : vector<16xf32>
        %swap3A_454 = arith.constant 4 : i32
        %swap3A_455 = arith.index_cast %swap3A_454 : i32 to index
        %swap3A_456 = arith.constant 48 : index
        %swap3A_457 = tpu.vector_load %arg13[%swap3A_455, %swap3A_456] {strides = array<i32>} : memref<16x128xf32, #tpu.memory_space<vmem>>, vector<16xf32>,
        tpu.vector_store %arg13[%swap3A_455, %swap3A_456], %mul3A_453 {strides = array<i32>} : memref<16x128xf32, #tpu.memory_space<vmem>>, vector<16xf32>,
        %get3A_458 = arith.constant 4 : i32
        %get3A_459 = arith.index_cast %get3A_458 : i32 to index
        %get3A_460 = arith.constant 64 : index
        %get3A_461 = tpu.vector_load %arg13[%get3A_459, %get3A_460] {strides = array<i32>} : memref<16x128xf32, #tpu.memory_space<vmem>>, vector<16xf32>,
        %mul3A_462 = arith.mulf %get3A_461, %broadcast_in_dim3A_421 : vector<16xf32>
        %swap3A_463 = arith.constant 4 : i32
        %swap3A_464 = arith.index_cast %swap3A_463 : i32 to index
        %swap3A_465 = arith.constant 64 : index
        %swap3A_466 = tpu.vector_load %arg13[%swap3A_464, %swap3A_465] {strides = array<i32>} : memref<16x128xf32, #tpu.memory_space<vmem>>, vector<16xf32>,
        tpu.vector_store %arg13[%swap3A_464, %swap3A_465], %mul3A_462 {strides = array<i32>} : memref<16x128xf32, #tpu.memory_space<vmem>>, vector<16xf32>,
        %get3A_467 = arith.constant 4 : i32
        %get3A_468 = arith.index_cast %get3A_467 : i32 to index
        %get3A_469 = arith.constant 80 : index
        %get3A_470 = tpu.vector_load %arg13[%get3A_468, %get3A_469] {strides = array<i32>} : memref<16x128xf32, #tpu.memory_space<vmem>>, vector<16xf32>,
        %mul3A_471 = arith.mulf %get3A_470, %broadcast_in_dim3A_421 : vector<16xf32>
        %swap3A_472 = arith.constant 4 : i32
        %swap3A_473 = arith.index_cast %swap3A_472 : i32 to index
        %swap3A_474 = arith.constant 80 : index
        %swap3A_475 = tpu.vector_load %arg13[%swap3A_473, %swap3A_474] {strides = array<i32>} : memref<16x128xf32, #tpu.memory_space<vmem>>, vector<16xf32>,
        tpu.vector_store %arg13[%swap3A_473, %swap3A_474], %mul3A_471 {strides = array<i32>} : memref<16x128xf32, #tpu.memory_space<vmem>>, vector<16xf32>,
        %get3A_476 = arith.constant 4 : i32
        %get3A_477 = arith.index_cast %get3A_476 : i32 to index
        %get3A_478 = arith.constant 96 : index
        %get3A_479 = tpu.vector_load %arg13[%get3A_477, %get3A_478] {strides = array<i32>} : memref<16x128xf32, #tpu.memory_space<vmem>>, vector<16xf32>,
        %mul3A_480 = arith.mulf %get3A_479, %broadcast_in_dim3A_421 : vector<16xf32>
        %swap3A_481 = arith.constant 4 : i32
        %swap3A_482 = arith.index_cast %swap3A_481 : i32 to index
        %swap3A_483 = arith.constant 96 : index
        %swap3A_484 = tpu.vector_load %arg13[%swap3A_482, %swap3A_483] {strides = array<i32>} : memref<16x128xf32, #tpu.memory_space<vmem>>, vector<16xf32>,
        tpu.vector_store %arg13[%swap3A_482, %swap3A_483], %mul3A_480 {strides = array<i32>} : memref<16x128xf32, #tpu.memory_space<vmem>>, vector<16xf32>,
        %get3A_485 = arith.constant 4 : i32
        %get3A_486 = arith.index_cast %get3A_485 : i32 to index
        %get3A_487 = arith.constant 112 : index
        %get3A_488 = tpu.vector_load %arg13[%get3A_486, %get3A_487] {strides = array<i32>} : memref<16x128xf32, #tpu.memory_space<vmem>>, vector<16xf32>,
        %mul3A_489 = arith.mulf %get3A_488, %broadcast_in_dim3A_421 : vector<16xf32>
        %swap3A_490 = arith.constant 4 : i32
        %swap3A_491 = arith.index_cast %swap3A_490 : i32 to index
        %swap3A_492 = arith.constant 112 : index
        %swap3A_493 = tpu.vector_load %arg13[%swap3A_491, %swap3A_492] {strides = array<i32>} : memref<16x128xf32, #tpu.memory_space<vmem>>, vector<16xf32>,
        tpu.vector_store %arg13[%swap3A_491, %swap3A_492], %mul3A_489 {strides = array<i32>} : memref<16x128xf32, #tpu.memory_space<vmem>>, vector<16xf32>,
        %slice3A_494 = vector.extract_strided_slice %get3A_120 {offsets = [5], sizes = [1], strides = [1]} : vector<16xf32> to vector<1xf32>
        %squeeze3A_495 = vector.extract %slice3A_494[0] : f32 from vector<1xf32>
        %broadcast_in_dim3A_496 = vector.broadcast %squeeze3A_495 : f32 to vector<16xf32>
        %get3A_497 = arith.constant 5 : i32
        %get3A_498 = arith.index_cast %get3A_497 : i32 to index
        %get3A_499 = arith.constant 0 : index
        %get3A_500 = tpu.vector_load %arg13[%get3A_498, %get3A_499] {strides = array<i32>} : memref<16x128xf32, #tpu.memory_space<vmem>>, vector<16xf32>,
        %mul3A_501 = arith.mulf %get3A_500, %broadcast_in_dim3A_496 : vector<16xf32>
        %swap3A_502 = arith.constant 5 : i32
        %swap3A_503 = arith.index_cast %swap3A_502 : i32 to index
        %swap3A_504 = arith.constant 0 : index
        %swap3A_505 = tpu.vector_load %arg13[%swap3A_503, %swap3A_504] {strides = array<i32>} : memref<16x128xf32, #tpu.memory_space<vmem>>, vector<16xf32>,
        tpu.vector_store %arg13[%swap3A_503, %swap3A_504], %mul3A_501 {strides = array<i32>} : memref<16x128xf32, #tpu.memory_space<vmem>>, vector<16xf32>,
        %get3A_506 = arith.constant 5 : i32
        %get3A_507 = arith.index_cast %get3A_506 : i32 to index
        %get3A_508 = arith.constant 16 : index
        %get3A_509 = tpu.vector_load %arg13[%get3A_507, %get3A_508] {strides = array<i32>} : memref<16x128xf32, #tpu.memory_space<vmem>>, vector<16xf32>,
        %mul3A_510 = arith.mulf %get3A_509, %broadcast_in_dim3A_496 : vector<16xf32>
        %swap3A_511 = arith.constant 5 : i32
        %swap3A_512 = arith.index_cast %swap3A_511 : i32 to index
        %swap3A_513 = arith.constant 16 : index
        %swap3A_514 = tpu.vector_load %arg13[%swap3A_512, %swap3A_513] {strides = array<i32>} : memref<16x128xf32, #tpu.memory_space<vmem>>, vector<16xf32>,
        tpu.vector_store %arg13[%swap3A_512, %swap3A_513], %mul3A_510 {strides = array<i32>} : memref<16x128xf32, #tpu.memory_space<vmem>>, vector<16xf32>,
        %get3A_515 = arith.constant 5 : i32
        %get3A_516 = arith.index_cast %get3A_515 : i32 to index
        %get3A_517 = arith.constant 32 : index
        %get3A_518 = tpu.vector_load %arg13[%get3A_516, %get3A_517] {strides = array<i32>} : memref<16x128xf32, #tpu.memory_space<vmem>>, vector<16xf32>,
        %mul3A_519 = arith.mulf %get3A_518, %broadcast_in_dim3A_496 : vector<16xf32>
        %swap3A_520 = arith.constant 5 : i32
        %swap3A_521 = arith.index_cast %swap3A_520 : i32 to index
        %swap3A_522 = arith.constant 32 : index
        %swap3A_523 = tpu.vector_load %arg13[%swap3A_521, %swap3A_522] {strides = array<i32>} : memref<16x128xf32, #tpu.memory_space<vmem>>, vector<16xf32>,
        tpu.vector_store %arg13[%swap3A_521, %swap3A_522], %mul3A_519 {strides = array<i32>} : memref<16x128xf32, #tpu.memory_space<vmem>>, vector<16xf32>,
        %get3A_524 = arith.constant 5 : i32
        %get3A_525 = arith.index_cast %get3A_524 : i32 to index
        %get3A_526 = arith.constant 48 : index
        %get3A_527 = tpu.vector_load %arg13[%get3A_525, %get3A_526] {strides = array<i32>} : memref<16x128xf32, #tpu.memory_space<vmem>>, vector<16xf32>,
        %mul3A_528 = arith.mulf %get3A_527, %broadcast_in_dim3A_496 : vector<16xf32>
        %swap3A_529 = arith.constant 5 : i32
        %swap3A_530 = arith.index_cast %swap3A_529 : i32 to index
        %swap3A_531 = arith.constant 48 : index
        %swap3A_532 = tpu.vector_load %arg13[%swap3A_530, %swap3A_531] {strides = array<i32>} : memref<16x128xf32, #tpu.memory_space<vmem>>, vector<16xf32>,
        tpu.vector_store %arg13[%swap3A_530, %swap3A_531], %mul3A_528 {strides = array<i32>} : memref<16x128xf32, #tpu.memory_space<vmem>>, vector<16xf32>,
        %get3A_533 = arith.constant 5 : i32
        %get3A_534 = arith.index_cast %get3A_533 : i32 to index
        %get3A_535 = arith.constant 64 : index
        %get3A_536 = tpu.vector_load %arg13[%get3A_534, %get3A_535] {strides = array<i32>} : memref<16x128xf32, #tpu.memory_space<vmem>>, vector<16xf32>,
        %mul3A_537 = arith.mulf %get3A_536, %broadcast_in_dim3A_496 : vector<16xf32>
        %swap3A_538 = arith.constant 5 : i32
        %swap3A_539 = arith.index_cast %swap3A_538 : i32 to index
        %swap3A_540 = arith.constant 64 : index
        %swap3A_541 = tpu.vector_load %arg13[%swap3A_539, %swap3A_540] {strides = array<i32>} : memref<16x128xf32, #tpu.memory_space<vmem>>, vector<16xf32>,
        tpu.vector_store %arg13[%swap3A_539, %swap3A_540], %mul3A_537 {strides = array<i32>} : memref<16x128xf32, #tpu.memory_space<vmem>>, vector<16xf32>,
        %get3A_542 = arith.constant 5 : i32
        %get3A_543 = arith.index_cast %get3A_542 : i32 to index
        %get3A_544 = arith.constant 80 : index
        %get3A_545 = tpu.vector_load %arg13[%get3A_543, %get3A_544] {strides = array<i32>} : memref<16x128xf32, #tpu.memory_space<vmem>>, vector<16xf32>,
        %mul3A_546 = arith.mulf %get3A_545, %broadcast_in_dim3A_496 : vector<16xf32>
        %swap3A_547 = arith.constant 5 : i32
        %swap3A_548 = arith.index_cast %swap3A_547 : i32 to index
        %swap3A_549 = arith.constant 80 : index
        %swap3A_550 = tpu.vector_load %arg13[%swap3A_548, %swap3A_549] {strides = array<i32>} : memref<16x128xf32, #tpu.memory_space<vmem>>, vector<16xf32>,
        tpu.vector_store %arg13[%swap3A_548, %swap3A_549], %mul3A_546 {strides = array<i32>} : memref<16x128xf32, #tpu.memory_space<vmem>>, vector<16xf32>,
        %get3A_551 = arith.constant 5 : i32
        %get3A_552 = arith.index_cast %get3A_551 : i32 to index
        %get3A_553 = arith.constant 96 : index
        %get3A_554 = tpu.vector_load %arg13[%get3A_552, %get3A_553] {strides = array<i32>} : memref<16x128xf32, #tpu.memory_space<vmem>>, vector<16xf32>,
        %mul3A_555 = arith.mulf %get3A_554, %broadcast_in_dim3A_496 : vector<16xf32>
        %swap3A_556 = arith.constant 5 : i32
        %swap3A_557 = arith.index_cast %swap3A_556 : i32 to index
        %swap3A_558 = arith.constant 96 : index
        %swap3A_559 = tpu.vector_load %arg13[%swap3A_557, %swap3A_558] {strides = array<i32>} : memref<16x128xf32, #tpu.memory_space<vmem>>, vector<16xf32>,
        tpu.vector_store %arg13[%swap3A_557, %swap3A_558], %mul3A_555 {strides = array<i32>} : memref<16x128xf32, #tpu.memory_space<vmem>>, vector<16xf32>,
        %get3A_560 = arith.constant 5 : i32
        %get3A_561 = arith.index_cast %get3A_560 : i32 to index
        %get3A_562 = arith.constant 112 : index
        %get3A_563 = tpu.vector_load %arg13[%get3A_561, %get3A_562] {strides = array<i32>} : memref<16x128xf32, #tpu.memory_space<vmem>>, vector<16xf32>,
        %mul3A_564 = arith.mulf %get3A_563, %broadcast_in_dim3A_496 : vector<16xf32>
        %swap3A_565 = arith.constant 5 : i32
        %swap3A_566 = arith.index_cast %swap3A_565 : i32 to index
        %swap3A_567 = arith.constant 112 : index
        %swap3A_568 = tpu.vector_load %arg13[%swap3A_566, %swap3A_567] {strides = array<i32>} : memref<16x128xf32, #tpu.memory_space<vmem>>, vector<16xf32>,
        tpu.vector_store %arg13[%swap3A_566, %swap3A_567], %mul3A_564 {strides = array<i32>} : memref<16x128xf32, #tpu.memory_space<vmem>>, vector<16xf32>,
        %slice3A_569 = vector.extract_strided_slice %get3A_120 {offsets = [6], sizes = [1], strides = [1]} : vector<16xf32> to vector<1xf32>
        %squeeze3A_570 = vector.extract %slice3A_569[0] : f32 from vector<1xf32>
        %broadcast_in_dim3A_571 = vector.broadcast %squeeze3A_570 : f32 to vector<16xf32>
        %get3A_572 = arith.constant 6 : i32
        %get3A_573 = arith.index_cast %get3A_572 : i32 to index
        %get3A_574 = arith.constant 0 : index
        %get3A_575 = tpu.vector_load %arg13[%get3A_573, %get3A_574] {strides = array<i32>} : memref<16x128xf32, #tpu.memory_space<vmem>>, vector<16xf32>,
        %mul3A_576 = arith.mulf %get3A_575, %broadcast_in_dim3A_571 : vector<16xf32>
        %swap3A_577 = arith.constant 6 : i32
        %swap3A_578 = arith.index_cast %swap3A_577 : i32 to index
        %swap3A_579 = arith.constant 0 : index
        %swap3A_580 = tpu.vector_load %arg13[%swap3A_578, %swap3A_579] {strides = array<i32>} : memref<16x128xf32, #tpu.memory_space<vmem>>, vector<16xf32>,
        tpu.vector_store %arg13[%swap3A_578, %swap3A_579], %mul3A_576 {strides = array<i32>} : memref<16x128xf32, #tpu.memory_space<vmem>>, vector<16xf32>,
        %get3A_581 = arith.constant 6 : i32
        %get3A_582 = arith.index_cast %get3A_581 : i32 to index
        %get3A_583 = arith.constant 16 : index
        %get3A_584 = tpu.vector_load %arg13[%get3A_582, %get3A_583] {strides = array<i32>} : memref<16x128xf32, #tpu.memory_space<vmem>>, vector<16xf32>,
        %mul3A_585 = arith.mulf %get3A_584, %broadcast_in_dim3A_571 : vector<16xf32>
        %swap3A_586 = arith.constant 6 : i32
        %swap3A_587 = arith.index_cast %swap3A_586 : i32 to index
        %swap3A_588 = arith.constant 16 : index
        %swap3A_589 = tpu.vector_load %arg13[%swap3A_587, %swap3A_588] {strides = array<i32>} : memref<16x128xf32, #tpu.memory_space<vmem>>, vector<16xf32>,
        tpu.vector_store %arg13[%swap3A_587, %swap3A_588], %mul3A_585 {strides = array<i32>} : memref<16x128xf32, #tpu.memory_space<vmem>>, vector<16xf32>,
        %get3A_590 = arith.constant 6 : i32
        %get3A_591 = arith.index_cast %get3A_590 : i32 to index
        %get3A_592 = arith.constant 32 : index
        %get3A_593 = tpu.vector_load %arg13[%get3A_591, %get3A_592] {strides = array<i32>} : memref<16x128xf32, #tpu.memory_space<vmem>>, vector<16xf32>,
        %mul3A_594 = arith.mulf %get3A_593, %broadcast_in_dim3A_571 : vector<16xf32>
        %swap3A_595 = arith.constant 6 : i32
        %swap3A_596 = arith.index_cast %swap3A_595 : i32 to index
        %swap3A_597 = arith.constant 32 : index
        %swap3A_598 = tpu.vector_load %arg13[%swap3A_596, %swap3A_597] {strides = array<i32>} : memref<16x128xf32, #tpu.memory_space<vmem>>, vector<16xf32>,
        tpu.vector_store %arg13[%swap3A_596, %swap3A_597], %mul3A_594 {strides = array<i32>} : memref<16x128xf32, #tpu.memory_space<vmem>>, vector<16xf32>,
        %get3A_599 = arith.constant 6 : i32
        %get3A_600 = arith.index_cast %get3A_599 : i32 to index
        %get3A_601 = arith.constant 48 : index
        %get3A_602 = tpu.vector_load %arg13[%get3A_600, %get3A_601] {strides = array<i32>} : memref<16x128xf32, #tpu.memory_space<vmem>>, vector<16xf32>,
        %mul3A_603 = arith.mulf %get3A_602, %broadcast_in_dim3A_571 : vector<16xf32>
        %swap3A_604 = arith.constant 6 : i32
        %swap3A_605 = arith.index_cast %swap3A_604 : i32 to index
        %swap3A_606 = arith.constant 48 : index
        %swap3A_607 = tpu.vector_load %arg13[%swap3A_605, %swap3A_606] {strides = array<i32>} : memref<16x128xf32, #tpu.memory_space<vmem>>, vector<16xf32>,
        tpu.vector_store %arg13[%swap3A_605, %swap3A_606], %mul3A_603 {strides = array<i32>} : memref<16x128xf32, #tpu.memory_space<vmem>>, vector<16xf32>,
        %get3A_608 = arith.constant 6 : i32
        %get3A_609 = arith.index_cast %get3A_608 : i32 to index
        %get3A_610 = arith.constant 64 : index
        %get3A_611 = tpu.vector_load %arg13[%get3A_609, %get3A_610] {strides = array<i32>} : memref<16x128xf32, #tpu.memory_space<vmem>>, vector<16xf32>,
        %mul3A_612 = arith.mulf %get3A_611, %broadcast_in_dim3A_571 : vector<16xf32>
        %swap3A_613 = arith.constant 6 : i32
        %swap3A_614 = arith.index_cast %swap3A_613 : i32 to index
        %swap3A_615 = arith.constant 64 : index
        %swap3A_616 = tpu.vector_load %arg13[%swap3A_614, %swap3A_615] {strides = array<i32>} : memref<16x128xf32, #tpu.memory_space<vmem>>, vector<16xf32>,
        tpu.vector_store %arg13[%swap3A_614, %swap3A_615], %mul3A_612 {strides = array<i32>} : memref<16x128xf32, #tpu.memory_space<vmem>>, vector<16xf32>,
        %get3A_617 = arith.constant 6 : i32
        %get3A_618 = arith.index_cast %get3A_617 : i32 to index
        %get3A_619 = arith.constant 80 : index
        %get3A_620 = tpu.vector_load %arg13[%get3A_618, %get3A_619] {strides = array<i32>} : memref<16x128xf32, #tpu.memory_space<vmem>>, vector<16xf32>,
        %mul3A_621 = arith.mulf %get3A_620, %broadcast_in_dim3A_571 : vector<16xf32>
        %swap3A_622 = arith.constant 6 : i32
        %swap3A_623 = arith.index_cast %swap3A_622 : i32 to index
        %swap3A_624 = arith.constant 80 : index
        %swap3A_625 = tpu.vector_load %arg13[%swap3A_623, %swap3A_624] {strides = array<i32>} : memref<16x128xf32, #tpu.memory_space<vmem>>, vector<16xf32>,
        tpu.vector_store %arg13[%swap3A_623, %swap3A_624], %mul3A_621 {strides = array<i32>} : memref<16x128xf32, #tpu.memory_space<vmem>>, vector<16xf32>,
        %get3A_626 = arith.constant 6 : i32
        %get3A_627 = arith.index_cast %get3A_626 : i32 to index
        %get3A_628 = arith.constant 96 : index
        %get3A_629 = tpu.vector_load %arg13[%get3A_627, %get3A_628] {strides = array<i32>} : memref<16x128xf32, #tpu.memory_space<vmem>>, vector<16xf32>,
        %mul3A_630 = arith.mulf %get3A_629, %broadcast_in_dim3A_571 : vector<16xf32>
        %swap3A_631 = arith.constant 6 : i32
        %swap3A_632 = arith.index_cast %swap3A_631 : i32 to index
        %swap3A_633 = arith.constant 96 : index
        %swap3A_634 = tpu.vector_load %arg13[%swap3A_632, %swap3A_633] {strides = array<i32>} : memref<16x128xf32, #tpu.memory_space<vmem>>, vector<16xf32>,
        tpu.vector_store %arg13[%swap3A_632, %swap3A_633], %mul3A_630 {strides = array<i32>} : memref<16x128xf32, #tpu.memory_space<vmem>>, vector<16xf32>,
        %get3A_635 = arith.constant 6 : i32
        %get3A_636 = arith.index_cast %get3A_635 : i32 to index
        %get3A_637 = arith.constant 112 : index
        %get3A_638 = tpu.vector_load %arg13[%get3A_636, %get3A_637] {strides = array<i32>} : memref<16x128xf32, #tpu.memory_space<vmem>>, vector<16xf32>,
        %mul3A_639 = arith.mulf %get3A_638, %broadcast_in_dim3A_571 : vector<16xf32>
        %swap3A_640 = arith.constant 6 : i32
        %swap3A_641 = arith.index_cast %swap3A_640 : i32 to index
        %swap3A_642 = arith.constant 112 : index
        %swap3A_643 = tpu.vector_load %arg13[%swap3A_641, %swap3A_642] {strides = array<i32>} : memref<16x128xf32, #tpu.memory_space<vmem>>, vector<16xf32>,
        tpu.vector_store %arg13[%swap3A_641, %swap3A_642], %mul3A_639 {strides = array<i32>} : memref<16x128xf32, #tpu.memory_space<vmem>>, vector<16xf32>,
        %slice3A_644 = vector.extract_strided_slice %get3A_120 {offsets = [7], sizes = [1], strides = [1]} : vector<16xf32> to vector<1xf32>
        %squeeze3A_645 = vector.extract %slice3A_644[0] : f32 from vector<1xf32>
        %broadcast_in_dim3A_646 = vector.broadcast %squeeze3A_645 : f32 to vector<16xf32>
        %get3A_647 = arith.constant 7 : i32
        %get3A_648 = arith.index_cast %get3A_647 : i32 to index
        %get3A_649 = arith.constant 0 : index
        %get3A_650 = tpu.vector_load %arg13[%get3A_648, %get3A_649] {strides = array<i32>} : memref<16x128xf32, #tpu.memory_space<vmem>>, vector<16xf32>,
        %mul3A_651 = arith.mulf %get3A_650, %broadcast_in_dim3A_646 : vector<16xf32>
        %swap3A_652 = arith.constant 7 : i32
        %swap3A_653 = arith.index_cast %swap3A_652 : i32 to index
        %swap3A_654 = arith.constant 0 : index
        %swap3A_655 = tpu.vector_load %arg13[%swap3A_653, %swap3A_654] {strides = array<i32>} : memref<16x128xf32, #tpu.memory_space<vmem>>, vector<16xf32>,
        tpu.vector_store %arg13[%swap3A_653, %swap3A_654], %mul3A_651 {strides = array<i32>} : memref<16x128xf32, #tpu.memory_space<vmem>>, vector<16xf32>,
        %get3A_656 = arith.constant 7 : i32
        %get3A_657 = arith.index_cast %get3A_656 : i32 to index
        %get3A_658 = arith.constant 16 : index
        %get3A_659 = tpu.vector_load %arg13[%get3A_657, %get3A_658] {strides = array<i32>} : memref<16x128xf32, #tpu.memory_space<vmem>>, vector<16xf32>,
        %mul3A_660 = arith.mulf %get3A_659, %broadcast_in_dim3A_646 : vector<16xf32>
        %swap3A_661 = arith.constant 7 : i32
        %swap3A_662 = arith.index_cast %swap3A_661 : i32 to index
        %swap3A_663 = arith.constant 16 : index
        %swap3A_664 = tpu.vector_load %arg13[%swap3A_662, %swap3A_663] {strides = array<i32>} : memref<16x128xf32, #tpu.memory_space<vmem>>, vector<16xf32>,
        tpu.vector_store %arg13[%swap3A_662, %swap3A_663], %mul3A_660 {strides = array<i32>} : memref<16x128xf32, #tpu.memory_space<vmem>>, vector<16xf32>,
        %get3A_665 = arith.constant 7 : i32
        %get3A_666 = arith.index_cast %get3A_665 : i32 to index
        %get3A_667 = arith.constant 32 : index
        %get3A_668 = tpu.vector_load %arg13[%get3A_666, %get3A_667] {strides = array<i32>} : memref<16x128xf32, #tpu.memory_space<vmem>>, vector<16xf32>,
        %mul3A_669 = arith.mulf %get3A_668, %broadcast_in_dim3A_646 : vector<16xf32>
        %swap3A_670 = arith.constant 7 : i32
        %swap3A_671 = arith.index_cast %swap3A_670 : i32 to index
        %swap3A_672 = arith.constant 32 : index
        %swap3A_673 = tpu.vector_load %arg13[%swap3A_671, %swap3A_672] {strides = array<i32>} : memref<16x128xf32, #tpu.memory_space<vmem>>, vector<16xf32>,
        tpu.vector_store %arg13[%swap3A_671, %swap3A_672], %mul3A_669 {strides = array<i32>} : memref<16x128xf32, #tpu.memory_space<vmem>>, vector<16xf32>,
        %get3A_674 = arith.constant 7 : i32
        %get3A_675 = arith.index_cast %get3A_674 : i32 to index
        %get3A_676 = arith.constant 48 : index
        %get3A_677 = tpu.vector_load %arg13[%get3A_675, %get3A_676] {strides = array<i32>} : memref<16x128xf32, #tpu.memory_space<vmem>>, vector<16xf32>,
        %mul3A_678 = arith.mulf %get3A_677, %broadcast_in_dim3A_646 : vector<16xf32>
        %swap3A_679 = arith.constant 7 : i32
        %swap3A_680 = arith.index_cast %swap3A_679 : i32 to index
        %swap3A_681 = arith.constant 48 : index
        %swap3A_682 = tpu.vector_load %arg13[%swap3A_680, %swap3A_681] {strides = array<i32>} : memref<16x128xf32, #tpu.memory_space<vmem>>, vector<16xf32>,
        tpu.vector_store %arg13[%swap3A_680, %swap3A_681], %mul3A_678 {strides = array<i32>} : memref<16x128xf32, #tpu.memory_space<vmem>>, vector<16xf32>,
        %get3A_683 = arith.constant 7 : i32
        %get3A_684 = arith.index_cast %get3A_683 : i32 to index
        %get3A_685 = arith.constant 64 : index
        %get3A_686 = tpu.vector_load %arg13[%get3A_684, %get3A_685] {strides = array<i32>} : memref<16x128xf32, #tpu.memory_space<vmem>>, vector<16xf32>,
        %mul3A_687 = arith.mulf %get3A_686, %broadcast_in_dim3A_646 : vector<16xf32>
        %swap3A_688 = arith.constant 7 : i32
        %swap3A_689 = arith.index_cast %swap3A_688 : i32 to index
        %swap3A_690 = arith.constant 64 : index
        %swap3A_691 = tpu.vector_load %arg13[%swap3A_689, %swap3A_690] {strides = array<i32>} : memref<16x128xf32, #tpu.memory_space<vmem>>, vector<16xf32>,
        tpu.vector_store %arg13[%swap3A_689, %swap3A_690], %mul3A_687 {strides = array<i32>} : memref<16x128xf32, #tpu.memory_space<vmem>>, vector<16xf32>,
        %get3A_692 = arith.constant 7 : i32
        %get3A_693 = arith.index_cast %get3A_692 : i32 to index
        %get3A_694 = arith.constant 80 : index
        %get3A_695 = tpu.vector_load %arg13[%get3A_693, %get3A_694] {strides = array<i32>} : memref<16x128xf32, #tpu.memory_space<vmem>>, vector<16xf32>,
        %mul3A_696 = arith.mulf %get3A_695, %broadcast_in_dim3A_646 : vector<16xf32>
        %swap3A_697 = arith.constant 7 : i32
        %swap3A_698 = arith.index_cast %swap3A_697 : i32 to index
        %swap3A_699 = arith.constant 80 : index
        %swap3A_700 = tpu.vector_load %arg13[%swap3A_698, %swap3A_699] {strides = array<i32>} : memref<16x128xf32, #tpu.memory_space<vmem>>, vector<16xf32>,
        tpu.vector_store %arg13[%swap3A_698, %swap3A_699], %mul3A_696 {strides = array<i32>} : memref<16x128xf32, #tpu.memory_space<vmem>>, vector<16xf32>,
        %get3A_701 = arith.constant 7 : i32
        %get3A_702 = arith.index_cast %get3A_701 : i32 to index
        %get3A_703 = arith.constant 96 : index
        %get3A_704 = tpu.vector_load %arg13[%get3A_702, %get3A_703] {strides = array<i32>} : memref<16x128xf32, #tpu.memory_space<vmem>>, vector<16xf32>,
        %mul3A_705 = arith.mulf %get3A_704, %broadcast_in_dim3A_646 : vector<16xf32>
        %swap3A_706 = arith.constant 7 : i32
        %swap3A_707 = arith.index_cast %swap3A_706 : i32 to index
        %swap3A_708 = arith.constant 96 : index
        %swap3A_709 = tpu.vector_load %arg13[%swap3A_707, %swap3A_708] {strides = array<i32>} : memref<16x128xf32, #tpu.memory_space<vmem>>, vector<16xf32>,
        tpu.vector_store %arg13[%swap3A_707, %swap3A_708], %mul3A_705 {strides = array<i32>} : memref<16x128xf32, #tpu.memory_space<vmem>>, vector<16xf32>,
        %get3A_710 = arith.constant 7 : i32
        %get3A_711 = arith.index_cast %get3A_710 : i32 to index
        %get3A_712 = arith.constant 112 : index
        %get3A_713 = tpu.vector_load %arg13[%get3A_711, %get3A_712] {strides = array<i32>} : memref<16x128xf32, #tpu.memory_space<vmem>>, vector<16xf32>,
        %mul3A_714 = arith.mulf %get3A_713, %broadcast_in_dim3A_646 : vector<16xf32>
        %swap3A_715 = arith.constant 7 : i32
        %swap3A_716 = arith.index_cast %swap3A_715 : i32 to index
        %swap3A_717 = arith.constant 112 : index
        %swap3A_718 = tpu.vector_load %arg13[%swap3A_716, %swap3A_717] {strides = array<i32>} : memref<16x128xf32, #tpu.memory_space<vmem>>, vector<16xf32>,
        tpu.vector_store %arg13[%swap3A_716, %swap3A_717], %mul3A_714 {strides = array<i32>} : memref<16x128xf32, #tpu.memory_space<vmem>>, vector<16xf32>,
        %slice3A_719 = vector.extract_strided_slice %get3A_120 {offsets = [8], sizes = [1], strides = [1]} : vector<16xf32> to vector<1xf32>
        %squeeze3A_720 = vector.extract %slice3A_719[0] : f32 from vector<1xf32>
        %broadcast_in_dim3A_721 = vector.broadcast %squeeze3A_720 : f32 to vector<16xf32>
        %get3A_722 = arith.constant 8 : i32
        %get3A_723 = arith.index_cast %get3A_722 : i32 to index
        %get3A_724 = arith.constant 0 : index
        %get3A_725 = tpu.vector_load %arg13[%get3A_723, %get3A_724] {strides = array<i32>} : memref<16x128xf32, #tpu.memory_space<vmem>>, vector<16xf32>,
        %mul3A_726 = arith.mulf %get3A_725, %broadcast_in_dim3A_721 : vector<16xf32>
        %swap3A_727 = arith.constant 8 : i32
        %swap3A_728 = arith.index_cast %swap3A_727 : i32 to index
        %swap3A_729 = arith.constant 0 : index
        %swap3A_730 = tpu.vector_load %arg13[%swap3A_728, %swap3A_729] {strides = array<i32>} : memref<16x128xf32, #tpu.memory_space<vmem>>, vector<16xf32>,
        tpu.vector_store %arg13[%swap3A_728, %swap3A_729], %mul3A_726 {strides = array<i32>} : memref<16x128xf32, #tpu.memory_space<vmem>>, vector<16xf32>,
        %get3A_731 = arith.constant 8 : i32
        %get3A_732 = arith.index_cast %get3A_731 : i32 to index
        %get3A_733 = arith.constant 16 : index
        %get3A_734 = tpu.vector_load %arg13[%get3A_732, %get3A_733] {strides = array<i32>} : memref<16x128xf32, #tpu.memory_space<vmem>>, vector<16xf32>,
        %mul3A_735 = arith.mulf %get3A_734, %broadcast_in_dim3A_721 : vector<16xf32>
        %swap3A_736 = arith.constant 8 : i32
        %swap3A_737 = arith.index_cast %swap3A_736 : i32 to index
        %swap3A_738 = arith.constant 16 : index
        %swap3A_739 = tpu.vector_load %arg13[%swap3A_737, %swap3A_738] {strides = array<i32>} : memref<16x128xf32, #tpu.memory_space<vmem>>, vector<16xf32>,
        tpu.vector_store %arg13[%swap3A_737, %swap3A_738], %mul3A_735 {strides = array<i32>} : memref<16x128xf32, #tpu.memory_space<vmem>>, vector<16xf32>,
        %get3A_740 = arith.constant 8 : i32
        %get3A_741 = arith.index_cast %get3A_740 : i32 to index
        %get3A_742 = arith.constant 32 : index
        %get3A_743 = tpu.vector_load %arg13[%get3A_741, %get3A_742] {strides = array<i32>} : memref<16x128xf32, #tpu.memory_space<vmem>>, vector<16xf32>,
        %mul3A_744 = arith.mulf %get3A_743, %broadcast_in_dim3A_721 : vector<16xf32>
        %swap3A_745 = arith.constant 8 : i32
        %swap3A_746 = arith.index_cast %swap3A_745 : i32 to index
        %swap3A_747 = arith.constant 32 : index
        %swap3A_748 = tpu.vector_load %arg13[%swap3A_746, %swap3A_747] {strides = array<i32>} : memref<16x128xf32, #tpu.memory_space<vmem>>, vector<16xf32>,
        tpu.vector_store %arg13[%swap3A_746, %swap3A_747], %mul3A_744 {strides = array<i32>} : memref<16x128xf32, #tpu.memory_space<vmem>>, vector<16xf32>,
        %get3A_749 = arith.constant 8 : i32
        %get3A_750 = arith.index_cast %get3A_749 : i32 to index
        %get3A_751 = arith.constant 48 : index
        %get3A_752 = tpu.vector_load %arg13[%get3A_750, %get3A_751] {strides = array<i32>} : memref<16x128xf32, #tpu.memory_space<vmem>>, vector<16xf32>,
        %mul3A_753 = arith.mulf %get3A_752, %broadcast_in_dim3A_721 : vector<16xf32>
        %swap3A_754 = arith.constant 8 : i32
        %swap3A_755 = arith.index_cast %swap3A_754 : i32 to index
        %swap3A_756 = arith.constant 48 : index
        %swap3A_757 = tpu.vector_load %arg13[%swap3A_755, %swap3A_756] {strides = array<i32>} : memref<16x128xf32, #tpu.memory_space<vmem>>, vector<16xf32>,
        tpu.vector_store %arg13[%swap3A_755, %swap3A_756], %mul3A_753 {strides = array<i32>} : memref<16x128xf32, #tpu.memory_space<vmem>>, vector<16xf32>,
        %get3A_758 = arith.constant 8 : i32
        %get3A_759 = arith.index_cast %get3A_758 : i32 to index
        %get3A_760 = arith.constant 64 : index
        %get3A_761 = tpu.vector_load %arg13[%get3A_759, %get3A_760] {strides = array<i32>} : memref<16x128xf32, #tpu.memory_space<vmem>>, vector<16xf32>,
        %mul3A_762 = arith.mulf %get3A_761, %broadcast_in_dim3A_721 : vector<16xf32>
        %swap3A_763 = arith.constant 8 : i32
        %swap3A_764 = arith.index_cast %swap3A_763 : i32 to index
        %swap3A_765 = arith.constant 64 : index
        %swap3A_766 = tpu.vector_load %arg13[%swap3A_764, %swap3A_765] {strides = array<i32>} : memref<16x128xf32, #tpu.memory_space<vmem>>, vector<16xf32>,
        tpu.vector_store %arg13[%swap3A_764, %swap3A_765], %mul3A_762 {strides = array<i32>} : memref<16x128xf32, #tpu.memory_space<vmem>>, vector<16xf32>,
        %get3A_767 = arith.constant 8 : i32
        %get3A_768 = arith.index_cast %get3A_767 : i32 to index
        %get3A_769 = arith.constant 80 : index
        %get3A_770 = tpu.vector_load %arg13[%get3A_768, %get3A_769] {strides = array<i32>} : memref<16x128xf32, #tpu.memory_space<vmem>>, vector<16xf32>,
        %mul3A_771 = arith.mulf %get3A_770, %broadcast_in_dim3A_721 : vector<16xf32>
        %swap3A_772 = arith.constant 8 : i32
        %swap3A_773 = arith.index_cast %swap3A_772 : i32 to index
        %swap3A_774 = arith.constant 80 : index
        %swap3A_775 = tpu.vector_load %arg13[%swap3A_773, %swap3A_774] {strides = array<i32>} : memref<16x128xf32, #tpu.memory_space<vmem>>, vector<16xf32>,
        tpu.vector_store %arg13[%swap3A_773, %swap3A_774], %mul3A_771 {strides = array<i32>} : memref<16x128xf32, #tpu.memory_space<vmem>>, vector<16xf32>,
        %get3A_776 = arith.constant 8 : i32
        %get3A_777 = arith.index_cast %get3A_776 : i32 to index
        %get3A_778 = arith.constant 96 : index
        %get3A_779 = tpu.vector_load %arg13[%get3A_777, %get3A_778] {strides = array<i32>} : memref<16x128xf32, #tpu.memory_space<vmem>>, vector<16xf32>,
        %mul3A_780 = arith.mulf %get3A_779, %broadcast_in_dim3A_721 : vector<16xf32>
        %swap3A_781 = arith.constant 8 : i32
        %swap3A_782 = arith.index_cast %swap3A_781 : i32 to index
        %swap3A_783 = arith.constant 96 : index
        %swap3A_784 = tpu.vector_load %arg13[%swap3A_782, %swap3A_783] {strides = array<i32>} : memref<16x128xf32, #tpu.memory_space<vmem>>, vector<16xf32>,
        tpu.vector_store %arg13[%swap3A_782, %swap3A_783], %mul3A_780 {strides = array<i32>} : memref<16x128xf32, #tpu.memory_space<vmem>>, vector<16xf32>,
        %get3A_785 = arith.constant 8 : i32
        %get3A_786 = arith.index_cast %get3A_785 : i32 to index
        %get3A_787 = arith.constant 112 : index
        %get3A_788 = tpu.vector_load %arg13[%get3A_786, %get3A_787] {strides = array<i32>} : memref<16x128xf32, #tpu.memory_space<vmem>>, vector<16xf32>,
        %mul3A_789 = arith.mulf %get3A_788, %broadcast_in_dim3A_721 : vector<16xf32>
        %swap3A_790 = arith.constant 8 : i32
        %swap3A_791 = arith.index_cast %swap3A_790 : i32 to index
        %swap3A_792 = arith.constant 112 : index
        %swap3A_793 = tpu.vector_load %arg13[%swap3A_791, %swap3A_792] {strides = array<i32>} : memref<16x128xf32, #tpu.memory_space<vmem>>, vector<16xf32>,
        tpu.vector_store %arg13[%swap3A_791, %swap3A_792], %mul3A_789 {strides = array<i32>} : memref<16x128xf32, #tpu.memory_space<vmem>>, vector<16xf32>,
        %slice3A_794 = vector.extract_strided_slice %get3A_120 {offsets = [9], sizes = [1], strides = [1]} : vector<16xf32> to vector<1xf32>
        %squeeze3A_795 = vector.extract %slice3A_794[0] : f32 from vector<1xf32>
        %broadcast_in_dim3A_796 = vector.broadcast %squeeze3A_795 : f32 to vector<16xf32>
        %get3A_797 = arith.constant 9 : i32
        %get3A_798 = arith.index_cast %get3A_797 : i32 to index
        %get3A_799 = arith.constant 0 : index
        %get3A_800 = tpu.vector_load %arg13[%get3A_798, %get3A_799] {strides = array<i32>} : memref<16x128xf32, #tpu.memory_space<vmem>>, vector<16xf32>,
        %mul3A_801 = arith.mulf %get3A_800, %broadcast_in_dim3A_796 : vector<16xf32>
        %swap3A_802 = arith.constant 9 : i32
        %swap3A_803 = arith.index_cast %swap3A_802 : i32 to index
        %swap3A_804 = arith.constant 0 : index
        %swap3A_805 = tpu.vector_load %arg13[%swap3A_803, %swap3A_804] {strides = array<i32>} : memref<16x128xf32, #tpu.memory_space<vmem>>, vector<16xf32>,
        tpu.vector_store %arg13[%swap3A_803, %swap3A_804], %mul3A_801 {strides = array<i32>} : memref<16x128xf32, #tpu.memory_space<vmem>>, vector<16xf32>,
        %get3A_806 = arith.constant 9 : i32
        %get3A_807 = arith.index_cast %get3A_806 : i32 to index
        %get3A_808 = arith.constant 16 : index
        %get3A_809 = tpu.vector_load %arg13[%get3A_807, %get3A_808] {strides = array<i32>} : memref<16x128xf32, #tpu.memory_space<vmem>>, vector<16xf32>,
        %mul3A_810 = arith.mulf %get3A_809, %broadcast_in_dim3A_796 : vector<16xf32>
        %swap3A_811 = arith.constant 9 : i32
        %swap3A_812 = arith.index_cast %swap3A_811 : i32 to index
        %swap3A_813 = arith.constant 16 : index
        %swap3A_814 = tpu.vector_load %arg13[%swap3A_812, %swap3A_813] {strides = array<i32>} : memref<16x128xf32, #tpu.memory_space<vmem>>, vector<16xf32>,
        tpu.vector_store %arg13[%swap3A_812, %swap3A_813], %mul3A_810 {strides = array<i32>} : memref<16x128xf32, #tpu.memory_space<vmem>>, vector<16xf32>,
        %get3A_815 = arith.constant 9 : i32
        %get3A_816 = arith.index_cast %get3A_815 : i32 to index
        %get3A_817 = arith.constant 32 : index
        %get3A_818 = tpu.vector_load %arg13[%get3A_816, %get3A_817] {strides = array<i32>} : memref<16x128xf32, #tpu.memory_space<vmem>>, vector<16xf32>,
        %mul3A_819 = arith.mulf %get3A_818, %broadcast_in_dim3A_796 : vector<16xf32>
        %swap3A_820 = arith.constant 9 : i32
        %swap3A_821 = arith.index_cast %swap3A_820 : i32 to index
        %swap3A_822 = arith.constant 32 : index
        %swap3A_823 = tpu.vector_load %arg13[%swap3A_821, %swap3A_822] {strides = array<i32>} : memref<16x128xf32, #tpu.memory_space<vmem>>, vector<16xf32>,
        tpu.vector_store %arg13[%swap3A_821, %swap3A_822], %mul3A_819 {strides = array<i32>} : memref<16x128xf32, #tpu.memory_space<vmem>>, vector<16xf32>,
        %get3A_824 = arith.constant 9 : i32
        %get3A_825 = arith.index_cast %get3A_824 : i32 to index
        %get3A_826 = arith.constant 48 : index
        %get3A_827 = tpu.vector_load %arg13[%get3A_825, %get3A_826] {strides = array<i32>} : memref<16x128xf32, #tpu.memory_space<vmem>>, vector<16xf32>,
        %mul3A_828 = arith.mulf %get3A_827, %broadcast_in_dim3A_796 : vector<16xf32>
        %swap3A_829 = arith.constant 9 : i32
        %swap3A_830 = arith.index_cast %swap3A_829 : i32 to index
        %swap3A_831 = arith.constant 48 : index
        %swap3A_832 = tpu.vector_load %arg13[%swap3A_830, %swap3A_831] {strides = array<i32>} : memref<16x128xf32, #tpu.memory_space<vmem>>, vector<16xf32>,
        tpu.vector_store %arg13[%swap3A_830, %swap3A_831], %mul3A_828 {strides = array<i32>} : memref<16x128xf32, #tpu.memory_space<vmem>>, vector<16xf32>,
        %get3A_833 = arith.constant 9 : i32
        %get3A_834 = arith.index_cast %get3A_833 : i32 to index
        %get3A_835 = arith.constant 64 : index
        %get3A_836 = tpu.vector_load %arg13[%get3A_834, %get3A_835] {strides = array<i32>} : memref<16x128xf32, #tpu.memory_space<vmem>>, vector<16xf32>,
        %mul3A_837 = arith.mulf %get3A_836, %broadcast_in_dim3A_796 : vector<16xf32>
        %swap3A_838 = arith.constant 9 : i32
        %swap3A_839 = arith.index_cast %swap3A_838 : i32 to index
        %swap3A_840 = arith.constant 64 : index
        %swap3A_841 = tpu.vector_load %arg13[%swap3A_839, %swap3A_840] {strides = array<i32>} : memref<16x128xf32, #tpu.memory_space<vmem>>, vector<16xf32>,
        tpu.vector_store %arg13[%swap3A_839, %swap3A_840], %mul3A_837 {strides = array<i32>} : memref<16x128xf32, #tpu.memory_space<vmem>>, vector<16xf32>,
        %get3A_842 = arith.constant 9 : i32
        %get3A_843 = arith.index_cast %get3A_842 : i32 to index
        %get3A_844 = arith.constant 80 : index
        %get3A_845 = tpu.vector_load %arg13[%get3A_843, %get3A_844] {strides = array<i32>} : memref<16x128xf32, #tpu.memory_space<vmem>>, vector<16xf32>,
        %mul3A_846 = arith.mulf %get3A_845, %broadcast_in_dim3A_796 : vector<16xf32>
        %swap3A_847 = arith.constant 9 : i32
        %swap3A_848 = arith.index_cast %swap3A_847 : i32 to index
        %swap3A_849 = arith.constant 80 : index
        %swap3A_850 = tpu.vector_load %arg13[%swap3A_848, %swap3A_849] {strides = array<i32>} : memref<16x128xf32, #tpu.memory_space<vmem>>, vector<16xf32>,
        tpu.vector_store %arg13[%swap3A_848, %swap3A_849], %mul3A_846 {strides = array<i32>} : memref<16x128xf32, #tpu.memory_space<vmem>>, vector<16xf32>,
        %get3A_851 = arith.constant 9 : i32
        %get3A_852 = arith.index_cast %get3A_851 : i32 to index
        %get3A_853 = arith.constant 96 : index
        %get3A_854 = tpu.vector_load %arg13[%get3A_852, %get3A_853] {strides = array<i32>} : memref<16x128xf32, #tpu.memory_space<vmem>>, vector<16xf32>,
        %mul3A_855 = arith.mulf %get3A_854, %broadcast_in_dim3A_796 : vector<16xf32>
        %swap3A_856 = arith.constant 9 : i32
        %swap3A_857 = arith.index_cast %swap3A_856 : i32 to index
        %swap3A_858 = arith.constant 96 : index
        %swap3A_859 = tpu.vector_load %arg13[%swap3A_857, %swap3A_858] {strides = array<i32>} : memref<16x128xf32, #tpu.memory_space<vmem>>, vector<16xf32>,
        tpu.vector_store %arg13[%swap3A_857, %swap3A_858], %mul3A_855 {strides = array<i32>} : memref<16x128xf32, #tpu.memory_space<vmem>>, vector<16xf32>,
        %get3A_860 = arith.constant 9 : i32
        %get3A_861 = arith.index_cast %get3A_860 : i32 to index
        %get3A_862 = arith.constant 112 : index
        %get3A_863 = tpu.vector_load %arg13[%get3A_861, %get3A_862] {strides = array<i32>} : memref<16x128xf32, #tpu.memory_space<vmem>>, vector<16xf32>,
        %mul3A_864 = arith.mulf %get3A_863, %broadcast_in_dim3A_796 : vector<16xf32>
        %swap3A_865 = arith.constant 9 : i32
        %swap3A_866 = arith.index_cast %swap3A_865 : i32 to index
        %swap3A_867 = arith.constant 112 : index
        %swap3A_868 = tpu.vector_load %arg13[%swap3A_866, %swap3A_867] {strides = array<i32>} : memref<16x128xf32, #tpu.memory_space<vmem>>, vector<16xf32>,
        tpu.vector_store %arg13[%swap3A_866, %swap3A_867], %mul3A_864 {strides = array<i32>} : memref<16x128xf32, #tpu.memory_space<vmem>>, vector<16xf32>,
        %slice3A_869 = vector.extract_strided_slice %get3A_120 {offsets = [10], sizes = [1], strides = [1]} : vector<16xf32> to vector<1xf32>
        %squeeze3A_870 = vector.extract %slice3A_869[0] : f32 from vector<1xf32>
        %broadcast_in_dim3A_871 = vector.broadcast %squeeze3A_870 : f32 to vector<16xf32>
        %get3A_872 = arith.constant 10 : i32
        %get3A_873 = arith.index_cast %get3A_872 : i32 to index
        %get3A_874 = arith.constant 0 : index
        %get3A_875 = tpu.vector_load %arg13[%get3A_873, %get3A_874] {strides = array<i32>} : memref<16x128xf32, #tpu.memory_space<vmem>>, vector<16xf32>,
        %mul3A_876 = arith.mulf %get3A_875, %broadcast_in_dim3A_871 : vector<16xf32>
        %swap3A_877 = arith.constant 10 : i32
        %swap3A_878 = arith.index_cast %swap3A_877 : i32 to index
        %swap3A_879 = arith.constant 0 : index
        %swap3A_880 = tpu.vector_load %arg13[%swap3A_878, %swap3A_879] {strides = array<i32>} : memref<16x128xf32, #tpu.memory_space<vmem>>, vector<16xf32>,
        tpu.vector_store %arg13[%swap3A_878, %swap3A_879], %mul3A_876 {strides = array<i32>} : memref<16x128xf32, #tpu.memory_space<vmem>>, vector<16xf32>,
        %get3A_881 = arith.constant 10 : i32
        %get3A_882 = arith.index_cast %get3A_881 : i32 to index
        %get3A_883 = arith.constant 16 : index
        %get3A_884 = tpu.vector_load %arg13[%get3A_882, %get3A_883] {strides = array<i32>} : memref<16x128xf32, #tpu.memory_space<vmem>>, vector<16xf32>,
        %mul3A_885 = arith.mulf %get3A_884, %broadcast_in_dim3A_871 : vector<16xf32>
        %swap3A_886 = arith.constant 10 : i32
        %swap3A_887 = arith.index_cast %swap3A_886 : i32 to index
        %swap3A_888 = arith.constant 16 : index
        %swap3A_889 = tpu.vector_load %arg13[%swap3A_887, %swap3A_888] {strides = array<i32>} : memref<16x128xf32, #tpu.memory_space<vmem>>, vector<16xf32>,
        tpu.vector_store %arg13[%swap3A_887, %swap3A_888], %mul3A_885 {strides = array<i32>} : memref<16x128xf32, #tpu.memory_space<vmem>>, vector<16xf32>,
        %get3A_890 = arith.constant 10 : i32
        %get3A_891 = arith.index_cast %get3A_890 : i32 to index
        %get3A_892 = arith.constant 32 : index
        %get3A_893 = tpu.vector_load %arg13[%get3A_891, %get3A_892] {strides = array<i32>} : memref<16x128xf32, #tpu.memory_space<vmem>>, vector<16xf32>,
        %mul3A_894 = arith.mulf %get3A_893, %broadcast_in_dim3A_871 : vector<16xf32>
        %swap3A_895 = arith.constant 10 : i32
        %swap3A_896 = arith.index_cast %swap3A_895 : i32 to index
        %swap3A_897 = arith.constant 32 : index
        %swap3A_898 = tpu.vector_load %arg13[%swap3A_896, %swap3A_897] {strides = array<i32>} : memref<16x128xf32, #tpu.memory_space<vmem>>, vector<16xf32>,
        tpu.vector_store %arg13[%swap3A_896, %swap3A_897], %mul3A_894 {strides = array<i32>} : memref<16x128xf32, #tpu.memory_space<vmem>>, vector<16xf32>,
        %get3A_899 = arith.constant 10 : i32
        %get3A_900 = arith.index_cast %get3A_899 : i32 to index
        %get3A_901 = arith.constant 48 : index
        %get3A_902 = tpu.vector_load %arg13[%get3A_900, %get3A_901] {strides = array<i32>} : memref<16x128xf32, #tpu.memory_space<vmem>>, vector<16xf32>,
        %mul3A_903 = arith.mulf %get3A_902, %broadcast_in_dim3A_871 : vector<16xf32>
        %swap3A_904 = arith.constant 10 : i32
        %swap3A_905 = arith.index_cast %swap3A_904 : i32 to index
        %swap3A_906 = arith.constant 48 : index
        %swap3A_907 = tpu.vector_load %arg13[%swap3A_905, %swap3A_906] {strides = array<i32>} : memref<16x128xf32, #tpu.memory_space<vmem>>, vector<16xf32>,
        tpu.vector_store %arg13[%swap3A_905, %swap3A_906], %mul3A_903 {strides = array<i32>} : memref<16x128xf32, #tpu.memory_space<vmem>>, vector<16xf32>,
        %get3A_908 = arith.constant 10 : i32
        %get3A_909 = arith.index_cast %get3A_908 : i32 to index
        %get3A_910 = arith.constant 64 : index
        %get3A_911 = tpu.vector_load %arg13[%get3A_909, %get3A_910] {strides = array<i32>} : memref<16x128xf32, #tpu.memory_space<vmem>>, vector<16xf32>,
        %mul3A_912 = arith.mulf %get3A_911, %broadcast_in_dim3A_871 : vector<16xf32>
        %swap3A_913 = arith.constant 10 : i32
        %swap3A_914 = arith.index_cast %swap3A_913 : i32 to index
        %swap3A_915 = arith.constant 64 : index
        %swap3A_916 = tpu.vector_load %arg13[%swap3A_914, %swap3A_915] {strides = array<i32>} : memref<16x128xf32, #tpu.memory_space<vmem>>, vector<16xf32>,
        tpu.vector_store %arg13[%swap3A_914, %swap3A_915], %mul3A_912 {strides = array<i32>} : memref<16x128xf32, #tpu.memory_space<vmem>>, vector<16xf32>,
        %get3A_917 = arith.constant 10 : i32
        %get3A_918 = arith.index_cast %get3A_917 : i32 to index
        %get3A_919 = arith.constant 80 : index
        %get3A_920 = tpu.vector_load %arg13[%get3A_918, %get3A_919] {strides = array<i32>} : memref<16x128xf32, #tpu.memory_space<vmem>>, vector<16xf32>,
        %mul3A_921 = arith.mulf %get3A_920, %broadcast_in_dim3A_871 : vector<16xf32>
        %swap3A_922 = arith.constant 10 : i32
        %swap3A_923 = arith.index_cast %swap3A_922 : i32 to index
        %swap3A_924 = arith.constant 80 : index
        %swap3A_925 = tpu.vector_load %arg13[%swap3A_923, %swap3A_924] {strides = array<i32>} : memref<16x128xf32, #tpu.memory_space<vmem>>, vector<16xf32>,
        tpu.vector_store %arg13[%swap3A_923, %swap3A_924], %mul3A_921 {strides = array<i32>} : memref<16x128xf32, #tpu.memory_space<vmem>>, vector<16xf32>,
        %get3A_926 = arith.constant 10 : i32
        %get3A_927 = arith.index_cast %get3A_926 : i32 to index
        %get3A_928 = arith.constant 96 : index
        %get3A_929 = tpu.vector_load %arg13[%get3A_927, %get3A_928] {strides = array<i32>} : memref<16x128xf32, #tpu.memory_space<vmem>>, vector<16xf32>,
        %mul3A_930 = arith.mulf %get3A_929, %broadcast_in_dim3A_871 : vector<16xf32>
        %swap3A_931 = arith.constant 10 : i32
        %swap3A_932 = arith.index_cast %swap3A_931 : i32 to index
        %swap3A_933 = arith.constant 96 : index
        %swap3A_934 = tpu.vector_load %arg13[%swap3A_932, %swap3A_933] {strides = array<i32>} : memref<16x128xf32, #tpu.memory_space<vmem>>, vector<16xf32>,
        tpu.vector_store %arg13[%swap3A_932, %swap3A_933], %mul3A_930 {strides = array<i32>} : memref<16x128xf32, #tpu.memory_space<vmem>>, vector<16xf32>,
        %get3A_935 = arith.constant 10 : i32
        %get3A_936 = arith.index_cast %get3A_935 : i32 to index
        %get3A_937 = arith.constant 112 : index
        %get3A_938 = tpu.vector_load %arg13[%get3A_936, %get3A_937] {strides = array<i32>} : memref<16x128xf32, #tpu.memory_space<vmem>>, vector<16xf32>,
        %mul3A_939 = arith.mulf %get3A_938, %broadcast_in_dim3A_871 : vector<16xf32>
        %swap3A_940 = arith.constant 10 : i32
        %swap3A_941 = arith.index_cast %swap3A_940 : i32 to index
        %swap3A_942 = arith.constant 112 : index
        %swap3A_943 = tpu.vector_load %arg13[%swap3A_941, %swap3A_942] {strides = array<i32>} : memref<16x128xf32, #tpu.memory_space<vmem>>, vector<16xf32>,
        tpu.vector_store %arg13[%swap3A_941, %swap3A_942], %mul3A_939 {strides = array<i32>} : memref<16x128xf32, #tpu.memory_space<vmem>>, vector<16xf32>,
        %slice3A_944 = vector.extract_strided_slice %get3A_120 {offsets = [11], sizes = [1], strides = [1]} : vector<16xf32> to vector<1xf32>
        %squeeze3A_945 = vector.extract %slice3A_944[0] : f32 from vector<1xf32>
        %broadcast_in_dim3A_946 = vector.broadcast %squeeze3A_945 : f32 to vector<16xf32>
        %get3A_947 = arith.constant 11 : i32
        %get3A_948 = arith.index_cast %get3A_947 : i32 to index
        %get3A_949 = arith.constant 0 : index
        %get3A_950 = tpu.vector_load %arg13[%get3A_948, %get3A_949] {strides = array<i32>} : memref<16x128xf32, #tpu.memory_space<vmem>>, vector<16xf32>,
        %mul3A_951 = arith.mulf %get3A_950, %broadcast_in_dim3A_946 : vector<16xf32>
        %swap3A_952 = arith.constant 11 : i32
        %swap3A_953 = arith.index_cast %swap3A_952 : i32 to index
        %swap3A_954 = arith.constant 0 : index
        %swap3A_955 = tpu.vector_load %arg13[%swap3A_953, %swap3A_954] {strides = array<i32>} : memref<16x128xf32, #tpu.memory_space<vmem>>, vector<16xf32>,
        tpu.vector_store %arg13[%swap3A_953, %swap3A_954], %mul3A_951 {strides = array<i32>} : memref<16x128xf32, #tpu.memory_space<vmem>>, vector<16xf32>,
        %get3A_956 = arith.constant 11 : i32
        %get3A_957 = arith.index_cast %get3A_956 : i32 to index
        %get3A_958 = arith.constant 16 : index
        %get3A_959 = tpu.vector_load %arg13[%get3A_957, %get3A_958] {strides = array<i32>} : memref<16x128xf32, #tpu.memory_space<vmem>>, vector<16xf32>,
        %mul3A_960 = arith.mulf %get3A_959, %broadcast_in_dim3A_946 : vector<16xf32>
        %swap3A_961 = arith.constant 11 : i32
        %swap3A_962 = arith.index_cast %swap3A_961 : i32 to index
        %swap3A_963 = arith.constant 16 : index
        %swap3A_964 = tpu.vector_load %arg13[%swap3A_962, %swap3A_963] {strides = array<i32>} : memref<16x128xf32, #tpu.memory_space<vmem>>, vector<16xf32>,
        tpu.vector_store %arg13[%swap3A_962, %swap3A_963], %mul3A_960 {strides = array<i32>} : memref<16x128xf32, #tpu.memory_space<vmem>>, vector<16xf32>,
        %get3A_965 = arith.constant 11 : i32
        %get3A_966 = arith.index_cast %get3A_965 : i32 to index
        %get3A_967 = arith.constant 32 : index
        %get3A_968 = tpu.vector_load %arg13[%get3A_966, %get3A_967] {strides = array<i32>} : memref<16x128xf32, #tpu.memory_space<vmem>>, vector<16xf32>,
        %mul3A_969 = arith.mulf %get3A_968, %broadcast_in_dim3A_946 : vector<16xf32>
        %swap3A_970 = arith.constant 11 : i32
        %swap3A_971 = arith.index_cast %swap3A_970 : i32 to index
        %swap3A_972 = arith.constant 32 : index
        %swap3A_973 = tpu.vector_load %arg13[%swap3A_971, %swap3A_972] {strides = array<i32>} : memref<16x128xf32, #tpu.memory_space<vmem>>, vector<16xf32>,
        tpu.vector_store %arg13[%swap3A_971, %swap3A_972], %mul3A_969 {strides = array<i32>} : memref<16x128xf32, #tpu.memory_space<vmem>>, vector<16xf32>,
        %get3A_974 = arith.constant 11 : i32
        %get3A_975 = arith.index_cast %get3A_974 : i32 to index
        %get3A_976 = arith.constant 48 : index
        %get3A_977 = tpu.vector_load %arg13[%get3A_975, %get3A_976] {strides = array<i32>} : memref<16x128xf32, #tpu.memory_space<vmem>>, vector<16xf32>,
        %mul3A_978 = arith.mulf %get3A_977, %broadcast_in_dim3A_946 : vector<16xf32>
        %swap3A_979 = arith.constant 11 : i32
        %swap3A_980 = arith.index_cast %swap3A_979 : i32 to index
        %swap3A_981 = arith.constant 48 : index
        %swap3A_982 = tpu.vector_load %arg13[%swap3A_980, %swap3A_981] {strides = array<i32>} : memref<16x128xf32, #tpu.memory_space<vmem>>, vector<16xf32>,
        tpu.vector_store %arg13[%swap3A_980, %swap3A_981], %mul3A_978 {strides = array<i32>} : memref<16x128xf32, #tpu.memory_space<vmem>>, vector<16xf32>,
        %get3A_983 = arith.constant 11 : i32
        %get3A_984 = arith.index_cast %get3A_983 : i32 to index
        %get3A_985 = arith.constant 64 : index
        %get3A_986 = tpu.vector_load %arg13[%get3A_984, %get3A_985] {strides = array<i32>} : memref<16x128xf32, #tpu.memory_space<vmem>>, vector<16xf32>,
        %mul3A_987 = arith.mulf %get3A_986, %broadcast_in_dim3A_946 : vector<16xf32>
        %swap3A_988 = arith.constant 11 : i32
        %swap3A_989 = arith.index_cast %swap3A_988 : i32 to index
        %swap3A_990 = arith.constant 64 : index
        %swap3A_991 = tpu.vector_load %arg13[%swap3A_989, %swap3A_990] {strides = array<i32>} : memref<16x128xf32, #tpu.memory_space<vmem>>, vector<16xf32>,
        tpu.vector_store %arg13[%swap3A_989, %swap3A_990], %mul3A_987 {strides = array<i32>} : memref<16x128xf32, #tpu.memory_space<vmem>>, vector<16xf32>,
        %get3A_992 = arith.constant 11 : i32
        %get3A_993 = arith.index_cast %get3A_992 : i32 to index
        %get3A_994 = arith.constant 80 : index
        %get3A_995 = tpu.vector_load %arg13[%get3A_993, %get3A_994] {strides = array<i32>} : memref<16x128xf32, #tpu.memory_space<vmem>>, vector<16xf32>,
        %mul3A_996 = arith.mulf %get3A_995, %broadcast_in_dim3A_946 : vector<16xf32>
        %swap3A_997 = arith.constant 11 : i32
        %swap3A_998 = arith.index_cast %swap3A_997 : i32 to index
        %swap3A_999 = arith.constant 80 : index
        %swap3A_1000 = tpu.vector_load %arg13[%swap3A_998, %swap3A_999] {strides = array<i32>} : memref<16x128xf32, #tpu.memory_space<vmem>>, vector<16xf32>,
        tpu.vector_store %arg13[%swap3A_998, %swap3A_999], %mul3A_996 {strides = array<i32>} : memref<16x128xf32, #tpu.memory_space<vmem>>, vector<16xf32>,
        %get3A_1001 = arith.constant 11 : i32
        %get3A_1002 = arith.index_cast %get3A_1001 : i32 to index
        %get3A_1003 = arith.constant 96 : index
        %get3A_1004 = tpu.vector_load %arg13[%get3A_1002, %get3A_1003] {strides = array<i32>} : memref<16x128xf32, #tpu.memory_space<vmem>>, vector<16xf32>,
        %mul3A_1005 = arith.mulf %get3A_1004, %broadcast_in_dim3A_946 : vector<16xf32>
        %swap3A_1006 = arith.constant 11 : i32
        %swap3A_1007 = arith.index_cast %swap3A_1006 : i32 to index
        %swap3A_1008 = arith.constant 96 : index
        %swap3A_1009 = tpu.vector_load %arg13[%swap3A_1007, %swap3A_1008] {strides = array<i32>} : memref<16x128xf32, #tpu.memory_space<vmem>>, vector<16xf32>,
        tpu.vector_store %arg13[%swap3A_1007, %swap3A_1008], %mul3A_1005 {strides = array<i32>} : memref<16x128xf32, #tpu.memory_space<vmem>>, vector<16xf32>,
        %get3A_1010 = arith.constant 11 : i32
        %get3A_1011 = arith.index_cast %get3A_1010 : i32 to index
        %get3A_1012 = arith.constant 112 : index
        %get3A_1013 = tpu.vector_load %arg13[%get3A_1011, %get3A_1012] {strides = array<i32>} : memref<16x128xf32, #tpu.memory_space<vmem>>, vector<16xf32>,
        %mul3A_1014 = arith.mulf %get3A_1013, %broadcast_in_dim3A_946 : vector<16xf32>
        %swap3A_1015 = arith.constant 11 : i32
        %swap3A_1016 = arith.index_cast %swap3A_1015 : i32 to index
        %swap3A_1017 = arith.constant 112 : index
        %swap3A_1018 = tpu.vector_load %arg13[%swap3A_1016, %swap3A_1017] {strides = array<i32>} : memref<16x128xf32, #tpu.memory_space<vmem>>, vector<16xf32>,
        tpu.vector_store %arg13[%swap3A_1016, %swap3A_1017], %mul3A_1014 {strides = array<i32>} : memref<16x128xf32, #tpu.memory_space<vmem>>, vector<16xf32>,
        %slice3A_1019 = vector.extract_strided_slice %get3A_120 {offsets = [12], sizes = [1], strides = [1]} : vector<16xf32> to vector<1xf32>
        %squeeze3A_1020 = vector.extract %slice3A_1019[0] : f32 from vector<1xf32>
        %broadcast_in_dim3A_1021 = vector.broadcast %squeeze3A_1020 : f32 to vector<16xf32>
        %get3A_1022 = arith.constant 12 : i32
        %get3A_1023 = arith.index_cast %get3A_1022 : i32 to index
        %get3A_1024 = arith.constant 0 : index
        %get3A_1025 = tpu.vector_load %arg13[%get3A_1023, %get3A_1024] {strides = array<i32>} : memref<16x128xf32, #tpu.memory_space<vmem>>, vector<16xf32>,
        %mul3A_1026 = arith.mulf %get3A_1025, %broadcast_in_dim3A_1021 : vector<16xf32>
        %swap3A_1027 = arith.constant 12 : i32
        %swap3A_1028 = arith.index_cast %swap3A_1027 : i32 to index
        %swap3A_1029 = arith.constant 0 : index
        %swap3A_1030 = tpu.vector_load %arg13[%swap3A_1028, %swap3A_1029] {strides = array<i32>} : memref<16x128xf32, #tpu.memory_space<vmem>>, vector<16xf32>,
        tpu.vector_store %arg13[%swap3A_1028, %swap3A_1029], %mul3A_1026 {strides = array<i32>} : memref<16x128xf32, #tpu.memory_space<vmem>>, vector<16xf32>,
        %get3A_1031 = arith.constant 12 : i32
        %get3A_1032 = arith.index_cast %get3A_1031 : i32 to index
        %get3A_1033 = arith.constant 16 : index
        %get3A_1034 = tpu.vector_load %arg13[%get3A_1032, %get3A_1033] {strides = array<i32>} : memref<16x128xf32, #tpu.memory_space<vmem>>, vector<16xf32>,
        %mul3A_1035 = arith.mulf %get3A_1034, %broadcast_in_dim3A_1021 : vector<16xf32>
        %swap3A_1036 = arith.constant 12 : i32
        %swap3A_1037 = arith.index_cast %swap3A_1036 : i32 to index
        %swap3A_1038 = arith.constant 16 : index
        %swap3A_1039 = tpu.vector_load %arg13[%swap3A_1037, %swap3A_1038] {strides = array<i32>} : memref<16x128xf32, #tpu.memory_space<vmem>>, vector<16xf32>,
        tpu.vector_store %arg13[%swap3A_1037, %swap3A_1038], %mul3A_1035 {strides = array<i32>} : memref<16x128xf32, #tpu.memory_space<vmem>>, vector<16xf32>,
        %get3A_1040 = arith.constant 12 : i32
        %get3A_1041 = arith.index_cast %get3A_1040 : i32 to index
        %get3A_1042 = arith.constant 32 : index
        %get3A_1043 = tpu.vector_load %arg13[%get3A_1041, %get3A_1042] {strides = array<i32>} : memref<16x128xf32, #tpu.memory_space<vmem>>, vector<16xf32>,
        %mul3A_1044 = arith.mulf %get3A_1043, %broadcast_in_dim3A_1021 : vector<16xf32>
        %swap3A_1045 = arith.constant 12 : i32
        %swap3A_1046 = arith.index_cast %swap3A_1045 : i32 to index
        %swap3A_1047 = arith.constant 32 : index
        %swap3A_1048 = tpu.vector_load %arg13[%swap3A_1046, %swap3A_1047] {strides = array<i32>} : memref<16x128xf32, #tpu.memory_space<vmem>>, vector<16xf32>,
        tpu.vector_store %arg13[%swap3A_1046, %swap3A_1047], %mul3A_1044 {strides = array<i32>} : memref<16x128xf32, #tpu.memory_space<vmem>>, vector<16xf32>,
        %get3A_1049 = arith.constant 12 : i32
        %get3A_1050 = arith.index_cast %get3A_1049 : i32 to index
        %get3A_1051 = arith.constant 48 : index
        %get3A_1052 = tpu.vector_load %arg13[%get3A_1050, %get3A_1051] {strides = array<i32>} : memref<16x128xf32, #tpu.memory_space<vmem>>, vector<16xf32>,
        %mul3A_1053 = arith.mulf %get3A_1052, %broadcast_in_dim3A_1021 : vector<16xf32>
        %swap3A_1054 = arith.constant 12 : i32
        %swap3A_1055 = arith.index_cast %swap3A_1054 : i32 to index
        %swap3A_1056 = arith.constant 48 : index
        %swap3A_1057 = tpu.vector_load %arg13[%swap3A_1055, %swap3A_1056] {strides = array<i32>} : memref<16x128xf32, #tpu.memory_space<vmem>>, vector<16xf32>,
        tpu.vector_store %arg13[%swap3A_1055, %swap3A_1056], %mul3A_1053 {strides = array<i32>} : memref<16x128xf32, #tpu.memory_space<vmem>>, vector<16xf32>,
        %get3A_1058 = arith.constant 12 : i32
        %get3A_1059 = arith.index_cast %get3A_1058 : i32 to index
        %get3A_1060 = arith.constant 64 : index
        %get3A_1061 = tpu.vector_load %arg13[%get3A_1059, %get3A_1060] {strides = array<i32>} : memref<16x128xf32, #tpu.memory_space<vmem>>, vector<16xf32>,
        %mul3A_1062 = arith.mulf %get3A_1061, %broadcast_in_dim3A_1021 : vector<16xf32>
        %swap3A_1063 = arith.constant 12 : i32
        %swap3A_1064 = arith.index_cast %swap3A_1063 : i32 to index
        %swap3A_1065 = arith.constant 64 : index
        %swap3A_1066 = tpu.vector_load %arg13[%swap3A_1064, %swap3A_1065] {strides = array<i32>} : memref<16x128xf32, #tpu.memory_space<vmem>>, vector<16xf32>,
        tpu.vector_store %arg13[%swap3A_1064, %swap3A_1065], %mul3A_1062 {strides = array<i32>} : memref<16x128xf32, #tpu.memory_space<vmem>>, vector<16xf32>,
        %get3A_1067 = arith.constant 12 : i32
        %get3A_1068 = arith.index_cast %get3A_1067 : i32 to index
        %get3A_1069 = arith.constant 80 : index
        %get3A_1070 = tpu.vector_load %arg13[%get3A_1068, %get3A_1069] {strides = array<i32>} : memref<16x128xf32, #tpu.memory_space<vmem>>, vector<16xf32>,
        %mul3A_1071 = arith.mulf %get3A_1070, %broadcast_in_dim3A_1021 : vector<16xf32>
        %swap3A_1072 = arith.constant 12 : i32
        %swap3A_1073 = arith.index_cast %swap3A_1072 : i32 to index
        %swap3A_1074 = arith.constant 80 : index
        %swap3A_1075 = tpu.vector_load %arg13[%swap3A_1073, %swap3A_1074] {strides = array<i32>} : memref<16x128xf32, #tpu.memory_space<vmem>>, vector<16xf32>,
        tpu.vector_store %arg13[%swap3A_1073, %swap3A_1074], %mul3A_1071 {strides = array<i32>} : memref<16x128xf32, #tpu.memory_space<vmem>>, vector<16xf32>,
        %get3A_1076 = arith.constant 12 : i32
        %get3A_1077 = arith.index_cast %get3A_1076 : i32 to index
        %get3A_1078 = arith.constant 96 : index
        %get3A_1079 = tpu.vector_load %arg13[%get3A_1077, %get3A_1078] {strides = array<i32>} : memref<16x128xf32, #tpu.memory_space<vmem>>, vector<16xf32>,
        %mul3A_1080 = arith.mulf %get3A_1079, %broadcast_in_dim3A_1021 : vector<16xf32>
        %swap3A_1081 = arith.constant 12 : i32
        %swap3A_1082 = arith.index_cast %swap3A_1081 : i32 to index
        %swap3A_1083 = arith.constant 96 : index
        %swap3A_1084 = tpu.vector_load %arg13[%swap3A_1082, %swap3A_1083] {strides = array<i32>} : memref<16x128xf32, #tpu.memory_space<vmem>>, vector<16xf32>,
        tpu.vector_store %arg13[%swap3A_1082, %swap3A_1083], %mul3A_1080 {strides = array<i32>} : memref<16x128xf32, #tpu.memory_space<vmem>>, vector<16xf32>,
        %get3A_1085 = arith.constant 12 : i32
        %get3A_1086 = arith.index_cast %get3A_1085 : i32 to index
        %get3A_1087 = arith.constant 112 : index
        %get3A_1088 = tpu.vector_load %arg13[%get3A_1086, %get3A_1087] {strides = array<i32>} : memref<16x128xf32, #tpu.memory_space<vmem>>, vector<16xf32>,
        %mul3A_1089 = arith.mulf %get3A_1088, %broadcast_in_dim3A_1021 : vector<16xf32>
        %swap3A_1090 = arith.constant 12 : i32
        %swap3A_1091 = arith.index_cast %swap3A_1090 : i32 to index
        %swap3A_1092 = arith.constant 112 : index
        %swap3A_1093 = tpu.vector_load %arg13[%swap3A_1091, %swap3A_1092] {strides = array<i32>} : memref<16x128xf32, #tpu.memory_space<vmem>>, vector<16xf32>,
        tpu.vector_store %arg13[%swap3A_1091, %swap3A_1092], %mul3A_1089 {strides = array<i32>} : memref<16x128xf32, #tpu.memory_space<vmem>>, vector<16xf32>,
        %slice3A_1094 = vector.extract_strided_slice %get3A_120 {offsets = [13], sizes = [1], strides = [1]} : vector<16xf32> to vector<1xf32>
        %squeeze3A_1095 = vector.extract %slice3A_1094[0] : f32 from vector<1xf32>
        %broadcast_in_dim3A_1096 = vector.broadcast %squeeze3A_1095 : f32 to vector<16xf32>
        %get3A_1097 = arith.constant 13 : i32
        %get3A_1098 = arith.index_cast %get3A_1097 : i32 to index
        %get3A_1099 = arith.constant 0 : index
        %get3A_1100 = tpu.vector_load %arg13[%get3A_1098, %get3A_1099] {strides = array<i32>} : memref<16x128xf32, #tpu.memory_space<vmem>>, vector<16xf32>,
        %mul3A_1101 = arith.mulf %get3A_1100, %broadcast_in_dim3A_1096 : vector<16xf32>
        %swap3A_1102 = arith.constant 13 : i32
        %swap3A_1103 = arith.index_cast %swap3A_1102 : i32 to index
        %swap3A_1104 = arith.constant 0 : index
        %swap3A_1105 = tpu.vector_load %arg13[%swap3A_1103, %swap3A_1104] {strides = array<i32>} : memref<16x128xf32, #tpu.memory_space<vmem>>, vector<16xf32>,
        tpu.vector_store %arg13[%swap3A_1103, %swap3A_1104], %mul3A_1101 {strides = array<i32>} : memref<16x128xf32, #tpu.memory_space<vmem>>, vector<16xf32>,
        %get3A_1106 = arith.constant 13 : i32
        %get3A_1107 = arith.index_cast %get3A_1106 : i32 to index
        %get3A_1108 = arith.constant 16 : index
        %get3A_1109 = tpu.vector_load %arg13[%get3A_1107, %get3A_1108] {strides = array<i32>} : memref<16x128xf32, #tpu.memory_space<vmem>>, vector<16xf32>,
        %mul3A_1110 = arith.mulf %get3A_1109, %broadcast_in_dim3A_1096 : vector<16xf32>
        %swap3A_1111 = arith.constant 13 : i32
        %swap3A_1112 = arith.index_cast %swap3A_1111 : i32 to index
        %swap3A_1113 = arith.constant 16 : index
        %swap3A_1114 = tpu.vector_load %arg13[%swap3A_1112, %swap3A_1113] {strides = array<i32>} : memref<16x128xf32, #tpu.memory_space<vmem>>, vector<16xf32>,
        tpu.vector_store %arg13[%swap3A_1112, %swap3A_1113], %mul3A_1110 {strides = array<i32>} : memref<16x128xf32, #tpu.memory_space<vmem>>, vector<16xf32>,
        %get3A_1115 = arith.constant 13 : i32
        %get3A_1116 = arith.index_cast %get3A_1115 : i32 to index
        %get3A_1117 = arith.constant 32 : index
        %get3A_1118 = tpu.vector_load %arg13[%get3A_1116, %get3A_1117] {strides = array<i32>} : memref<16x128xf32, #tpu.memory_space<vmem>>, vector<16xf32>,
        %mul3A_1119 = arith.mulf %get3A_1118, %broadcast_in_dim3A_1096 : vector<16xf32>
        %swap3A_1120 = arith.constant 13 : i32
        %swap3A_1121 = arith.index_cast %swap3A_1120 : i32 to index
        %swap3A_1122 = arith.constant 32 : index
        %swap3A_1123 = tpu.vector_load %arg13[%swap3A_1121, %swap3A_1122] {strides = array<i32>} : memref<16x128xf32, #tpu.memory_space<vmem>>, vector<16xf32>,
        tpu.vector_store %arg13[%swap3A_1121, %swap3A_1122], %mul3A_1119 {strides = array<i32>} : memref<16x128xf32, #tpu.memory_space<vmem>>, vector<16xf32>,
        %get3A_1124 = arith.constant 13 : i32
        %get3A_1125 = arith.index_cast %get3A_1124 : i32 to index
        %get3A_1126 = arith.constant 48 : index
        %get3A_1127 = tpu.vector_load %arg13[%get3A_1125, %get3A_1126] {strides = array<i32>} : memref<16x128xf32, #tpu.memory_space<vmem>>, vector<16xf32>,
        %mul3A_1128 = arith.mulf %get3A_1127, %broadcast_in_dim3A_1096 : vector<16xf32>
        %swap3A_1129 = arith.constant 13 : i32
        %swap3A_1130 = arith.index_cast %swap3A_1129 : i32 to index
        %swap3A_1131 = arith.constant 48 : index
        %swap3A_1132 = tpu.vector_load %arg13[%swap3A_1130, %swap3A_1131] {strides = array<i32>} : memref<16x128xf32, #tpu.memory_space<vmem>>, vector<16xf32>,
        tpu.vector_store %arg13[%swap3A_1130, %swap3A_1131], %mul3A_1128 {strides = array<i32>} : memref<16x128xf32, #tpu.memory_space<vmem>>, vector<16xf32>,
        %get3A_1133 = arith.constant 13 : i32
        %get3A_1134 = arith.index_cast %get3A_1133 : i32 to index
        %get3A_1135 = arith.constant 64 : index
        %get3A_1136 = tpu.vector_load %arg13[%get3A_1134, %get3A_1135] {strides = array<i32>} : memref<16x128xf32, #tpu.memory_space<vmem>>, vector<16xf32>,
        %mul3A_1137 = arith.mulf %get3A_1136, %broadcast_in_dim3A_1096 : vector<16xf32>
        %swap3A_1138 = arith.constant 13 : i32
        %swap3A_1139 = arith.index_cast %swap3A_1138 : i32 to index
        %swap3A_1140 = arith.constant 64 : index
        %swap3A_1141 = tpu.vector_load %arg13[%swap3A_1139, %swap3A_1140] {strides = array<i32>} : memref<16x128xf32, #tpu.memory_space<vmem>>, vector<16xf32>,
        tpu.vector_store %arg13[%swap3A_1139, %swap3A_1140], %mul3A_1137 {strides = array<i32>} : memref<16x128xf32, #tpu.memory_space<vmem>>, vector<16xf32>,
        %get3A_1142 = arith.constant 13 : i32
        %get3A_1143 = arith.index_cast %get3A_1142 : i32 to index
        %get3A_1144 = arith.constant 80 : index
        %get3A_1145 = tpu.vector_load %arg13[%get3A_1143, %get3A_1144] {strides = array<i32>} : memref<16x128xf32, #tpu.memory_space<vmem>>, vector<16xf32>,
        %mul3A_1146 = arith.mulf %get3A_1145, %broadcast_in_dim3A_1096 : vector<16xf32>
        %swap3A_1147 = arith.constant 13 : i32
        %swap3A_1148 = arith.index_cast %swap3A_1147 : i32 to index
        %swap3A_1149 = arith.constant 80 : index
        %swap3A_1150 = tpu.vector_load %arg13[%swap3A_1148, %swap3A_1149] {strides = array<i32>} : memref<16x128xf32, #tpu.memory_space<vmem>>, vector<16xf32>,
        tpu.vector_store %arg13[%swap3A_1148, %swap3A_1149], %mul3A_1146 {strides = array<i32>} : memref<16x128xf32, #tpu.memory_space<vmem>>, vector<16xf32>,
        %get3A_1151 = arith.constant 13 : i32
        %get3A_1152 = arith.index_cast %get3A_1151 : i32 to index
        %get3A_1153 = arith.constant 96 : index
        %get3A_1154 = tpu.vector_load %arg13[%get3A_1152, %get3A_1153] {strides = array<i32>} : memref<16x128xf32, #tpu.memory_space<vmem>>, vector<16xf32>,
        %mul3A_1155 = arith.mulf %get3A_1154, %broadcast_in_dim3A_1096 : vector<16xf32>
        %swap3A_1156 = arith.constant 13 : i32
        %swap3A_1157 = arith.index_cast %swap3A_1156 : i32 to index
        %swap3A_1158 = arith.constant 96 : index
        %swap3A_1159 = tpu.vector_load %arg13[%swap3A_1157, %swap3A_1158] {strides = array<i32>} : memref<16x128xf32, #tpu.memory_space<vmem>>, vector<16xf32>,
        tpu.vector_store %arg13[%swap3A_1157, %swap3A_1158], %mul3A_1155 {strides = array<i32>} : memref<16x128xf32, #tpu.memory_space<vmem>>, vector<16xf32>,
        %get3A_1160 = arith.constant 13 : i32
        %get3A_1161 = arith.index_cast %get3A_1160 : i32 to index
        %get3A_1162 = arith.constant 112 : index
        %get3A_1163 = tpu.vector_load %arg13[%get3A_1161, %get3A_1162] {strides = array<i32>} : memref<16x128xf32, #tpu.memory_space<vmem>>, vector<16xf32>,
        %mul3A_1164 = arith.mulf %get3A_1163, %broadcast_in_dim3A_1096 : vector<16xf32>
        %swap3A_1165 = arith.constant 13 : i32
        %swap3A_1166 = arith.index_cast %swap3A_1165 : i32 to index
        %swap3A_1167 = arith.constant 112 : index
        %swap3A_1168 = tpu.vector_load %arg13[%swap3A_1166, %swap3A_1167] {strides = array<i32>} : memref<16x128xf32, #tpu.memory_space<vmem>>, vector<16xf32>,
        tpu.vector_store %arg13[%swap3A_1166, %swap3A_1167], %mul3A_1164 {strides = array<i32>} : memref<16x128xf32, #tpu.memory_space<vmem>>, vector<16xf32>,
        %slice3A_1169 = vector.extract_strided_slice %get3A_120 {offsets = [14], sizes = [1], strides = [1]} : vector<16xf32> to vector<1xf32>
        %squeeze3A_1170 = vector.extract %slice3A_1169[0] : f32 from vector<1xf32>
        %broadcast_in_dim3A_1171 = vector.broadcast %squeeze3A_1170 : f32 to vector<16xf32>
        %get3A_1172 = arith.constant 14 : i32
        %get3A_1173 = arith.index_cast %get3A_1172 : i32 to index
        %get3A_1174 = arith.constant 0 : index
        %get3A_1175 = tpu.vector_load %arg13[%get3A_1173, %get3A_1174] {strides = array<i32>} : memref<16x128xf32, #tpu.memory_space<vmem>>, vector<16xf32>,
        %mul3A_1176 = arith.mulf %get3A_1175, %broadcast_in_dim3A_1171 : vector<16xf32>
        %swap3A_1177 = arith.constant 14 : i32
        %swap3A_1178 = arith.index_cast %swap3A_1177 : i32 to index
        %swap3A_1179 = arith.constant 0 : index
        %swap3A_1180 = tpu.vector_load %arg13[%swap3A_1178, %swap3A_1179] {strides = array<i32>} : memref<16x128xf32, #tpu.memory_space<vmem>>, vector<16xf32>,
        tpu.vector_store %arg13[%swap3A_1178, %swap3A_1179], %mul3A_1176 {strides = array<i32>} : memref<16x128xf32, #tpu.memory_space<vmem>>, vector<16xf32>,
        %get3A_1181 = arith.constant 14 : i32
        %get3A_1182 = arith.index_cast %get3A_1181 : i32 to index
        %get3A_1183 = arith.constant 16 : index
        %get3A_1184 = tpu.vector_load %arg13[%get3A_1182, %get3A_1183] {strides = array<i32>} : memref<16x128xf32, #tpu.memory_space<vmem>>, vector<16xf32>,
        %mul3A_1185 = arith.mulf %get3A_1184, %broadcast_in_dim3A_1171 : vector<16xf32>
        %swap3A_1186 = arith.constant 14 : i32
        %swap3A_1187 = arith.index_cast %swap3A_1186 : i32 to index
        %swap3A_1188 = arith.constant 16 : index
        %swap3A_1189 = tpu.vector_load %arg13[%swap3A_1187, %swap3A_1188] {strides = array<i32>} : memref<16x128xf32, #tpu.memory_space<vmem>>, vector<16xf32>,
        tpu.vector_store %arg13[%swap3A_1187, %swap3A_1188], %mul3A_1185 {strides = array<i32>} : memref<16x128xf32, #tpu.memory_space<vmem>>, vector<16xf32>,
        %get3A_1190 = arith.constant 14 : i32
        %get3A_1191 = arith.index_cast %get3A_1190 : i32 to index
        %get3A_1192 = arith.constant 32 : index
        %get3A_1193 = tpu.vector_load %arg13[%get3A_1191, %get3A_1192] {strides = array<i32>} : memref<16x128xf32, #tpu.memory_space<vmem>>, vector<16xf32>,
        %mul3A_1194 = arith.mulf %get3A_1193, %broadcast_in_dim3A_1171 : vector<16xf32>
        %swap3A_1195 = arith.constant 14 : i32
        %swap3A_1196 = arith.index_cast %swap3A_1195 : i32 to index
        %swap3A_1197 = arith.constant 32 : index
        %swap3A_1198 = tpu.vector_load %arg13[%swap3A_1196, %swap3A_1197] {strides = array<i32>} : memref<16x128xf32, #tpu.memory_space<vmem>>, vector<16xf32>,
        tpu.vector_store %arg13[%swap3A_1196, %swap3A_1197], %mul3A_1194 {strides = array<i32>} : memref<16x128xf32, #tpu.memory_space<vmem>>, vector<16xf32>,
        %get3A_1199 = arith.constant 14 : i32
        %get3A_1200 = arith.index_cast %get3A_1199 : i32 to index
        %get3A_1201 = arith.constant 48 : index
        %get3A_1202 = tpu.vector_load %arg13[%get3A_1200, %get3A_1201] {strides = array<i32>} : memref<16x128xf32, #tpu.memory_space<vmem>>, vector<16xf32>,
        %mul3A_1203 = arith.mulf %get3A_1202, %broadcast_in_dim3A_1171 : vector<16xf32>
        %swap3A_1204 = arith.constant 14 : i32
        %swap3A_1205 = arith.index_cast %swap3A_1204 : i32 to index
        %swap3A_1206 = arith.constant 48 : index
        %swap3A_1207 = tpu.vector_load %arg13[%swap3A_1205, %swap3A_1206] {strides = array<i32>} : memref<16x128xf32, #tpu.memory_space<vmem>>, vector<16xf32>,
        tpu.vector_store %arg13[%swap3A_1205, %swap3A_1206], %mul3A_1203 {strides = array<i32>} : memref<16x128xf32, #tpu.memory_space<vmem>>, vector<16xf32>,
        %get3A_1208 = arith.constant 14 : i32
        %get3A_1209 = arith.index_cast %get3A_1208 : i32 to index
        %get3A_1210 = arith.constant 64 : index
        %get3A_1211 = tpu.vector_load %arg13[%get3A_1209, %get3A_1210] {strides = array<i32>} : memref<16x128xf32, #tpu.memory_space<vmem>>, vector<16xf32>,
        %mul3A_1212 = arith.mulf %get3A_1211, %broadcast_in_dim3A_1171 : vector<16xf32>
        %swap3A_1213 = arith.constant 14 : i32
        %swap3A_1214 = arith.index_cast %swap3A_1213 : i32 to index
        %swap3A_1215 = arith.constant 64 : index
        %swap3A_1216 = tpu.vector_load %arg13[%swap3A_1214, %swap3A_1215] {strides = array<i32>} : memref<16x128xf32, #tpu.memory_space<vmem>>, vector<16xf32>,
        tpu.vector_store %arg13[%swap3A_1214, %swap3A_1215], %mul3A_1212 {strides = array<i32>} : memref<16x128xf32, #tpu.memory_space<vmem>>, vector<16xf32>,
        %get3A_1217 = arith.constant 14 : i32
        %get3A_1218 = arith.index_cast %get3A_1217 : i32 to index
        %get3A_1219 = arith.constant 80 : index
        %get3A_1220 = tpu.vector_load %arg13[%get3A_1218, %get3A_1219] {strides = array<i32>} : memref<16x128xf32, #tpu.memory_space<vmem>>, vector<16xf32>,
        %mul3A_1221 = arith.mulf %get3A_1220, %broadcast_in_dim3A_1171 : vector<16xf32>
        %swap3A_1222 = arith.constant 14 : i32
        %swap3A_1223 = arith.index_cast %swap3A_1222 : i32 to index
        %swap3A_1224 = arith.constant 80 : index
        %swap3A_1225 = tpu.vector_load %arg13[%swap3A_1223, %swap3A_1224] {strides = array<i32>} : memref<16x128xf32, #tpu.memory_space<vmem>>, vector<16xf32>,
        tpu.vector_store %arg13[%swap3A_1223, %swap3A_1224], %mul3A_1221 {strides = array<i32>} : memref<16x128xf32, #tpu.memory_space<vmem>>, vector<16xf32>,
        %get3A_1226 = arith.constant 14 : i32
        %get3A_1227 = arith.index_cast %get3A_1226 : i32 to index
        %get3A_1228 = arith.constant 96 : index
        %get3A_1229 = tpu.vector_load %arg13[%get3A_1227, %get3A_1228] {strides = array<i32>} : memref<16x128xf32, #tpu.memory_space<vmem>>, vector<16xf32>,
        %mul3A_1230 = arith.mulf %get3A_1229, %broadcast_in_dim3A_1171 : vector<16xf32>
        %swap3A_1231 = arith.constant 14 : i32
        %swap3A_1232 = arith.index_cast %swap3A_1231 : i32 to index
        %swap3A_1233 = arith.constant 96 : index
        %swap3A_1234 = tpu.vector_load %arg13[%swap3A_1232, %swap3A_1233] {strides = array<i32>} : memref<16x128xf32, #tpu.memory_space<vmem>>, vector<16xf32>,
        tpu.vector_store %arg13[%swap3A_1232, %swap3A_1233], %mul3A_1230 {strides = array<i32>} : memref<16x128xf32, #tpu.memory_space<vmem>>, vector<16xf32>,
        %get3A_1235 = arith.constant 14 : i32
        %get3A_1236 = arith.index_cast %get3A_1235 : i32 to index
        %get3A_1237 = arith.constant 112 : index
        %get3A_1238 = tpu.vector_load %arg13[%get3A_1236, %get3A_1237] {strides = array<i32>} : memref<16x128xf32, #tpu.memory_space<vmem>>, vector<16xf32>,
        %mul3A_1239 = arith.mulf %get3A_1238, %broadcast_in_dim3A_1171 : vector<16xf32>
        %swap3A_1240 = arith.constant 14 : i32
        %swap3A_1241 = arith.index_cast %swap3A_1240 : i32 to index
        %swap3A_1242 = arith.constant 112 : index
        %swap3A_1243 = tpu.vector_load %arg13[%swap3A_1241, %swap3A_1242] {strides = array<i32>} : memref<16x128xf32, #tpu.memory_space<vmem>>, vector<16xf32>,
        tpu.vector_store %arg13[%swap3A_1241, %swap3A_1242], %mul3A_1239 {strides = array<i32>} : memref<16x128xf32, #tpu.memory_space<vmem>>, vector<16xf32>,
        %slice3A_1244 = vector.extract_strided_slice %get3A_120 {offsets = [15], sizes = [1], strides = [1]} : vector<16xf32> to vector<1xf32>
        %squeeze3A_1245 = vector.extract %slice3A_1244[0] : f32 from vector<1xf32>
        %broadcast_in_dim3A_1246 = vector.broadcast %squeeze3A_1245 : f32 to vector<16xf32>
        %get3A_1247 = arith.constant 15 : i32
        %get3A_1248 = arith.index_cast %get3A_1247 : i32 to index
        %get3A_1249 = arith.constant 0 : index
        %get3A_1250 = tpu.vector_load %arg13[%get3A_1248, %get3A_1249] {strides = array<i32>} : memref<16x128xf32, #tpu.memory_space<vmem>>, vector<16xf32>,
        %mul3A_1251 = arith.mulf %get3A_1250, %broadcast_in_dim3A_1246 : vector<16xf32>
        %swap3A_1252 = arith.constant 15 : i32
        %swap3A_1253 = arith.index_cast %swap3A_1252 : i32 to index
        %swap3A_1254 = arith.constant 0 : index
        %swap3A_1255 = tpu.vector_load %arg13[%swap3A_1253, %swap3A_1254] {strides = array<i32>} : memref<16x128xf32, #tpu.memory_space<vmem>>, vector<16xf32>,
        tpu.vector_store %arg13[%swap3A_1253, %swap3A_1254], %mul3A_1251 {strides = array<i32>} : memref<16x128xf32, #tpu.memory_space<vmem>>, vector<16xf32>,
        %get3A_1256 = arith.constant 15 : i32
        %get3A_1257 = arith.index_cast %get3A_1256 : i32 to index
        %get3A_1258 = arith.constant 16 : index
        %get3A_1259 = tpu.vector_load %arg13[%get3A_1257, %get3A_1258] {strides = array<i32>} : memref<16x128xf32, #tpu.memory_space<vmem>>, vector<16xf32>,
        %mul3A_1260 = arith.mulf %get3A_1259, %broadcast_in_dim3A_1246 : vector<16xf32>
        %swap3A_1261 = arith.constant 15 : i32
        %swap3A_1262 = arith.index_cast %swap3A_1261 : i32 to index
        %swap3A_1263 = arith.constant 16 : index
        %swap3A_1264 = tpu.vector_load %arg13[%swap3A_1262, %swap3A_1263] {strides = array<i32>} : memref<16x128xf32, #tpu.memory_space<vmem>>, vector<16xf32>,
        tpu.vector_store %arg13[%swap3A_1262, %swap3A_1263], %mul3A_1260 {strides = array<i32>} : memref<16x128xf32, #tpu.memory_space<vmem>>, vector<16xf32>,
        %get3A_1265 = arith.constant 15 : i32
        %get3A_1266 = arith.index_cast %get3A_1265 : i32 to index
        %get3A_1267 = arith.constant 32 : index
        %get3A_1268 = tpu.vector_load %arg13[%get3A_1266, %get3A_1267] {strides = array<i32>} : memref<16x128xf32, #tpu.memory_space<vmem>>, vector<16xf32>,
        %mul3A_1269 = arith.mulf %get3A_1268, %broadcast_in_dim3A_1246 : vector<16xf32>
        %swap3A_1270 = arith.constant 15 : i32
        %swap3A_1271 = arith.index_cast %swap3A_1270 : i32 to index
        %swap3A_1272 = arith.constant 32 : index
        %swap3A_1273 = tpu.vector_load %arg13[%swap3A_1271, %swap3A_1272] {strides = array<i32>} : memref<16x128xf32, #tpu.memory_space<vmem>>, vector<16xf32>,
        tpu.vector_store %arg13[%swap3A_1271, %swap3A_1272], %mul3A_1269 {strides = array<i32>} : memref<16x128xf32, #tpu.memory_space<vmem>>, vector<16xf32>,
        %get3A_1274 = arith.constant 15 : i32
        %get3A_1275 = arith.index_cast %get3A_1274 : i32 to index
        %get3A_1276 = arith.constant 48 : index
        %get3A_1277 = tpu.vector_load %arg13[%get3A_1275, %get3A_1276] {strides = array<i32>} : memref<16x128xf32, #tpu.memory_space<vmem>>, vector<16xf32>,
        %mul3A_1278 = arith.mulf %get3A_1277, %broadcast_in_dim3A_1246 : vector<16xf32>
        %swap3A_1279 = arith.constant 15 : i32
        %swap3A_1280 = arith.index_cast %swap3A_1279 : i32 to index
        %swap3A_1281 = arith.constant 48 : index
        %swap3A_1282 = tpu.vector_load %arg13[%swap3A_1280, %swap3A_1281] {strides = array<i32>} : memref<16x128xf32, #tpu.memory_space<vmem>>, vector<16xf32>,
        tpu.vector_store %arg13[%swap3A_1280, %swap3A_1281], %mul3A_1278 {strides = array<i32>} : memref<16x128xf32, #tpu.memory_space<vmem>>, vector<16xf32>,
        %get3A_1283 = arith.constant 15 : i32
        %get3A_1284 = arith.index_cast %get3A_1283 : i32 to index
        %get3A_1285 = arith.constant 64 : index
        %get3A_1286 = tpu.vector_load %arg13[%get3A_1284, %get3A_1285] {strides = array<i32>} : memref<16x128xf32, #tpu.memory_space<vmem>>, vector<16xf32>,
        %mul3A_1287 = arith.mulf %get3A_1286, %broadcast_in_dim3A_1246 : vector<16xf32>
        %swap3A_1288 = arith.constant 15 : i32
        %swap3A_1289 = arith.index_cast %swap3A_1288 : i32 to index
        %swap3A_1290 = arith.constant 64 : index
        %swap3A_1291 = tpu.vector_load %arg13[%swap3A_1289, %swap3A_1290] {strides = array<i32>} : memref<16x128xf32, #tpu.memory_space<vmem>>, vector<16xf32>,
        tpu.vector_store %arg13[%swap3A_1289, %swap3A_1290], %mul3A_1287 {strides = array<i32>} : memref<16x128xf32, #tpu.memory_space<vmem>>, vector<16xf32>,
        %get3A_1292 = arith.constant 15 : i32
        %get3A_1293 = arith.index_cast %get3A_1292 : i32 to index
        %get3A_1294 = arith.constant 80 : index
        %get3A_1295 = tpu.vector_load %arg13[%get3A_1293, %get3A_1294] {strides = array<i32>} : memref<16x128xf32, #tpu.memory_space<vmem>>, vector<16xf32>,
        %mul3A_1296 = arith.mulf %get3A_1295, %broadcast_in_dim3A_1246 : vector<16xf32>
        %swap3A_1297 = arith.constant 15 : i32
        %swap3A_1298 = arith.index_cast %swap3A_1297 : i32 to index
        %swap3A_1299 = arith.constant 80 : index
        %swap3A_1300 = tpu.vector_load %arg13[%swap3A_1298, %swap3A_1299] {strides = array<i32>} : memref<16x128xf32, #tpu.memory_space<vmem>>, vector<16xf32>,
        tpu.vector_store %arg13[%swap3A_1298, %swap3A_1299], %mul3A_1296 {strides = array<i32>} : memref<16x128xf32, #tpu.memory_space<vmem>>, vector<16xf32>,
        %get3A_1301 = arith.constant 15 : i32
        %get3A_1302 = arith.index_cast %get3A_1301 : i32 to index
        %get3A_1303 = arith.constant 96 : index
        %get3A_1304 = tpu.vector_load %arg13[%get3A_1302, %get3A_1303] {strides = array<i32>} : memref<16x128xf32, #tpu.memory_space<vmem>>, vector<16xf32>,
        %mul3A_1305 = arith.mulf %get3A_1304, %broadcast_in_dim3A_1246 : vector<16xf32>
        %swap3A_1306 = arith.constant 15 : i32
        %swap3A_1307 = arith.index_cast %swap3A_1306 : i32 to index
        %swap3A_1308 = arith.constant 96 : index
        %swap3A_1309 = tpu.vector_load %arg13[%swap3A_1307, %swap3A_1308] {strides = array<i32>} : memref<16x128xf32, #tpu.memory_space<vmem>>, vector<16xf32>,
        tpu.vector_store %arg13[%swap3A_1307, %swap3A_1308], %mul3A_1305 {strides = array<i32>} : memref<16x128xf32, #tpu.memory_space<vmem>>, vector<16xf32>,
        %get3A_1310 = arith.constant 15 : i32
        %get3A_1311 = arith.index_cast %get3A_1310 : i32 to index
        %get3A_1312 = arith.constant 112 : index
        %get3A_1313 = tpu.vector_load %arg13[%get3A_1311, %get3A_1312] {strides = array<i32>} : memref<16x128xf32, #tpu.memory_space<vmem>>, vector<16xf32>,
        %mul3A_1314 = arith.mulf %get3A_1313, %broadcast_in_dim3A_1246 : vector<16xf32>
        %swap3A_1315 = arith.constant 15 : i32
        %swap3A_1316 = arith.index_cast %swap3A_1315 : i32 to index
        %swap3A_1317 = arith.constant 112 : index
        %swap3A_1318 = tpu.vector_load %arg13[%swap3A_1316, %swap3A_1317] {strides = array<i32>} : memref<16x128xf32, #tpu.memory_space<vmem>>, vector<16xf32>,
        tpu.vector_store %arg13[%swap3A_1316, %swap3A_1317], %mul3A_1314 {strides = array<i32>} : memref<16x128xf32, #tpu.memory_space<vmem>>, vector<16xf32>,
        %mul3A_1319 = arith.constant 10000 : i32
        %mul3A_1320 = arith.muli %arg0, %mul3A_1319 : i32
        %add3A_1321 = arith.addi %mul3A_1320, %mul3A_4 : i32
        %add3A_1322 = arith.addi %add3A_1321, %mul3A_113 : i32
        "tpu.region"() ({
          %run_scoped3A_1323 = tpu.sem_alloc : memref<!tpu.dma_semaphore, #tpu.memory_space<semaphore_mem>>
          %dma_start3A = arith.constant 0 : i32
          %dma_start3A_1324 = tpu.memref_slice %arg5[%add3A_1322, %dma_start3A] : memref<20000x128xf32, #tpu.memory_space<hbm>> -> memref<16x128xf32, #tpu.memory_space<hbm>>
          %dma_start3A_1325 = arith.constant 0 : i32
          %dma_start3A_1326 = tpu.memref_slice %arg5[%add3A_1322, %dma_start3A_1325] : memref<20000x128xf32, #tpu.memory_space<hbm>> -> memref<16x128xf32, #tpu.memory_space<hbm>>
          tpu.enqueue_dma source(%arg13 : memref<16x128xf32, #tpu.memory_space<vmem>>) target(%dma_start3A_1326 : memref<16x128xf32, #tpu.memory_space<hbm>>) target_semaphore(%run_scoped3A_1323 : memref<!tpu.dma_semaphore, #tpu.memory_space<semaphore_mem>>)
          %dma_wait3A = arith.constant 0 : i32
          %dma_wait3A_1327 = tpu.memref_slice %arg5[%add3A_1322, %dma_wait3A] : memref<20000x128xf32, #tpu.memory_space<hbm>> -> memref<16x128xf32, #tpu.memory_space<hbm>>
          %dma_wait3A_1328 = arith.constant 0 : i32
          %dma_wait3A_1329 = tpu.memref_slice %arg5[%add3A_1322, %dma_wait3A_1328] : memref<20000x128xf32, #tpu.memory_space<hbm>> -> memref<16x128xf32, #tpu.memory_space<hbm>>
          tpu.wait_dma2 semaphore(%run_scoped3A_1323 : memref<!tpu.dma_semaphore, #tpu.memory_space<semaphore_mem>>) src(%arg13 : memref<16x128xf32, #tpu.memory_space<vmem>>) dst(%dma_wait3A_1329 : memref<16x128xf32, #tpu.memory_space<hbm>>)
          tpu.yield
        }) : () -> ()
      } else {
      }
    }
    %scan3A_110 = arith.constant 40 : i32
    return
  }
}

</mosaic_0001>

<sc_bundles>
// kernel: _sc_scatter.3.cloned.1.call-start
scs
__scs_entry_jumppad:
0x0: {  	(pc) =	sbr.rel $0x88, $3  }
0x1: {  	(tag) =	ssettag $0x0;
	lr =	simm.s32 $0x1  }
0x2: {  	[smem:$0x3F9E] =	sst lr;
	_ =	strace $0xD0000000  }
0x3: {  	_ = 	snop  }
0x4: {  	_ = 	snop  }
0x5: {  	_ = 	snop  }
0x6: {  	_ = 	snop  }
0x7: {  	_ = 	snop  }
__scs_overlays_trampoline_lowered:
0x8: {  	[smem:$0x3FAD] =	sst s0  }
0x9: {  	[smem:$0x3FAE] =	sst s1  }
0xa: {  	[smem:$0x3FAF] =	sst s2  }
0xb: {  	[smem:$0x3FB0] =	sst s3  }
0xc: {  	[smem:$0x3FB1] =	sst s4  }
0xd: {  	[smem:$0x3FB2] =	sst s5  }
0xe: {  	[smem:$0x3FB3] =	sst s6  }
0xf: {  	[smem:$0x3FB4] =	sst s7  }
0x10: {  	[smem:$0x3FB5] =	sst s8  }
0x11: {  	[smem:$0x3FB6] =	sst s9;
	s0 =	simm.s32 @!p0 $0x0  }
0x12: {  	s1 =	sld [smem:$0x3F9C];
	s0 =	simm.s32 @p0 $0x1  }
0x13: {  	[smem:$0x3FB7] =	sst s0;
	s0 =	simm.s32 @!p1 $0x0  }
0x14: {  	s2 =	sld [smem:$0x3F9B];
	s0 =	simm.s32 @p1 $0x1  }
0x15: {  	[smem:$0x3FB8] =	sst s0;
	s0 =	simm.s32 @!p2 $0x0  }
0x16: {  	s3 =	sld [smem:$0x3FDB];
	s0 =	simm.s32 @p2 $0x1  }
0x17: {  	s4 =	simm.s32 $0x1BF5;
	[smem:$0x3FBA] =	sst s0  }
0x18: {  	s0 =	sld [smem:$0x3F9D];
	_ =	swait.ge [sflag:s4], $0x0  }
0x19: {  	s7 =	sld [smem:$0x3F9E]  }
0x1a: {  	s8 =	sadd.s32 $0xFFFFE003, lr  }
0x1b: {  	s9 =	sadd.s32 $0xFFFFFEF7, lr;
	s5 =	simm.s32 $0xFFFFFFFF;
	p2 =	slt.u32 s8, $0xFFFFF086  }
0x1c: {  	p1 =	slt.u32 s9, $0xF7A;
	s5 =	simm.s32 @!p2 $0x0  }
0x1d: {  	s5 =	simm.s32 @p1 $0x1;
	p0 =	seq.s32 s7, s2  }
0x1e: {  	s7 =	smul.u32 @!p0 $0xF7A, s2;
	p2 =	seq.s32 @!p0 s5, $0x0  }
0x1f: {  	s9 =	smul.u32 $0xF7A, s1;
	s8 =	simm.s32 @!p0 $0x1BF5;
	p2 =	por !p2, p0  }
0x20: {  	[sflag:s8] =	ssyncset.s32 @!p0 $0xFFFFF086;
	s6 =	sadd.s32 @!p0 s3, s7;
	s7 =	simm.s32 @!p0 $0x108  }
0x21: {  	s3 =	sadd.s32 s3, s9;
	s6 =	sadd.s32 @!p0 $0x88, s6;
	s7 =	simm.s32 @p2 $0x1082  }
0x22: {  	[simem:s7], [sflag:s8] =	dma.local @!p0 [hbm:s6], $0xF7A  }
0x23: {  	s9 =	sor.u32 $0xD0000000, s2;
	s6 =	simm.s32 $0x108;
	_ =	swait.ge @!p0 [sflag:s8], $0x0  }
0x24: {  	s3 =	sadd.s32 $0x88, s3;
	s6 =	simm.s32 @!p1 $0x1082;
	[sflag:s4] =	ssyncset.s32 $0xFFFFF086  }
0x25: {  	[simem:s6], [sflag:s4] =	dma.local [hbm:s3], $0xF7A  }
0x26: {  	[smem:$0x3F9E] =	sst s1;
	(tag) =	ssettag s2;
	_ =	strace s9  }
0x27: {  	s1 =	sld [smem:$0x3FAE]  }
0x28: {  	s2 =	sld [smem:$0x3FAF]  }
0x29: {  	s4 =	sld [smem:$0x3FB1]  }
0x2a: {  	p0 =	seq.s32 s5, $0x0;
	s5 =	sld [smem:$0x3FB2]  }
0x2b: {  	s6 =	sld [smem:$0x3FB3]  }
0x2c: {  	s7 =	sld [smem:$0x3FB4]  }
0x2d: {  	s3 =	simm.s32 $0x108;
	s8 =	sld [smem:$0x3FB5]  }
0x2e: {  	s3 =	simm.s32 @!p0 $0x1082;
	s9 =	sld [smem:$0x3FB6]  }
0x2f: {  	lr =	sadd.s32 s0, s3;
	s0 =	sld [smem:$0x3FAD]  }
0x30: {  	s3 =	sld [smem:$0x3FB0]  }
0x31: {  	[smem:$0x3FB9] =	sst s10  }
0x32: {  	s10 =	sld [smem:$0x3FB7];
	_ =	sdelay $0x3  }
0x33: {  	p0 =	seq.s32 s10, $0x1;
	s10 =	sld [smem:$0x3FB9];
	_ =	sdelay $0x3  }
0x34: {  	[smem:$0x3FB9] =	sst s10  }
0x35: {  	s10 =	sld [smem:$0x3FB8];
	_ =	sdelay $0x3  }
0x36: {  	p1 =	seq.s32 s10, $0x1;
	s10 =	sld [smem:$0x3FB9];
	_ =	sdelay $0x3  }
0x37: {  	[smem:$0x3FB9] =	sst s10  }
0x38: {  	s10 =	sld [smem:$0x3FBA]  }
0x39: {  	_ = 	snop;
	(pc) =	sbr.ind lr, $3  }
0x3a: {  	_ = 	snop  }
0x3b: {  	_ = 	snop  }
0x3c: {  	p2 =	seq.s32 s10, $0x1;
	s10 =	sld [smem:$0x3FB9]  }
0x3d: {  	_ =	shalt  }
0x3e: {  	_ =	shalt  }
0x3f: {  	_ =	shalt  }
0x40: {  	_ =	shalt  }
0x41: {  	_ =	shalt  }
0x42: {  	_ =	shalt  }
0x43: {  	_ =	shalt  }
0x44: {  	_ =	shalt  }
0x45: {  	_ =	shalt  }
0x46: {  	_ =	shalt  }
0x47: {  	_ =	shalt  }
0x48: {  	_ =	shalt  }
0x49: {  	_ =	shalt  }
0x4a: {  	_ =	shalt  }
0x4b: {  	_ =	shalt  }
0x4c: {  	_ =	shalt  }
0x4d: {  	_ =	shalt  }
0x4e: {  	_ =	shalt  }
0x4f: {  	_ =	shalt  }
0x50: {  	_ =	shalt  }
0x51: {  	_ =	shalt  }
0x52: {  	_ =	shalt  }
0x53: {  	_ =	shalt  }
0x54: {  	_ =	shalt  }
0x55: {  	_ =	shalt  }
0x56: {  	_ =	shalt  }
0x57: {  	_ =	shalt  }
0x58: {  	_ =	shalt  }
0x59: {  	_ =	shalt  }
0x5a: {  	_ =	shalt  }
0x5b: {  	_ =	shalt  }
0x5c: {  	_ =	shalt  }
0x5d: {  	_ =	shalt  }
0x5e: {  	_ =	shalt  }
0x5f: {  	_ =	shalt  }
0x60: {  	_ =	shalt  }
0x61: {  	_ =	shalt  }
0x62: {  	_ =	shalt  }
0x63: {  	_ =	shalt  }
0x64: {  	_ =	shalt  }
0x65: {  	_ =	shalt  }
0x66: {  	_ =	shalt  }
0x67: {  	_ =	shalt  }
0x68: {  	_ =	shalt  }
0x69: {  	_ =	shalt  }
0x6a: {  	_ =	shalt  }
0x6b: {  	_ =	shalt  }
0x6c: {  	_ =	shalt  }
0x6d: {  	_ =	shalt  }
0x6e: {  	_ =	shalt  }
0x6f: {  	_ =	shalt  }
0x70: {  	_ =	shalt  }
0x71: {  	_ =	shalt  }
0x72: {  	_ =	shalt  }
0x73: {  	_ =	shalt  }
0x74: {  	_ =	shalt  }
0x75: {  	_ =	shalt  }
0x76: {  	_ =	shalt  }
0x77: {  	_ =	shalt  }
0x78: {  	_ =	shalt  }
0x79: {  	_ =	shalt  }
0x7a: {  	_ =	shalt  }
0x7b: {  	_ =	shalt  }
0x7c: {  	_ =	shalt  }
0x7d: {  	_ =	shalt  }
0x7e: {  	_ =	shalt  }
0x7f: {  	_ =	shalt  }
0x80: {  	_ =	shalt  }
0x81: {  	_ =	shalt  }
0x82: {  	_ =	shalt  }
0x83: {  	_ =	shalt  }
0x84: {  	_ =	shalt  }
0x85: {  	_ =	shalt  }
0x86: {  	_ =	shalt  }
0x87: {  	_ =	shalt  }
.Lfunc_end0:
.L_simem_size_0:
called_computation_lowered:
.L_overlay_start_0:
0x88: {  	s2 =	sld [smem:$0x3FD9]  }
0x89: {  	s3 =	sld [smem:$0x3FFE];
	_ =	sdelay $0x1  }
0x8a: {  	s1 =	srdreg.scid  }
0x8b: {  	s0 =	sand.u32 $0x1, s1  }
0x8c: {  	s17 =	sshll.u32 s0, $0xA;
	s2 =	sadd.s32 s3, s2  }
0x8d: {  	s2 =	sadd.s32 s2, s17  }
0x8e: {  	[smem:$0x3FC5] =	sst s2  }
0x8f: {  	_ = 	snop  }
0x90: {  	s2 =	sld [smem:$0x3FC9]  }
0x91: {  	s18 =	sld [smem:$0x3FC8]  }
0x92: {  	s4 =	sld [smem:$0x3FC7]  }
0x93: {  	s5 =	sld [smem:$0x3FD0];
	(tm) =	ssettm $0x1  }
0x94: {  	s6 =	sld [smem:$0x3FFB];
	_ =	sdelay $0x3  }
0x95: {  	_ =	strace s6  }
0x96: {  	s6 =	sld [smem:$0x3FFC];
	_ =	sdelay $0x3  }
0x97: {  	_ =	strace s6  }
0x98: {  	s6 =	sld [smem:$0x3FFD];
	_ =	sdelay $0x3  }
0x99: {  	_ =	strace s6  }
0x9a: {  	_ =	strace $0x8FFFFFFF  }
0x9b: {  	s19 =	sld [smem:$0x3FDB];
	_ =	sdelay $0x1  }
0x9c: {  	s7 =	simm.s32 $_scs_section_size  }
0x9d: {  	s8 =	simm.s32 $_size__tile_overlayer_lowered;
	s9 =	simm.s32 $_tile_overlayer_lowered  }
0x9e: {  	s22 =	simm.s32 $0x1BFF;
	s21 =	sshll.u32 s9, $0x1;
	s6 =	sadd.s32 s7, s19  }
0x9f: {  	s10 =	simm.s32 $0x0;
	s20 =	sshll.u32 s8, $0x1;
	s8 =	sadd.s32 s21, s6  }
0xa0: {  	[timem:s10], [sflag:s22] =	dma.local [hbm:s8], s20  }
0xa1: {  	_ =	swait.ge [sflag:s22], s20  }
0xa2: {  	s7 =	ssub.s32 $0x0, s20;
	[sflag:s22] =	ssyncset.done $0x0  }
0xa3: {  	[sflag:s22] =	ssyncadd.s32 s7;
	_ =	sdelay $0x1  }
0xa4: {  	s23 =	simm.s32 $0x1B8B  }
0xa5: {  	_ =	swait.ge [sflag:s23], $0x1  }
0xa6: {  	[sflag:s23] =	ssyncset.done $0x0  }
0xa7: {  	s25 =	simm.s32 $0x1B8E;
	s24 =	sld [smem:$0x3FFE];
	[sflag:s23] =	ssyncadd.s32 $0xFFFFFFFF  }
0xa8: {  	s26 =	simm.s32 $execute0_lowered;
	[smem:$0x3FD2] =	sst s25  }
0xa9: {  	s8 =	sshll.u32 s26, $0x1;
	_ =	strace $0x80000046;
	[dreg:$0x1] =	wrdreg $0xFFFFFFFF  }
0xaa: {  	s28 =	simm.s32 $_size_execute0_lowered;
	s6 =	sadd.s32 s6, s8;
	[dreg:$0x0] =	wrdreg $0x0  }
0xab: {  	s8 =	sshll.u32 s28, $0x1;
	[dreg:$0x2] =	wrdreg s6  }
0xac: {  	[dreg:$0x3] =	wrdreg s8  }
0xad: {  	[dreg:$0x4] =	wrdreg $0xC0  }
0xae: {  	_ =	task [dreg:s10], $0x5FFFF  }
0xaf: {  	[dreg:$0x1] =	wrdreg $0xFFFFFFFF  }
0xb0: {  	[dreg:$0x0] =	wrdreg $0x60  }
0xb1: {  	[dreg:$0x2] =	wrdreg s2  }
0xb2: {  	[dreg:$0x3] =	wrdreg s18  }
0xb3: {  	[dreg:$0x4] =	wrdreg s4  }
0xb4: {  	[dreg:$0x5] =	wrdreg s5  }
0xb5: {  	[dreg:$0x6] =	wrdreg s24  }
0xb6: {  	[dreg:$0x7] =	wrdreg $0xB8800  }
0xb7: {  	[dreg:$0x8] =	wrdreg $0xBB000  }
0xb8: {  	[dreg:$0x9] =	wrdreg $0x9  }
0xb9: {  	_ =	task.clear_ibuf [dreg:s10], $0xAFFFF;
	_ =	strace $0x90000046  }
0xba: {  	s29 =	simm.s32 $0x9;
	_ =	strace $0x80000048  }
0xbb: {  	_ =	swait.ge [sflag:s29], $0x1  }
0xbc: {  	[sflag:s29] =	ssyncadd.s32 $0xFFFFFFFF  }
0xbd: {  	_ =	strace $0x90000048  }
0xbe: {  	_ =	sfence  }
0xbf: {  	s30 =	sld [smem:$0x0];
	_ =	sdelay $0x2  }
0xc0: {  	s31 =	sshll.u32 s1, $0xD;
	s1 =	sshrl.u32 s1, $0x2  }
0xc1: {  	s3 =	sand.u32 $0x4000, s31;
	s1 =	sadd.s32 s1, s30  }
0xc2: {  	s0 =	sor.u32 s3, s0;
	s1 =	sshll.u32 s1, $0x11  }
0xc3: {  	s0 =	sor.u32 s1, s0  }
0xc4: {  	s0 =	sadd.s32 $0x8F2B, s0  }
0xc5: {  	[sflag:s0] =	ssyncadd.remote.s32 $0x1  }
0xc6: {  	_ =	sfence.sel $0xFFFF  }
0xc7: {  	[dreg:$0x0] =	wrdreg $0xFFFFFFFF;
	(pc) =	sbr.abs _section_cstart, $3  }
0xc8: {  	[dreg:$0x1] =	wrdreg $0xFFFFFFFF  }
0xc9: {  	_ =	task.clear_ibuf [dreg:s10], $0x2FFFF;
	_ =	strace $0x9FFFFFFF  }
0xca: {  	(tm) =	ssettm $0x7FFFFFFF  }
0xcb: {  	_ =	shalt  }
tec
execute0_lowered:
.L_overlay_start_1:
0x0: {  	(tag) =	ssettag $0x1  }
0x1: {  	s0 =	rddreg [dreg:$0x0]  }
0x2: {  	s1 =	rddreg [dreg:$0x1]  }
0x3: {  	s2 =	rddreg [dreg:$0x2]  }
0x4: {  	s3 =	rddreg [dreg:$0x3]  }
0x5: {  	s5 =	rddreg [dreg:$0x4]  }
0x6: {  	s19 =	rddreg [dreg:$0x5]  }
0x7: {  	s4 =	rddreg [dreg:$0x6];
	s7 =	simm.s32 $0x0  }
0x8: {  	s6 =	srdreg.scid;
	s28 =	simm.s32 $0x50;
	s30 =	simm.s32 $0x4A80  }
0x9: {  	s31 =	simm.s32 $0x5A80;
	[smem:$0x7FF] =	sst s7;
	s7 =	stileid.u32  }
0xa: {  	s9 =	sand.u32 $0x1, s6;
	s6 =	sadd.s32 $0x800, s5;
	s14 =	sadd.s32 $0x400, s19  }
0xb: {  	s15 =	sadd.s32 $0x800, s19;
	_ =	strace $0x80000047;
	[dreg:$0xb] =	wrdreg s14  }
0xc: {  	s16 =	sadd.s32 $0xC00, s19;
	s17 =	sadd.s32 $0x1000, s19;
	[dreg:$0xc] =	wrdreg s15  }
0xd: {  	s20 =	sadd.s32 $0x1400, s19;
	s10 =	smul.u32 $0x50000, s7;
	[dreg:$0xd] =	wrdreg s16  }
0xe: {  	s21 =	sadd.s32 $0x1800, s19;
	s11 =	smul.u32 $0x280, s7;
	[dreg:$0xe] =	wrdreg s17  }
0xf: {  	s22 =	sadd.s32 $0x1C00, s19;
	s12 =	smul.u32 $0x2800, s9;
	[dreg:$0xf] =	wrdreg s20  }
0x10: {  	s24 =	sadd.s32 $0x2000, s19;
	s18 =	smul.u32 $0x27100, s9;
	[dreg:$0x10] =	wrdreg s21  }
0x11: {  	s8 =	ssub.s32 $0x2, s9;
	s9 =	smul.u32 $0x28000, s9;
	[dreg:$0x11] =	wrdreg s22  }
0x12: {  	s29 =	sadd.s32 $0x2400, s19;
	s23 =	smul.u32 $0x2800, s7;
	[dreg:$0x12] =	wrdreg s24  }
0x13: {  	[dreg:$0x14] =	wrdreg s29;
	p0 =	sne.s32 s7, $0x0;
	s24 =	simm.s32 $0x5  }
0x14: {  	s14 =	simm.s32 $0x2;
	s15 =	simm.s32 $0xB800;
	s13 =	sshrl.u32 s8, $0x1  }
0x15: {  	s16 =	simm.s32 $0x3;
	s17 =	simm.s32 $0x4;
	s5 =	ssub.s32 s8, s13  }
0x16: {  	s10 =	sshrl.u32 s10, $0x2;
	s8 =	smul.u32 $0x4E20, s7;
	[dreg:$0x8] =	wrdreg s11  }
0x17: {  	s11 =	sadd.s32 s11, s19;
	s3 =	sadd.s32 s18, s3;
	s2 =	sadd.s32 s9, s2  }
0x18: {  	s25 =	sadd.s32 s9, s6;
	s9 =	simm.s32 $0xB700;
	v0 =	vmov s12;
	s12 =	simm.s32 $0x1  }
.Ltmp0:
0x19: {  	s13 =	simm.s32 $0xB780;
	[dreg:$0x9] =	wrdreg s11;
	(pc) =	sbr.rel .LBB2_1-.Ltmp0, $4  }
0x1a: {  	s10 =	sadd.s32 s10, s4;
	s5 =	smax.u32 s5, $0x1;
	s20 =	sadd.s32 s23, s25  }
0x1b: {  	v1 =	vlaneseq.u32;
	s21 =	sadd.s32 s23, s2;
	s26 =	sadd.s32 s23, s3;
	s25 =	simm.s32 $0x1000  }
0x1c: {  	v2 =	vimm.f32 $0.0e+00;
	v3 =	vimm.f32 $1.000000000e+00;
	v4 =	vor.u32 $0x10, v1;
	s2 =	simm.s32 $0x6680;
	s11 =	simm.s32 $0x8E80;
	[dreg:$0xa] =	wrdreg s5  }
0x1d: {  	v5 =	vor.u32 $0x20, v1;
	v6 =	vor.u32 $0x30, v1;
	v7 =	vor.u32 $0x40, v1;
	[dreg:$0x13] =	wrdreg s26;
	s26 =	simm.s32 $0x2000;
	s5 =	simm.s32 $0x0  }
.LBB2_21:
0x1e: {  	s5 =	rddreg [dreg:$0x15]  }
0x1f: {  	s3 =	rddreg [dreg:$0xa];
	s5 =	sadd.s32 $0x1, s5  }
0x20: {  	p1 =	sne.s32 s5, s3  }
.Ltmp1:
0x21: {  	_ = 	snop;
	(pc) =	sbr.rel @!p1 .LBB2_22-.Ltmp1, $1  }
0x22: {  	_ =	sdelay $0x3  }
.LBB2_1:
0x23: {  	[tilespmem:$0x5A80] =	vst v2  }
0x24: {  	[tilespmem:$0x5A90] =	vst v2  }
0x25: {  	[tilespmem:$0x5AA0] =	vst v2  }
0x26: {  	[tilespmem:$0x5AB0] =	vst v2  }
0x27: {  	[tilespmem:$0x5AC0] =	vst v2  }
0x28: {  	[tilespmem:$0x5AD0] =	vst v2  }
0x29: {  	[tilespmem:$0x5AE0] =	vst v2  }
0x2a: {  	[tilespmem:$0x5AF0] =	vst v2  }
0x2b: {  	[tilespmem:$0x5B00] =	vst v2  }
0x2c: {  	[tilespmem:$0x5B10] =	vst v2  }
0x2d: {  	[tilespmem:$0x5B20] =	vst v2  }
0x2e: {  	[tilespmem:$0x5B30] =	vst v2  }
0x2f: {  	[tilespmem:$0x5B40] =	vst v2  }
0x30: {  	[tilespmem:$0x5B50] =	vst v2  }
0x31: {  	[tilespmem:$0x5B60] =	vst v2  }
0x32: {  	[tilespmem:$0x5B70] =	vst v2  }
0x33: {  	[tilespmem:$0x5B80] =	vst v2  }
0x34: {  	[tilespmem:$0x5B90] =	vst v2  }
0x35: {  	[tilespmem:$0x5BA0] =	vst v2  }
0x36: {  	[tilespmem:$0x5BB0] =	vst v2  }
0x37: {  	[tilespmem:$0x5BC0] =	vst v2  }
0x38: {  	[tilespmem:$0x5BD0] =	vst v2  }
0x39: {  	[tilespmem:$0x5BE0] =	vst v2  }
0x3a: {  	[tilespmem:$0x5BF0] =	vst v2  }
0x3b: {  	[tilespmem:$0x5C00] =	vst v2  }
0x3c: {  	[tilespmem:$0x5C10] =	vst v2  }
0x3d: {  	[tilespmem:$0x5C20] =	vst v2  }
0x3e: {  	[tilespmem:$0x5C30] =	vst v2  }
0x3f: {  	[tilespmem:$0x5C40] =	vst v2  }
0x40: {  	[tilespmem:$0x5C50] =	vst v2  }
0x41: {  	[tilespmem:$0x5C60] =	vst v2  }
0x42: {  	[tilespmem:$0x5C70] =	vst v2  }
0x43: {  	[tilespmem:$0x5C80] =	vst v2  }
0x44: {  	[tilespmem:$0x5C90] =	vst v2  }
0x45: {  	[tilespmem:$0x5CA0] =	vst v2  }
0x46: {  	[tilespmem:$0x5CB0] =	vst v2  }
0x47: {  	[tilespmem:$0x5CC0] =	vst v2  }
0x48: {  	[tilespmem:$0x5CD0] =	vst v2  }
0x49: {  	[tilespmem:$0x5CE0] =	vst v2  }
0x4a: {  	[tilespmem:$0x5CF0] =	vst v2  }
0x4b: {  	[tilespmem:$0x5D00] =	vst v2  }
0x4c: {  	[tilespmem:$0x5D10] =	vst v2  }
0x4d: {  	[tilespmem:$0x5D20] =	vst v2  }
0x4e: {  	[tilespmem:$0x5D30] =	vst v2  }
0x4f: {  	[tilespmem:$0x5D40] =	vst v2  }
0x50: {  	[tilespmem:$0x5D50] =	vst v2  }
0x51: {  	[tilespmem:$0x5D60] =	vst v2  }
0x52: {  	[tilespmem:$0x5D70] =	vst v2  }
0x53: {  	[tilespmem:$0x5D80] =	vst v2  }
0x54: {  	[tilespmem:$0x5D90] =	vst v2  }
0x55: {  	[tilespmem:$0x5DA0] =	vst v2  }
0x56: {  	[tilespmem:$0x5DB0] =	vst v2  }
0x57: {  	[tilespmem:$0x5DC0] =	vst v2  }
0x58: {  	[tilespmem:$0x5DD0] =	vst v2  }
0x59: {  	[tilespmem:$0x5DE0] =	vst v2  }
0x5a: {  	[tilespmem:$0x5DF0] =	vst v2  }
0x5b: {  	[tilespmem:$0x5E00] =	vst v2  }
0x5c: {  	[tilespmem:$0x5E10] =	vst v2  }
0x5d: {  	[tilespmem:$0x5E20] =	vst v2  }
0x5e: {  	[tilespmem:$0x5E30] =	vst v2  }
0x5f: {  	[tilespmem:$0x5E40] =	vst v2  }
0x60: {  	[tilespmem:$0x5E50] =	vst v2  }
0x61: {  	[tilespmem:$0x5E60] =	vst v2  }
0x62: {  	[dreg:$0x15] =	wrdreg s5;
	[tilespmem:$0x5E70] =	vst v2;
	s3 =	simm.s32 $0x0;
	s5 =	simm.s32 $0x200  }
.LBB2_2:
0x63: {  	p1 =	sne.s32 s5, $0x9E00;
	[tilespmem:s3+$0x2070] =	vst v2  }
0x64: {  	[tilespmem:s3+$0x2000] =	vst v2  }
0x65: {  	[tilespmem:s3+$0x2010] =	vst v2  }
.Ltmp2:
0x66: {  	[tilespmem:s3+$0x2020] =	vst v2;
	(pc) =	sbr.rel @p1 .LBB2_2-.Ltmp2, $4  }
0x67: {  	[tilespmem:s3+$0x2030] =	vst v2  }
0x68: {  	[tilespmem:s3+$0x2040] =	vst v2  }
0x69: {  	[tilespmem:s3+$0x2050] =	vst v2  }
0x6a: {  	[tilespmem:s3+$0x2060] =	vst v2;
	s3 =	sshra.s32 s5, $0x2;
	s5 =	sadd.s32 $0x200, s5  }
0x6b: {  	[tilespmem:s3+$0x2070] =	vst v2  }
0x6c: {  	[tilespmem:s3+$0x2000] =	vst v2  }
0x6d: {  	[tilespmem:s3+$0x2010] =	vst v2  }
0x6e: {  	[tilespmem:s3+$0x2020] =	vst v2  }
0x6f: {  	[tilespmem:s3+$0x2030] =	vst v2  }
0x70: {  	[tilespmem:s3+$0x2040] =	vst v2  }
0x71: {  	[tilespmem:s3+$0x2050] =	vst v2  }
0x72: {  	[tilespmem:s3+$0x2060] =	vst v2;
	s3 =	simm.s32 @!p0 $0x5A80;
	s5 =	simm.s32 @!p0 $0x5  }
0x73: {  	[spmem:s19] =	stream.linear.scatter @!p0 [tilespmem:s3], [sflag:$0x5], $0x400, $0x38;
	[tilespmem:$0x1FB00] =	vst v63  }
0x74: {  	_ =	swait.ge @!p0 [sflag:s5], $0x400  }
0x75: {  	[sflag:s5] =	ssyncset.done @!p0 $0x0  }
0x76: {  	s7 =	rddreg [dreg:$0xb];
	[sflag:s5] =	ssyncadd.s32 @!p0 $0xFFFFFC00  }
0x77: {  	[spmem:s7] =	stream.linear.scatter @!p0 [tilespmem:s3], [sflag:$0x5], $0x400, $0x38;
	[tilespmem:$0x1FB00] =	vst v63  }
0x78: {  	_ =	swait.ge @!p0 [sflag:s5], $0x400  }
0x79: {  	[sflag:s5] =	ssyncset.done @!p0 $0x0  }
0x7a: {  	s7 =	rddreg [dreg:$0xc];
	[sflag:s5] =	ssyncadd.s32 @!p0 $0xFFFFFC00  }
0x7b: {  	[spmem:s7] =	stream.linear.scatter @!p0 [tilespmem:s3], [sflag:$0x5], $0x400, $0x38;
	[tilespmem:$0x1FB00] =	vst v63  }
0x7c: {  	_ =	swait.ge @!p0 [sflag:s5], $0x400  }
0x7d: {  	[sflag:s5] =	ssyncset.done @!p0 $0x0  }
0x7e: {  	s7 =	rddreg [dreg:$0xd];
	[sflag:s5] =	ssyncadd.s32 @!p0 $0xFFFFFC00  }
0x7f: {  	[spmem:s7] =	stream.linear.scatter @!p0 [tilespmem:s3], [sflag:$0x5], $0x400, $0x38;
	[tilespmem:$0x1FB00] =	vst v63  }
0x80: {  	_ =	swait.ge @!p0 [sflag:s5], $0x400  }
0x81: {  	[sflag:s5] =	ssyncset.done @!p0 $0x0  }
0x82: {  	s7 =	rddreg [dreg:$0xe];
	[sflag:s5] =	ssyncadd.s32 @!p0 $0xFFFFFC00  }
0x83: {  	[spmem:s7] =	stream.linear.scatter @!p0 [tilespmem:s3], [sflag:$0x5], $0x400, $0x38;
	[tilespmem:$0x1FB00] =	vst v63  }
0x84: {  	_ =	swait.ge @!p0 [sflag:s5], $0x400  }
0x85: {  	[sflag:s5] =	ssyncset.done @!p0 $0x0  }
0x86: {  	s7 =	rddreg [dreg:$0xf];
	[sflag:s5] =	ssyncadd.s32 @!p0 $0xFFFFFC00  }
0x87: {  	[spmem:s7] =	stream.linear.scatter @!p0 [tilespmem:s3], [sflag:$0x5], $0x400, $0x38;
	[tilespmem:$0x1FB00] =	vst v63  }
0x88: {  	_ =	swait.ge @!p0 [sflag:s5], $0x400  }
0x89: {  	[sflag:s5] =	ssyncset.done @!p0 $0x0  }
0x8a: {  	s7 =	rddreg [dreg:$0x10];
	[sflag:s5] =	ssyncadd.s32 @!p0 $0xFFFFFC00  }
0x8b: {  	[spmem:s7] =	stream.linear.scatter @!p0 [tilespmem:s3], [sflag:$0x5], $0x400, $0x38;
	[tilespmem:$0x1FB00] =	vst v63  }
0x8c: {  	_ =	swait.ge @!p0 [sflag:s5], $0x400  }
0x8d: {  	[sflag:s5] =	ssyncset.done @!p0 $0x0  }
0x8e: {  	s7 =	rddreg [dreg:$0x11];
	[sflag:s5] =	ssyncadd.s32 @!p0 $0xFFFFFC00  }
0x8f: {  	[spmem:s7] =	stream.linear.scatter @!p0 [tilespmem:s3], [sflag:$0x5], $0x400, $0x38;
	[tilespmem:$0x1FB00] =	vst v63  }
0x90: {  	_ =	swait.ge @!p0 [sflag:s5], $0x400  }
0x91: {  	[sflag:s5] =	ssyncset.done @!p0 $0x0  }
0x92: {  	s7 =	rddreg [dreg:$0x12];
	[sflag:s5] =	ssyncadd.s32 @!p0 $0xFFFFFC00  }
0x93: {  	[spmem:s7] =	stream.linear.scatter @!p0 [tilespmem:s3], [sflag:$0x5], $0x400, $0x38;
	[tilespmem:$0x1FB00] =	vst v63  }
0x94: {  	_ =	swait.ge @!p0 [sflag:s5], $0x400  }
0x95: {  	[sflag:s5] =	ssyncset.done @!p0 $0x0  }
0x96: {  	s7 =	rddreg [dreg:$0x14];
	[sflag:s5] =	ssyncadd.s32 @!p0 $0xFFFFFC00  }
0x97: {  	[spmem:s7] =	stream.linear.scatter @!p0 [tilespmem:s3], [sflag:$0x5], $0x400, $0x38;
	[tilespmem:$0x1FB00] =	vst v63  }
0x98: {  	_ =	swait.ge @!p0 [sflag:s5], $0x400  }
0x99: {  	[sflag:s5] =	ssyncset.done @!p0 $0x0  }
0x9a: {  	s3 =	simm.s32 $0x0;
	[sflag:s5] =	ssyncadd.s32 @!p0 $0xFFFFFC00;
	s5 =	simm.s32 $0x0  }
.LBB2_4:
0x9b: {  	s7 =	smul.u32 $0xFA0, s5;
	_ =	sdelay $0x1  }
0x9c: {  	s7 =	sadd.s32 s8, s7  }
0x9d: {  	s7 =	sshrl.u32 s7, $0x3  }
0x9e: {  	s18 =	sadd.s32 s0, s7  }
0x9f: {  	[tilespmem:s3], [sflag:$0x5] =	stream.linear.gather [hbm4b:s18+s3], $0xFA0, $0x38;
	[tilespmem:$0x1FB00] =	vst v63  }
0xa0: {  	_ =	swait.ge [sflag:s24], $0xFA0  }
0xa1: {  	[sflag:s24] =	ssyncset.done $0x0  }
0xa2: {  	s7 =	sadd.s32 s1, s7;
	[sflag:s24] =	ssyncadd.s32 $0xFFFFF060  }
0xa3: {  	[tilespmem:s25], [sflag:$0x5] =	stream.linear.gather [hbm4b:s7+s3], $0xFA0, $0x38;
	[tilespmem:$0x1FB00] =	vst v63  }
0xa4: {  	_ =	swait.ge [sflag:s24], $0xFA0  }
0xa5: {  	[sflag:s24] =	ssyncset.done $0x0  }
0xa6: {  	s18 =	simm.s32 $0x0;
	[sflag:s24] =	ssyncadd.s32 $0xFFFFF060  }
0xa7: {  	s7 =	simm.s32 $0x40;
	v8 =	vld [tilespmem:s18+$0x1000]  }
.LBB2_5:
0xa8: {  	p1 =	sne.s32 s7, $0x3E40;
	v9 =	vld [tilespmem:s18+$0x0];
	_ =	sdelay $0x4  }
0xa9: {  	vm0 =	veq.s32 v9, v8  }
0xaa: {  	v8 =	vsel vm0, $0x2710, v9;
	_ =	sdelay $0x1  }
.Ltmp3:
0xab: {  	(pc) =	sbr.rel @p1 .LBB2_5-.Ltmp3, $3  }
0xac: {  	_ =	sdelay $0x1  }
0xad: {  	s18 =	sshra.s32 s7, $0x2;
	[tilespmem:v8+s26+$0x0] =	vst.idx.add.f32.msk $0xffff, v3  }
0xae: {  	s7 =	sadd.s32 $0x40, s7;
	v8 =	vld [tilespmem:s18+$0x1000]  }
0xaf: {  	v9 =	vld [tilespmem:s18+$0x0];
	_ =	sdelay $0x4  }
0xb0: {  	s5 =	sadd.s32 $0x1, s5;
	vm0 =	veq.s32 v9, v8  }
0xb1: {  	p1 =	sne.s32 s5, $0x5;
	v8 =	vsel vm0, $0x2710, v9  }
.Ltmp4:
0xb2: {  	_ = 	snop;
	(pc) =	sbr.rel @p1 .LBB2_4-.Ltmp4, $2  }
0xb3: {  	_ =	sdelay $0x2  }
0xb4: {  	[tilespmem:v8+s26+$0x0] =	vst.idx.add.f32.msk $0xffff, v3  }
0xb5: {  	[tilespmem:$0xB680] =	vst v1  }
0xb6: {  	[tilespmem:$0xB690] =	vst v4  }
0xb7: {  	[tilespmem:$0xB6A0] =	vst v5  }
0xb8: {  	[tilespmem:$0xB6B0] =	vst v6  }
0xb9: {  	[tilespmem:$0xB6C0] =	vst v7  }
0xba: {  	s3 =	simm.s32 $0xB680;
	[bflag:$0x0] =	sbarrier.arrive $0xFFFF  }
0xbb: {  	[spmem:s19] =	stream.indirect.scatter.add.f32 [tilespmem:s26], [sflag:$0x5], $0x80, s3, s28, $0xb8;
	[tilespmem:$0x1FB00] =	vst v63  }
0xbc: {  	_ =	swait.ge [sflag:s24], $0x2800  }
0xbd: {  	[sflag:s24] =	ssyncset.done $0x0  }
0xbe: {  	[sflag:s24] =	ssyncadd.s32 $0xFFFFD800  }
0xbf: {  	[bflag:$0x0] =	sbarrier.arrive $0xFFFF  }
0xc0: {  	s22 =	simm.s32 $0x0;
	s23 =	rddreg [dreg:$0x9]  }
0xc1: {  	[tilespmem:s26], [sflag:$0x5] =	stream.linear.gather [spmem:s23], $0x280, $0x38;
	[tilespmem:$0x1FB00] =	vst v63  }
0xc2: {  	s29 =	sand.u32 $0xE00, s22;
	_ =	swait.ge [sflag:s24], $0x280  }
0xc3: {  	s5 =	sand.u32 $0x70, s22;
	s3 =	sshrl.u32 s29, $0x2;
	[sflag:s24] =	ssyncset.done $0x0  }
0xc4: {  	s3 =	sor.u32 s5, s3;
	[sflag:s24] =	ssyncadd.s32 $0xFFFFFD80  }
0xc5: {  	v9 =	vld [tilespmem:s3+$0x2000];
	_ =	sdelay $0x4  }
0xc6: {  	v8 =	vshra.s32 v9, $0x1;
	v10 =	vmul.f32 $5.000000000e-01, v9  }
0xc7: {  	v8 =	vsub.s32 $0x5F3759DF, v8  }
0xc8: {  	v11 =	vmul.f32 v8, v10;
	_ =	sdelay $0x1  }
0xc9: {  	v11 =	vmul.f32 v8, v11;
	_ =	sdelay $0x1  }
0xca: {  	v11 =	vsub.f32 $1.500000000e+00, v11;
	_ =	sdelay $0x1  }
0xcb: {  	v8 =	vmul.f32 v8, v11;
	_ =	sdelay $0x1  }
0xcc: {  	v11 =	vmul.f32 v8, v10;
	_ =	sdelay $0x1  }
0xcd: {  	v11 =	vmul.f32 v11, v8;
	_ =	sdelay $0x1  }
0xce: {  	v11 =	vsub.f32 $1.500000000e+00, v11;
	_ =	sdelay $0x1  }
0xcf: {  	v8 =	vmul.f32 v11, v8;
	_ =	sdelay $0x1  }
0xd0: {  	v10 =	vmul.f32 v8, v10;
	_ =	sdelay $0x1  }
0xd1: {  	v10 =	vmul.f32 v10, v8;
	_ =	sdelay $0x1  }
0xd2: {  	v10 =	vsub.f32 $1.500000000e+00, v10;
	_ =	sdelay $0x1  }
0xd3: {  	s7 =	simm.s32 $0x80;
	s3 =	simm.s32 $0x40;
	v8 =	vmul.f32 v10, v8  }
0xd4: {  	s5 =	simm.s32 $0x10;
	s23 =	simm.s32 $0x0;
	s18 =	sand.u32 $0xE00, s3;
	vm0 =	vgt.f32 v9, $0.0e+00  }
.LBB2_8:
0xd5: {  	p1 =	sne.s32 s7, $0x9C0;
	s29 =	sand.u32 $0x70, s5;
	s18 =	sshrl.u32 s18, $0x2;
	v8 =	vnsel vm0, $0x0, v8  }
0xd6: {  	s18 =	sor.u32 s29, s18;
	[tilespmem:s23+$0x4800] =	vst v8;
	s23 =	smov.u32 s3;
	s3 =	smov.u32 s7  }
0xd7: {  	v9 =	vld [tilespmem:s18+$0x2000];
	_ =	sdelay $0x4  }
0xd8: {  	v8 =	vshra.s32 v9, $0x1;
	v10 =	vmul.f32 $5.000000000e-01, v9  }
0xd9: {  	v8 =	vsub.s32 $0x5F3759DF, v8  }
0xda: {  	v11 =	vmul.f32 v8, v10;
	_ =	sdelay $0x1  }
0xdb: {  	v11 =	vmul.f32 v8, v11;
	_ =	sdelay $0x1  }
0xdc: {  	v11 =	vsub.f32 $1.500000000e+00, v11;
	_ =	sdelay $0x1  }
0xdd: {  	v8 =	vmul.f32 v8, v11;
	_ =	sdelay $0x1  }
0xde: {  	v11 =	vmul.f32 v8, v10;
	_ =	sdelay $0x1  }
0xdf: {  	v11 =	vmul.f32 v11, v8;
	_ =	sdelay $0x1  }
0xe0: {  	v11 =	vsub.f32 $1.500000000e+00, v11;
	_ =	sdelay $0x1  }
0xe1: {  	v8 =	vmul.f32 v11, v8;
	_ =	sdelay $0x1  }
0xe2: {  	v10 =	vmul.f32 v8, v10;
	_ =	sdelay $0x1  }
0xe3: {  	v10 =	vmul.f32 v10, v8  }
.Ltmp5:
0xe4: {  	(pc) =	sbr.rel @p1 .LBB2_8-.Ltmp5, $3  }
0xe5: {  	v10 =	vsub.f32 $1.500000000e+00, v10;
	_ =	sdelay $0x1  }
0xe6: {  	s5 =	sadd.s32 $0x10, s5;
	v8 =	vmul.f32 v10, v8  }
0xe7: {  	s7 =	sadd.s32 $0x40, s7;
	s18 =	sand.u32 $0xE00, s3;
	s23 =	sshra.s32 s23, $0x2;
	vm0 =	vgt.f32 v9, $0.0e+00  }
0xe8: {  	s5 =	sand.u32 $0x70, s5;
	s7 =	sshrl.u32 s18, $0x2;
	v8 =	vnsel vm0, $0x0, v8  }
0xe9: {  	s5 =	sor.u32 s5, s7;
	[tilespmem:s23+$0x4800] =	vst v8  }
0xea: {  	v8 =	vld [tilespmem:s5+$0x2000];
	_ =	sdelay $0x4  }
0xeb: {  	v9 =	vshra.s32 v8, $0x1;
	v10 =	vmul.f32 $5.000000000e-01, v8  }
0xec: {  	v9 =	vsub.s32 $0x5F3759DF, v9  }
0xed: {  	v11 =	vmul.f32 v9, v10;
	_ =	sdelay $0x1  }
0xee: {  	v11 =	vmul.f32 v9, v11;
	_ =	sdelay $0x1  }
0xef: {  	v11 =	vsub.f32 $1.500000000e+00, v11;
	_ =	sdelay $0x1  }
0xf0: {  	v9 =	vmul.f32 v9, v11;
	_ =	sdelay $0x1  }
0xf1: {  	v11 =	vmul.f32 v9, v10;
	_ =	sdelay $0x1  }
0xf2: {  	v11 =	vmul.f32 v11, v9;
	_ =	sdelay $0x1  }
0xf3: {  	v11 =	vsub.f32 $1.500000000e+00, v11;
	_ =	sdelay $0x1  }
0xf4: {  	v9 =	vmul.f32 v11, v9;
	_ =	sdelay $0x1  }
0xf5: {  	v10 =	vmul.f32 v9, v10;
	_ =	sdelay $0x1  }
0xf6: {  	v10 =	vmul.f32 v10, v9;
	_ =	sdelay $0x1  }
0xf7: {  	v10 =	vsub.f32 $1.500000000e+00, v10;
	_ =	sdelay $0x1  }
0xf8: {  	v9 =	vmul.f32 v10, v9  }
0xf9: {  	vm15 =	vgt.f32 v8, $0.0e+00  }
0xfa: {  	s3 =	sshra.s32 s3, $0x2;
	v8 =	vnsel vm15, $0x0, v9  }
0xfb: {  	[tilespmem:s3+$0x4800] =	vst v8;
	s3 =	simm.s32 $0x4810  }
.LBB2_10:
0xfc: {  	s5 =	sadd.s32 s22, s21;
	s7 =	simm.s32 $0x0  }
0xfd: {  	[tilespmem:s30], [sflag:$0x5] =	stream.linear.gather [hbm4b:s5+s7], $0x1000, $0x38;
	[tilespmem:$0x1FB00] =	vst v63  }
0xfe: {  	_ =	swait.ge [sflag:s24], $0x1000  }
0xff: {  	[sflag:s24] =	ssyncset.done $0x0  }
0x100: {  	[sflag:s24] =	ssyncadd.s32 $0xFFFFF000  }
0x101: {  	v8 =	vld [tilespmem:s3+$0xFFFFFFF0];
	_ =	sdelay $0x3  }
0x102: {  	v9 =	vld [tilespmem:$0x4A80]  }
0x103: {  	v10 =	vld [tilespmem:$0x4A90];
	v8 =	vsub.f32 $0.0e+00, v8  }
0x104: {  	v11 =	vld [tilespmem:$0x4AA0]  }
0x105: {  	v13 =	vld [tilespmem:$0x4AB0];
	v12 =	vbroadcast v8, $0x0  }
0x106: {  	v14 =	vld [tilespmem:$0x4AC0]  }
0x107: {  	v15 =	vld [tilespmem:$0x4AD0];
	v9 =	vmul.f32 v12, v9  }
0x108: {  	v16 =	vld [tilespmem:$0x4AE0];
	v10 =	vmul.f32 v10, v12  }
0x109: {  	v36 =	vld [tilespmem:$0x4AF0];
	v35 =	vmul.f32 v11, v12;
	[tilespmem:$0x4A80] =	vst v9  }
0x10a: {  	v37 =	vmul.f32 v13, v12;
	[tilespmem:$0x4A90] =	vst v10  }
0x10b: {  	v38 =	vmul.f32 v14, v12;
	[tilespmem:$0x4AA0] =	vst v35  }
0x10c: {  	v39 =	vmul.f32 v15, v12;
	[tilespmem:$0x4AB0] =	vst v37  }
0x10d: {  	v40 =	vmul.f32 v16, v12;
	[tilespmem:$0x4AC0] =	vst v38  }
0x10e: {  	v41 =	vmul.f32 v36, v12;
	[tilespmem:$0x4AD0] =	vst v39  }
0x10f: {  	[tilespmem:$0x4AE0] =	vst v40  }
0x110: {  	[tilespmem:$0x4AF0] =	vst v41  }
0x111: {  	v9 =	vld [tilespmem:$0x4B00]  }
0x112: {  	v42 =	vld [tilespmem:$0x4B10]  }
0x113: {  	v43 =	vld [tilespmem:$0x4B20]  }
0x114: {  	v44 =	vbroadcast v8, $0x1;
	v45 =	vld [tilespmem:$0x4B30]  }
0x115: {  	v46 =	vld [tilespmem:$0x4B40]  }
0x116: {  	v47 =	vld [tilespmem:$0x4B50];
	v9 =	vmul.f32 v9, v44  }
0x117: {  	v48 =	vld [tilespmem:$0x4B60];
	v10 =	vmul.f32 v42, v44  }
0x118: {  	v50 =	vld [tilespmem:$0x4B70];
	v49 =	vmul.f32 v43, v44;
	[tilespmem:$0x4B00] =	vst v9  }
0x119: {  	v52 =	vld [tilespmem:$0x4B80];
	v51 =	vmul.f32 v45, v44;
	[tilespmem:$0x4B10] =	vst v10  }
0x11a: {  	v54 =	vld [tilespmem:$0x4B90];
	v53 =	vmul.f32 v46, v44;
	[tilespmem:$0x4B20] =	vst v49  }
0x11b: {  	v56 =	vld [tilespmem:$0x4BA0];
	v55 =	vmul.f32 v47, v44;
	[tilespmem:$0x4B30] =	vst v51  }
0x11c: {  	v58 =	vbroadcast v8, $0x2;
	v17 =	vld [tilespmem:$0x4BB0];
	v57 =	vmul.f32 v48, v44;
	[tilespmem:$0x4B40] =	vst v53  }
0x11d: {  	v60 =	vld [tilespmem:$0x4BC0];
	v59 =	vmul.f32 v50, v44;
	[tilespmem:$0x4B50] =	vst v55  }
0x11e: {  	v62 =	vld [tilespmem:$0x4BD0];
	v61 =	vmul.f32 v52, v58;
	[tilespmem:$0x4B60] =	vst v57  }
0x11f: {  	v18 =	vld [tilespmem:$0x4BE0];
	v63 =	vmul.f32 v54, v58;
	[tilespmem:$0x4B70] =	vst v59  }
0x120: {  	v20 =	vld [tilespmem:$0x4BF0];
	v19 =	vmul.f32 v56, v58;
	[tilespmem:$0x4B80] =	vst v61  }
0x121: {  	v22 =	vld [tilespmem:$0x4C00];
	v21 =	vmul.f32 v17, v58;
	[tilespmem:$0x4B90] =	vst v63  }
0x122: {  	v24 =	vld [tilespmem:$0x4C10];
	v23 =	vmul.f32 v60, v58;
	[tilespmem:$0x4BA0] =	vst v19  }
0x123: {  	v26 =	vld [tilespmem:$0x4C20];
	v25 =	vmul.f32 v62, v58;
	[tilespmem:$0x4BB0] =	vst v21  }
0x124: {  	v28 =	vbroadcast v8, $0x3;
	v29 =	vld [tilespmem:$0x4C30];
	v27 =	vmul.f32 v18, v58;
	[tilespmem:$0x4BC0] =	vst v23  }
0x125: {  	v31 =	vld [tilespmem:$0x4C40];
	v30 =	vmul.f32 v20, v58;
	[tilespmem:$0x4BD0] =	vst v25  }
0x126: {  	v33 =	vld [tilespmem:$0x4C50];
	v32 =	vmul.f32 v22, v28;
	[tilespmem:$0x4BE0] =	vst v27  }
0x127: {  	v35 =	vld [tilespmem:$0x4C60];
	v34 =	vmul.f32 v24, v28;
	[tilespmem:$0x4BF0] =	vst v30  }
0x128: {  	v37 =	vld [tilespmem:$0x4C70];
	v36 =	vmul.f32 v26, v28;
	[tilespmem:$0x4C00] =	vst v32  }
0x129: {  	v39 =	vld [tilespmem:$0x4C80];
	v38 =	vmul.f32 v29, v28;
	[tilespmem:$0x4C10] =	vst v34  }
0x12a: {  	v41 =	vld [tilespmem:$0x4C90];
	v40 =	vmul.f32 v31, v28;
	[tilespmem:$0x4C20] =	vst v36  }
0x12b: {  	v42 =	vmul.f32 v33, v28;
	v43 =	vld [tilespmem:$0x4CA0];
	[tilespmem:$0x4C30] =	vst v38  }
0x12c: {  	v44 =	vmul.f32 v35, v28;
	v45 =	vbroadcast v8, $0x4;
	v46 =	vld [tilespmem:$0x4CB0];
	[tilespmem:$0x4C40] =	vst v40  }
0x12d: {  	v47 =	vmul.f32 v37, v28;
	v48 =	vld [tilespmem:$0x4CC0];
	[tilespmem:$0x4C50] =	vst v42  }
0x12e: {  	v50 =	vld [tilespmem:$0x4CD0];
	[tilespmem:$0x4C60] =	vst v44;
	v49 =	vmul.f32 v39, v45  }
0x12f: {  	v52 =	vld [tilespmem:$0x4CE0];
	[tilespmem:$0x4C70] =	vst v47;
	v51 =	vmul.f32 v41, v45  }
0x130: {  	v54 =	vld [tilespmem:$0x4CF0];
	[tilespmem:$0x4C80] =	vst v49;
	v53 =	vmul.f32 v43, v45  }
0x131: {  	v56 =	vld [tilespmem:$0x4D00];
	[tilespmem:$0x4C90] =	vst v51;
	v55 =	vmul.f32 v46, v45  }
0x132: {  	v58 =	vld [tilespmem:$0x4D10];
	v57 =	vmul.f32 v48, v45;
	[tilespmem:$0x4CA0] =	vst v53  }
0x133: {  	v60 =	vld [tilespmem:$0x4D20];
	v59 =	vmul.f32 v50, v45;
	[tilespmem:$0x4CB0] =	vst v55  }
0x134: {  	v62 =	vbroadcast v8, $0x5;
	v29 =	vld [tilespmem:$0x4D80];
	v61 =	vmul.f32 v52, v45;
	[tilespmem:$0x4CC0] =	vst v57  }
0x135: {  	v31 =	vld [tilespmem:$0x4D90];
	v20 =	vmul.f32 v54, v45;
	[tilespmem:$0x4CD0] =	vst v59  }
0x136: {  	v33 =	vld [tilespmem:$0x4DA0];
	v22 =	vmul.f32 v56, v62;
	[tilespmem:$0x4CE0] =	vst v61  }
0x137: {  	v35 =	vbroadcast v8, $0x6;
	v63 =	vld [tilespmem:$0x4D30];
	v24 =	vmul.f32 v58, v62;
	[tilespmem:$0x4CF0] =	vst v20  }
0x138: {  	v21 =	vld [tilespmem:$0x4D40];
	v26 =	vmul.f32 v60, v62;
	[tilespmem:$0x4D00] =	vst v22  }
0x139: {  	v23 =	vld [tilespmem:$0x4D50];
	v39 =	vmul.f32 v29, v35;
	[tilespmem:$0x4D10] =	vst v24  }
0x13a: {  	v25 =	vld [tilespmem:$0x4D60];
	v41 =	vmul.f32 v31, v35;
	[tilespmem:$0x4D20] =	vst v26  }
0x13b: {  	v27 =	vld [tilespmem:$0x4D70];
	v43 =	vmul.f32 v33, v35;
	[tilespmem:$0x4D80] =	vst v39  }
0x13c: {  	v36 =	vld [tilespmem:$0x4DB0];
	v28 =	vmul.f32 v63, v62;
	[tilespmem:$0x4D90] =	vst v41  }
0x13d: {  	v38 =	vld [tilespmem:$0x4DC0];
	v30 =	vmul.f32 v21, v62;
	[tilespmem:$0x4DA0] =	vst v43  }
0x13e: {  	v40 =	vld [tilespmem:$0x4DD0];
	v32 =	vmul.f32 v23, v62;
	[tilespmem:$0x4D30] =	vst v28  }
0x13f: {  	v42 =	vld [tilespmem:$0x4DE0];
	v34 =	vmul.f32 v25, v62;
	[tilespmem:$0x4D40] =	vst v30  }
0x140: {  	v44 =	vld [tilespmem:$0x4DF0];
	v37 =	vmul.f32 v27, v62;
	[tilespmem:$0x4D50] =	vst v32  }
0x141: {  	v46 =	vld [tilespmem:$0x4E00];
	v45 =	vmul.f32 v36, v35;
	[tilespmem:$0x4D60] =	vst v34  }
0x142: {  	v48 =	vld [tilespmem:$0x4E10];
	v47 =	vmul.f32 v38, v35;
	[tilespmem:$0x4D70] =	vst v37  }
0x143: {  	v50 =	vld [tilespmem:$0x4E20];
	v49 =	vmul.f32 v40, v35;
	[tilespmem:$0x4DB0] =	vst v45  }
0x144: {  	v52 =	vbroadcast v8, $0x7;
	v29 =	vld [tilespmem:$0x4ED0];
	v51 =	vmul.f32 v42, v35;
	[tilespmem:$0x4DC0] =	vst v47  }
0x145: {  	v31 =	vld [tilespmem:$0x4EE0];
	v54 =	vmul.f32 v44, v35;
	[tilespmem:$0x4DD0] =	vst v49  }
0x146: {  	v33 =	vld [tilespmem:$0x4EF0];
	[tilespmem:$0x4DE0] =	vst v51;
	v56 =	vmul.f32 v46, v52  }
0x147: {  	v53 =	vld [tilespmem:$0x4E30];
	v24 =	vbroadcast v8, $0x8;
	[tilespmem:$0x4DF0] =	vst v54;
	v58 =	vmul.f32 v48, v52  }
0x148: {  	v55 =	vld [tilespmem:$0x4E40];
	v60 =	vmul.f32 v50, v52;
	[tilespmem:$0x4E00] =	vst v56  }
0x149: {  	v57 =	vld [tilespmem:$0x4E50];
	v38 =	vmul.f32 v29, v24;
	[tilespmem:$0x4E10] =	vst v58  }
0x14a: {  	v59 =	vld [tilespmem:$0x4E60];
	v40 =	vmul.f32 v31, v24;
	[tilespmem:$0x4E20] =	vst v60  }
0x14b: {  	v61 =	vld [tilespmem:$0x4E70];
	v43 =	vmul.f32 v33, v24;
	[tilespmem:$0x4ED0] =	vst v38  }
0x14c: {  	v63 =	vld [tilespmem:$0x4E80];
	v62 =	vmul.f32 v53, v52;
	[tilespmem:$0x4EE0] =	vst v40  }
0x14d: {  	v20 =	vld [tilespmem:$0x4E90];
	v19 =	vmul.f32 v55, v52;
	[tilespmem:$0x4EF0] =	vst v43  }
0x14e: {  	v22 =	vld [tilespmem:$0x4EA0];
	v21 =	vmul.f32 v57, v52;
	[tilespmem:$0x4E30] =	vst v62  }
0x14f: {  	v25 =	vld [tilespmem:$0x4EB0];
	v23 =	vmul.f32 v59, v52;
	[tilespmem:$0x4E40] =	vst v19  }
0x150: {  	v27 =	vld [tilespmem:$0x4EC0];
	v26 =	vmul.f32 v61, v52;
	[tilespmem:$0x4E50] =	vst v21  }
0x151: {  	v35 =	vld [tilespmem:$0x4F00];
	v28 =	vmul.f32 v63, v24;
	[tilespmem:$0x4E60] =	vst v23  }
0x152: {  	v39 =	vld [tilespmem:$0x4F20];
	v30 =	vmul.f32 v20, v24;
	[tilespmem:$0x4E70] =	vst v26  }
0x153: {  	v42 =	vld [tilespmem:$0x4F30];
	v32 =	vmul.f32 v22, v24;
	[tilespmem:$0x4E80] =	vst v28  }
0x154: {  	v41 =	vbroadcast v8, $0x9;
	v44 =	vld [tilespmem:$0x4F40];
	v34 =	vmul.f32 v25, v24;
	[tilespmem:$0x4E90] =	vst v30  }
0x155: {  	v37 =	vld [tilespmem:$0x4F10];
	v36 =	vmul.f32 v27, v24;
	[tilespmem:$0x4EA0] =	vst v32  }
0x156: {  	v54 =	vld [tilespmem:$0x4F90];
	v45 =	vmul.f32 v35, v41;
	[tilespmem:$0x4EB0] =	vst v34  }
0x157: {  	v46 =	vld [tilespmem:$0x4F50];
	v49 =	vmul.f32 v39, v41;
	[tilespmem:$0x4EC0] =	vst v36  }
0x158: {  	v48 =	vld [tilespmem:$0x4F60];
	v51 =	vmul.f32 v42, v41;
	[tilespmem:$0x4F00] =	vst v45  }
0x159: {  	v50 =	vld [tilespmem:$0x4F70];
	v53 =	vmul.f32 v44, v41;
	v58 =	vbroadcast v8, $0xA;
	[tilespmem:$0x4F20] =	vst v49  }
0x15a: {  	v29 =	vld [tilespmem:$0x5020];
	v47 =	vmul.f32 v37, v41;
	[tilespmem:$0x4F30] =	vst v51  }
0x15b: {  	v52 =	vld [tilespmem:$0x4F80];
	[tilespmem:$0x4F40] =	vst v53;
	v20 =	vmul.f32 v54, v58  }
0x15c: {  	v56 =	vld [tilespmem:$0x4FA0];
	v55 =	vmul.f32 v46, v41;
	[tilespmem:$0x4F10] =	vst v47  }
0x15d: {  	v31 =	vbroadcast v8, $0xB;
	v59 =	vld [tilespmem:$0x4FB0];
	v57 =	vmul.f32 v48, v41;
	[tilespmem:$0x4F90] =	vst v20  }
0x15e: {  	v61 =	vld [tilespmem:$0x4FC0];
	v60 =	vmul.f32 v50, v41;
	[tilespmem:$0x4F50] =	vst v55  }
0x15f: {  	v63 =	vld [tilespmem:$0x4FD0];
	v39 =	vmul.f32 v29, v31;
	[tilespmem:$0x4F60] =	vst v57  }
0x160: {  	v25 =	vld [tilespmem:$0x5000];
	v62 =	vmul.f32 v52, v58;
	[tilespmem:$0x4F70] =	vst v60  }
0x161: {  	v27 =	vld [tilespmem:$0x5010];
	v22 =	vmul.f32 v56, v58;
	[tilespmem:$0x5020] =	vst v39  }
0x162: {  	v38 =	vld [tilespmem:$0x5060];
	v24 =	vmul.f32 v59, v58;
	[tilespmem:$0x4F80] =	vst v62  }
0x163: {  	v40 =	vld [tilespmem:$0x5070];
	v26 =	vmul.f32 v61, v58;
	[tilespmem:$0x4FA0] =	vst v22  }
0x164: {  	v42 =	vld [tilespmem:$0x5080];
	v28 =	vmul.f32 v63, v58;
	[tilespmem:$0x4FB0] =	vst v24  }
0x165: {  	v44 =	vld [tilespmem:$0x5090];
	v35 =	vmul.f32 v25, v31;
	[tilespmem:$0x4FC0] =	vst v26  }
0x166: {  	v21 =	vld [tilespmem:$0x4FE0];
	v37 =	vmul.f32 v27, v31;
	[tilespmem:$0x4FD0] =	vst v28  }
0x167: {  	v23 =	vld [tilespmem:$0x4FF0];
	v48 =	vbroadcast v8, $0xC;
	v47 =	vmul.f32 v38, v31;
	[tilespmem:$0x5000] =	vst v35  }
0x168: {  	v32 =	vld [tilespmem:$0x5030];
	v50 =	vmul.f32 v40, v31;
	[tilespmem:$0x5010] =	vst v37  }
0x169: {  	v34 =	vld [tilespmem:$0x5040];
	v52 =	vmul.f32 v42, v48;
	[tilespmem:$0x5060] =	vst v47  }
0x16a: {  	v36 =	vld [tilespmem:$0x5050];
	v54 =	vmul.f32 v44, v48;
	[tilespmem:$0x5070] =	vst v50  }
0x16b: {  	v49 =	vld [tilespmem:$0x50B0];
	v30 =	vmul.f32 v21, v58;
	[tilespmem:$0x5080] =	vst v52  }
0x16c: {  	v51 =	vld [tilespmem:$0x50C0];
	v33 =	vmul.f32 v23, v58;
	[tilespmem:$0x5090] =	vst v54  }
0x16d: {  	v53 =	vld [tilespmem:$0x50D0];
	v41 =	vmul.f32 v32, v31;
	[tilespmem:$0x4FE0] =	vst v30  }
0x16e: {  	v46 =	vld [tilespmem:$0x50A0];
	v43 =	vmul.f32 v34, v31;
	[tilespmem:$0x4FF0] =	vst v33  }
0x16f: {  	v55 =	vld [tilespmem:$0x50E0];
	v45 =	vmul.f32 v36, v31;
	[tilespmem:$0x5030] =	vst v41  }
0x170: {  	v57 =	vld [tilespmem:$0x50F0];
	v58 =	vmul.f32 v49, v48;
	[tilespmem:$0x5040] =	vst v43  }
0x171: {  	v59 =	vld [tilespmem:$0x5100];
	v60 =	vmul.f32 v51, v48;
	[tilespmem:$0x5050] =	vst v45  }
0x172: {  	v61 =	vld [tilespmem:$0x5110];
	v62 =	vmul.f32 v53, v48;
	[tilespmem:$0x50B0] =	vst v58  }
0x173: {  	v63 =	vld [tilespmem:$0x5120];
	v56 =	vmul.f32 v46, v48;
	[tilespmem:$0x50C0] =	vst v60  }
0x174: {  	v39 =	vld [tilespmem:$0x51B0];
	v21 =	vbroadcast v8, $0xD;
	[tilespmem:$0x50D0] =	vst v62;
	v20 =	vmul.f32 v55, v48  }
0x175: {  	v22 =	vld [tilespmem:$0x5130];
	[tilespmem:$0x50A0] =	vst v56;
	v23 =	vmul.f32 v57, v48  }
0x176: {  	v24 =	vld [tilespmem:$0x5140];
	v25 =	vmul.f32 v59, v21;
	[tilespmem:$0x50E0] =	vst v20  }
0x177: {  	v38 =	vbroadcast v8, $0xE;
	v26 =	vld [tilespmem:$0x5150];
	v27 =	vmul.f32 v61, v21;
	[tilespmem:$0x50F0] =	vst v23  }
0x178: {  	v28 =	vld [tilespmem:$0x5160];
	v29 =	vmul.f32 v63, v21;
	[tilespmem:$0x5100] =	vst v25  }
0x179: {  	v32 =	vld [tilespmem:$0x5180];
	v48 =	vmul.f32 v39, v38;
	[tilespmem:$0x5110] =	vst v27  }
0x17a: {  	v34 =	vld [tilespmem:$0x5190];
	v31 =	vmul.f32 v22, v21;
	[tilespmem:$0x5120] =	vst v29  }
0x17b: {  	v36 =	vld [tilespmem:$0x51A0];
	v33 =	vmul.f32 v24, v21;
	[tilespmem:$0x51B0] =	vst v48  }
0x17c: {  	v47 =	vld [tilespmem:$0x51F0];
	v35 =	vmul.f32 v26, v21;
	[tilespmem:$0x5130] =	vst v31  }
0x17d: {  	v49 =	vld [tilespmem:$0x5200];
	v37 =	vmul.f32 v28, v21;
	[tilespmem:$0x5140] =	vst v33  }
0x17e: {  	v51 =	vld [tilespmem:$0x5210];
	v42 =	vmul.f32 v32, v38;
	[tilespmem:$0x5150] =	vst v35  }
0x17f: {  	v53 =	vld [tilespmem:$0x5220];
	v44 =	vmul.f32 v34, v38;
	[tilespmem:$0x5160] =	vst v37  }
0x180: {  	v8 =	vbroadcast v8, $0xF;
	v30 =	vld [tilespmem:$0x5170];
	v46 =	vmul.f32 v36, v38;
	[tilespmem:$0x5180] =	vst v42  }
0x181: {  	v41 =	vld [tilespmem:$0x51C0];
	v56 =	vmul.f32 v47, v38;
	[tilespmem:$0x5190] =	vst v44  }
0x182: {  	v43 =	vld [tilespmem:$0x51D0];
	v58 =	vmul.f32 v49, v8;
	[tilespmem:$0x51A0] =	vst v46  }
0x183: {  	v45 =	vld [tilespmem:$0x51E0];
	v60 =	vmul.f32 v51, v8;
	[tilespmem:$0x51F0] =	vst v56  }
0x184: {  	v55 =	vld [tilespmem:$0x5230];
	v62 =	vmul.f32 v53, v8;
	[tilespmem:$0x5200] =	vst v58  }
0x185: {  	v57 =	vld [tilespmem:$0x5240];
	v40 =	vmul.f32 v30, v21;
	[tilespmem:$0x5210] =	vst v60  }
0x186: {  	v59 =	vld [tilespmem:$0x5250];
	v50 =	vmul.f32 v41, v38;
	[tilespmem:$0x5220] =	vst v62  }
0x187: {  	v61 =	vld [tilespmem:$0x5260];
	v52 =	vmul.f32 v43, v38;
	[tilespmem:$0x5170] =	vst v40  }
0x188: {  	v63 =	vld [tilespmem:$0x5270];
	v54 =	vmul.f32 v45, v38;
	[tilespmem:$0x51C0] =	vst v50  }
0x189: {  	v12 =	vmul.f32 v55, v8;
	[tilespmem:$0x51D0] =	vst v52  }
0x18a: {  	v13 =	vmul.f32 v57, v8;
	[tilespmem:$0x51E0] =	vst v54  }
0x18b: {  	v16 =	vmul.f32 v59, v8;
	[tilespmem:$0x5230] =	vst v12  }
0x18c: {  	v17 =	vmul.f32 v61, v8;
	[tilespmem:$0x5240] =	vst v13  }
0x18d: {  	v8 =	vmul.f32 v63, v8;
	[tilespmem:$0x5250] =	vst v16  }
0x18e: {  	[tilespmem:$0x5260] =	vst v17  }
0x18f: {  	[tilespmem:$0x5270] =	vst v8  }
0x190: {  	v8 =	vld [tilespmem:s3+$0x0];
	_ =	sdelay $0x3  }
0x191: {  	v18 =	vld [tilespmem:$0x5280]  }
0x192: {  	v19 =	vld [tilespmem:$0x5290];
	v8 =	vsub.f32 $0.0e+00, v8  }
0x193: {  	v20 =	vld [tilespmem:$0x52A0]  }
0x194: {  	v22 =	vld [tilespmem:$0x52B0];
	v21 =	vbroadcast v8, $0x0  }
0x195: {  	v23 =	vld [tilespmem:$0x52C0]  }
0x196: {  	v24 =	vld [tilespmem:$0x52D0];
	v9 =	vmul.f32 v21, v18  }
0x197: {  	v25 =	vld [tilespmem:$0x52E0];
	v10 =	vmul.f32 v19, v21  }
0x198: {  	v27 =	vld [tilespmem:$0x52F0];
	v26 =	vmul.f32 v20, v21;
	[tilespmem:$0x5280] =	vst v9  }
0x199: {  	v29 =	vld [tilespmem:$0x5300];
	v28 =	vmul.f32 v22, v21;
	[tilespmem:$0x5290] =	vst v10  }
0x19a: {  	v31 =	vld [tilespmem:$0x5310];
	v30 =	vmul.f32 v23, v21;
	[tilespmem:$0x52A0] =	vst v26  }
0x19b: {  	v33 =	vld [tilespmem:$0x5320];
	v32 =	vmul.f32 v24, v21;
	[tilespmem:$0x52B0] =	vst v28  }
0x19c: {  	v36 =	vld [tilespmem:$0x5330];
	v35 =	vbroadcast v8, $0x1;
	v34 =	vmul.f32 v25, v21;
	[tilespmem:$0x52C0] =	vst v30  }
0x19d: {  	v38 =	vld [tilespmem:$0x5340];
	v37 =	vmul.f32 v27, v21;
	[tilespmem:$0x52D0] =	vst v32  }
0x19e: {  	v40 =	vld [tilespmem:$0x5350];
	v39 =	vmul.f32 v29, v35;
	[tilespmem:$0x52E0] =	vst v34  }
0x19f: {  	v42 =	vld [tilespmem:$0x5360];
	v41 =	vmul.f32 v31, v35;
	[tilespmem:$0x52F0] =	vst v37  }
0x1a0: {  	v44 =	vld [tilespmem:$0x5370];
	v43 =	vmul.f32 v33, v35;
	[tilespmem:$0x5300] =	vst v39  }
0x1a1: {  	v46 =	vld [tilespmem:$0x5380];
	v45 =	vmul.f32 v36, v35;
	[tilespmem:$0x5310] =	vst v41  }
0x1a2: {  	v48 =	vld [tilespmem:$0x5390];
	v47 =	vmul.f32 v38, v35;
	[tilespmem:$0x5320] =	vst v43  }
0x1a3: {  	v50 =	vld [tilespmem:$0x53A0];
	v49 =	vmul.f32 v40, v35;
	[tilespmem:$0x5330] =	vst v45  }
0x1a4: {  	v53 =	vld [tilespmem:$0x53B0];
	v52 =	vbroadcast v8, $0x2;
	v51 =	vmul.f32 v42, v35;
	[tilespmem:$0x5340] =	vst v47  }
0x1a5: {  	v55 =	vld [tilespmem:$0x53C0];
	v54 =	vmul.f32 v44, v35;
	[tilespmem:$0x5350] =	vst v49  }
0x1a6: {  	v57 =	vld [tilespmem:$0x53D0];
	v56 =	vmul.f32 v46, v52;
	[tilespmem:$0x5360] =	vst v51  }
0x1a7: {  	v59 =	vld [tilespmem:$0x53E0];
	v58 =	vmul.f32 v48, v52;
	[tilespmem:$0x5370] =	vst v54  }
0x1a8: {  	v61 =	vld [tilespmem:$0x53F0];
	v60 =	vmul.f32 v50, v52;
	[tilespmem:$0x5380] =	vst v56  }
0x1a9: {  	v63 =	vld [tilespmem:$0x5400];
	v62 =	vmul.f32 v53, v52;
	[tilespmem:$0x5390] =	vst v58  }
0x1aa: {  	v19 =	vmul.f32 v55, v52;
	v20 =	vld [tilespmem:$0x5410];
	[tilespmem:$0x53A0] =	vst v60  }
0x1ab: {  	v21 =	vmul.f32 v57, v52;
	v22 =	vld [tilespmem:$0x5420];
	[tilespmem:$0x53B0] =	vst v62  }
0x1ac: {  	v23 =	vmul.f32 v59, v52;
	v24 =	vbroadcast v8, $0x3;
	v25 =	vld [tilespmem:$0x5430];
	[tilespmem:$0x53C0] =	vst v19  }
0x1ad: {  	v27 =	vld [tilespmem:$0x5440];
	[tilespmem:$0x53D0] =	vst v21;
	v26 =	vmul.f32 v61, v52  }
0x1ae: {  	v29 =	vld [tilespmem:$0x5450];
	[tilespmem:$0x53E0] =	vst v23;
	v28 =	vmul.f32 v63, v24  }
0x1af: {  	v31 =	vld [tilespmem:$0x5460];
	[tilespmem:$0x53F0] =	vst v26;
	v30 =	vmul.f32 v20, v24  }
0x1b0: {  	v33 =	vld [tilespmem:$0x5470];
	[tilespmem:$0x5400] =	vst v28;
	v32 =	vmul.f32 v22, v24  }
0x1b1: {  	v35 =	vld [tilespmem:$0x5480];
	v34 =	vmul.f32 v25, v24;
	[tilespmem:$0x5410] =	vst v30  }
0x1b2: {  	v42 =	vld [tilespmem:$0x54B0];
	v36 =	vmul.f32 v27, v24;
	[tilespmem:$0x5420] =	vst v32  }
0x1b3: {  	v44 =	vld [tilespmem:$0x54C0];
	v38 =	vmul.f32 v29, v24;
	[tilespmem:$0x5430] =	vst v34  }
0x1b4: {  	v46 =	vld [tilespmem:$0x54D0];
	v41 =	vbroadcast v8, $0x4;
	v40 =	vmul.f32 v31, v24;
	[tilespmem:$0x5440] =	vst v36  }
0x1b5: {  	v48 =	vld [tilespmem:$0x54E0];
	v43 =	vmul.f32 v33, v24;
	[tilespmem:$0x5450] =	vst v38  }
0x1b6: {  	v50 =	vld [tilespmem:$0x54F0];
	v45 =	vmul.f32 v35, v41;
	[tilespmem:$0x5460] =	vst v40  }
0x1b7: {  	v59 =	vld [tilespmem:$0x5530];
	v51 =	vmul.f32 v42, v41;
	[tilespmem:$0x5470] =	vst v43  }
0x1b8: {  	v37 =	vld [tilespmem:$0x5490];
	v53 =	vmul.f32 v44, v41;
	[tilespmem:$0x5480] =	vst v45  }
0x1b9: {  	v39 =	vld [tilespmem:$0x54A0];
	v55 =	vmul.f32 v46, v41;
	[tilespmem:$0x54B0] =	vst v51  }
0x1ba: {  	v52 =	vld [tilespmem:$0x5500];
	v58 =	vbroadcast v8, $0x5;
	v57 =	vmul.f32 v48, v41;
	[tilespmem:$0x54C0] =	vst v53  }
0x1bb: {  	v54 =	vld [tilespmem:$0x5510];
	v60 =	vmul.f32 v50, v41;
	[tilespmem:$0x54D0] =	vst v55  }
0x1bc: {  	v56 =	vld [tilespmem:$0x5520];
	v24 =	vmul.f32 v59, v58;
	[tilespmem:$0x54E0] =	vst v57  }
0x1bd: {  	v61 =	vld [tilespmem:$0x5540];
	v47 =	vmul.f32 v37, v41;
	[tilespmem:$0x54F0] =	vst v60  }
0x1be: {  	v63 =	vld [tilespmem:$0x5550];
	v49 =	vmul.f32 v39, v41;
	[tilespmem:$0x5530] =	vst v24  }
0x1bf: {  	v21 =	vld [tilespmem:$0x5560];
	v62 =	vmul.f32 v52, v58;
	[tilespmem:$0x5490] =	vst v47  }
0x1c0: {  	v23 =	vld [tilespmem:$0x5570];
	v20 =	vmul.f32 v54, v58;
	[tilespmem:$0x54A0] =	vst v49  }
0x1c1: {  	v25 =	vld [tilespmem:$0x5580];
	v22 =	vmul.f32 v56, v58;
	[tilespmem:$0x5500] =	vst v62  }
0x1c2: {  	v27 =	vld [tilespmem:$0x5590];
	v26 =	vmul.f32 v61, v58;
	[tilespmem:$0x5510] =	vst v20  }
0x1c3: {  	v29 =	vld [tilespmem:$0x55A0];
	v28 =	vmul.f32 v63, v58;
	[tilespmem:$0x5520] =	vst v22  }
0x1c4: {  	v31 =	vbroadcast v8, $0x6;
	v42 =	vld [tilespmem:$0x5600];
	v30 =	vmul.f32 v21, v58;
	[tilespmem:$0x5540] =	vst v26  }
0x1c5: {  	v44 =	vld [tilespmem:$0x5610];
	v33 =	vmul.f32 v23, v58;
	[tilespmem:$0x5550] =	vst v28  }
0x1c6: {  	v46 =	vld [tilespmem:$0x5620];
	[tilespmem:$0x5560] =	vst v30;
	v35 =	vmul.f32 v25, v31  }
0x1c7: {  	v48 =	vbroadcast v8, $0x7;
	v59 =	vld [tilespmem:$0x5680];
	[tilespmem:$0x5570] =	vst v33;
	v37 =	vmul.f32 v27, v31  }
0x1c8: {  	v32 =	vld [tilespmem:$0x55B0];
	v39 =	vmul.f32 v29, v31;
	[tilespmem:$0x5580] =	vst v35  }
0x1c9: {  	v34 =	vld [tilespmem:$0x55C0];
	v52 =	vmul.f32 v42, v48;
	[tilespmem:$0x5590] =	vst v37  }
0x1ca: {  	v36 =	vld [tilespmem:$0x55D0];
	v21 =	vbroadcast v8, $0x8;
	v54 =	vmul.f32 v44, v48;
	[tilespmem:$0x55A0] =	vst v39  }
0x1cb: {  	v38 =	vld [tilespmem:$0x55E0];
	v56 =	vmul.f32 v46, v48;
	[tilespmem:$0x5600] =	vst v52  }
0x1cc: {  	v40 =	vld [tilespmem:$0x55F0];
	v25 =	vmul.f32 v59, v21;
	[tilespmem:$0x5610] =	vst v54  }
0x1cd: {  	v51 =	vld [tilespmem:$0x5640];
	v41 =	vmul.f32 v32, v31;
	[tilespmem:$0x5620] =	vst v56  }
0x1ce: {  	v53 =	vld [tilespmem:$0x5650];
	v43 =	vmul.f32 v34, v31;
	[tilespmem:$0x5680] =	vst v25  }
0x1cf: {  	v55 =	vld [tilespmem:$0x5660];
	v45 =	vmul.f32 v36, v31;
	[tilespmem:$0x55B0] =	vst v41  }
0x1d0: {  	v57 =	vld [tilespmem:$0x5670];
	v47 =	vmul.f32 v38, v31;
	[tilespmem:$0x55C0] =	vst v43  }
0x1d1: {  	v61 =	vld [tilespmem:$0x5690];
	v50 =	vmul.f32 v40, v31;
	[tilespmem:$0x55D0] =	vst v45  }
0x1d2: {  	v63 =	vld [tilespmem:$0x56A0];
	v60 =	vmul.f32 v51, v48;
	[tilespmem:$0x55E0] =	vst v47  }
0x1d3: {  	v24 =	vld [tilespmem:$0x56C0];
	v62 =	vmul.f32 v53, v48;
	[tilespmem:$0x55F0] =	vst v50  }
0x1d4: {  	v49 =	vld [tilespmem:$0x5630];
	v20 =	vmul.f32 v55, v48;
	[tilespmem:$0x5640] =	vst v60  }
0x1d5: {  	v22 =	vld [tilespmem:$0x56B0];
	v23 =	vmul.f32 v57, v48;
	[tilespmem:$0x5650] =	vst v62  }
0x1d6: {  	v26 =	vld [tilespmem:$0x56D0];
	v27 =	vmul.f32 v61, v21;
	[tilespmem:$0x5660] =	vst v20  }
0x1d7: {  	v28 =	vld [tilespmem:$0x56E0];
	v29 =	vmul.f32 v63, v21;
	[tilespmem:$0x5670] =	vst v23  }
0x1d8: {  	v30 =	vld [tilespmem:$0x56F0];
	v33 =	vmul.f32 v24, v21;
	[tilespmem:$0x5690] =	vst v27  }
0x1d9: {  	v32 =	vld [tilespmem:$0x5700];
	v58 =	vmul.f32 v49, v48;
	[tilespmem:$0x56A0] =	vst v29  }
0x1da: {  	v34 =	vld [tilespmem:$0x5710];
	v31 =	vmul.f32 v22, v21;
	[tilespmem:$0x56C0] =	vst v33  }
0x1db: {  	v36 =	vld [tilespmem:$0x5720];
	v35 =	vmul.f32 v26, v21;
	[tilespmem:$0x5630] =	vst v58  }
0x1dc: {  	v38 =	vbroadcast v8, $0x9;
	v39 =	vld [tilespmem:$0x5730];
	v37 =	vmul.f32 v28, v21;
	[tilespmem:$0x56B0] =	vst v31  }
0x1dd: {  	v51 =	vld [tilespmem:$0x5790];
	v40 =	vmul.f32 v30, v21;
	[tilespmem:$0x56D0] =	vst v35  }
0x1de: {  	v53 =	vld [tilespmem:$0x57A0];
	[tilespmem:$0x56E0] =	vst v37;
	v42 =	vmul.f32 v32, v38  }
0x1df: {  	v56 =	vld [tilespmem:$0x57B0];
	[tilespmem:$0x56F0] =	vst v40;
	v44 =	vmul.f32 v34, v38  }
0x1e0: {  	v55 =	vbroadcast v8, $0xA;
	v24 =	vld [tilespmem:$0x5810];
	v46 =	vmul.f32 v36, v38;
	[tilespmem:$0x5700] =	vst v42  }
0x1e1: {  	v41 =	vld [tilespmem:$0x5740];
	v48 =	vmul.f32 v39, v38;
	[tilespmem:$0x5710] =	vst v44  }
0x1e2: {  	v43 =	vld [tilespmem:$0x5750];
	v61 =	vmul.f32 v51, v55;
	[tilespmem:$0x5720] =	vst v46  }
0x1e3: {  	v45 =	vld [tilespmem:$0x5760];
	v28 =	vbroadcast v8, $0xB;
	v63 =	vmul.f32 v53, v55;
	[tilespmem:$0x5730] =	vst v48  }
0x1e4: {  	v47 =	vld [tilespmem:$0x5770];
	v21 =	vmul.f32 v56, v55;
	[tilespmem:$0x5790] =	vst v61  }
0x1e5: {  	v49 =	vld [tilespmem:$0x5780];
	v34 =	vmul.f32 v24, v28;
	[tilespmem:$0x57A0] =	vst v63  }
0x1e6: {  	v60 =	vld [tilespmem:$0x57D0];
	v50 =	vmul.f32 v41, v38;
	[tilespmem:$0x57B0] =	vst v21  }
0x1e7: {  	v62 =	vld [tilespmem:$0x57E0];
	v52 =	vmul.f32 v43, v38;
	[tilespmem:$0x5810] =	vst v34  }
0x1e8: {  	v20 =	vld [tilespmem:$0x57F0];
	v54 =	vmul.f32 v45, v38;
	[tilespmem:$0x5740] =	vst v50  }
0x1e9: {  	v22 =	vld [tilespmem:$0x5800];
	v57 =	vmul.f32 v47, v38;
	[tilespmem:$0x5750] =	vst v52  }
0x1ea: {  	v26 =	vld [tilespmem:$0x5820];
	v59 =	vmul.f32 v49, v55;
	[tilespmem:$0x5760] =	vst v54  }
0x1eb: {  	v29 =	vld [tilespmem:$0x5830];
	v25 =	vmul.f32 v60, v55;
	[tilespmem:$0x5770] =	vst v57  }
0x1ec: {  	v33 =	vld [tilespmem:$0x5850];
	v27 =	vmul.f32 v62, v55;
	[tilespmem:$0x5780] =	vst v59  }
0x1ed: {  	v58 =	vld [tilespmem:$0x57C0];
	v30 =	vmul.f32 v20, v55;
	[tilespmem:$0x57D0] =	vst v25  }
0x1ee: {  	v31 =	vld [tilespmem:$0x5840];
	v32 =	vmul.f32 v22, v28;
	[tilespmem:$0x57E0] =	vst v27  }
0x1ef: {  	v35 =	vld [tilespmem:$0x5860];
	v36 =	vmul.f32 v26, v28;
	[tilespmem:$0x57F0] =	vst v30  }
0x1f0: {  	v37 =	vld [tilespmem:$0x5870];
	v38 =	vmul.f32 v29, v28;
	[tilespmem:$0x5800] =	vst v32  }
0x1f1: {  	v39 =	vld [tilespmem:$0x5880];
	v42 =	vmul.f32 v33, v28;
	[tilespmem:$0x5820] =	vst v36  }
0x1f2: {  	v56 =	vld [tilespmem:$0x5900];
	v23 =	vmul.f32 v58, v55;
	[tilespmem:$0x5830] =	vst v38  }
0x1f3: {  	v24 =	vld [tilespmem:$0x5960];
	v40 =	vmul.f32 v31, v28;
	[tilespmem:$0x5850] =	vst v42  }
0x1f4: {  	v41 =	vld [tilespmem:$0x5890];
	v45 =	vbroadcast v8, $0xC;
	v44 =	vmul.f32 v35, v28;
	[tilespmem:$0x57C0] =	vst v23  }
0x1f5: {  	v43 =	vld [tilespmem:$0x58A0];
	v62 =	vbroadcast v8, $0xD;
	v47 =	vmul.f32 v37, v28;
	[tilespmem:$0x5840] =	vst v40  }
0x1f6: {  	v46 =	vld [tilespmem:$0x58B0];
	v49 =	vmul.f32 v39, v45;
	[tilespmem:$0x5860] =	vst v44  }
0x1f7: {  	v48 =	vld [tilespmem:$0x58C0];
	v21 =	vmul.f32 v56, v62;
	[tilespmem:$0x5870] =	vst v47  }
0x1f8: {  	v60 =	vld [tilespmem:$0x5920];
	v33 =	vmul.f32 v24, v62;
	[tilespmem:$0x5880] =	vst v49  }
0x1f9: {  	v63 =	vld [tilespmem:$0x5930];
	v51 =	vmul.f32 v41, v45;
	[tilespmem:$0x5900] =	vst v21  }
0x1fa: {  	v20 =	vld [tilespmem:$0x5940];
	v53 =	vmul.f32 v43, v45;
	[tilespmem:$0x5960] =	vst v33  }
0x1fb: {  	v22 =	vld [tilespmem:$0x5950];
	v55 =	vmul.f32 v46, v45;
	[tilespmem:$0x5890] =	vst v51  }
0x1fc: {  	v26 =	vld [tilespmem:$0x5970];
	v57 =	vmul.f32 v48, v45;
	[tilespmem:$0x58A0] =	vst v53  }
0x1fd: {  	v50 =	vld [tilespmem:$0x58D0];
	v25 =	vmul.f32 v60, v62;
	[tilespmem:$0x58B0] =	vst v55  }
0x1fe: {  	v52 =	vld [tilespmem:$0x58E0];
	v27 =	vmul.f32 v63, v62;
	[tilespmem:$0x58C0] =	vst v57  }
0x1ff: {  	v54 =	vld [tilespmem:$0x58F0];
	v29 =	vmul.f32 v20, v62;
	[tilespmem:$0x5920] =	vst v25  }
0x200: {  	v58 =	vld [tilespmem:$0x5910];
	v31 =	vmul.f32 v22, v62;
	[tilespmem:$0x5930] =	vst v27  }
0x201: {  	v28 =	vld [tilespmem:$0x5980];
	v36 =	vmul.f32 v26, v62;
	[tilespmem:$0x5940] =	vst v29  }
0x202: {  	v30 =	vld [tilespmem:$0x5990];
	v59 =	vmul.f32 v50, v45;
	[tilespmem:$0x5950] =	vst v31  }
0x203: {  	v32 =	vld [tilespmem:$0x59A0];
	v61 =	vmul.f32 v52, v45;
	[tilespmem:$0x5970] =	vst v36  }
0x204: {  	v34 =	vbroadcast v8, $0xE;
	v35 =	vld [tilespmem:$0x59B0];
	v19 =	vmul.f32 v54, v45;
	[tilespmem:$0x58D0] =	vst v59  }
0x205: {  	v37 =	vld [tilespmem:$0x59C0];
	v23 =	vmul.f32 v58, v62;
	[tilespmem:$0x58E0] =	vst v61  }
0x206: {  	v39 =	vld [tilespmem:$0x59D0];
	v38 =	vmul.f32 v28, v34;
	[tilespmem:$0x58F0] =	vst v19  }
0x207: {  	v47 =	vld [tilespmem:$0x5A10];
	v40 =	vmul.f32 v30, v34;
	[tilespmem:$0x5910] =	vst v23  }
0x208: {  	v41 =	vld [tilespmem:$0x59E0];
	v42 =	vmul.f32 v32, v34;
	[tilespmem:$0x5980] =	vst v38  }
0x209: {  	v43 =	vld [tilespmem:$0x59F0];
	v44 =	vmul.f32 v35, v34;
	[tilespmem:$0x5990] =	vst v40  }
0x20a: {  	v8 =	vbroadcast v8, $0xF;
	v49 =	vld [tilespmem:$0x5A20];
	v46 =	vmul.f32 v37, v34;
	[tilespmem:$0x59A0] =	vst v42  }
0x20b: {  	v45 =	vld [tilespmem:$0x5A00];
	v48 =	vmul.f32 v39, v34;
	[tilespmem:$0x59B0] =	vst v44  }
0x20c: {  	v51 =	vld [tilespmem:$0x5A30];
	[tilespmem:$0x59C0] =	vst v46;
	v56 =	vmul.f32 v47, v8  }
0x20d: {  	v53 =	vld [tilespmem:$0x5A40];
	v50 =	vmul.f32 v41, v34;
	[tilespmem:$0x59D0] =	vst v48  }
0x20e: {  	v55 =	vld [tilespmem:$0x5A50];
	v52 =	vmul.f32 v43, v34;
	[tilespmem:$0x5A10] =	vst v56  }
0x20f: {  	v57 =	vld [tilespmem:$0x5A60];
	v58 =	vmul.f32 v49, v8;
	[tilespmem:$0x59E0] =	vst v50  }
0x210: {  	v59 =	vld [tilespmem:$0x5A70];
	v54 =	vmul.f32 v45, v8;
	[tilespmem:$0x59F0] =	vst v52  }
0x211: {  	v60 =	vmul.f32 v51, v8;
	[tilespmem:$0x5A20] =	vst v58  }
0x212: {  	v61 =	vmul.f32 v53, v8;
	[tilespmem:$0x5A00] =	vst v54  }
0x213: {  	v62 =	vmul.f32 v55, v8;
	[tilespmem:$0x5A30] =	vst v60  }
0x214: {  	v63 =	vmul.f32 v57, v8;
	[tilespmem:$0x5A40] =	vst v61  }
0x215: {  	[tilespmem:$0x5A50] =	vst v62;
	v8 =	vmul.f32 v59, v8  }
0x216: {  	p1 =	sne.s32 s22, $0x2600;
	[tilespmem:$0x5A60] =	vst v63  }
.Ltmp6:
0x217: {  	s29 =	sadd.s32 s22, s20;
	[tilespmem:$0x5A70] =	vst v8;
	(pc) =	sbr.rel @p1 .LBB2_10-.Ltmp6, $4  }
0x218: {  	[hbm4b:s29+s7] =	stream.linear.scatter [tilespmem:s30], [sflag:$0x5], $0x1000, $0x38;
	[tilespmem:$0x1FB00] =	vst v63  }
0x219: {  	_ =	swait.ge [sflag:s24], $0x1000  }
0x21a: {  	[sflag:s24] =	ssyncset.done $0x0  }
0x21b: {  	s22 =	sadd.s32 $0x200, s22;
	s3 =	sadd.s32 $0x20, s3;
	[sflag:s24] =	ssyncadd.s32 $0xFFFFF000  }
0x21c: {  	s3 =	sshra.s32 s7, $0x2  }
0x21d: {  	s3 =	sadd.s32 s3, s10  }
0x21e: {  	[spmem:s3] =	stream.linear.scatter [tilespmem:s31], [sflag:$0x5], $0x400, $0x38;
	[tilespmem:$0x1FB00] =	vst v63  }
0x21f: {  	s3 =	sadd.s32 $0x1000, s7;
	_ =	swait.ge [sflag:s24], $0x400  }
.LBB2_12:
0x220: {  	s5 =	sshra.s32 s3, $0x2;
	[sflag:s24] =	ssyncset.done $0x0;
	p1 =	sne.s32 s3, $0x4F000  }
.Ltmp7:
0x221: {  	s5 =	sadd.s32 s5, s10;
	[sflag:s24] =	ssyncadd.s32 $0xFFFFFC00;
	(pc) =	sbr.rel @p1 .LBB2_12-.Ltmp7, $3  }
0x222: {  	[spmem:s5] =	stream.linear.scatter [tilespmem:s31], [sflag:$0x5], $0x400, $0x38;
	[tilespmem:$0x1FB00] =	vst v63  }
0x223: {  	s3 =	sadd.s32 $0x1000, s3;
	_ =	sdelay $0x1  }
0x224: {  	_ =	swait.ge [sflag:s24], $0x400  }
0x225: {  	[sflag:s24] =	ssyncset.done $0x0  }
0x226: {  	[sflag:s24] =	ssyncadd.s32 $0xFFFFFC00  }
0x227: {  	s3 =	simm.s32 $0x0;
	s7 =	simm.s32 $0x0;
	[bflag:$0x0] =	sbarrier.arrive $0xFFFF  }
.LBB2_14:
0x228: {  	s5 =	smul.u32 $0xFA0, s7;
	_ =	sdelay $0x1  }
0x229: {  	s5 =	sadd.s32 s8, s5  }
0x22a: {  	s5 =	sshrl.u32 s5, $0x3  }
0x22b: {  	s18 =	sadd.s32 s0, s5  }
0x22c: {  	[tilespmem:s3], [sflag:$0x5] =	stream.linear.gather [hbm4b:s18+s3], $0xFA0, $0x38;
	[tilespmem:$0x1FB00] =	vst v63  }
0x22d: {  	_ =	swait.ge [sflag:s24], $0xFA0  }
0x22e: {  	[sflag:s24] =	ssyncset.done $0x0  }
0x22f: {  	s5 =	sadd.s32 s1, s5;
	[sflag:s24] =	ssyncadd.s32 $0xFFFFF060  }
0x230: {  	[tilespmem:s25], [sflag:$0x5] =	stream.linear.gather [hbm4b:s5+s3], $0xFA0, $0x38;
	[tilespmem:$0x1FB00] =	vst v63  }
0x231: {  	_ =	swait.ge [sflag:s24], $0xFA0  }
0x232: {  	[sflag:s24] =	ssyncset.done $0x0  }
0x233: {  	[sflag:s24] =	ssyncadd.s32 $0xFFFFF060  }
0x234: {  	v8 =	vld [tilespmem:$0x0]  }
0x235: {  	v9 =	vld [tilespmem:$0x1000]  }
0x236: {  	v10 =	vld [tilespmem:$0x10]  }
0x237: {  	v11 =	vld [tilespmem:$0x1010]  }
0x238: {  	v12 =	vld [tilespmem:$0x20]  }
0x239: {  	v13 =	vld [tilespmem:$0x1020]  }
0x23a: {  	v63 =	vld [tilespmem:$0x1030];
	v14 =	vadd.s32 v0, v8;
	vm0 =	veq.s32 v8, v9  }
0x23b: {  	v8 =	vld [tilespmem:$0x30];
	[tilespmem:$0xB680] =	vst v14;
	v9 =	vsel vm0, $0x2710, v9  }
0x23c: {  	vm7 =	veq.s32 v10, v11;
	[tilespmem:$0xB780] =	vst v9;
	v9 =	vadd.s32 v0, v10;
	v10 =	vld [tilespmem:$0x40]  }
0x23d: {  	[tilespmem:$0xB690] =	vst v9;
	v9 =	vsel vm7, $0x2710, v11;
	v11 =	vld [tilespmem:$0x1040]  }
0x23e: {  	vm8 =	veq.s32 v12, v13;
	[tilespmem:$0xB790] =	vst v9;
	v9 =	vadd.s32 v0, v12  }
0x23f: {  	[tilespmem:$0xB6A0] =	vst v9;
	v9 =	vsel vm8, $0x2710, v13  }
0x240: {  	vm9 =	veq.s32 v8, v63;
	v8 =	vadd.s32 v0, v8;
	[tilespmem:$0xB7A0] =	vst v9  }
0x241: {  	[tilespmem:$0xB6B0] =	vst v8;
	v8 =	vsel vm9, $0x2710, v63  }
0x242: {  	[tilespmem:$0xB7B0] =	vst v8;
	v8 =	vadd.s32 v0, v10;
	vm10 =	veq.s32 v10, v11  }
0x243: {  	p1 =	por $0x1, $0x1;
	[tilespmem:$0xB6C0] =	vst v8;
	v8 =	vsel vm10, $0x2710, v11  }
0x244: {  	s23 =	simm.s32 $0xB680;
	s5 =	simm.s32 @!p1 $0x4;
	[tilespmem:$0xB7C0] =	vst v8  }
0x245: {  	[tilespmem:s2], [sflag:$0x1] =	stream.indirect.gather [hbm4b:s6+s28], $0x80, s23, s28, $0xb8;
	[tilespmem:$0x1FB00] =	vst v63  }
0x246: {  	_ =	swait.ge @!p1 [sflag:s5], $0x2800  }
0x247: {  	[sflag:s5] =	ssyncset.done @!p1 $0x0  }
0x248: {  	s29 =	simm.s32 $0x0;
	[sflag:s5] =	ssyncadd.s32 @!p1 $0xFFFFD800  }
0x249: {  	v8 =	vld [tilespmem:s29+$0x50]  }
0x24a: {  	v9 =	vld [tilespmem:s29+$0x1050];
	_ =	sdelay $0x4  }
0x24b: {  	v10 =	vadd.s32 v0, v8;
	vm11 =	veq.s32 v8, v9  }
0x24c: {  	[tilespmem:$0xB700] =	vst v10;
	v8 =	vsel vm11, $0x2710, v9  }
0x24d: {  	[tilespmem:$0xB800] =	vst v8  }
0x24e: {  	v8 =	vld [tilespmem:s29+$0x60]  }
0x24f: {  	v9 =	vld [tilespmem:s29+$0x1060];
	_ =	sdelay $0x4  }
0x250: {  	v10 =	vadd.s32 v0, v8;
	vm12 =	veq.s32 v8, v9  }
0x251: {  	[tilespmem:$0xB710] =	vst v10;
	v8 =	vsel vm12, $0x2710, v9  }
0x252: {  	[tilespmem:$0xB810] =	vst v8  }
0x253: {  	v8 =	vld [tilespmem:s29+$0x70]  }
0x254: {  	v9 =	vld [tilespmem:s29+$0x1070];
	_ =	sdelay $0x4  }
0x255: {  	v10 =	vadd.s32 v0, v8;
	vm13 =	veq.s32 v8, v9  }
0x256: {  	[tilespmem:$0xB720] =	vst v10;
	v8 =	vsel vm13, $0x2710, v9  }
0x257: {  	[tilespmem:$0xB820] =	vst v8  }
0x258: {  	v8 =	vld [tilespmem:s29+$0x80]  }
0x259: {  	v9 =	vld [tilespmem:s29+$0x1080];
	_ =	sdelay $0x4  }
0x25a: {  	v10 =	vadd.s32 v0, v8;
	vm14 =	veq.s32 v8, v9  }
0x25b: {  	[tilespmem:$0xB730] =	vst v10;
	v8 =	vsel vm14, $0x2710, v9  }
0x25c: {  	[tilespmem:$0xB830] =	vst v8  }
0x25d: {  	v8 =	vld [tilespmem:s29+$0x90]  }
0x25e: {  	v9 =	vld [tilespmem:s29+$0x1090];
	_ =	sdelay $0x4  }
0x25f: {  	v10 =	vadd.s32 v0, v8;
	vm15 =	veq.s32 v8, v9  }
0x260: {  	[tilespmem:$0xB740] =	vst v10;
	v8 =	vsel vm15, $0x2710, v9  }
0x261: {  	[tilespmem:$0xB840] =	vst v8  }
0x262: {  	[tilespmem:s11], [sflag:$0x2] =	stream.indirect.gather [hbm4b:s6+s28], $0x80, s9, s28, $0xb8;
	[tilespmem:$0x1FB00] =	vst v63  }
0x263: {  	_ =	swait.ge [sflag:s12], $0x2800  }
0x264: {  	p2 =	por $0x0, $0x0;
	[sflag:s12] =	ssyncset.done $0x0  }
0x265: {  	s18 =	simm.s32 @!p2 $0x3;
	[sflag:s12] =	ssyncadd.s32 $0xFFFFD800  }
0x266: {  	[spmem:s4] =	stream.indirect.scatter.add.f32 [tilespmem:s2], [sflag:$0x3], $0x80, s13, s28, $0xb8;
	[tilespmem:$0x1FB00] =	vst v63  }
0x267: {  	_ =	swait.ge @!p2 [sflag:s18], $0x2800  }
0x268: {  	[sflag:s18] =	ssyncset.done @!p2 $0x0  }
0x269: {  	s5 =	simm.s32 @!p2 $0x0;
	[sflag:s18] =	ssyncadd.s32 @!p2 $0xFFFFD800  }
0x26a: {  	v8 =	vld @!p2 [tilespmem:s5+$0xA0]  }
0x26b: {  	v9 =	vld @!p2 [tilespmem:s5+$0x10A0];
	_ =	sdelay $0x4  }
0x26c: {  	v10 =	vadd.s32 @!p2 v0, v8;
	vm0 =	veq.s32 @!p2 v8, v9  }
0x26d: {  	[tilespmem:$0xB680] =	vst @!p2 v10;
	v8 =	vsel @!p2 vm0, $0x2710, v9  }
0x26e: {  	[tilespmem:$0xB780] =	vst @!p2 v8  }
0x26f: {  	v8 =	vld @!p2 [tilespmem:s5+$0xB0]  }
0x270: {  	v9 =	vld @!p2 [tilespmem:s5+$0x10B0];
	_ =	sdelay $0x4  }
0x271: {  	v10 =	vadd.s32 @!p2 v0, v8;
	vm0 =	veq.s32 @!p2 v8, v9  }
0x272: {  	[tilespmem:$0xB690] =	vst @!p2 v10;
	v8 =	vsel @!p2 vm0, $0x2710, v9  }
0x273: {  	[tilespmem:$0xB790] =	vst @!p2 v8  }
0x274: {  	v8 =	vld @!p2 [tilespmem:s5+$0xC0]  }
0x275: {  	v9 =	vld @!p2 [tilespmem:s5+$0x10C0];
	_ =	sdelay $0x4  }
0x276: {  	v10 =	vadd.s32 @!p2 v0, v8;
	vm0 =	veq.s32 @!p2 v8, v9  }
0x277: {  	[tilespmem:$0xB6A0] =	vst @!p2 v10;
	v8 =	vsel @!p2 vm0, $0x2710, v9  }
0x278: {  	[tilespmem:$0xB7A0] =	vst @!p2 v8  }
0x279: {  	v8 =	vld @!p2 [tilespmem:s5+$0xD0]  }
0x27a: {  	s22 =	simm.s32 $0x280;
	v9 =	vld @!p2 [tilespmem:s5+$0x10D0]  }
.LBB2_15:
0x27b: {  	_ =	sdelay $0x2  }
0x27c: {  	s23 =	smov.u32 s22;
	s22 =	sadd.s32 $0x280, s22;
	v10 =	vadd.s32 @!p2 v0, v8  }
0x27d: {  	p1 =	sne.s32 s22, $0x3E80;
	[tilespmem:$0xB6B0] =	vst @!p2 v10;
	vm0 =	veq.s32 @!p2 v8, v9  }
0x27e: {  	v8 =	vsel @!p2 vm0, $0x2710, v9  }
0x27f: {  	[tilespmem:$0xB7B0] =	vst @!p2 v8  }
0x280: {  	v8 =	vld @!p2 [tilespmem:s5+$0xE0]  }
0x281: {  	v9 =	vld @!p2 [tilespmem:s5+$0x10E0]  }
0x282: {  	s18 =	simm.s32 @!p2 $0xB680;
	s29 =	simm.s32 @!p2 $0x6680;
	s5 =	simm.s32 @!p2 $0x50  }
0x283: {  	_ =	sdelay $0x1  }
0x284: {  	p3 =	seq.s32 s23, $0x0;
	v10 =	vadd.s32 @!p2 v0, v8  }
0x285: {  	s19 =	simm.s32 @!p3 $0x4;
	[tilespmem:$0xB6C0] =	vst @!p2 v10;
	vm0 =	veq.s32 @!p2 v8, v9  }
0x286: {  	v8 =	vsel @!p2 vm0, $0x2710, v9  }
0x287: {  	[tilespmem:$0xB7C0] =	vst @!p2 v8  }
0x288: {  	[tilespmem:s29], [sflag:$0x1] =	stream.indirect.gather @!p2 [hbm4b:s6+s5], $0x80, s18, s5, $0xb8;
	[tilespmem:$0x1FB00] =	vst v63  }
0x289: {  	s5 =	sshra.s32 s23, $0x2;
	_ =	swait.ge [sflag:s14], $0x2800  }
0x28a: {  	[sflag:s14] =	ssyncset.done $0x0  }
0x28b: {  	[sflag:s14] =	ssyncadd.s32 $0xFFFFD800  }
0x28c: {  	[spmem:s4] =	stream.indirect.scatter.add.f32 [tilespmem:s11], [sflag:$0x4], $0x80, s15, s28, $0xb8;
	[tilespmem:$0x1FB00] =	vst v63  }
0x28d: {  	_ =	swait.ge @!p3 [sflag:s19], $0x2800  }
0x28e: {  	[sflag:s19] =	ssyncset.done @!p3 $0x0  }
0x28f: {  	[sflag:s19] =	ssyncadd.s32 @!p3 $0xFFFFD800  }
0x290: {  	v8 =	vld [tilespmem:s5+$0x50]  }
0x291: {  	v9 =	vld [tilespmem:s5+$0x1050];
	_ =	sdelay $0x3  }
0x292: {  	v10 =	vadd.s32 v0, v8  }
0x293: {  	vm0 =	veq.s32 v8, v9  }
0x294: {  	[tilespmem:$0xB700] =	vst v10;
	v8 =	vsel vm0, $0x2710, v9  }
0x295: {  	[tilespmem:$0xB800] =	vst v8  }
0x296: {  	v8 =	vld [tilespmem:s5+$0x60]  }
0x297: {  	v9 =	vld [tilespmem:s5+$0x1060];
	_ =	sdelay $0x3  }
0x298: {  	v10 =	vadd.s32 v0, v8  }
0x299: {  	[tilespmem:$0xB710] =	vst v10;
	vm0 =	veq.s32 v8, v9  }
0x29a: {  	v8 =	vsel vm0, $0x2710, v9  }
0x29b: {  	[tilespmem:$0xB810] =	vst v8  }
0x29c: {  	v8 =	vld [tilespmem:s5+$0x70]  }
0x29d: {  	v9 =	vld [tilespmem:s5+$0x1070];
	_ =	sdelay $0x3  }
0x29e: {  	v10 =	vadd.s32 v0, v8  }
0x29f: {  	[tilespmem:$0xB720] =	vst v10;
	vm0 =	veq.s32 v8, v9  }
0x2a0: {  	v8 =	vsel vm0, $0x2710, v9  }
0x2a1: {  	[tilespmem:$0xB820] =	vst v8  }
0x2a2: {  	v8 =	vld [tilespmem:s5+$0x80]  }
0x2a3: {  	v9 =	vld [tilespmem:s5+$0x1080];
	_ =	sdelay $0x3  }
0x2a4: {  	v10 =	vadd.s32 v0, v8  }
0x2a5: {  	[tilespmem:$0xB730] =	vst v10;
	vm0 =	veq.s32 v8, v9  }
0x2a6: {  	v8 =	vsel vm0, $0x2710, v9  }
0x2a7: {  	[tilespmem:$0xB830] =	vst v8  }
0x2a8: {  	v8 =	vld [tilespmem:s5+$0x90]  }
0x2a9: {  	v9 =	vld [tilespmem:s5+$0x1090];
	_ =	sdelay $0x3  }
0x2aa: {  	v10 =	vadd.s32 v0, v8  }
0x2ab: {  	p2 =	seq.s32 s23, $0x3C00;
	[tilespmem:$0xB740] =	vst v10;
	vm0 =	veq.s32 v8, v9  }
0x2ac: {  	v8 =	vsel vm0, $0x2710, v9  }
0x2ad: {  	s18 =	simm.s32 @!p2 $0x3;
	[tilespmem:$0xB840] =	vst v8  }
0x2ae: {  	[tilespmem:s11], [sflag:$0x2] =	stream.indirect.gather [hbm4b:s6+s28], $0x80, s9, s28, $0xb8;
	[tilespmem:$0x1FB00] =	vst v63  }
0x2af: {  	_ =	swait.ge [sflag:s12], $0x2800  }
0x2b0: {  	s5 =	sshra.s32 @!p2 s23, $0x2;
	[sflag:s12] =	ssyncset.done $0x0  }
0x2b1: {  	[sflag:s12] =	ssyncadd.s32 $0xFFFFD800  }
0x2b2: {  	[spmem:s4] =	stream.indirect.scatter.add.f32 [tilespmem:s2], [sflag:$0x3], $0x80, s13, s28, $0xb8;
	[tilespmem:$0x1FB00] =	vst v63  }
0x2b3: {  	_ =	swait.ge @!p2 [sflag:s18], $0x2800  }
0x2b4: {  	[sflag:s18] =	ssyncset.done @!p2 $0x0  }
0x2b5: {  	[sflag:s18] =	ssyncadd.s32 @!p2 $0xFFFFD800  }
0x2b6: {  	v8 =	vld @!p2 [tilespmem:s5+$0xA0]  }
0x2b7: {  	v9 =	vld @!p2 [tilespmem:s5+$0x10A0];
	_ =	sdelay $0x3  }
0x2b8: {  	v10 =	vadd.s32 @!p2 v0, v8  }
0x2b9: {  	vm0 =	veq.s32 @!p2 v8, v9  }
0x2ba: {  	[tilespmem:$0xB680] =	vst @!p2 v10;
	v8 =	vsel @!p2 vm0, $0x2710, v9  }
0x2bb: {  	[tilespmem:$0xB780] =	vst @!p2 v8  }
0x2bc: {  	v8 =	vld @!p2 [tilespmem:s5+$0xB0]  }
0x2bd: {  	v9 =	vld @!p2 [tilespmem:s5+$0x10B0];
	_ =	sdelay $0x3  }
0x2be: {  	v10 =	vadd.s32 @!p2 v0, v8  }
0x2bf: {  	[tilespmem:$0xB690] =	vst @!p2 v10;
	vm0 =	veq.s32 @!p2 v8, v9  }
0x2c0: {  	v8 =	vsel @!p2 vm0, $0x2710, v9  }
0x2c1: {  	[tilespmem:$0xB790] =	vst @!p2 v8  }
0x2c2: {  	v8 =	vld @!p2 [tilespmem:s5+$0xC0]  }
0x2c3: {  	v9 =	vld @!p2 [tilespmem:s5+$0x10C0];
	_ =	sdelay $0x3  }
0x2c4: {  	v10 =	vadd.s32 @!p2 v0, v8  }
.Ltmp8:
0x2c5: {  	[tilespmem:$0xB6A0] =	vst @!p2 v10;
	vm0 =	veq.s32 @!p2 v8, v9;
	(pc) =	sbr.rel @p1 .LBB2_15-.Ltmp8, $4  }
0x2c6: {  	v8 =	vsel @!p2 vm0, $0x2710, v9  }
0x2c7: {  	[tilespmem:$0xB7A0] =	vst @!p2 v8  }
0x2c8: {  	v8 =	vld @!p2 [tilespmem:s5+$0xD0]  }
0x2c9: {  	v9 =	vld @!p2 [tilespmem:s5+$0x10D0]  }
0x2ca: {  	_ =	sdelay $0x3  }
0x2cb: {  	v10 =	vadd.s32 @!p2 v0, v8;
	vm0 =	veq.s32 @!p2 v8, v9  }
0x2cc: {  	[tilespmem:$0xB6B0] =	vst @!p2 v10;
	v8 =	vsel @!p2 vm0, $0x2710, v9  }
0x2cd: {  	[tilespmem:$0xB7B0] =	vst @!p2 v8  }
0x2ce: {  	v8 =	vld @!p2 [tilespmem:s5+$0xE0]  }
0x2cf: {  	v9 =	vld @!p2 [tilespmem:s5+$0x10E0];
	_ =	sdelay $0x4  }
0x2d0: {  	v10 =	vadd.s32 @!p2 v0, v8;
	vm0 =	veq.s32 @!p2 v8, v9  }
0x2d1: {  	[tilespmem:$0xB6C0] =	vst @!p2 v10;
	v8 =	vsel @!p2 vm0, $0x2710, v9  }
0x2d2: {  	s18 =	simm.s32 @!p2 $0xB680;
	s19 =	simm.s32 @!p2 $0x6680;
	s5 =	simm.s32 @!p2 $0x50;
	[tilespmem:$0xB7C0] =	vst @!p2 v8  }
0x2d3: {  	[tilespmem:s19], [sflag:$0x1] =	stream.indirect.gather @!p2 [hbm4b:s6+s5], $0x80, s18, s5, $0xb8;
	[tilespmem:$0x1FB00] =	vst v63  }
0x2d4: {  	_ =	swait.ge [sflag:s14], $0x2800  }
0x2d5: {  	[sflag:s14] =	ssyncset.done $0x0  }
0x2d6: {  	s7 =	sadd.s32 $0x1, s7;
	[sflag:s14] =	ssyncadd.s32 $0xFFFFD800  }
0x2d7: {  	[spmem:s4] =	stream.indirect.scatter.add.f32 [tilespmem:s11], [sflag:$0x4], $0x80, s15, s28, $0xb8;
	[tilespmem:$0x1FB00] =	vst v63  }
0x2d8: {  	p1 =	sne.s32 s7, $0x5;
	_ =	swait.ge [sflag:s16], $0x2800  }
.Ltmp9:
0x2d9: {  	[sflag:s16] =	ssyncset.done $0x0;
	(pc) =	sbr.rel @p1 .LBB2_14-.Ltmp9, $4  }
0x2da: {  	[sflag:s16] =	ssyncadd.s32 $0xFFFFD800  }
0x2db: {  	_ =	swait.ge [sflag:s17], $0x2800  }
0x2dc: {  	[sflag:s17] =	ssyncset.done $0x0  }
0x2dd: {  	[sflag:s17] =	ssyncadd.s32 $0xFFFFD800  }
.Ltmp10:
0x2de: {  	(pc) =	sbr.rel .LBB2_18-.Ltmp10, $4  }
0x2df: {  	[bflag:$0x0] =	sbarrier.arrive $0xFFFF  }
0x2e0: {  	s7 =	rddreg [dreg:$0x13]  }
0x2e1: {  	s3 =	simm.s32 $0x0;
	s23 =	smov.u32 s10;
	s22 =	rddreg [dreg:$0x8]  }
0x2e2: {  	s18 =	simm.s32 $0x0;
	s29 =	simm.s32 $0x5E80;
	s19 =	rddreg [dreg:$0x5]  }
.LBB2_20:
0x2e3: {  	s3 =	sadd.s32 $0x40, s3  }
0x2e4: {  	p1 =	sne.s32 s3, $0xA00  }
.Ltmp11:
0x2e5: {  	_ = 	snop;
	(pc) =	sbr.rel @!p1 .LBB2_21-.Ltmp11, $2  }
0x2e6: {  	_ =	sdelay $0x2  }
0x2e7: {  	s23 =	sadd.s32 $0x800, s23;
	s22 =	sadd.s32 $0x10, s22;
	s7 =	sadd.s32 $0x100, s7  }
.LBB2_18:
0x2e8: {  	p1 =	sgt.u32 s22, $0x270F  }
.Ltmp12:
0x2e9: {  	_ = 	snop;
	(pc) =	sbr.rel @p1 .LBB2_20-.Ltmp12, $1  }
0x2ea: {  	_ =	sdelay $0x3  }
0x2eb: {  	[tilespmem:s29], [sflag:$0x6] =	stream.linear.gather [spmem:s23], $0x800, $0x38;
	[tilespmem:$0x1FB00] =	vst v63  }
0x2ec: {  	s5 =	simm.s32 $0x6  }
0x2ed: {  	_ =	swait.ge [sflag:s5], $0x800  }
0x2ee: {  	[sflag:s5] =	ssyncset.done $0x0  }
0x2ef: {  	[sflag:s5] =	ssyncadd.s32 $0xFFFFF800;
	s5 =	sshra.s32 s3, $0x2  }
0x2f0: {  	v8 =	vld [tilespmem:s5+$0x4800];
	_ =	sdelay $0x1  }
0x2f1: {  	v9 =	vld [tilespmem:$0x5E80]  }
0x2f2: {  	v10 =	vld [tilespmem:$0x5E90]  }
0x2f3: {  	v11 =	vld [tilespmem:$0x5EA0]  }
0x2f4: {  	v13 =	vld [tilespmem:$0x5EB0];
	v12 =	vbroadcast v8, $0x0  }
0x2f5: {  	v14 =	vld [tilespmem:$0x5EC0]  }
0x2f6: {  	v15 =	vld [tilespmem:$0x5ED0];
	v9 =	vmul.f32 v12, v9  }
0x2f7: {  	v16 =	vld [tilespmem:$0x5EE0];
	v10 =	vmul.f32 v10, v12  }
0x2f8: {  	v28 =	vld [tilespmem:$0x5EF0];
	v27 =	vmul.f32 v11, v12;
	[tilespmem:$0x5E80] =	vst v9  }
0x2f9: {  	v30 =	vld [tilespmem:$0x5F00];
	v29 =	vmul.f32 v13, v12;
	[tilespmem:$0x5E90] =	vst v10  }
0x2fa: {  	v32 =	vld [tilespmem:$0x5F10];
	v31 =	vmul.f32 v14, v12;
	[tilespmem:$0x5EA0] =	vst v27  }
0x2fb: {  	v34 =	vld [tilespmem:$0x5F20];
	v33 =	vmul.f32 v15, v12;
	[tilespmem:$0x5EB0] =	vst v29  }
0x2fc: {  	v17 =	vld [tilespmem:$0x5F30];
	v36 =	vbroadcast v8, $0x1;
	v35 =	vmul.f32 v16, v12;
	[tilespmem:$0x5EC0] =	vst v31  }
0x2fd: {  	v38 =	vld [tilespmem:$0x5F40];
	v37 =	vmul.f32 v28, v12;
	[tilespmem:$0x5ED0] =	vst v33  }
0x2fe: {  	v40 =	vld [tilespmem:$0x5F50];
	v39 =	vmul.f32 v30, v36;
	[tilespmem:$0x5EE0] =	vst v35  }
0x2ff: {  	v42 =	vld [tilespmem:$0x5F60];
	v41 =	vmul.f32 v32, v36;
	[tilespmem:$0x5EF0] =	vst v37  }
0x300: {  	v44 =	vld [tilespmem:$0x5F70];
	v43 =	vmul.f32 v34, v36;
	[tilespmem:$0x5F00] =	vst v39  }
0x301: {  	v46 =	vld [tilespmem:$0x5F80];
	v45 =	vmul.f32 v17, v36;
	[tilespmem:$0x5F10] =	vst v41  }
0x302: {  	v48 =	vld [tilespmem:$0x5F90];
	v47 =	vmul.f32 v38, v36;
	[tilespmem:$0x5F20] =	vst v43  }
0x303: {  	v50 =	vld [tilespmem:$0x5FA0];
	v49 =	vmul.f32 v40, v36;
	[tilespmem:$0x5F30] =	vst v45  }
0x304: {  	v53 =	vld [tilespmem:$0x5FB0];
	v52 =	vbroadcast v8, $0x2;
	v51 =	vmul.f32 v42, v36;
	[tilespmem:$0x5F40] =	vst v47  }
0x305: {  	v55 =	vld [tilespmem:$0x5FC0];
	v54 =	vmul.f32 v44, v36;
	[tilespmem:$0x5F50] =	vst v49  }
0x306: {  	v57 =	vld [tilespmem:$0x5FD0];
	v56 =	vmul.f32 v46, v52;
	[tilespmem:$0x5F60] =	vst v51  }
0x307: {  	v59 =	vld [tilespmem:$0x5FE0];
	v58 =	vmul.f32 v48, v52;
	[tilespmem:$0x5F70] =	vst v54  }
0x308: {  	v61 =	vld [tilespmem:$0x5FF0];
	v60 =	vmul.f32 v50, v52;
	[tilespmem:$0x5F80] =	vst v56  }
0x309: {  	v63 =	vld [tilespmem:$0x6000];
	v62 =	vmul.f32 v53, v52;
	[tilespmem:$0x5F90] =	vst v58  }
0x30a: {  	v20 =	vld [tilespmem:$0x6010];
	v19 =	vmul.f32 v55, v52;
	[tilespmem:$0x5FA0] =	vst v60  }
0x30b: {  	v22 =	vld [tilespmem:$0x6020];
	v21 =	vmul.f32 v57, v52;
	[tilespmem:$0x5FB0] =	vst v62  }
0x30c: {  	v25 =	vld [tilespmem:$0x6030];
	v24 =	vbroadcast v8, $0x3;
	v23 =	vmul.f32 v59, v52;
	[tilespmem:$0x5FC0] =	vst v19  }
0x30d: {  	v26 =	vmul.f32 v61, v52;
	v42 =	vld [tilespmem:$0x60B0];
	[tilespmem:$0x5FD0] =	vst v21  }
0x30e: {  	v28 =	vmul.f32 v63, v24;
	v44 =	vld [tilespmem:$0x60C0];
	[tilespmem:$0x5FE0] =	vst v23  }
0x30f: {  	v30 =	vmul.f32 v20, v24;
	v46 =	vld [tilespmem:$0x60D0];
	[tilespmem:$0x5FF0] =	vst v26  }
0x310: {  	v32 =	vmul.f32 v22, v24;
	v48 =	vld [tilespmem:$0x60E0];
	[tilespmem:$0x6000] =	vst v28;
	v41 =	vbroadcast v8, $0x4  }
0x311: {  	v34 =	vmul.f32 v25, v24;
	v50 =	vld [tilespmem:$0x60F0];
	[tilespmem:$0x6010] =	vst v30  }
0x312: {  	v52 =	vld [tilespmem:$0x6100];
	[tilespmem:$0x6020] =	vst v32;
	v51 =	vmul.f32 v42, v41  }
0x313: {  	v61 =	vld [tilespmem:$0x6140];
	[tilespmem:$0x6030] =	vst v34;
	v53 =	vmul.f32 v44, v41  }
0x314: {  	v63 =	vld [tilespmem:$0x6150];
	v55 =	vmul.f32 v46, v41;
	[tilespmem:$0x60B0] =	vst v51  }
0x315: {  	v27 =	vld [tilespmem:$0x6040];
	v58 =	vbroadcast v8, $0x5;
	v57 =	vmul.f32 v48, v41;
	[tilespmem:$0x60C0] =	vst v53  }
0x316: {  	v29 =	vld [tilespmem:$0x6050];
	v60 =	vmul.f32 v50, v41;
	[tilespmem:$0x60D0] =	vst v55  }
0x317: {  	v31 =	vld [tilespmem:$0x6060];
	v62 =	vmul.f32 v52, v58;
	[tilespmem:$0x60E0] =	vst v57  }
0x318: {  	v33 =	vld [tilespmem:$0x6070];
	v26 =	vmul.f32 v61, v58;
	[tilespmem:$0x60F0] =	vst v60  }
0x319: {  	v35 =	vld [tilespmem:$0x6080];
	v28 =	vmul.f32 v63, v58;
	[tilespmem:$0x6100] =	vst v62  }
0x31a: {  	v37 =	vld [tilespmem:$0x6090];
	v36 =	vmul.f32 v27, v24;
	[tilespmem:$0x6140] =	vst v26  }
0x31b: {  	v39 =	vld [tilespmem:$0x60A0];
	v38 =	vmul.f32 v29, v24;
	[tilespmem:$0x6150] =	vst v28  }
0x31c: {  	v54 =	vld [tilespmem:$0x6110];
	v40 =	vmul.f32 v31, v24;
	[tilespmem:$0x6040] =	vst v36  }
0x31d: {  	v56 =	vld [tilespmem:$0x6120];
	v43 =	vmul.f32 v33, v24;
	[tilespmem:$0x6050] =	vst v38  }
0x31e: {  	v59 =	vld [tilespmem:$0x6130];
	v45 =	vmul.f32 v35, v41;
	[tilespmem:$0x6060] =	vst v40  }
0x31f: {  	v21 =	vld [tilespmem:$0x6160];
	v47 =	vmul.f32 v37, v41;
	[tilespmem:$0x6070] =	vst v43  }
0x320: {  	v23 =	vld [tilespmem:$0x6170];
	v49 =	vmul.f32 v39, v41;
	[tilespmem:$0x6080] =	vst v45  }
0x321: {  	v25 =	vld [tilespmem:$0x6180];
	v20 =	vmul.f32 v54, v58;
	[tilespmem:$0x6090] =	vst v47  }
0x322: {  	v32 =	vld [tilespmem:$0x61B0];
	v22 =	vmul.f32 v56, v58;
	[tilespmem:$0x60A0] =	vst v49  }
0x323: {  	v34 =	vld [tilespmem:$0x61C0];
	v24 =	vmul.f32 v59, v58;
	[tilespmem:$0x6110] =	vst v20  }
0x324: {  	v42 =	vld [tilespmem:$0x6200];
	v30 =	vmul.f32 v21, v58;
	v31 =	vbroadcast v8, $0x6;
	[tilespmem:$0x6120] =	vst v22  }
0x325: {  	v44 =	vld [tilespmem:$0x6210];
	v33 =	vmul.f32 v23, v58;
	[tilespmem:$0x6130] =	vst v24  }
0x326: {  	v46 =	vld [tilespmem:$0x6220];
	[tilespmem:$0x6160] =	vst v30;
	v35 =	vmul.f32 v25, v31  }
0x327: {  	v48 =	vbroadcast v8, $0x7;
	v27 =	vld [tilespmem:$0x6190];
	[tilespmem:$0x6170] =	vst v33;
	v41 =	vmul.f32 v32, v31  }
0x328: {  	v29 =	vld [tilespmem:$0x61A0];
	v43 =	vmul.f32 v34, v31;
	[tilespmem:$0x6180] =	vst v35  }
0x329: {  	v51 =	vld [tilespmem:$0x6240];
	v52 =	vmul.f32 v42, v48;
	[tilespmem:$0x61B0] =	vst v41  }
0x32a: {  	v53 =	vld [tilespmem:$0x6250];
	v54 =	vmul.f32 v44, v48;
	[tilespmem:$0x61C0] =	vst v43  }
0x32b: {  	v55 =	vld [tilespmem:$0x6260];
	v56 =	vmul.f32 v46, v48;
	[tilespmem:$0x6200] =	vst v52  }
0x32c: {  	v57 =	vld [tilespmem:$0x6270];
	v37 =	vmul.f32 v27, v31;
	[tilespmem:$0x6210] =	vst v54  }
0x32d: {  	v59 =	vld [tilespmem:$0x6280];
	v39 =	vmul.f32 v29, v31;
	[tilespmem:$0x6220] =	vst v56  }
0x32e: {  	v61 =	vld [tilespmem:$0x6290];
	v60 =	vmul.f32 v51, v48;
	[tilespmem:$0x6190] =	vst v37  }
0x32f: {  	v63 =	vld [tilespmem:$0x62A0];
	v62 =	vmul.f32 v53, v48;
	[tilespmem:$0x61A0] =	vst v39  }
0x330: {  	v21 =	vbroadcast v8, $0x8;
	v26 =	vld [tilespmem:$0x62D0];
	v20 =	vmul.f32 v55, v48;
	[tilespmem:$0x6240] =	vst v60  }
0x331: {  	v36 =	vld [tilespmem:$0x61D0];
	v23 =	vmul.f32 v57, v48;
	[tilespmem:$0x6250] =	vst v62  }
0x332: {  	v38 =	vld [tilespmem:$0x61E0];
	v25 =	vmul.f32 v59, v21;
	[tilespmem:$0x6260] =	vst v20  }
0x333: {  	v40 =	vld [tilespmem:$0x61F0];
	v27 =	vmul.f32 v61, v21;
	[tilespmem:$0x6270] =	vst v23  }
0x334: {  	v49 =	vld [tilespmem:$0x6230];
	v29 =	vmul.f32 v63, v21;
	[tilespmem:$0x6280] =	vst v25  }
0x335: {  	v22 =	vld [tilespmem:$0x62B0];
	v35 =	vmul.f32 v26, v21;
	[tilespmem:$0x6290] =	vst v27  }
0x336: {  	v24 =	vld [tilespmem:$0x62C0];
	v45 =	vmul.f32 v36, v31;
	[tilespmem:$0x62A0] =	vst v29  }
0x337: {  	v28 =	vld [tilespmem:$0x62E0];
	v47 =	vmul.f32 v38, v31;
	[tilespmem:$0x62D0] =	vst v35  }
0x338: {  	v30 =	vld [tilespmem:$0x62F0];
	v50 =	vmul.f32 v40, v31;
	[tilespmem:$0x61D0] =	vst v45  }
0x339: {  	v32 =	vld [tilespmem:$0x6300];
	v58 =	vmul.f32 v49, v48;
	[tilespmem:$0x61E0] =	vst v47  }
0x33a: {  	v34 =	vld [tilespmem:$0x6310];
	v31 =	vmul.f32 v22, v21;
	[tilespmem:$0x61F0] =	vst v50  }
0x33b: {  	v41 =	vld [tilespmem:$0x6340];
	v33 =	vmul.f32 v24, v21;
	[tilespmem:$0x6230] =	vst v58  }
0x33c: {  	v43 =	vld [tilespmem:$0x6350];
	v37 =	vmul.f32 v28, v21;
	v38 =	vbroadcast v8, $0x9;
	[tilespmem:$0x62B0] =	vst v31  }
0x33d: {  	v51 =	vld [tilespmem:$0x6390];
	v40 =	vmul.f32 v30, v21;
	[tilespmem:$0x62C0] =	vst v33  }
0x33e: {  	v53 =	vld [tilespmem:$0x63A0];
	[tilespmem:$0x62E0] =	vst v37;
	v42 =	vmul.f32 v32, v38  }
0x33f: {  	v56 =	vld [tilespmem:$0x63B0];
	[tilespmem:$0x62F0] =	vst v40;
	v44 =	vmul.f32 v34, v38  }
0x340: {  	v55 =	vbroadcast v8, $0xA;
	v36 =	vld [tilespmem:$0x6320];
	v50 =	vmul.f32 v41, v38;
	[tilespmem:$0x6300] =	vst v42  }
0x341: {  	v39 =	vld [tilespmem:$0x6330];
	v52 =	vmul.f32 v43, v38;
	[tilespmem:$0x6310] =	vst v44  }
0x342: {  	v49 =	vld [tilespmem:$0x6380];
	v61 =	vmul.f32 v51, v55;
	[tilespmem:$0x6340] =	vst v50  }
0x343: {  	v60 =	vld [tilespmem:$0x63D0];
	v63 =	vmul.f32 v53, v55;
	[tilespmem:$0x6350] =	vst v52  }
0x344: {  	v62 =	vld [tilespmem:$0x63E0];
	v21 =	vmul.f32 v56, v55;
	[tilespmem:$0x6390] =	vst v61  }
0x345: {  	v20 =	vld [tilespmem:$0x63F0];
	v46 =	vmul.f32 v36, v38;
	[tilespmem:$0x63A0] =	vst v63  }
0x346: {  	v22 =	vld [tilespmem:$0x6400];
	v48 =	vmul.f32 v39, v38;
	[tilespmem:$0x63B0] =	vst v21  }
0x347: {  	v24 =	vld [tilespmem:$0x6410];
	v59 =	vmul.f32 v49, v55;
	[tilespmem:$0x6320] =	vst v46  }
0x348: {  	v26 =	vld [tilespmem:$0x6420];
	v25 =	vmul.f32 v60, v55;
	[tilespmem:$0x6330] =	vst v48  }
0x349: {  	v28 =	vbroadcast v8, $0xB;
	v35 =	vld [tilespmem:$0x6460];
	v27 =	vmul.f32 v62, v55;
	[tilespmem:$0x6380] =	vst v59  }
0x34a: {  	v45 =	vld [tilespmem:$0x6360];
	v30 =	vmul.f32 v20, v55;
	[tilespmem:$0x63D0] =	vst v25  }
0x34b: {  	v47 =	vld [tilespmem:$0x6370];
	v32 =	vmul.f32 v22, v28;
	[tilespmem:$0x63E0] =	vst v27  }
0x34c: {  	v58 =	vld [tilespmem:$0x63C0];
	v34 =	vmul.f32 v24, v28;
	[tilespmem:$0x63F0] =	vst v30  }
0x34d: {  	v29 =	vld [tilespmem:$0x6430];
	v36 =	vmul.f32 v26, v28;
	[tilespmem:$0x6400] =	vst v32  }
0x34e: {  	v31 =	vld [tilespmem:$0x6440];
	v44 =	vmul.f32 v35, v28;
	[tilespmem:$0x6410] =	vst v34  }
0x34f: {  	v33 =	vld [tilespmem:$0x6450];
	v54 =	vmul.f32 v45, v38;
	[tilespmem:$0x6420] =	vst v36  }
0x350: {  	v37 =	vld [tilespmem:$0x6470];
	v57 =	vmul.f32 v47, v38;
	[tilespmem:$0x6460] =	vst v44  }
0x351: {  	v56 =	vld [tilespmem:$0x6500];
	v23 =	vmul.f32 v58, v55;
	[tilespmem:$0x6360] =	vst v54  }
0x352: {  	v41 =	vld [tilespmem:$0x6490];
	v38 =	vmul.f32 v29, v28;
	[tilespmem:$0x6370] =	vst v57  }
0x353: {  	v43 =	vld [tilespmem:$0x64A0];
	v40 =	vmul.f32 v31, v28;
	[tilespmem:$0x63C0] =	vst v23  }
0x354: {  	v50 =	vld [tilespmem:$0x64D0];
	v62 =	vbroadcast v8, $0xD;
	v42 =	vmul.f32 v33, v28;
	[tilespmem:$0x6430] =	vst v38  }
0x355: {  	v52 =	vld [tilespmem:$0x64E0];
	v45 =	vbroadcast v8, $0xC;
	v47 =	vmul.f32 v37, v28;
	[tilespmem:$0x6440] =	vst v40  }
0x356: {  	v39 =	vld [tilespmem:$0x6480];
	v21 =	vmul.f32 v56, v62;
	[tilespmem:$0x6450] =	vst v42  }
0x357: {  	v60 =	vld [tilespmem:$0x6520];
	[tilespmem:$0x6470] =	vst v47;
	v51 =	vmul.f32 v41, v45  }
0x358: {  	v63 =	vld [tilespmem:$0x6530];
	v53 =	vmul.f32 v43, v45;
	[tilespmem:$0x6500] =	vst v21  }
0x359: {  	v20 =	vld [tilespmem:$0x6540];
	v59 =	vmul.f32 v50, v45;
	[tilespmem:$0x6490] =	vst v51  }
0x35a: {  	v22 =	vld [tilespmem:$0x6550];
	v61 =	vmul.f32 v52, v45;
	[tilespmem:$0x64A0] =	vst v53  }
0x35b: {  	v24 =	vld [tilespmem:$0x6560];
	v49 =	vmul.f32 v39, v45;
	[tilespmem:$0x64D0] =	vst v59  }
0x35c: {  	v26 =	vld [tilespmem:$0x6570];
	v25 =	vmul.f32 v60, v62;
	[tilespmem:$0x64E0] =	vst v61  }
0x35d: {  	v35 =	vld [tilespmem:$0x65B0];
	v27 =	vmul.f32 v63, v62;
	[tilespmem:$0x6480] =	vst v49  }
0x35e: {  	v46 =	vld [tilespmem:$0x64B0];
	v29 =	vmul.f32 v20, v62;
	[tilespmem:$0x6520] =	vst v25  }
0x35f: {  	v48 =	vld [tilespmem:$0x64C0];
	v31 =	vmul.f32 v22, v62;
	[tilespmem:$0x6530] =	vst v27  }
0x360: {  	v58 =	vld [tilespmem:$0x6510];
	v34 =	vbroadcast v8, $0xE;
	v33 =	vmul.f32 v24, v62;
	[tilespmem:$0x6540] =	vst v29  }
0x361: {  	v28 =	vld [tilespmem:$0x6580];
	v36 =	vmul.f32 v26, v62;
	[tilespmem:$0x6550] =	vst v31  }
0x362: {  	v30 =	vld [tilespmem:$0x6590];
	v44 =	vmul.f32 v35, v34;
	[tilespmem:$0x6560] =	vst v33  }
0x363: {  	v32 =	vld [tilespmem:$0x65A0];
	v55 =	vmul.f32 v46, v45;
	[tilespmem:$0x6570] =	vst v36  }
0x364: {  	v37 =	vld [tilespmem:$0x65C0];
	v57 =	vmul.f32 v48, v45;
	[tilespmem:$0x65B0] =	vst v44  }
0x365: {  	v54 =	vld [tilespmem:$0x64F0];
	v23 =	vmul.f32 v58, v62;
	[tilespmem:$0x64B0] =	vst v55  }
0x366: {  	v41 =	vld [tilespmem:$0x65E0];
	v38 =	vmul.f32 v28, v34;
	[tilespmem:$0x64C0] =	vst v57  }
0x367: {  	v43 =	vld [tilespmem:$0x65F0];
	v40 =	vmul.f32 v30, v34;
	[tilespmem:$0x6510] =	vst v23  }
0x368: {  	v47 =	vld [tilespmem:$0x6610];
	v42 =	vmul.f32 v32, v34;
	[tilespmem:$0x6580] =	vst v38  }
0x369: {  	v39 =	vld [tilespmem:$0x65D0];
	v46 =	vmul.f32 v37, v34;
	[tilespmem:$0x6590] =	vst v40  }
0x36a: {  	v51 =	vld [tilespmem:$0x6630];
	v19 =	vmul.f32 v54, v45;
	[tilespmem:$0x65A0] =	vst v42  }
0x36b: {  	v8 =	vbroadcast v8, $0xF;
	v53 =	vld [tilespmem:$0x6640];
	[tilespmem:$0x65C0] =	vst v46;
	v50 =	vmul.f32 v41, v34  }
0x36c: {  	v49 =	vld [tilespmem:$0x6620];
	v52 =	vmul.f32 v43, v34;
	[tilespmem:$0x64F0] =	vst v19  }
0x36d: {  	v45 =	vld [tilespmem:$0x6600];
	v56 =	vmul.f32 v47, v8;
	[tilespmem:$0x65E0] =	vst v50  }
0x36e: {  	v55 =	vld [tilespmem:$0x6650];
	v48 =	vmul.f32 v39, v34;
	[tilespmem:$0x65F0] =	vst v52  }
0x36f: {  	v57 =	vld [tilespmem:$0x6660];
	[tilespmem:$0x6610] =	vst v56;
	v60 =	vmul.f32 v51, v8  }
0x370: {  	v59 =	vld [tilespmem:$0x6670];
	v61 =	vmul.f32 v53, v8;
	[tilespmem:$0x65D0] =	vst v48  }
0x371: {  	v58 =	vmul.f32 v49, v8;
	[tilespmem:$0x6630] =	vst v60  }
0x372: {  	[tilespmem:$0x6640] =	vst v61;
	v54 =	vmul.f32 v45, v8  }
0x373: {  	[tilespmem:$0x6620] =	vst v58;
	v62 =	vmul.f32 v55, v8  }
0x374: {  	v63 =	vmul.f32 v57, v8;
	[tilespmem:$0x6600] =	vst v54  }
0x375: {  	v8 =	vmul.f32 v59, v8;
	[tilespmem:$0x6650] =	vst v62  }
0x376: {  	[tilespmem:$0x6660] =	vst v63  }
.Ltmp13:
0x377: {  	[tilespmem:$0x6670] =	vst v8;
	(pc) =	sbr.rel .LBB2_20-.Ltmp13, $4  }
0x378: {  	[hbm4b:s7+s18] =	stream.linear.scatter [tilespmem:s29], [sflag:$0x5], $0x800, $0x38;
	[tilespmem:$0x1FB00] =	vst v63  }
0x379: {  	_ =	swait.ge [sflag:s24], $0x800  }
0x37a: {  	[sflag:s24] =	ssyncset.done $0x0  }
0x37b: {  	[sflag:s24] =	ssyncadd.s32 $0xFFFFF800  }
.LBB2_22:
0x37c: {  	_ =	sfence.sel $0x180000  }
0x37d: {  	[bflag:$0x0] =	sbarrier.arrive $0xFFFF  }
0x37e: {  	_ =	strace $0x90000047  }
0x37f: {  	[bflag:$0x2] =	sbarrier.arrive $0xFFFF  }
0x380: {  	s0 =	rddreg [dreg:$0x7]  }
0x381: {  	s0 =	sadd.s32 @!p0 $0x100000, s0  }
0x382: {  	[sflag:s0] =	ssyncadd.tile.s32 @!p0 $0x1;
	_ =	shalt  }
.Lfunc_end2:
_tile_overlayer_lowered:
.L_overlay_start_2:
0x383: {  	(tag) =	ssettag $0x2  }
0x384: {  	s0 =	rddreg [dreg:$0x0];
	s2 =	stileid.u32  }
0x385: {  	s1 =	rddreg [dreg:$0x1];
	p0 =	sne.s32 s2, $0x0  }
0x386: {  	s3 =	rddreg [dreg:$0x2];
	[bflag:$0x3] =	sbarrier.arrive $0xFFFF;
	s2 =	simm.s32 @!p0 $0x1C05  }
0x387: {  	[timem:s3], [sflag:s2] =	dma.local @!p0 [hbm:s0], s1  }
0x388: {  	s0 =	simm.s32 @!p0 $0x5  }
0x389: {  	_ =	swait.ge @!p0 [sflag:s0], s1  }
0x38a: {  	s1 =	ssub.s32 @!p0 $0x0, s1;
	[sflag:s0] =	ssyncset.done @!p0 $0x0  }
0x38b: {  	[sflag:s0] =	ssyncadd.s32 @!p0 s1  }
0x38c: {  	[bflag:$0x3] =	sbarrier.arrive $0xFFFF  }
0x38d: {  	_ =	shalt  }

</sc_bundles>
